<compile_context>
chip_gen: v7x
topology: tpu7x:2x2x1
jax: 0.10.2.dev20260603
libtpu: 0.0.44.dev20260713+nightly
codegen_flags: <defaults>
</compile_context>

<pallas_src>
import functools

import jax
import jax.numpy as jnp
from jax import lax
from jax.experimental import pallas as pl
from jax.experimental.pallas import tpu as pltpu
from jax.experimental.pallas import tpu_sc as plsc

N = 10000
E = 320000
D = 128
H = 128
C = 10
G = 16

NC = 2
NS = 16
NW = NC * NS

NP = 10240
TW = NP // NS
K = 128
EP = 327680
EWP = EP // NW
ECP = EP // NC
NCHUNK = EWP // K

BLK = 1024
GRID = NP // BLK

_mesh = plsc.VectorSubcoreMesh(core_axis_name="c", subcore_axis_name="s",
                               num_cores=NC, num_subcores=NS)


@functools.partial(
    pl.kernel,
    out_type=jax.ShapeDtypeStruct((NC, NP, H), jnp.float32),
    mesh=_mesh,
    scratch_types=[
        pltpu.VMEM((EWP,), jnp.int32),
        pltpu.VMEM((K,), jnp.int32),
        pltpu.VMEM((K,), jnp.int32),
        pltpu.VMEM((2, K, H), jnp.float32),
        pltpu.VMEM_SHARED((NP, H), jnp.float32),
        pltpu.SemaphoreType.DMA,
        pltpu.SemaphoreType.DMA,
        pltpu.SemaphoreType.DMA,
        pltpu.SemaphoreType.DMA,
    ],
)
def _sc_scatter(hs_hbm, src_hbm, dst_hbm, out_hbm, src_v, dstk0_v, dstk1_v,
                rows_v, acc_sh, sem0, sem1, semd0, semd1):
    c = lax.axis_index("c")
    s = lax.axis_index("s")

    base0 = c * ECP + s * EWP
    pltpu.sync_copy(src_hbm.at[pl.ds(base0, EWP)], src_v)

    z = rows_v.at[0]

    def _zero_row(r, _):
        for l in range(H // 16):
            z[r, pl.ds(l * 16, 16)] = jnp.zeros((16,), jnp.float32)
        return _
    lax.fori_loop(0, K, _zero_row, None)

    def _zero_slice(j, _):
        pltpu.sync_copy(z, acc_sh.at[pl.ds(s * TW + j * K, K)])
        return _
    lax.fori_loop(0, TW // K, _zero_slice, None)
    plsc.subcore_barrier()

    def _issue(chunk, b, sem):
        pltpu.async_copy(hs_hbm.at[src_v.at[pl.ds(chunk * K, K)]], rows_v.at[b], sem)

    def _drain(b, sem):
        pltpu.make_async_copy(hs_hbm.at[pl.ds(0, K)], rows_v.at[b], sem).wait()

    def _issue_dst(chunk, dref, sem):
        pltpu.async_copy(dst_hbm.at[pl.ds(base0 + chunk * K, K)], dref, sem)

    def _drain_dst(dref, sem):
        pltpu.make_async_copy(dst_hbm.at[pl.ds(0, K)], dref, sem).wait()

    def _scatter(b, dref):
        pltpu.sync_copy(rows_v.at[b], acc_sh.at[dref], add=True)

    _issue(0, 0, sem0)
    _issue_dst(0, dstk0_v, semd0)

    def _edge_pair(g, _):
        c0 = 2 * g
        _issue(c0 + 1, 1, sem1)
        _issue_dst(c0 + 1, dstk1_v, semd1)
        _drain(0, sem0)
        _drain_dst(dstk0_v, semd0)
        _scatter(0, dstk0_v)
        nxt = c0 + 2
        nxt = jnp.where(nxt == NCHUNK, 0, nxt)
        _issue(nxt, 0, sem0)
        _issue_dst(nxt, dstk0_v, semd0)
        _drain(1, sem1)
        _drain_dst(dstk1_v, semd1)
        _scatter(1, dstk1_v)
        return _
    lax.fori_loop(0, NCHUNK // 2, _edge_pair, None)
    _drain(0, sem0)
    _drain_dst(dstk0_v, semd0)

    plsc.subcore_barrier()

    def _writeback(j, _):
        r0 = s * TW + j * K
        pltpu.sync_copy(acc_sh.at[pl.ds(r0, K)], z)
        pltpu.sync_copy(z, out_hbm.at[c, pl.ds(r0, K)])
        return _
    lax.fori_loop(0, TW // K, _writeback, None)


@functools.partial(
    pl.kernel,
    out_type=jax.ShapeDtypeStruct((NC, NP, H), jnp.float32),
    mesh=_mesh,
    scratch_types=[
        pltpu.VMEM((K,), jnp.int32),
        pltpu.VMEM((K,), jnp.int32),
        pltpu.VMEM((K, H), jnp.float32),
        pltpu.VMEM_SHARED((NP, H), jnp.float32),
        pltpu.SemaphoreType.DMA,
        pltpu.SemaphoreType.DMA,
    ],
)
def _sc_degree(dst_hbm, out_hbm, dstk0_v, dstk1_v, rows_v, acc_sh, semd0, semd1):
    c = lax.axis_index("c")
    s = lax.axis_index("s")
    base0 = c * ECP + s * EWP

    def _zero_row(r, _):
        for l in range(H // 16):
            rows_v[r, pl.ds(l * 16, 16)] = jnp.zeros((16,), jnp.float32)
        return _
    lax.fori_loop(0, K, _zero_row, None)

    def _zero_slice(j, _):
        pltpu.sync_copy(rows_v, acc_sh.at[pl.ds(s * TW + j * K, K)])
        return _
    lax.fori_loop(0, TW // K, _zero_slice, None)

    def _ones_row(r, _):
        for l in range(H // 16):
            rows_v[r, pl.ds(l * 16, 16)] = jnp.ones((16,), jnp.float32)
        return _
    lax.fori_loop(0, K, _ones_row, None)
    plsc.subcore_barrier()

    def _issue_dst(chunk, dref, sem):
        pltpu.async_copy(dst_hbm.at[pl.ds(base0 + chunk * K, K)], dref, sem)

    def _drain_dst(dref, sem):
        pltpu.make_async_copy(dst_hbm.at[pl.ds(0, K)], dref, sem).wait()

    _issue_dst(0, dstk0_v, semd0)

    def _edge_pair(g, _):
        c0 = 2 * g
        _issue_dst(c0 + 1, dstk1_v, semd1)
        _drain_dst(dstk0_v, semd0)
        pltpu.sync_copy(rows_v, acc_sh.at[dstk0_v], add=True)
        nxt = c0 + 2
        nxt = jnp.where(nxt == NCHUNK, 0, nxt)
        _issue_dst(nxt, dstk0_v, semd0)
        _drain_dst(dstk1_v, semd1)
        pltpu.sync_copy(rows_v, acc_sh.at[dstk1_v], add=True)
        return _
    lax.fori_loop(0, NCHUNK // 2, _edge_pair, None)
    _drain_dst(dstk0_v, semd0)

    plsc.subcore_barrier()

    def _writeback(j, _):
        r0 = s * TW + j * K
        pltpu.sync_copy(acc_sh.at[pl.ds(r0, K)], rows_v)
        pltpu.sync_copy(rows_v, out_hbm.at[c, pl.ds(r0, K)])
        return _
    lax.fori_loop(0, TW // K, _writeback, None)


def _tc_deg_body(degt_ref, dinv_ref):
    deg = degt_ref[0, :, 0:1] + degt_ref[1, :, 0:1] + 1.0
    dinv_ref[...] = lax.rsqrt(deg)


def _tc_deg(degt):
    return pl.pallas_call(
        _tc_deg_body,
        grid=(GRID,),
        in_specs=[pl.BlockSpec((NC, BLK, H), lambda i: (0, i, 0))],
        out_specs=pl.BlockSpec((BLK, 1), lambda i: (i, 0)),
        out_shape=jax.ShapeDtypeStruct((NP, 1), jnp.float32),
    )(degt)


def _tc_a_body(x_ref, dinv_ref, w_ref, t_ref, hs_ref):
    t = jnp.dot(x_ref[...], w_ref[...], preferred_element_type=jnp.float32)
    t_ref[...] = t
    hs_ref[...] = t * dinv_ref[...]


def _tc_a(x_pad, dinv, W1):
    return pl.pallas_call(
        _tc_a_body,
        grid=(GRID,),
        in_specs=[
            pl.BlockSpec((BLK, D), lambda i: (i, 0)),
            pl.BlockSpec((BLK, 1), lambda i: (i, 0)),
            pl.BlockSpec((D, H), lambda i: (0, 0)),
        ],
        out_specs=[
            pl.BlockSpec((BLK, H), lambda i: (i, 0)),
            pl.BlockSpec((BLK, H), lambda i: (i, 0)),
        ],
        out_shape=[
            jax.ShapeDtypeStruct((NP, H), jnp.float32),
            jax.ShapeDtypeStruct((NP, H), jnp.float32),
        ],
    )(x_pad, dinv, W1)


def _tc_b_body(agg_ref, t_ref, dinv_ref, b_ref, w_ref, h_ref, t2_ref, hs2_ref):
    dinv = dinv_ref[...]
    out = dinv * (agg_ref[0] + agg_ref[1]) + dinv * dinv * t_ref[...] + b_ref[...]
    h = jnp.maximum(out, 0.0)
    h_ref[...] = h
    t2 = jnp.dot(h, w_ref[...], preferred_element_type=jnp.float32)
    t2_ref[...] = t2
    hs2_ref[...] = t2 * dinv


def _tc_b(agg1, t1, dinv, b1, W2):
    return pl.pallas_call(
        _tc_b_body,
        grid=(GRID,),
        in_specs=[
            pl.BlockSpec((NC, BLK, H), lambda i: (0, i, 0)),
            pl.BlockSpec((BLK, H), lambda i: (i, 0)),
            pl.BlockSpec((BLK, 1), lambda i: (i, 0)),
            pl.BlockSpec((1, H), lambda i: (0, 0)),
            pl.BlockSpec((H, H), lambda i: (0, 0)),
        ],
        out_specs=[
            pl.BlockSpec((BLK, H), lambda i: (i, 0)),
            pl.BlockSpec((BLK, H), lambda i: (i, 0)),
            pl.BlockSpec((BLK, H), lambda i: (i, 0)),
        ],
        out_shape=[
            jax.ShapeDtypeStruct((NP, H), jnp.float32),
            jax.ShapeDtypeStruct((NP, H), jnp.float32),
            jax.ShapeDtypeStruct((NP, H), jnp.float32),
        ],
    )(agg1, t1, dinv, b1, W2)


def _tc_c_body(agg_ref, t2_ref, h1_ref, dinv_ref, b_ref, w_ref, t3_ref, hs3_ref):
    dinv = dinv_ref[...]
    out = dinv * (agg_ref[0] + agg_ref[1]) + dinv * dinv * t2_ref[...] + b_ref[...]
    h2 = jnp.maximum(h1_ref[...] + out, 0.0)
    t3 = jnp.dot(h2, w_ref[...], preferred_element_type=jnp.float32)
    t3_ref[...] = t3
    hs3_ref[...] = t3 * dinv


def _tc_c(agg2, t2, h1, dinv, b2, W3):
    return pl.pallas_call(
        _tc_c_body,
        grid=(GRID,),
        in_specs=[
            pl.BlockSpec((NC, BLK, H), lambda i: (0, i, 0)),
            pl.BlockSpec((BLK, H), lambda i: (i, 0)),
            pl.BlockSpec((BLK, H), lambda i: (i, 0)),
            pl.BlockSpec((BLK, 1), lambda i: (i, 0)),
            pl.BlockSpec((1, H), lambda i: (0, 0)),
            pl.BlockSpec((H, H), lambda i: (0, 0)),
        ],
        out_specs=[
            pl.BlockSpec((BLK, H), lambda i: (i, 0)),
            pl.BlockSpec((BLK, H), lambda i: (i, 0)),
        ],
        out_shape=[
            jax.ShapeDtypeStruct((NP, H), jnp.float32),
            jax.ShapeDtypeStruct((NP, H), jnp.float32),
        ],
    )(agg2, t2, h1, dinv, b2, W3)


def _tc_d_body(agg_ref, t3_ref, dinv_ref, b_ref, batch_ref, wc_ref, bc_ref,
               logits_ref, logp_ref, sums_ref, cnt_ref):
    step = pl.program_id(0)

    @pl.when(step == 0)
    def _():
        sums_ref[...] = jnp.zeros_like(sums_ref)
        cnt_ref[...] = jnp.zeros_like(cnt_ref)

    dinv = dinv_ref[...]
    out3 = dinv * (agg_ref[0] + agg_ref[1]) + dinv * dinv * t3_ref[...] + b_ref[...]
    gids = lax.broadcasted_iota(jnp.int32, (1, G), 1)
    mask = (batch_ref[...] == gids).astype(jnp.float32)
    sums_ref[...] += lax.dot_general(
        mask, out3, (((0,), (0,)), ((), ())),
        preferred_element_type=jnp.float32)
    cnt_ref[...] += jnp.sum(mask, axis=0)[:, None]

    @pl.when(step == GRID - 1)
    def _():
        pooled = sums_ref[...] / jnp.maximum(cnt_ref[...], 1.0)
        logits = jnp.dot(pooled, wc_ref[...],
                         preferred_element_type=jnp.float32) + bc_ref[...]
        m = jnp.max(logits, axis=1, keepdims=True)
        lse = jnp.log(jnp.sum(jnp.exp(logits - m), axis=1, keepdims=True)) + m
        logits_ref[...] = logits
        logp_ref[...] = logits - lse


def _tc_d(agg3, t3, dinv, b3, batch_pad, Wc, bc):
    return pl.pallas_call(
        _tc_d_body,
        grid=(GRID,),
        in_specs=[
            pl.BlockSpec((NC, BLK, H), lambda i: (0, i, 0)),
            pl.BlockSpec((BLK, H), lambda i: (i, 0)),
            pl.BlockSpec((BLK, 1), lambda i: (i, 0)),
            pl.BlockSpec((1, H), lambda i: (0, 0)),
            pl.BlockSpec((BLK, 1), lambda i: (i, 0)),
            pl.BlockSpec((H, C), lambda i: (0, 0)),
            pl.BlockSpec((1, C), lambda i: (0, 0)),
        ],
        out_specs=[
            pl.BlockSpec((G, C), lambda i: (0, 0)),
            pl.BlockSpec((G, C), lambda i: (0, 0)),
        ],
        out_shape=[
            jax.ShapeDtypeStruct((G, C), jnp.float32),
            jax.ShapeDtypeStruct((G, C), jnp.float32),
        ],
        scratch_shapes=[
            pltpu.VMEM((G, H), jnp.float32),
            pltpu.VMEM((G, 1), jnp.float32),
        ],
    )(agg3, t3, dinv, b3, batch_pad, Wc, bc)


def kernel(x, edge_index, batch, W1, b1, W2, b2, W3, b3, Wc, bc):
    x_pad = jnp.pad(x, ((0, NP - N), (0, 0)))
    batch_pad = jnp.pad(batch, (0, NP - N), constant_values=-1).reshape(NP, 1)

    pad_idx = (N + jnp.arange(EP - E, dtype=jnp.int32) % (NP - N)).astype(jnp.int32)
    src = jnp.concatenate([edge_index[0], pad_idx])
    dst = jnp.concatenate([edge_index[1], pad_idx])

    degt = _sc_degree(dst)
    dinv = _tc_deg(degt)
    t1, hs1 = _tc_a(x_pad, dinv, W1)
    agg1 = _sc_scatter(hs1, src, dst)
    h1, t2, hs2 = _tc_b(agg1, t1, dinv, b1.reshape(1, H), W2)
    agg2 = _sc_scatter(hs2, src, dst)
    t3, hs3 = _tc_c(agg2, t2, h1, dinv, b2.reshape(1, H), W3)
    agg3 = _sc_scatter(hs3, src, dst)
    logits, logp = _tc_d(agg3, t3, dinv, b3.reshape(1, H), batch_pad,
                         Wc, bc.reshape(1, C))
    return (logits, logp)

# --- scband reference (transcript-rebuilt; emitter-appended) ---
"""Pipeline reference for scband-gcn-9062380994846 (READ-ONLY COPY).

The authoritative reference and input builder live on the scoring server;
editing this copy changes nothing except your own understanding.
"""

import jax, jax.numpy as jnp
import numpy as np

N = 10000
E = 320000
D = 128
H = 128
C = 10
G = 16


def setup_inputs(seed: int = 0) -> dict:
    key = jax.random.key(seed)
    ks = jax.random.split(key, 12)
    x = jax.random.normal(ks[0], (N, D), dtype=jnp.float32)
    edge_index = jax.random.randint(ks[1], (2, E), 0, N, dtype=jnp.int32)
    batch = jnp.sort(jax.random.randint(ks[2], (N,), 0, G, dtype=jnp.int32))
    s1 = 1.0 / np.sqrt(D)
    s2 = 1.0 / np.sqrt(H)
    W1 = jax.random.uniform(ks[3], (D, H), jnp.float32, -s1, s1)
    b1 = jnp.zeros((H,), jnp.float32)
    W2 = jax.random.uniform(ks[4], (H, H), jnp.float32, -s2, s2)
    b2 = jnp.zeros((H,), jnp.float32)
    W3 = jax.random.uniform(ks[5], (H, H), jnp.float32, -s2, s2)
    b3 = jnp.zeros((H,), jnp.float32)
    Wc = jax.random.uniform(ks[6], (H, C), jnp.float32, -s2, s2)
    bc = jnp.zeros((C,), jnp.float32)
    return {"x": x, "edge_index": edge_index, "batch": batch,
            "W1": W1, "b1": b1, "W2": W2, "b2": b2,
            "W3": W3, "b3": b3, "Wc": Wc, "bc": bc}


def gcn_conv(x, edge_index, W, b):
    # GCNConv: add self-loops, symmetric normalization, scatter-add aggregation
    loop = jnp.arange(N, dtype=edge_index.dtype)
    src = jnp.concatenate([edge_index[0], loop])
    dst = jnp.concatenate([edge_index[1], loop])
    ones = jnp.ones_like(dst, dtype=jnp.float32)
    deg = jax.ops.segment_sum(ones, dst, num_segments=N)
    dinv = jnp.where(deg > 0, jax.lax.rsqrt(deg), 0.0)
    norm = dinv[src] * dinv[dst]
    h = x @ W
    msg = jnp.take(h, src, axis=0) * norm[:, None]
    out = jax.ops.segment_sum(msg, dst, num_segments=N)
    return out + b


def reference(x, edge_index, batch, W1, b1, W2, b2, W3, b3, Wc, bc):
    h = gcn_conv(x, edge_index, W1, b1)
    h = jax.nn.relu(h)
    # dropout is identity in eval mode
    h2 = gcn_conv(h, edge_index, W2, b2)
    h = jax.nn.relu(h + h2)
    h = gcn_conv(h, edge_index, W3, b3)
    # global_mean_pool over batch assignment
    sums = jax.ops.segment_sum(h, batch, num_segments=G)
    cnt = jax.ops.segment_sum(jnp.ones((N,), jnp.float32), batch, num_segments=G)
    pooled = sums / jnp.maximum(cnt, 1.0)[:, None]
    logits = pooled @ Wc + bc
    return (logits, jax.nn.log_softmax(logits, axis=1))

if __name__ == "__main__":
    import jax
    _d = setup_inputs()
    print(jax.jit(kernel)(*tuple(_d.values())))

</pallas_src>

<mosaic_0001>
#map = affine_map<(d0, d1) -> (0)>
#map1 = affine_map<(d0, d1) -> (0, 0, 0)>
module attributes {stable_mosaic.version = 14 : i64} {
  func.func @_sc_degree(%arg0: i32, %arg1: i32, %arg2: memref<327680xi32, #tpu.memory_space<hbm>>, %arg3: memref<2x10240x128xf32, #tpu.memory_space<hbm>>, %arg4: memref<128xi32, #tpu.memory_space<vmem>>, %arg5: memref<128xi32, #tpu.memory_space<vmem>>, %arg6: memref<128x128xf32, #tpu.memory_space<vmem>>, %arg7: memref<10240x128xf32, #tpu.memory_space<vmem_shared>>, %arg8: memref<!tpu.dma_semaphore, #tpu.memory_space<semaphore_mem>>, %arg9: memref<!tpu.dma_semaphore, #tpu.memory_space<semaphore_mem>>) attributes {dimension_semantics = [#tpu.dimension_semantics<core_parallel>, #tpu.dimension_semantics<subcore_parallel>], iteration_bounds = array<i64: 2, 16>, scalar_prefetch = 0 : i64, scratch_operands = 6 : i64, tpu.core_type = #tpu.core_type<sc_vector_subcore>, window_params = [{transform_indices = #map}, {transform_indices = #map1}]} {
    %mul3A = arith.constant 163840 : i32
    %mul3A_0 = arith.muli %arg0, %mul3A : i32
    %mul3A_1 = arith.constant 10240 : i32
    %mul3A_2 = arith.muli %arg1, %mul3A_1 : i32
    %add3A = arith.addi %mul3A_0, %mul3A_2 : i32
    %scan3A = arith.constant 0 : i32
    %scan3A_3 = arith.constant 128 : i32
    %scan3A_4 = arith.addi %scan3A, %scan3A_3 : i32
    %scan3A_5 = arith.constant 1 : i32
    scf.for %scan3A_34 = %scan3A to %scan3A_4 step %scan3A_5  : i32 {
      %broadcast_in_dim3A = arith.constant 0.000000e+00 : f32
      %broadcast_in_dim3A_35 = vector.broadcast %broadcast_in_dim3A : f32 to vector<16xf32>
      %swap3A = arith.index_cast %scan3A_34 : i32 to index
      %swap3A_36 = arith.constant 0 : index
      %swap3A_37 = tpu.vector_load %arg6[%swap3A, %swap3A_36] {strides = array<i32>} : memref<128x128xf32, #tpu.memory_space<vmem>>, vector<1x16xf32>,
      %swap3A_38 = vector.shape_cast %swap3A_37 : vector<1x16xf32> to vector<16xf32>
      %swap3A_39 = vector.shape_cast %broadcast_in_dim3A_35 : vector<16xf32> to vector<1x16xf32>
      tpu.vector_store %arg6[%swap3A, %swap3A_36], %swap3A_39 {strides = array<i32>} : memref<128x128xf32, #tpu.memory_space<vmem>>, vector<1x16xf32>,
      %broadcast_in_dim3A_40 = arith.constant 0.000000e+00 : f32
      %broadcast_in_dim3A_41 = vector.broadcast %broadcast_in_dim3A_40 : f32 to vector<16xf32>
      %swap3A_42 = arith.index_cast %scan3A_34 : i32 to index
      %swap3A_43 = arith.constant 16 : index
      %swap3A_44 = tpu.vector_load %arg6[%swap3A_42, %swap3A_43] {strides = array<i32>} : memref<128x128xf32, #tpu.memory_space<vmem>>, vector<1x16xf32>,
      %swap3A_45 = vector.shape_cast %swap3A_44 : vector<1x16xf32> to vector<16xf32>
      %swap3A_46 = vector.shape_cast %broadcast_in_dim3A_41 : vector<16xf32> to vector<1x16xf32>
      tpu.vector_store %arg6[%swap3A_42, %swap3A_43], %swap3A_46 {strides = array<i32>} : memref<128x128xf32, #tpu.memory_space<vmem>>, vector<1x16xf32>,
      %broadcast_in_dim3A_47 = arith.constant 0.000000e+00 : f32
      %broadcast_in_dim3A_48 = vector.broadcast %broadcast_in_dim3A_47 : f32 to vector<16xf32>
      %swap3A_49 = arith.index_cast %scan3A_34 : i32 to index
      %swap3A_50 = arith.constant 32 : index
      %swap3A_51 = tpu.vector_load %arg6[%swap3A_49, %swap3A_50] {strides = array<i32>} : memref<128x128xf32, #tpu.memory_space<vmem>>, vector<1x16xf32>,
      %swap3A_52 = vector.shape_cast %swap3A_51 : vector<1x16xf32> to vector<16xf32>
      %swap3A_53 = vector.shape_cast %broadcast_in_dim3A_48 : vector<16xf32> to vector<1x16xf32>
      tpu.vector_store %arg6[%swap3A_49, %swap3A_50], %swap3A_53 {strides = array<i32>} : memref<128x128xf32, #tpu.memory_space<vmem>>, vector<1x16xf32>,
      %broadcast_in_dim3A_54 = arith.constant 0.000000e+00 : f32
      %broadcast_in_dim3A_55 = vector.broadcast %broadcast_in_dim3A_54 : f32 to vector<16xf32>
      %swap3A_56 = arith.index_cast %scan3A_34 : i32 to index
      %swap3A_57 = arith.constant 48 : index
      %swap3A_58 = tpu.vector_load %arg6[%swap3A_56, %swap3A_57] {strides = array<i32>} : memref<128x128xf32, #tpu.memory_space<vmem>>, vector<1x16xf32>,
      %swap3A_59 = vector.shape_cast %swap3A_58 : vector<1x16xf32> to vector<16xf32>
      %swap3A_60 = vector.shape_cast %broadcast_in_dim3A_55 : vector<16xf32> to vector<1x16xf32>
      tpu.vector_store %arg6[%swap3A_56, %swap3A_57], %swap3A_60 {strides = array<i32>} : memref<128x128xf32, #tpu.memory_space<vmem>>, vector<1x16xf32>,
      %broadcast_in_dim3A_61 = arith.constant 0.000000e+00 : f32
      %broadcast_in_dim3A_62 = vector.broadcast %broadcast_in_dim3A_61 : f32 to vector<16xf32>
      %swap3A_63 = arith.index_cast %scan3A_34 : i32 to index
      %swap3A_64 = arith.constant 64 : index
      %swap3A_65 = tpu.vector_load %arg6[%swap3A_63, %swap3A_64] {strides = array<i32>} : memref<128x128xf32, #tpu.memory_space<vmem>>, vector<1x16xf32>,
      %swap3A_66 = vector.shape_cast %swap3A_65 : vector<1x16xf32> to vector<16xf32>
      %swap3A_67 = vector.shape_cast %broadcast_in_dim3A_62 : vector<16xf32> to vector<1x16xf32>
      tpu.vector_store %arg6[%swap3A_63, %swap3A_64], %swap3A_67 {strides = array<i32>} : memref<128x128xf32, #tpu.memory_space<vmem>>, vector<1x16xf32>,
      %broadcast_in_dim3A_68 = arith.constant 0.000000e+00 : f32
      %broadcast_in_dim3A_69 = vector.broadcast %broadcast_in_dim3A_68 : f32 to vector<16xf32>
      %swap3A_70 = arith.index_cast %scan3A_34 : i32 to index
      %swap3A_71 = arith.constant 80 : index
      %swap3A_72 = tpu.vector_load %arg6[%swap3A_70, %swap3A_71] {strides = array<i32>} : memref<128x128xf32, #tpu.memory_space<vmem>>, vector<1x16xf32>,
      %swap3A_73 = vector.shape_cast %swap3A_72 : vector<1x16xf32> to vector<16xf32>
      %swap3A_74 = vector.shape_cast %broadcast_in_dim3A_69 : vector<16xf32> to vector<1x16xf32>
      tpu.vector_store %arg6[%swap3A_70, %swap3A_71], %swap3A_74 {strides = array<i32>} : memref<128x128xf32, #tpu.memory_space<vmem>>, vector<1x16xf32>,
      %broadcast_in_dim3A_75 = arith.constant 0.000000e+00 : f32
      %broadcast_in_dim3A_76 = vector.broadcast %broadcast_in_dim3A_75 : f32 to vector<16xf32>
      %swap3A_77 = arith.index_cast %scan3A_34 : i32 to index
      %swap3A_78 = arith.constant 96 : index
      %swap3A_79 = tpu.vector_load %arg6[%swap3A_77, %swap3A_78] {strides = array<i32>} : memref<128x128xf32, #tpu.memory_space<vmem>>, vector<1x16xf32>,
      %swap3A_80 = vector.shape_cast %swap3A_79 : vector<1x16xf32> to vector<16xf32>
      %swap3A_81 = vector.shape_cast %broadcast_in_dim3A_76 : vector<16xf32> to vector<1x16xf32>
      tpu.vector_store %arg6[%swap3A_77, %swap3A_78], %swap3A_81 {strides = array<i32>} : memref<128x128xf32, #tpu.memory_space<vmem>>, vector<1x16xf32>,
      %broadcast_in_dim3A_82 = arith.constant 0.000000e+00 : f32
      %broadcast_in_dim3A_83 = vector.broadcast %broadcast_in_dim3A_82 : f32 to vector<16xf32>
      %swap3A_84 = arith.index_cast %scan3A_34 : i32 to index
      %swap3A_85 = arith.constant 112 : index
      %swap3A_86 = tpu.vector_load %arg6[%swap3A_84, %swap3A_85] {strides = array<i32>} : memref<128x128xf32, #tpu.memory_space<vmem>>, vector<1x16xf32>,
      %swap3A_87 = vector.shape_cast %swap3A_86 : vector<1x16xf32> to vector<16xf32>
      %swap3A_88 = vector.shape_cast %broadcast_in_dim3A_83 : vector<16xf32> to vector<1x16xf32>
      tpu.vector_store %arg6[%swap3A_84, %swap3A_85], %swap3A_88 {strides = array<i32>} : memref<128x128xf32, #tpu.memory_space<vmem>>, vector<1x16xf32>,
    }
    %scan3A_6 = arith.constant 128 : i32
    %scan3A_7 = arith.constant 0 : i32
    %scan3A_8 = arith.constant 5 : i32
    %scan3A_9 = arith.addi %scan3A_7, %scan3A_8 : i32
    %scan3A_10 = arith.constant 1 : i32
    scf.for %scan3A_34 = %scan3A_7 to %scan3A_9 step %scan3A_10  : i32 {
      %mul3A_35 = arith.constant 640 : i32
      %mul3A_36 = arith.muli %arg1, %mul3A_35 : i32
      %mul3A_37 = arith.constant 128 : i32
      %mul3A_38 = arith.muli %scan3A_34, %mul3A_37 : i32
      %add3A_39 = arith.addi %mul3A_36, %mul3A_38 : i32
      "tpu.region"() ({
        %run_scoped3A = tpu.sem_alloc : memref<!tpu.dma_semaphore, #tpu.memory_space<semaphore_mem>>
        %dma_start3A_40 = arith.constant 0 : i32
        %dma_start3A_41 = tpu.memref_slice %arg7[%add3A_39, %dma_start3A_40] : memref<10240x128xf32, #tpu.memory_space<vmem_shared>> -> memref<128x128xf32, #tpu.memory_space<vmem_shared>>
        %dma_start3A_42 = arith.constant 0 : i32
        %dma_start3A_43 = tpu.memref_slice %arg7[%add3A_39, %dma_start3A_42] : memref<10240x128xf32, #tpu.memory_space<vmem_shared>> -> memref<128x128xf32, #tpu.memory_space<vmem_shared>>
        tpu.enqueue_dma source(%arg6 : memref<128x128xf32, #tpu.memory_space<vmem>>) target(%dma_start3A_43 : memref<128x128xf32, #tpu.memory_space<vmem_shared>>) target_semaphore(%run_scoped3A : memref<!tpu.dma_semaphore, #tpu.memory_space<semaphore_mem>>)
        %dma_wait3A_44 = arith.constant 0 : i32
        %dma_wait3A_45 = tpu.memref_slice %arg7[%add3A_39, %dma_wait3A_44] : memref<10240x128xf32, #tpu.memory_space<vmem_shared>> -> memref<128x128xf32, #tpu.memory_space<vmem_shared>>
        %dma_wait3A_46 = arith.constant 0 : i32
        %dma_wait3A_47 = tpu.memref_slice %arg7[%add3A_39, %dma_wait3A_46] : memref<10240x128xf32, #tpu.memory_space<vmem_shared>> -> memref<128x128xf32, #tpu.memory_space<vmem_shared>>
        tpu.wait_dma2 semaphore(%run_scoped3A : memref<!tpu.dma_semaphore, #tpu.memory_space<semaphore_mem>>) src(%arg6 : memref<128x128xf32, #tpu.memory_space<vmem>>) dst(%dma_wait3A_47 : memref<128x128xf32, #tpu.memory_space<vmem_shared>>)
        tpu.yield
      }) : () -> ()
    }
    %scan3A_11 = arith.constant 5 : i32
    %scan3A_12 = arith.constant 0 : i32
    %scan3A_13 = arith.constant 128 : i32
    %scan3A_14 = arith.addi %scan3A_12, %scan3A_13 : i32
    %scan3A_15 = arith.constant 1 : i32
    scf.for %scan3A_34 = %scan3A_12 to %scan3A_14 step %scan3A_15  : i32 {
      %broadcast_in_dim3A = arith.constant 1.000000e+00 : f32
      %broadcast_in_dim3A_35 = vector.broadcast %broadcast_in_dim3A : f32 to vector<16xf32>
      %swap3A = arith.index_cast %scan3A_34 : i32 to index
      %swap3A_36 = arith.constant 0 : index
      %swap3A_37 = tpu.vector_load %arg6[%swap3A, %swap3A_36] {strides = array<i32>} : memref<128x128xf32, #tpu.memory_space<vmem>>, vector<1x16xf32>,
      %swap3A_38 = vector.shape_cast %swap3A_37 : vector<1x16xf32> to vector<16xf32>
      %swap3A_39 = vector.shape_cast %broadcast_in_dim3A_35 : vector<16xf32> to vector<1x16xf32>
      tpu.vector_store %arg6[%swap3A, %swap3A_36], %swap3A_39 {strides = array<i32>} : memref<128x128xf32, #tpu.memory_space<vmem>>, vector<1x16xf32>,
      %broadcast_in_dim3A_40 = arith.constant 1.000000e+00 : f32
      %broadcast_in_dim3A_41 = vector.broadcast %broadcast_in_dim3A_40 : f32 to vector<16xf32>
      %swap3A_42 = arith.index_cast %scan3A_34 : i32 to index
      %swap3A_43 = arith.constant 16 : index
      %swap3A_44 = tpu.vector_load %arg6[%swap3A_42, %swap3A_43] {strides = array<i32>} : memref<128x128xf32, #tpu.memory_space<vmem>>, vector<1x16xf32>,
      %swap3A_45 = vector.shape_cast %swap3A_44 : vector<1x16xf32> to vector<16xf32>
      %swap3A_46 = vector.shape_cast %broadcast_in_dim3A_41 : vector<16xf32> to vector<1x16xf32>
      tpu.vector_store %arg6[%swap3A_42, %swap3A_43], %swap3A_46 {strides = array<i32>} : memref<128x128xf32, #tpu.memory_space<vmem>>, vector<1x16xf32>,
      %broadcast_in_dim3A_47 = arith.constant 1.000000e+00 : f32
      %broadcast_in_dim3A_48 = vector.broadcast %broadcast_in_dim3A_47 : f32 to vector<16xf32>
      %swap3A_49 = arith.index_cast %scan3A_34 : i32 to index
      %swap3A_50 = arith.constant 32 : index
      %swap3A_51 = tpu.vector_load %arg6[%swap3A_49, %swap3A_50] {strides = array<i32>} : memref<128x128xf32, #tpu.memory_space<vmem>>, vector<1x16xf32>,
      %swap3A_52 = vector.shape_cast %swap3A_51 : vector<1x16xf32> to vector<16xf32>
      %swap3A_53 = vector.shape_cast %broadcast_in_dim3A_48 : vector<16xf32> to vector<1x16xf32>
      tpu.vector_store %arg6[%swap3A_49, %swap3A_50], %swap3A_53 {strides = array<i32>} : memref<128x128xf32, #tpu.memory_space<vmem>>, vector<1x16xf32>,
      %broadcast_in_dim3A_54 = arith.constant 1.000000e+00 : f32
      %broadcast_in_dim3A_55 = vector.broadcast %broadcast_in_dim3A_54 : f32 to vector<16xf32>
      %swap3A_56 = arith.index_cast %scan3A_34 : i32 to index
      %swap3A_57 = arith.constant 48 : index
      %swap3A_58 = tpu.vector_load %arg6[%swap3A_56, %swap3A_57] {strides = array<i32>} : memref<128x128xf32, #tpu.memory_space<vmem>>, vector<1x16xf32>,
      %swap3A_59 = vector.shape_cast %swap3A_58 : vector<1x16xf32> to vector<16xf32>
      %swap3A_60 = vector.shape_cast %broadcast_in_dim3A_55 : vector<16xf32> to vector<1x16xf32>
      tpu.vector_store %arg6[%swap3A_56, %swap3A_57], %swap3A_60 {strides = array<i32>} : memref<128x128xf32, #tpu.memory_space<vmem>>, vector<1x16xf32>,
      %broadcast_in_dim3A_61 = arith.constant 1.000000e+00 : f32
      %broadcast_in_dim3A_62 = vector.broadcast %broadcast_in_dim3A_61 : f32 to vector<16xf32>
      %swap3A_63 = arith.index_cast %scan3A_34 : i32 to index
      %swap3A_64 = arith.constant 64 : index
      %swap3A_65 = tpu.vector_load %arg6[%swap3A_63, %swap3A_64] {strides = array<i32>} : memref<128x128xf32, #tpu.memory_space<vmem>>, vector<1x16xf32>,
      %swap3A_66 = vector.shape_cast %swap3A_65 : vector<1x16xf32> to vector<16xf32>
      %swap3A_67 = vector.shape_cast %broadcast_in_dim3A_62 : vector<16xf32> to vector<1x16xf32>
      tpu.vector_store %arg6[%swap3A_63, %swap3A_64], %swap3A_67 {strides = array<i32>} : memref<128x128xf32, #tpu.memory_space<vmem>>, vector<1x16xf32>,
      %broadcast_in_dim3A_68 = arith.constant 1.000000e+00 : f32
      %broadcast_in_dim3A_69 = vector.broadcast %broadcast_in_dim3A_68 : f32 to vector<16xf32>
      %swap3A_70 = arith.index_cast %scan3A_34 : i32 to index
      %swap3A_71 = arith.constant 80 : index
      %swap3A_72 = tpu.vector_load %arg6[%swap3A_70, %swap3A_71] {strides = array<i32>} : memref<128x128xf32, #tpu.memory_space<vmem>>, vector<1x16xf32>,
      %swap3A_73 = vector.shape_cast %swap3A_72 : vector<1x16xf32> to vector<16xf32>
      %swap3A_74 = vector.shape_cast %broadcast_in_dim3A_69 : vector<16xf32> to vector<1x16xf32>
      tpu.vector_store %arg6[%swap3A_70, %swap3A_71], %swap3A_74 {strides = array<i32>} : memref<128x128xf32, #tpu.memory_space<vmem>>, vector<1x16xf32>,
      %broadcast_in_dim3A_75 = arith.constant 1.000000e+00 : f32
      %broadcast_in_dim3A_76 = vector.broadcast %broadcast_in_dim3A_75 : f32 to vector<16xf32>
      %swap3A_77 = arith.index_cast %scan3A_34 : i32 to index
      %swap3A_78 = arith.constant 96 : index
      %swap3A_79 = tpu.vector_load %arg6[%swap3A_77, %swap3A_78] {strides = array<i32>} : memref<128x128xf32, #tpu.memory_space<vmem>>, vector<1x16xf32>,
      %swap3A_80 = vector.shape_cast %swap3A_79 : vector<1x16xf32> to vector<16xf32>
      %swap3A_81 = vector.shape_cast %broadcast_in_dim3A_76 : vector<16xf32> to vector<1x16xf32>
      tpu.vector_store %arg6[%swap3A_77, %swap3A_78], %swap3A_81 {strides = array<i32>} : memref<128x128xf32, #tpu.memory_space<vmem>>, vector<1x16xf32>,
      %broadcast_in_dim3A_82 = arith.constant 1.000000e+00 : f32
      %broadcast_in_dim3A_83 = vector.broadcast %broadcast_in_dim3A_82 : f32 to vector<16xf32>
      %swap3A_84 = arith.index_cast %scan3A_34 : i32 to index
      %swap3A_85 = arith.constant 112 : index
      %swap3A_86 = tpu.vector_load %arg6[%swap3A_84, %swap3A_85] {strides = array<i32>} : memref<128x128xf32, #tpu.memory_space<vmem>>, vector<1x16xf32>,
      %swap3A_87 = vector.shape_cast %swap3A_86 : vector<1x16xf32> to vector<16xf32>
      %swap3A_88 = vector.shape_cast %broadcast_in_dim3A_83 : vector<16xf32> to vector<1x16xf32>
      tpu.vector_store %arg6[%swap3A_84, %swap3A_85], %swap3A_88 {strides = array<i32>} : memref<128x128xf32, #tpu.memory_space<vmem>>, vector<1x16xf32>,
    }
    %scan3A_16 = arith.constant 128 : i32
    %barrier3A = arith.constant 0 : index
    tpu.barrier barrier_id(%barrier3A)
    %add3A_17 = arith.constant 0 : i32
    %add3A_18 = arith.addi %add3A, %add3A_17 : i32
    %dma_start3A = tpu.memref_slice %arg2[%add3A_18] : memref<327680xi32, #tpu.memory_space<hbm>> -> memref<128xi32, #tpu.memory_space<hbm>>
    %dma_start3A_19 = tpu.memref_slice %arg2[%add3A_18] : memref<327680xi32, #tpu.memory_space<hbm>> -> memref<128xi32, #tpu.memory_space<hbm>>
    tpu.enqueue_dma source(%dma_start3A_19 : memref<128xi32, #tpu.memory_space<hbm>>) target(%arg4 : memref<128xi32, #tpu.memory_space<vmem>>) target_semaphore(%arg8 : memref<!tpu.dma_semaphore, #tpu.memory_space<semaphore_mem>>)
    %scan3A_20 = arith.constant 0 : i32
    %scan3A_21 = arith.constant 40 : i32
    %scan3A_22 = arith.addi %scan3A_20, %scan3A_21 : i32
    %scan3A_23 = arith.constant 1 : i32
    scf.for %scan3A_34 = %scan3A_20 to %scan3A_22 step %scan3A_23  : i32 {
      %mul3A_35 = arith.constant 2 : i32
      %mul3A_36 = arith.muli %mul3A_35, %scan3A_34 : i32
      %add3A_37 = arith.constant 1 : i32
      %add3A_38 = arith.addi %mul3A_36, %add3A_37 : i32
      %mul3A_39 = arith.constant 128 : i32
      %mul3A_40 = arith.muli %add3A_38, %mul3A_39 : i32
      %add3A_41 = arith.addi %add3A, %mul3A_40 : i32
      %dma_start3A_42 = tpu.memref_slice %arg2[%add3A_41] : memref<327680xi32, #tpu.memory_space<hbm>> -> memref<128xi32, #tpu.memory_space<hbm>>
      %dma_start3A_43 = tpu.memref_slice %arg2[%add3A_41] : memref<327680xi32, #tpu.memory_space<hbm>> -> memref<128xi32, #tpu.memory_space<hbm>>
      tpu.enqueue_dma source(%dma_start3A_43 : memref<128xi32, #tpu.memory_space<hbm>>) target(%arg5 : memref<128xi32, #tpu.memory_space<vmem>>) target_semaphore(%arg9 : memref<!tpu.dma_semaphore, #tpu.memory_space<semaphore_mem>>)
      %dma_wait3A_44 = arith.constant 0 : i32
      %dma_wait3A_45 = tpu.memref_slice %arg2[%dma_wait3A_44] : memref<327680xi32, #tpu.memory_space<hbm>> -> memref<128xi32, #tpu.memory_space<hbm>>
      %dma_wait3A_46 = arith.constant 0 : i32
      %dma_wait3A_47 = tpu.memref_slice %arg2[%dma_wait3A_46] : memref<327680xi32, #tpu.memory_space<hbm>> -> memref<128xi32, #tpu.memory_space<hbm>>
      tpu.wait_dma2 semaphore(%arg8 : memref<!tpu.dma_semaphore, #tpu.memory_space<semaphore_mem>>) src(%dma_wait3A_47 : memref<128xi32, #tpu.memory_space<hbm>>) dst(%arg4 : memref<128xi32, #tpu.memory_space<vmem>>)
      "tpu.region"() ({
        %run_scoped3A = tpu.sem_alloc : memref<!tpu.dma_semaphore, #tpu.memory_space<semaphore_mem>>
        %dma_start3A_60 = arith.constant 0 : i32
        %dma_start3A_61 = arith.constant 0 : i32
        %dma_start3A_62 = tpu.memref_slice %arg7[%dma_start3A_60, %dma_start3A_61] : memref<10240x128xf32, #tpu.memory_space<vmem_shared>> -> memref<10240x128xf32, #tpu.memory_space<vmem_shared>>
        tpu.enqueue_indirect_dma source(%arg6 : memref<128x128xf32, #tpu.memory_space<vmem>>) target(%dma_start3A_62 : memref<10240x128xf32, #tpu.memory_space<vmem_shared>>) offsets(%arg4 : memref<128xi32, #tpu.memory_space<vmem>>) semaphore(%run_scoped3A : memref<!tpu.dma_semaphore, #tpu.memory_space<semaphore_mem>>) {add = true}
        %dma_wait3A_63 = arith.constant 0 : i32
        %dma_wait3A_64 = arith.constant 0 : i32
        %dma_wait3A_65 = tpu.memref_slice %arg7[%dma_wait3A_63, %dma_wait3A_64] : memref<10240x128xf32, #tpu.memory_space<vmem_shared>> -> memref<10240x128xf32, #tpu.memory_space<vmem_shared>>
        tpu.wait_indirect_dma semaphore(%run_scoped3A : memref<!tpu.dma_semaphore, #tpu.memory_space<semaphore_mem>>) src(%arg6 : memref<128x128xf32, #tpu.memory_space<vmem>>) dst(%dma_wait3A_65 : memref<10240x128xf32, #tpu.memory_space<vmem_shared>>)
        tpu.yield
      }) : () -> ()
      %add3A_48 = arith.constant 2 : i32
      %add3A_49 = arith.addi %mul3A_36, %add3A_48 : i32
      %eq3A = arith.constant 80 : i32
      %eq3A_50 = arith.cmpi eq, %add3A_49, %eq3A : i32
      %jit3A = arith.constant 0 : i32
      %select_n3A = arith.select %eq3A_50, %jit3A, %add3A_49 : i32
      %mul3A_51 = arith.constant 128 : i32
      %mul3A_52 = arith.muli %select_n3A, %mul3A_51 : i32
      %add3A_53 = arith.addi %add3A, %mul3A_52 : i32
      %dma_start3A_54 = tpu.memref_slice %arg2[%add3A_53] : memref<327680xi32, #tpu.memory_space<hbm>> -> memref<128xi32, #tpu.memory_space<hbm>>
      %dma_start3A_55 = tpu.memref_slice %arg2[%add3A_53] : memref<327680xi32, #tpu.memory_space<hbm>> -> memref<128xi32, #tpu.memory_space<hbm>>
      tpu.enqueue_dma source(%dma_start3A_55 : memref<128xi32, #tpu.memory_space<hbm>>) target(%arg4 : memref<128xi32, #tpu.memory_space<vmem>>) target_semaphore(%arg8 : memref<!tpu.dma_semaphore, #tpu.memory_space<semaphore_mem>>)
      %dma_wait3A_56 = arith.constant 0 : i32
      %dma_wait3A_57 = tpu.memref_slice %arg2[%dma_wait3A_56] : memref<327680xi32, #tpu.memory_space<hbm>> -> memref<128xi32, #tpu.memory_space<hbm>>
      %dma_wait3A_58 = arith.constant 0 : i32
      %dma_wait3A_59 = tpu.memref_slice %arg2[%dma_wait3A_58] : memref<327680xi32, #tpu.memory_space<hbm>> -> memref<128xi32, #tpu.memory_space<hbm>>
      tpu.wait_dma2 semaphore(%arg9 : memref<!tpu.dma_semaphore, #tpu.memory_space<semaphore_mem>>) src(%dma_wait3A_59 : memref<128xi32, #tpu.memory_space<hbm>>) dst(%arg5 : memref<128xi32, #tpu.memory_space<vmem>>)
      "tpu.region"() ({
        %run_scoped3A = tpu.sem_alloc : memref<!tpu.dma_semaphore, #tpu.memory_space<semaphore_mem>>
        %dma_start3A_60 = arith.constant 0 : i32
        %dma_start3A_61 = arith.constant 0 : i32
        %dma_start3A_62 = tpu.memref_slice %arg7[%dma_start3A_60, %dma_start3A_61] : memref<10240x128xf32, #tpu.memory_space<vmem_shared>> -> memref<10240x128xf32, #tpu.memory_space<vmem_shared>>
        tpu.enqueue_indirect_dma source(%arg6 : memref<128x128xf32, #tpu.memory_space<vmem>>) target(%dma_start3A_62 : memref<10240x128xf32, #tpu.memory_space<vmem_shared>>) offsets(%arg5 : memref<128xi32, #tpu.memory_space<vmem>>) semaphore(%run_scoped3A : memref<!tpu.dma_semaphore, #tpu.memory_space<semaphore_mem>>) {add = true}
        %dma_wait3A_63 = arith.constant 0 : i32
        %dma_wait3A_64 = arith.constant 0 : i32
        %dma_wait3A_65 = tpu.memref_slice %arg7[%dma_wait3A_63, %dma_wait3A_64] : memref<10240x128xf32, #tpu.memory_space<vmem_shared>> -> memref<10240x128xf32, #tpu.memory_space<vmem_shared>>
        tpu.wait_indirect_dma semaphore(%run_scoped3A : memref<!tpu.dma_semaphore, #tpu.memory_space<semaphore_mem>>) src(%arg6 : memref<128x128xf32, #tpu.memory_space<vmem>>) dst(%dma_wait3A_65 : memref<10240x128xf32, #tpu.memory_space<vmem_shared>>)
        tpu.yield
      }) : () -> ()
    }
    %scan3A_24 = arith.constant 40 : i32
    %dma_wait3A = arith.constant 0 : i32
    %dma_wait3A_25 = tpu.memref_slice %arg2[%dma_wait3A] : memref<327680xi32, #tpu.memory_space<hbm>> -> memref<128xi32, #tpu.memory_space<hbm>>
    %dma_wait3A_26 = arith.constant 0 : i32
    %dma_wait3A_27 = tpu.memref_slice %arg2[%dma_wait3A_26] : memref<327680xi32, #tpu.memory_space<hbm>> -> memref<128xi32, #tpu.memory_space<hbm>>
    tpu.wait_dma2 semaphore(%arg8 : memref<!tpu.dma_semaphore, #tpu.memory_space<semaphore_mem>>) src(%dma_wait3A_27 : memref<128xi32, #tpu.memory_space<hbm>>) dst(%arg4 : memref<128xi32, #tpu.memory_space<vmem>>)
    %barrier3A_28 = arith.constant 0 : index
    tpu.barrier barrier_id(%barrier3A_28)
    %scan3A_29 = arith.constant 0 : i32
    %scan3A_30 = arith.constant 5 : i32
    %scan3A_31 = arith.addi %scan3A_29, %scan3A_30 : i32
    %scan3A_32 = arith.constant 1 : i32
    scf.for %scan3A_34 = %scan3A_29 to %scan3A_31 step %scan3A_32  : i32 {
      %mul3A_35 = arith.constant 640 : i32
      %mul3A_36 = arith.muli %arg1, %mul3A_35 : i32
      %mul3A_37 = arith.constant 128 : i32
      %mul3A_38 = arith.muli %scan3A_34, %mul3A_37 : i32
      %add3A_39 = arith.addi %mul3A_36, %mul3A_38 : i32
      "tpu.region"() ({
        %run_scoped3A = tpu.sem_alloc : memref<!tpu.dma_semaphore, #tpu.memory_space<semaphore_mem>>
        %dma_start3A_40 = arith.constant 0 : i32
        %dma_start3A_41 = tpu.memref_slice %arg7[%add3A_39, %dma_start3A_40] : memref<10240x128xf32, #tpu.memory_space<vmem_shared>> -> memref<128x128xf32, #tpu.memory_space<vmem_shared>>
        %dma_start3A_42 = arith.constant 0 : i32
        %dma_start3A_43 = tpu.memref_slice %arg7[%add3A_39, %dma_start3A_42] : memref<10240x128xf32, #tpu.memory_space<vmem_shared>> -> memref<128x128xf32, #tpu.memory_space<vmem_shared>>
        tpu.enqueue_dma source(%dma_start3A_43 : memref<128x128xf32, #tpu.memory_space<vmem_shared>>) target(%arg6 : memref<128x128xf32, #tpu.memory_space<vmem>>) target_semaphore(%run_scoped3A : memref<!tpu.dma_semaphore, #tpu.memory_space<semaphore_mem>>)
        %dma_wait3A_44 = arith.constant 0 : i32
        %dma_wait3A_45 = tpu.memref_slice %arg7[%add3A_39, %dma_wait3A_44] : memref<10240x128xf32, #tpu.memory_space<vmem_shared>> -> memref<128x128xf32, #tpu.memory_space<vmem_shared>>
        %dma_wait3A_46 = arith.constant 0 : i32
        %dma_wait3A_47 = tpu.memref_slice %arg7[%add3A_39, %dma_wait3A_46] : memref<10240x128xf32, #tpu.memory_space<vmem_shared>> -> memref<128x128xf32, #tpu.memory_space<vmem_shared>>
        tpu.wait_dma2 semaphore(%run_scoped3A : memref<!tpu.dma_semaphore, #tpu.memory_space<semaphore_mem>>) src(%dma_wait3A_47 : memref<128x128xf32, #tpu.memory_space<vmem_shared>>) dst(%arg6 : memref<128x128xf32, #tpu.memory_space<vmem>>)
        tpu.yield
      }) : () -> ()
      "tpu.region"() ({
        %run_scoped3A = tpu.sem_alloc : memref<!tpu.dma_semaphore, #tpu.memory_space<semaphore_mem>>
        %dma_start3A_40 = arith.constant 0 : i32
        %dma_start3A_41 = tpu.memref_slice %arg3[%arg0, %add3A_39, %dma_start3A_40] : memref<2x10240x128xf32, #tpu.memory_space<hbm>> -> memref<1x128x128xf32, #tpu.memory_space<hbm>>
        %dma_start3A_42 = tpu.memref_squeeze %dma_start3A_41 : memref<1x128x128xf32, #tpu.memory_space<hbm>> -> memref<128x128xf32, #tpu.memory_space<hbm>>
        %dma_start3A_43 = arith.constant 0 : i32
        %dma_start3A_44 = tpu.memref_slice %arg3[%arg0, %add3A_39, %dma_start3A_43] : memref<2x10240x128xf32, #tpu.memory_space<hbm>> -> memref<1x128x128xf32, #tpu.memory_space<hbm>>
        %dma_start3A_45 = tpu.memref_squeeze %dma_start3A_44 : memref<1x128x128xf32, #tpu.memory_space<hbm>> -> memref<128x128xf32, #tpu.memory_space<hbm>>
        tpu.enqueue_dma source(%arg6 : memref<128x128xf32, #tpu.memory_space<vmem>>) target(%dma_start3A_45 : memref<128x128xf32, #tpu.memory_space<hbm>>) target_semaphore(%run_scoped3A : memref<!tpu.dma_semaphore, #tpu.memory_space<semaphore_mem>>)
        %dma_wait3A_46 = arith.constant 0 : i32
        %dma_wait3A_47 = tpu.memref_slice %arg3[%arg0, %add3A_39, %dma_wait3A_46] : memref<2x10240x128xf32, #tpu.memory_space<hbm>> -> memref<1x128x128xf32, #tpu.memory_space<hbm>>
        %dma_wait3A_48 = tpu.memref_squeeze %dma_wait3A_47 : memref<1x128x128xf32, #tpu.memory_space<hbm>> -> memref<128x128xf32, #tpu.memory_space<hbm>>
        %dma_wait3A_49 = arith.constant 0 : i32
        %dma_wait3A_50 = tpu.memref_slice %arg3[%arg0, %add3A_39, %dma_wait3A_49] : memref<2x10240x128xf32, #tpu.memory_space<hbm>> -> memref<1x128x128xf32, #tpu.memory_space<hbm>>
        %dma_wait3A_51 = tpu.memref_squeeze %dma_wait3A_50 : memref<1x128x128xf32, #tpu.memory_space<hbm>> -> memref<128x128xf32, #tpu.memory_space<hbm>>
        tpu.wait_dma2 semaphore(%run_scoped3A : memref<!tpu.dma_semaphore, #tpu.memory_space<semaphore_mem>>) src(%arg6 : memref<128x128xf32, #tpu.memory_space<vmem>>) dst(%dma_wait3A_51 : memref<128x128xf32, #tpu.memory_space<hbm>>)
        tpu.yield
      }) : () -> ()
    }
    %scan3A_33 = arith.constant 5 : i32
    return
  }
}

#map = affine_map<(d0, d1) -> (0, 0)>
#map1 = affine_map<(d0, d1) -> (0)>
#map2 = affine_map<(d0, d1) -> (0, 0, 0)>
module attributes {stable_mosaic.version = 14 : i64} {
  func.func @_sc_scatter(%arg0: i32, %arg1: i32, %arg2: memref<10240x128xf32, #tpu.memory_space<hbm>>, %arg3: memref<327680xi32, #tpu.memory_space<hbm>>, %arg4: memref<327680xi32, #tpu.memory_space<hbm>>, %arg5: memref<2x10240x128xf32, #tpu.memory_space<hbm>>, %arg6: memref<10240xi32, #tpu.memory_space<vmem>>, %arg7: memref<128xi32, #tpu.memory_space<vmem>>, %arg8: memref<128xi32, #tpu.memory_space<vmem>>, %arg9: memref<2x128x128xf32, #tpu.memory_space<vmem>>, %arg10: memref<10240x128xf32, #tpu.memory_space<vmem_shared>>, %arg11: memref<!tpu.dma_semaphore, #tpu.memory_space<semaphore_mem>>, %arg12: memref<!tpu.dma_semaphore, #tpu.memory_space<semaphore_mem>>, %arg13: memref<!tpu.dma_semaphore, #tpu.memory_space<semaphore_mem>>, %arg14: memref<!tpu.dma_semaphore, #tpu.memory_space<semaphore_mem>>) attributes {dimension_semantics = [#tpu.dimension_semantics<core_parallel>, #tpu.dimension_semantics<subcore_parallel>], iteration_bounds = array<i64: 2, 16>, scalar_prefetch = 0 : i64, scratch_operands = 9 : i64, tpu.core_type = #tpu.core_type<sc_vector_subcore>, window_params = [{transform_indices = #map}, {transform_indices = #map1}, {transform_indices = #map1}, {transform_indices = #map2}]} {
    %mul3A = arith.constant 163840 : i32
    %mul3A_0 = arith.muli %arg0, %mul3A : i32
    %mul3A_1 = arith.constant 10240 : i32
    %mul3A_2 = arith.muli %arg1, %mul3A_1 : i32
    %add3A = arith.addi %mul3A_0, %mul3A_2 : i32
    "tpu.region"() ({
      %run_scoped3A = tpu.sem_alloc : memref<!tpu.dma_semaphore, #tpu.memory_space<semaphore_mem>>
      %dma_start3A_57 = tpu.memref_slice %arg3[%add3A] : memref<327680xi32, #tpu.memory_space<hbm>> -> memref<10240xi32, #tpu.memory_space<hbm>>
      %dma_start3A_58 = tpu.memref_slice %arg3[%add3A] : memref<327680xi32, #tpu.memory_space<hbm>> -> memref<10240xi32, #tpu.memory_space<hbm>>
      tpu.enqueue_dma source(%dma_start3A_58 : memref<10240xi32, #tpu.memory_space<hbm>>) target(%arg6 : memref<10240xi32, #tpu.memory_space<vmem>>) target_semaphore(%run_scoped3A : memref<!tpu.dma_semaphore, #tpu.memory_space<semaphore_mem>>)
      %dma_wait3A_59 = tpu.memref_slice %arg3[%add3A] : memref<327680xi32, #tpu.memory_space<hbm>> -> memref<10240xi32, #tpu.memory_space<hbm>>
      %dma_wait3A_60 = tpu.memref_slice %arg3[%add3A] : memref<327680xi32, #tpu.memory_space<hbm>> -> memref<10240xi32, #tpu.memory_space<hbm>>
      tpu.wait_dma2 semaphore(%run_scoped3A : memref<!tpu.dma_semaphore, #tpu.memory_space<semaphore_mem>>) src(%dma_wait3A_60 : memref<10240xi32, #tpu.memory_space<hbm>>) dst(%arg6 : memref<10240xi32, #tpu.memory_space<vmem>>)
      tpu.yield
    }) : () -> ()
    %scan3A = arith.constant 0 : i32
    %scan3A_3 = arith.constant 0 : i32
    %scan3A_4 = arith.constant 128 : i32
    %scan3A_5 = arith.addi %scan3A_3, %scan3A_4 : i32
    %scan3A_6 = arith.constant 1 : i32
    scf.for %scan3A_57 = %scan3A_3 to %scan3A_5 step %scan3A_6  : i32 {
      %broadcast_in_dim3A = arith.constant 0.000000e+00 : f32
      %broadcast_in_dim3A_58 = vector.broadcast %broadcast_in_dim3A : f32 to vector<16xf32>
      %swap3A = arith.constant 0 : i32
      %swap3A_59 = arith.constant 0 : i32
      %swap3A_60 = tpu.memref_slice %arg9[%scan3A, %swap3A, %swap3A_59] : memref<2x128x128xf32, #tpu.memory_space<vmem>> -> memref<1x128x128xf32, #tpu.memory_space<vmem>>
      %swap3A_61 = tpu.memref_squeeze %swap3A_60 : memref<1x128x128xf32, #tpu.memory_space<vmem>> -> memref<128x128xf32, #tpu.memory_space<vmem>>
      %swap3A_62 = arith.index_cast %scan3A_57 : i32 to index
      %swap3A_63 = arith.constant 0 : index
      %swap3A_64 = tpu.vector_load %swap3A_61[%swap3A_62, %swap3A_63] {strides = array<i32>} : memref<128x128xf32, #tpu.memory_space<vmem>>, vector<1x16xf32>,
      %swap3A_65 = vector.shape_cast %swap3A_64 : vector<1x16xf32> to vector<16xf32>
      %swap3A_66 = vector.shape_cast %broadcast_in_dim3A_58 : vector<16xf32> to vector<1x16xf32>
      tpu.vector_store %swap3A_61[%swap3A_62, %swap3A_63], %swap3A_66 {strides = array<i32>} : memref<128x128xf32, #tpu.memory_space<vmem>>, vector<1x16xf32>,
      %broadcast_in_dim3A_67 = arith.constant 0.000000e+00 : f32
      %broadcast_in_dim3A_68 = vector.broadcast %broadcast_in_dim3A_67 : f32 to vector<16xf32>
      %swap3A_69 = arith.constant 0 : i32
      %swap3A_70 = arith.constant 0 : i32
      %swap3A_71 = tpu.memref_slice %arg9[%scan3A, %swap3A_69, %swap3A_70] : memref<2x128x128xf32, #tpu.memory_space<vmem>> -> memref<1x128x128xf32, #tpu.memory_space<vmem>>
      %swap3A_72 = tpu.memref_squeeze %swap3A_71 : memref<1x128x128xf32, #tpu.memory_space<vmem>> -> memref<128x128xf32, #tpu.memory_space<vmem>>
      %swap3A_73 = arith.index_cast %scan3A_57 : i32 to index
      %swap3A_74 = arith.constant 16 : index
      %swap3A_75 = tpu.vector_load %swap3A_72[%swap3A_73, %swap3A_74] {strides = array<i32>} : memref<128x128xf32, #tpu.memory_space<vmem>>, vector<1x16xf32>,
      %swap3A_76 = vector.shape_cast %swap3A_75 : vector<1x16xf32> to vector<16xf32>
      %swap3A_77 = vector.shape_cast %broadcast_in_dim3A_68 : vector<16xf32> to vector<1x16xf32>
      tpu.vector_store %swap3A_72[%swap3A_73, %swap3A_74], %swap3A_77 {strides = array<i32>} : memref<128x128xf32, #tpu.memory_space<vmem>>, vector<1x16xf32>,
      %broadcast_in_dim3A_78 = arith.constant 0.000000e+00 : f32
      %broadcast_in_dim3A_79 = vector.broadcast %broadcast_in_dim3A_78 : f32 to vector<16xf32>
      %swap3A_80 = arith.constant 0 : i32
      %swap3A_81 = arith.constant 0 : i32
      %swap3A_82 = tpu.memref_slice %arg9[%scan3A, %swap3A_80, %swap3A_81] : memref<2x128x128xf32, #tpu.memory_space<vmem>> -> memref<1x128x128xf32, #tpu.memory_space<vmem>>
      %swap3A_83 = tpu.memref_squeeze %swap3A_82 : memref<1x128x128xf32, #tpu.memory_space<vmem>> -> memref<128x128xf32, #tpu.memory_space<vmem>>
      %swap3A_84 = arith.index_cast %scan3A_57 : i32 to index
      %swap3A_85 = arith.constant 32 : index
      %swap3A_86 = tpu.vector_load %swap3A_83[%swap3A_84, %swap3A_85] {strides = array<i32>} : memref<128x128xf32, #tpu.memory_space<vmem>>, vector<1x16xf32>,
      %swap3A_87 = vector.shape_cast %swap3A_86 : vector<1x16xf32> to vector<16xf32>
      %swap3A_88 = vector.shape_cast %broadcast_in_dim3A_79 : vector<16xf32> to vector<1x16xf32>
      tpu.vector_store %swap3A_83[%swap3A_84, %swap3A_85], %swap3A_88 {strides = array<i32>} : memref<128x128xf32, #tpu.memory_space<vmem>>, vector<1x16xf32>,
      %broadcast_in_dim3A_89 = arith.constant 0.000000e+00 : f32
      %broadcast_in_dim3A_90 = vector.broadcast %broadcast_in_dim3A_89 : f32 to vector<16xf32>
      %swap3A_91 = arith.constant 0 : i32
      %swap3A_92 = arith.constant 0 : i32
      %swap3A_93 = tpu.memref_slice %arg9[%scan3A, %swap3A_91, %swap3A_92] : memref<2x128x128xf32, #tpu.memory_space<vmem>> -> memref<1x128x128xf32, #tpu.memory_space<vmem>>
      %swap3A_94 = tpu.memref_squeeze %swap3A_93 : memref<1x128x128xf32, #tpu.memory_space<vmem>> -> memref<128x128xf32, #tpu.memory_space<vmem>>
      %swap3A_95 = arith.index_cast %scan3A_57 : i32 to index
      %swap3A_96 = arith.constant 48 : index
      %swap3A_97 = tpu.vector_load %swap3A_94[%swap3A_95, %swap3A_96] {strides = array<i32>} : memref<128x128xf32, #tpu.memory_space<vmem>>, vector<1x16xf32>,
      %swap3A_98 = vector.shape_cast %swap3A_97 : vector<1x16xf32> to vector<16xf32>
      %swap3A_99 = vector.shape_cast %broadcast_in_dim3A_90 : vector<16xf32> to vector<1x16xf32>
      tpu.vector_store %swap3A_94[%swap3A_95, %swap3A_96], %swap3A_99 {strides = array<i32>} : memref<128x128xf32, #tpu.memory_space<vmem>>, vector<1x16xf32>,
      %broadcast_in_dim3A_100 = arith.constant 0.000000e+00 : f32
      %broadcast_in_dim3A_101 = vector.broadcast %broadcast_in_dim3A_100 : f32 to vector<16xf32>
      %swap3A_102 = arith.constant 0 : i32
      %swap3A_103 = arith.constant 0 : i32
      %swap3A_104 = tpu.memref_slice %arg9[%scan3A, %swap3A_102, %swap3A_103] : memref<2x128x128xf32, #tpu.memory_space<vmem>> -> memref<1x128x128xf32, #tpu.memory_space<vmem>>
      %swap3A_105 = tpu.memref_squeeze %swap3A_104 : memref<1x128x128xf32, #tpu.memory_space<vmem>> -> memref<128x128xf32, #tpu.memory_space<vmem>>
      %swap3A_106 = arith.index_cast %scan3A_57 : i32 to index
      %swap3A_107 = arith.constant 64 : index
      %swap3A_108 = tpu.vector_load %swap3A_105[%swap3A_106, %swap3A_107] {strides = array<i32>} : memref<128x128xf32, #tpu.memory_space<vmem>>, vector<1x16xf32>,
      %swap3A_109 = vector.shape_cast %swap3A_108 : vector<1x16xf32> to vector<16xf32>
      %swap3A_110 = vector.shape_cast %broadcast_in_dim3A_101 : vector<16xf32> to vector<1x16xf32>
      tpu.vector_store %swap3A_105[%swap3A_106, %swap3A_107], %swap3A_110 {strides = array<i32>} : memref<128x128xf32, #tpu.memory_space<vmem>>, vector<1x16xf32>,
      %broadcast_in_dim3A_111 = arith.constant 0.000000e+00 : f32
      %broadcast_in_dim3A_112 = vector.broadcast %broadcast_in_dim3A_111 : f32 to vector<16xf32>
      %swap3A_113 = arith.constant 0 : i32
      %swap3A_114 = arith.constant 0 : i32
      %swap3A_115 = tpu.memref_slice %arg9[%scan3A, %swap3A_113, %swap3A_114] : memref<2x128x128xf32, #tpu.memory_space<vmem>> -> memref<1x128x128xf32, #tpu.memory_space<vmem>>
      %swap3A_116 = tpu.memref_squeeze %swap3A_115 : memref<1x128x128xf32, #tpu.memory_space<vmem>> -> memref<128x128xf32, #tpu.memory_space<vmem>>
      %swap3A_117 = arith.index_cast %scan3A_57 : i32 to index
      %swap3A_118 = arith.constant 80 : index
      %swap3A_119 = tpu.vector_load %swap3A_116[%swap3A_117, %swap3A_118] {strides = array<i32>} : memref<128x128xf32, #tpu.memory_space<vmem>>, vector<1x16xf32>,
      %swap3A_120 = vector.shape_cast %swap3A_119 : vector<1x16xf32> to vector<16xf32>
      %swap3A_121 = vector.shape_cast %broadcast_in_dim3A_112 : vector<16xf32> to vector<1x16xf32>
      tpu.vector_store %swap3A_116[%swap3A_117, %swap3A_118], %swap3A_121 {strides = array<i32>} : memref<128x128xf32, #tpu.memory_space<vmem>>, vector<1x16xf32>,
      %broadcast_in_dim3A_122 = arith.constant 0.000000e+00 : f32
      %broadcast_in_dim3A_123 = vector.broadcast %broadcast_in_dim3A_122 : f32 to vector<16xf32>
      %swap3A_124 = arith.constant 0 : i32
      %swap3A_125 = arith.constant 0 : i32
      %swap3A_126 = tpu.memref_slice %arg9[%scan3A, %swap3A_124, %swap3A_125] : memref<2x128x128xf32, #tpu.memory_space<vmem>> -> memref<1x128x128xf32, #tpu.memory_space<vmem>>
      %swap3A_127 = tpu.memref_squeeze %swap3A_126 : memref<1x128x128xf32, #tpu.memory_space<vmem>> -> memref<128x128xf32, #tpu.memory_space<vmem>>
      %swap3A_128 = arith.index_cast %scan3A_57 : i32 to index
      %swap3A_129 = arith.constant 96 : index
      %swap3A_130 = tpu.vector_load %swap3A_127[%swap3A_128, %swap3A_129] {strides = array<i32>} : memref<128x128xf32, #tpu.memory_space<vmem>>, vector<1x16xf32>,
      %swap3A_131 = vector.shape_cast %swap3A_130 : vector<1x16xf32> to vector<16xf32>
      %swap3A_132 = vector.shape_cast %broadcast_in_dim3A_123 : vector<16xf32> to vector<1x16xf32>
      tpu.vector_store %swap3A_127[%swap3A_128, %swap3A_129], %swap3A_132 {strides = array<i32>} : memref<128x128xf32, #tpu.memory_space<vmem>>, vector<1x16xf32>,
      %broadcast_in_dim3A_133 = arith.constant 0.000000e+00 : f32
      %broadcast_in_dim3A_134 = vector.broadcast %broadcast_in_dim3A_133 : f32 to vector<16xf32>
      %swap3A_135 = arith.constant 0 : i32
      %swap3A_136 = arith.constant 0 : i32
      %swap3A_137 = tpu.memref_slice %arg9[%scan3A, %swap3A_135, %swap3A_136] : memref<2x128x128xf32, #tpu.memory_space<vmem>> -> memref<1x128x128xf32, #tpu.memory_space<vmem>>
      %swap3A_138 = tpu.memref_squeeze %swap3A_137 : memref<1x128x128xf32, #tpu.memory_space<vmem>> -> memref<128x128xf32, #tpu.memory_space<vmem>>
      %swap3A_139 = arith.index_cast %scan3A_57 : i32 to index
      %swap3A_140 = arith.constant 112 : index
      %swap3A_141 = tpu.vector_load %swap3A_138[%swap3A_139, %swap3A_140] {strides = array<i32>} : memref<128x128xf32, #tpu.memory_space<vmem>>, vector<1x16xf32>,
      %swap3A_142 = vector.shape_cast %swap3A_141 : vector<1x16xf32> to vector<16xf32>
      %swap3A_143 = vector.shape_cast %broadcast_in_dim3A_134 : vector<16xf32> to vector<1x16xf32>
      tpu.vector_store %swap3A_138[%swap3A_139, %swap3A_140], %swap3A_143 {strides = array<i32>} : memref<128x128xf32, #tpu.memory_space<vmem>>, vector<1x16xf32>,
    }
    %scan3A_7 = arith.constant 128 : i32
    %scan3A_8 = arith.constant 0 : i32
    %scan3A_9 = arith.constant 0 : i32
    %scan3A_10 = arith.constant 5 : i32
    %scan3A_11 = arith.addi %scan3A_9, %scan3A_10 : i32
    %scan3A_12 = arith.constant 1 : i32
    scf.for %scan3A_57 = %scan3A_9 to %scan3A_11 step %scan3A_12  : i32 {
      %mul3A_58 = arith.constant 640 : i32
      %mul3A_59 = arith.muli %arg1, %mul3A_58 : i32
      %mul3A_60 = arith.constant 128 : i32
      %mul3A_61 = arith.muli %scan3A_57, %mul3A_60 : i32
      %add3A_62 = arith.addi %mul3A_59, %mul3A_61 : i32
      "tpu.region"() ({
        %run_scoped3A = tpu.sem_alloc : memref<!tpu.dma_semaphore, #tpu.memory_space<semaphore_mem>>
        %dma_start3A_63 = arith.constant 0 : i32
        %dma_start3A_64 = arith.constant 0 : i32
        %dma_start3A_65 = tpu.memref_slice %arg9[%scan3A_8, %dma_start3A_63, %dma_start3A_64] : memref<2x128x128xf32, #tpu.memory_space<vmem>> -> memref<1x128x128xf32, #tpu.memory_space<vmem>>
        %dma_start3A_66 = tpu.memref_squeeze %dma_start3A_65 : memref<1x128x128xf32, #tpu.memory_space<vmem>> -> memref<128x128xf32, #tpu.memory_space<vmem>>
        %dma_start3A_67 = arith.constant 0 : i32
        %dma_start3A_68 = tpu.memref_slice %arg10[%add3A_62, %dma_start3A_67] : memref<10240x128xf32, #tpu.memory_space<vmem_shared>> -> memref<128x128xf32, #tpu.memory_space<vmem_shared>>
        %dma_start3A_69 = arith.constant 0 : i32
        %dma_start3A_70 = tpu.memref_slice %arg10[%add3A_62, %dma_start3A_69] : memref<10240x128xf32, #tpu.memory_space<vmem_shared>> -> memref<128x128xf32, #tpu.memory_space<vmem_shared>>
        %dma_start3A_71 = arith.constant 0 : i32
        %dma_start3A_72 = arith.constant 0 : i32
        %dma_start3A_73 = tpu.memref_slice %arg9[%scan3A_8, %dma_start3A_71, %dma_start3A_72] : memref<2x128x128xf32, #tpu.memory_space<vmem>> -> memref<1x128x128xf32, #tpu.memory_space<vmem>>
        %dma_start3A_74 = tpu.memref_squeeze %dma_start3A_73 : memref<1x128x128xf32, #tpu.memory_space<vmem>> -> memref<128x128xf32, #tpu.memory_space<vmem>>
        tpu.enqueue_dma source(%dma_start3A_74 : memref<128x128xf32, #tpu.memory_space<vmem>>) target(%dma_start3A_70 : memref<128x128xf32, #tpu.memory_space<vmem_shared>>) target_semaphore(%run_scoped3A : memref<!tpu.dma_semaphore, #tpu.memory_space<semaphore_mem>>)
        %dma_wait3A_75 = arith.constant 0 : i32
        %dma_wait3A_76 = arith.constant 0 : i32
        %dma_wait3A_77 = tpu.memref_slice %arg9[%scan3A_8, %dma_wait3A_75, %dma_wait3A_76] : memref<2x128x128xf32, #tpu.memory_space<vmem>> -> memref<1x128x128xf32, #tpu.memory_space<vmem>>
        %dma_wait3A_78 = tpu.memref_squeeze %dma_wait3A_77 : memref<1x128x128xf32, #tpu.memory_space<vmem>> -> memref<128x128xf32, #tpu.memory_space<vmem>>
        %dma_wait3A_79 = arith.constant 0 : i32
        %dma_wait3A_80 = tpu.memref_slice %arg10[%add3A_62, %dma_wait3A_79] : memref<10240x128xf32, #tpu.memory_space<vmem_shared>> -> memref<128x128xf32, #tpu.memory_space<vmem_shared>>
        %dma_wait3A_81 = arith.constant 0 : i32
        %dma_wait3A_82 = tpu.memref_slice %arg10[%add3A_62, %dma_wait3A_81] : memref<10240x128xf32, #tpu.memory_space<vmem_shared>> -> memref<128x128xf32, #tpu.memory_space<vmem_shared>>
        %dma_wait3A_83 = arith.constant 0 : i32
        %dma_wait3A_84 = arith.constant 0 : i32
        %dma_wait3A_85 = tpu.memref_slice %arg9[%scan3A_8, %dma_wait3A_83, %dma_wait3A_84] : memref<2x128x128xf32, #tpu.memory_space<vmem>> -> memref<1x128x128xf32, #tpu.memory_space<vmem>>
        %dma_wait3A_86 = tpu.memref_squeeze %dma_wait3A_85 : memref<1x128x128xf32, #tpu.memory_space<vmem>> -> memref<128x128xf32, #tpu.memory_space<vmem>>
        tpu.wait_dma2 semaphore(%run_scoped3A : memref<!tpu.dma_semaphore, #tpu.memory_space<semaphore_mem>>) src(%dma_wait3A_86 : memref<128x128xf32, #tpu.memory_space<vmem>>) dst(%dma_wait3A_82 : memref<128x128xf32, #tpu.memory_space<vmem_shared>>)
        tpu.yield
      }) : () -> ()
    }
    %scan3A_13 = arith.constant 5 : i32
    %barrier3A = arith.constant 0 : index
    tpu.barrier barrier_id(%barrier3A)
    %dma_start3A = arith.constant 0 : i32
    %dma_start3A_14 = arith.constant 0 : i32
    %dma_start3A_15 = arith.constant 0 : i32
    %dma_start3A_16 = tpu.memref_slice %arg9[%dma_start3A, %dma_start3A_14, %dma_start3A_15] : memref<2x128x128xf32, #tpu.memory_space<vmem>> -> memref<1x128x128xf32, #tpu.memory_space<vmem>>
    %dma_start3A_17 = tpu.memref_squeeze %dma_start3A_16 : memref<1x128x128xf32, #tpu.memory_space<vmem>> -> memref<128x128xf32, #tpu.memory_space<vmem>>
    %dma_start3A_18 = arith.constant 0 : i32
    %dma_start3A_19 = tpu.memref_slice %arg6[%dma_start3A_18] : memref<10240xi32, #tpu.memory_space<vmem>> -> memref<128xi32, #tpu.memory_space<vmem>>
    %dma_start3A_20 = arith.constant 0 : i32
    %dma_start3A_21 = arith.constant 0 : i32
    %dma_start3A_22 = tpu.memref_slice %arg2[%dma_start3A_20, %dma_start3A_21] : memref<10240x128xf32, #tpu.memory_space<hbm>> -> memref<10240x128xf32, #tpu.memory_space<hbm>>
    tpu.enqueue_indirect_dma source(%dma_start3A_22 : memref<10240x128xf32, #tpu.memory_space<hbm>>) target(%dma_start3A_17 : memref<128x128xf32, #tpu.memory_space<vmem>>) offsets(%dma_start3A_19 : memref<128xi32, #tpu.memory_space<vmem>>) semaphore(%arg11 : memref<!tpu.dma_semaphore, #tpu.memory_space<semaphore_mem>>)
    %add3A_23 = arith.constant 0 : i32
    %add3A_24 = arith.addi %add3A, %add3A_23 : i32
    %dma_start3A_25 = tpu.memref_slice %arg4[%add3A_24] : memref<327680xi32, #tpu.memory_space<hbm>> -> memref<128xi32, #tpu.memory_space<hbm>>
    %dma_start3A_26 = tpu.memref_slice %arg4[%add3A_24] : memref<327680xi32, #tpu.memory_space<hbm>> -> memref<128xi32, #tpu.memory_space<hbm>>
    tpu.enqueue_dma source(%dma_start3A_26 : memref<128xi32, #tpu.memory_space<hbm>>) target(%arg7 : memref<128xi32, #tpu.memory_space<vmem>>) target_semaphore(%arg13 : memref<!tpu.dma_semaphore, #tpu.memory_space<semaphore_mem>>)
    %scan3A_27 = arith.constant 0 : i32
    %scan3A_28 = arith.constant 40 : i32
    %scan3A_29 = arith.addi %scan3A_27, %scan3A_28 : i32
    %scan3A_30 = arith.constant 1 : i32
    scf.for %scan3A_57 = %scan3A_27 to %scan3A_29 step %scan3A_30  : i32 {
      %mul3A_58 = arith.constant 2 : i32
      %mul3A_59 = arith.muli %mul3A_58, %scan3A_57 : i32
      %add3A_60 = arith.constant 1 : i32
      %add3A_61 = arith.addi %mul3A_59, %add3A_60 : i32
      %mul3A_62 = arith.constant 128 : i32
      %mul3A_63 = arith.muli %add3A_61, %mul3A_62 : i32
      %dma_start3A_64 = arith.constant 1 : i32
      %dma_start3A_65 = arith.constant 0 : i32
      %dma_start3A_66 = arith.constant 0 : i32
      %dma_start3A_67 = tpu.memref_slice %arg9[%dma_start3A_64, %dma_start3A_65, %dma_start3A_66] : memref<2x128x128xf32, #tpu.memory_space<vmem>> -> memref<1x128x128xf32, #tpu.memory_space<vmem>>
      %dma_start3A_68 = tpu.memref_squeeze %dma_start3A_67 : memref<1x128x128xf32, #tpu.memory_space<vmem>> -> memref<128x128xf32, #tpu.memory_space<vmem>>
      %dma_start3A_69 = tpu.memref_slice %arg6[%mul3A_63] : memref<10240xi32, #tpu.memory_space<vmem>> -> memref<128xi32, #tpu.memory_space<vmem>>
      %dma_start3A_70 = arith.constant 0 : i32
      %dma_start3A_71 = arith.constant 0 : i32
      %dma_start3A_72 = tpu.memref_slice %arg2[%dma_start3A_70, %dma_start3A_71] : memref<10240x128xf32, #tpu.memory_space<hbm>> -> memref<10240x128xf32, #tpu.memory_space<hbm>>
      tpu.enqueue_indirect_dma source(%dma_start3A_72 : memref<10240x128xf32, #tpu.memory_space<hbm>>) target(%dma_start3A_68 : memref<128x128xf32, #tpu.memory_space<vmem>>) offsets(%dma_start3A_69 : memref<128xi32, #tpu.memory_space<vmem>>) semaphore(%arg12 : memref<!tpu.dma_semaphore, #tpu.memory_space<semaphore_mem>>)
      %add3A_73 = arith.constant 1 : i32
      %add3A_74 = arith.addi %mul3A_59, %add3A_73 : i32
      %mul3A_75 = arith.constant 128 : i32
      %mul3A_76 = arith.muli %add3A_74, %mul3A_75 : i32
      %add3A_77 = arith.addi %add3A, %mul3A_76 : i32
      %dma_start3A_78 = tpu.memref_slice %arg4[%add3A_77] : memref<327680xi32, #tpu.memory_space<hbm>> -> memref<128xi32, #tpu.memory_space<hbm>>
      %dma_start3A_79 = tpu.memref_slice %arg4[%add3A_77] : memref<327680xi32, #tpu.memory_space<hbm>> -> memref<128xi32, #tpu.memory_space<hbm>>
      tpu.enqueue_dma source(%dma_start3A_79 : memref<128xi32, #tpu.memory_space<hbm>>) target(%arg8 : memref<128xi32, #tpu.memory_space<vmem>>) target_semaphore(%arg14 : memref<!tpu.dma_semaphore, #tpu.memory_space<semaphore_mem>>)
      %dma_wait3A_80 = arith.constant 0 : i32
      %dma_wait3A_81 = arith.constant 0 : i32
      %dma_wait3A_82 = arith.constant 0 : i32
      %dma_wait3A_83 = tpu.memref_slice %arg9[%dma_wait3A_80, %dma_wait3A_81, %dma_wait3A_82] : memref<2x128x128xf32, #tpu.memory_space<vmem>> -> memref<1x128x128xf32, #tpu.memory_space<vmem>>
      %dma_wait3A_84 = tpu.memref_squeeze %dma_wait3A_83 : memref<1x128x128xf32, #tpu.memory_space<vmem>> -> memref<128x128xf32, #tpu.memory_space<vmem>>
      %dma_wait3A_85 = arith.constant 0 : i32
      %dma_wait3A_86 = arith.constant 0 : i32
      %dma_wait3A_87 = tpu.memref_slice %arg2[%dma_wait3A_85, %dma_wait3A_86] : memref<10240x128xf32, #tpu.memory_space<hbm>> -> memref<128x128xf32, #tpu.memory_space<hbm>>
      %dma_wait3A_88 = arith.constant 0 : i32
      %dma_wait3A_89 = arith.constant 0 : i32
      %dma_wait3A_90 = tpu.memref_slice %arg9[%dma_wait3A_80, %dma_wait3A_88, %dma_wait3A_89] : memref<2x128x128xf32, #tpu.memory_space<vmem>> -> memref<1x128x128xf32, #tpu.memory_space<vmem>>
      %dma_wait3A_91 = tpu.memref_squeeze %dma_wait3A_90 : memref<1x128x128xf32, #tpu.memory_space<vmem>> -> memref<128x128xf32, #tpu.memory_space<vmem>>
      %dma_wait3A_92 = arith.constant 0 : i32
      %dma_wait3A_93 = arith.constant 0 : i32
      %dma_wait3A_94 = tpu.memref_slice %arg2[%dma_wait3A_92, %dma_wait3A_93] : memref<10240x128xf32, #tpu.memory_space<hbm>> -> memref<128x128xf32, #tpu.memory_space<hbm>>
      tpu.wait_dma2 semaphore(%arg11 : memref<!tpu.dma_semaphore, #tpu.memory_space<semaphore_mem>>) src(%dma_wait3A_94 : memref<128x128xf32, #tpu.memory_space<hbm>>) dst(%dma_wait3A_91 : memref<128x128xf32, #tpu.memory_space<vmem>>)
      %dma_wait3A_95 = arith.constant 0 : i32
      %dma_wait3A_96 = tpu.memref_slice %arg4[%dma_wait3A_95] : memref<327680xi32, #tpu.memory_space<hbm>> -> memref<128xi32, #tpu.memory_space<hbm>>
      %dma_wait3A_97 = arith.constant 0 : i32
      %dma_wait3A_98 = tpu.memref_slice %arg4[%dma_wait3A_97] : memref<327680xi32, #tpu.memory_space<hbm>> -> memref<128xi32, #tpu.memory_space<hbm>>
      tpu.wait_dma2 semaphore(%arg13 : memref<!tpu.dma_semaphore, #tpu.memory_space<semaphore_mem>>) src(%dma_wait3A_98 : memref<128xi32, #tpu.memory_space<hbm>>) dst(%arg7 : memref<128xi32, #tpu.memory_space<vmem>>)
      %run_scoped3A = arith.constant 0 : i32
      "tpu.region"() ({
        %run_scoped3A_138 = tpu.sem_alloc : memref<!tpu.dma_semaphore, #tpu.memory_space<semaphore_mem>>
        %dma_start3A_139 = arith.constant 0 : i32
        %dma_start3A_140 = arith.constant 0 : i32
        %dma_start3A_141 = tpu.memref_slice %arg9[%run_scoped3A, %dma_start3A_139, %dma_start3A_140] : memref<2x128x128xf32, #tpu.memory_space<vmem>> -> memref<1x128x128xf32, #tpu.memory_space<vmem>>
        %dma_start3A_142 = tpu.memref_squeeze %dma_start3A_141 : memref<1x128x128xf32, #tpu.memory_space<vmem>> -> memref<128x128xf32, #tpu.memory_space<vmem>>
        %dma_start3A_143 = arith.constant 0 : i32
        %dma_start3A_144 = arith.constant 0 : i32
        %dma_start3A_145 = tpu.memref_slice %arg10[%dma_start3A_143, %dma_start3A_144] : memref<10240x128xf32, #tpu.memory_space<vmem_shared>> -> memref<10240x128xf32, #tpu.memory_space<vmem_shared>>
        tpu.enqueue_indirect_dma source(%dma_start3A_142 : memref<128x128xf32, #tpu.memory_space<vmem>>) target(%dma_start3A_145 : memref<10240x128xf32, #tpu.memory_space<vmem_shared>>) offsets(%arg7 : memref<128xi32, #tpu.memory_space<vmem>>) semaphore(%run_scoped3A_138 : memref<!tpu.dma_semaphore, #tpu.memory_space<semaphore_mem>>) {add = true}
        %dma_wait3A_146 = arith.constant 0 : i32
        %dma_wait3A_147 = arith.constant 0 : i32
        %dma_wait3A_148 = tpu.memref_slice %arg9[%run_scoped3A, %dma_wait3A_146, %dma_wait3A_147] : memref<2x128x128xf32, #tpu.memory_space<vmem>> -> memref<1x128x128xf32, #tpu.memory_space<vmem>>
        %dma_wait3A_149 = tpu.memref_squeeze %dma_wait3A_148 : memref<1x128x128xf32, #tpu.memory_space<vmem>> -> memref<128x128xf32, #tpu.memory_space<vmem>>
        %dma_wait3A_150 = arith.constant 0 : i32
        %dma_wait3A_151 = arith.constant 0 : i32
        %dma_wait3A_152 = tpu.memref_slice %arg10[%dma_wait3A_150, %dma_wait3A_151] : memref<10240x128xf32, #tpu.memory_space<vmem_shared>> -> memref<10240x128xf32, #tpu.memory_space<vmem_shared>>
        tpu.wait_indirect_dma semaphore(%run_scoped3A_138 : memref<!tpu.dma_semaphore, #tpu.memory_space<semaphore_mem>>) src(%dma_wait3A_149 : memref<128x128xf32, #tpu.memory_space<vmem>>) dst(%dma_wait3A_152 : memref<10240x128xf32, #tpu.memory_space<vmem_shared>>)
        tpu.yield
      }) : () -> ()
      %add3A_99 = arith.constant 2 : i32
      %add3A_100 = arith.addi %mul3A_59, %add3A_99 : i32
      %eq3A = arith.constant 80 : i32
      %eq3A_101 = arith.cmpi eq, %add3A_100, %eq3A : i32
      %jit3A = arith.constant 0 : i32
      %select_n3A = arith.select %eq3A_101, %jit3A, %add3A_100 : i32
      %mul3A_102 = arith.constant 128 : i32
      %mul3A_103 = arith.muli %select_n3A, %mul3A_102 : i32
      %dma_start3A_104 = arith.constant 0 : i32
      %dma_start3A_105 = arith.constant 0 : i32
      %dma_start3A_106 = arith.constant 0 : i32
      %dma_start3A_107 = tpu.memref_slice %arg9[%dma_start3A_104, %dma_start3A_105, %dma_start3A_106] : memref<2x128x128xf32, #tpu.memory_space<vmem>> -> memref<1x128x128xf32, #tpu.memory_space<vmem>>
      %dma_start3A_108 = tpu.memref_squeeze %dma_start3A_107 : memref<1x128x128xf32, #tpu.memory_space<vmem>> -> memref<128x128xf32, #tpu.memory_space<vmem>>
      %dma_start3A_109 = tpu.memref_slice %arg6[%mul3A_103] : memref<10240xi32, #tpu.memory_space<vmem>> -> memref<128xi32, #tpu.memory_space<vmem>>
      %dma_start3A_110 = arith.constant 0 : i32
      %dma_start3A_111 = arith.constant 0 : i32
      %dma_start3A_112 = tpu.memref_slice %arg2[%dma_start3A_110, %dma_start3A_111] : memref<10240x128xf32, #tpu.memory_space<hbm>> -> memref<10240x128xf32, #tpu.memory_space<hbm>>
      tpu.enqueue_indirect_dma source(%dma_start3A_112 : memref<10240x128xf32, #tpu.memory_space<hbm>>) target(%dma_start3A_108 : memref<128x128xf32, #tpu.memory_space<vmem>>) offsets(%dma_start3A_109 : memref<128xi32, #tpu.memory_space<vmem>>) semaphore(%arg11 : memref<!tpu.dma_semaphore, #tpu.memory_space<semaphore_mem>>)
      %mul3A_113 = arith.constant 128 : i32
      %mul3A_114 = arith.muli %select_n3A, %mul3A_113 : i32
      %add3A_115 = arith.addi %add3A, %mul3A_114 : i32
      %dma_start3A_116 = tpu.memref_slice %arg4[%add3A_115] : memref<327680xi32, #tpu.memory_space<hbm>> -> memref<128xi32, #tpu.memory_space<hbm>>
      %dma_start3A_117 = tpu.memref_slice %arg4[%add3A_115] : memref<327680xi32, #tpu.memory_space<hbm>> -> memref<128xi32, #tpu.memory_space<hbm>>
      tpu.enqueue_dma source(%dma_start3A_117 : memref<128xi32, #tpu.memory_space<hbm>>) target(%arg7 : memref<128xi32, #tpu.memory_space<vmem>>) target_semaphore(%arg13 : memref<!tpu.dma_semaphore, #tpu.memory_space<semaphore_mem>>)
      %dma_wait3A_118 = arith.constant 1 : i32
      %dma_wait3A_119 = arith.constant 0 : i32
      %dma_wait3A_120 = arith.constant 0 : i32
      %dma_wait3A_121 = tpu.memref_slice %arg9[%dma_wait3A_118, %dma_wait3A_119, %dma_wait3A_120] : memref<2x128x128xf32, #tpu.memory_space<vmem>> -> memref<1x128x128xf32, #tpu.memory_space<vmem>>
      %dma_wait3A_122 = tpu.memref_squeeze %dma_wait3A_121 : memref<1x128x128xf32, #tpu.memory_space<vmem>> -> memref<128x128xf32, #tpu.memory_space<vmem>>
      %dma_wait3A_123 = arith.constant 0 : i32
      %dma_wait3A_124 = arith.constant 0 : i32
      %dma_wait3A_125 = tpu.memref_slice %arg2[%dma_wait3A_123, %dma_wait3A_124] : memref<10240x128xf32, #tpu.memory_space<hbm>> -> memref<128x128xf32, #tpu.memory_space<hbm>>
      %dma_wait3A_126 = arith.constant 0 : i32
      %dma_wait3A_127 = arith.constant 0 : i32
      %dma_wait3A_128 = tpu.memref_slice %arg9[%dma_wait3A_118, %dma_wait3A_126, %dma_wait3A_127] : memref<2x128x128xf32, #tpu.memory_space<vmem>> -> memref<1x128x128xf32, #tpu.memory_space<vmem>>
      %dma_wait3A_129 = tpu.memref_squeeze %dma_wait3A_128 : memref<1x128x128xf32, #tpu.memory_space<vmem>> -> memref<128x128xf32, #tpu.memory_space<vmem>>
      %dma_wait3A_130 = arith.constant 0 : i32
      %dma_wait3A_131 = arith.constant 0 : i32
      %dma_wait3A_132 = tpu.memref_slice %arg2[%dma_wait3A_130, %dma_wait3A_131] : memref<10240x128xf32, #tpu.memory_space<hbm>> -> memref<128x128xf32, #tpu.memory_space<hbm>>
      tpu.wait_dma2 semaphore(%arg12 : memref<!tpu.dma_semaphore, #tpu.memory_space<semaphore_mem>>) src(%dma_wait3A_132 : memref<128x128xf32, #tpu.memory_space<hbm>>) dst(%dma_wait3A_129 : memref<128x128xf32, #tpu.memory_space<vmem>>)
      %dma_wait3A_133 = arith.constant 0 : i32
      %dma_wait3A_134 = tpu.memref_slice %arg4[%dma_wait3A_133] : memref<327680xi32, #tpu.memory_space<hbm>> -> memref<128xi32, #tpu.memory_space<hbm>>
      %dma_wait3A_135 = arith.constant 0 : i32
      %dma_wait3A_136 = tpu.memref_slice %arg4[%dma_wait3A_135] : memref<327680xi32, #tpu.memory_space<hbm>> -> memref<128xi32, #tpu.memory_space<hbm>>
      tpu.wait_dma2 semaphore(%arg14 : memref<!tpu.dma_semaphore, #tpu.memory_space<semaphore_mem>>) src(%dma_wait3A_136 : memref<128xi32, #tpu.memory_space<hbm>>) dst(%arg8 : memref<128xi32, #tpu.memory_space<vmem>>)
      %run_scoped3A_137 = arith.constant 1 : i32
      "tpu.region"() ({
        %run_scoped3A_138 = tpu.sem_alloc : memref<!tpu.dma_semaphore, #tpu.memory_space<semaphore_mem>>
        %dma_start3A_139 = arith.constant 0 : i32
        %dma_start3A_140 = arith.constant 0 : i32
        %dma_start3A_141 = tpu.memref_slice %arg9[%run_scoped3A_137, %dma_start3A_139, %dma_start3A_140] : memref<2x128x128xf32, #tpu.memory_space<vmem>> -> memref<1x128x128xf32, #tpu.memory_space<vmem>>
        %dma_start3A_142 = tpu.memref_squeeze %dma_start3A_141 : memref<1x128x128xf32, #tpu.memory_space<vmem>> -> memref<128x128xf32, #tpu.memory_space<vmem>>
        %dma_start3A_143 = arith.constant 0 : i32
        %dma_start3A_144 = arith.constant 0 : i32
        %dma_start3A_145 = tpu.memref_slice %arg10[%dma_start3A_143, %dma_start3A_144] : memref<10240x128xf32, #tpu.memory_space<vmem_shared>> -> memref<10240x128xf32, #tpu.memory_space<vmem_shared>>
        tpu.enqueue_indirect_dma source(%dma_start3A_142 : memref<128x128xf32, #tpu.memory_space<vmem>>) target(%dma_start3A_145 : memref<10240x128xf32, #tpu.memory_space<vmem_shared>>) offsets(%arg8 : memref<128xi32, #tpu.memory_space<vmem>>) semaphore(%run_scoped3A_138 : memref<!tpu.dma_semaphore, #tpu.memory_space<semaphore_mem>>) {add = true}
        %dma_wait3A_146 = arith.constant 0 : i32
        %dma_wait3A_147 = arith.constant 0 : i32
        %dma_wait3A_148 = tpu.memref_slice %arg9[%run_scoped3A_137, %dma_wait3A_146, %dma_wait3A_147] : memref<2x128x128xf32, #tpu.memory_space<vmem>> -> memref<1x128x128xf32, #tpu.memory_space<vmem>>
        %dma_wait3A_149 = tpu.memref_squeeze %dma_wait3A_148 : memref<1x128x128xf32, #tpu.memory_space<vmem>> -> memref<128x128xf32, #tpu.memory_space<vmem>>
        %dma_wait3A_150 = arith.constant 0 : i32
        %dma_wait3A_151 = arith.constant 0 : i32
        %dma_wait3A_152 = tpu.memref_slice %arg10[%dma_wait3A_150, %dma_wait3A_151] : memref<10240x128xf32, #tpu.memory_space<vmem_shared>> -> memref<10240x128xf32, #tpu.memory_space<vmem_shared>>
        tpu.wait_indirect_dma semaphore(%run_scoped3A_138 : memref<!tpu.dma_semaphore, #tpu.memory_space<semaphore_mem>>) src(%dma_wait3A_149 : memref<128x128xf32, #tpu.memory_space<vmem>>) dst(%dma_wait3A_152 : memref<10240x128xf32, #tpu.memory_space<vmem_shared>>)
        tpu.yield
      }) : () -> ()
    }
    %scan3A_31 = arith.constant 40 : i32
    %dma_wait3A = arith.constant 0 : i32
    %dma_wait3A_32 = arith.constant 0 : i32
    %dma_wait3A_33 = arith.constant 0 : i32
    %dma_wait3A_34 = tpu.memref_slice %arg9[%dma_wait3A, %dma_wait3A_32, %dma_wait3A_33] : memref<2x128x128xf32, #tpu.memory_space<vmem>> -> memref<1x128x128xf32, #tpu.memory_space<vmem>>
    %dma_wait3A_35 = tpu.memref_squeeze %dma_wait3A_34 : memref<1x128x128xf32, #tpu.memory_space<vmem>> -> memref<128x128xf32, #tpu.memory_space<vmem>>
    %dma_wait3A_36 = arith.constant 0 : i32
    %dma_wait3A_37 = arith.constant 0 : i32
    %dma_wait3A_38 = tpu.memref_slice %arg2[%dma_wait3A_36, %dma_wait3A_37] : memref<10240x128xf32, #tpu.memory_space<hbm>> -> memref<128x128xf32, #tpu.memory_space<hbm>>
    %dma_wait3A_39 = arith.constant 0 : i32
    %dma_wait3A_40 = arith.constant 0 : i32
    %dma_wait3A_41 = tpu.memref_slice %arg9[%dma_wait3A, %dma_wait3A_39, %dma_wait3A_40] : memref<2x128x128xf32, #tpu.memory_space<vmem>> -> memref<1x128x128xf32, #tpu.memory_space<vmem>>
    %dma_wait3A_42 = tpu.memref_squeeze %dma_wait3A_41 : memref<1x128x128xf32, #tpu.memory_space<vmem>> -> memref<128x128xf32, #tpu.memory_space<vmem>>
    %dma_wait3A_43 = arith.constant 0 : i32
    %dma_wait3A_44 = arith.constant 0 : i32
    %dma_wait3A_45 = tpu.memref_slice %arg2[%dma_wait3A_43, %dma_wait3A_44] : memref<10240x128xf32, #tpu.memory_space<hbm>> -> memref<128x128xf32, #tpu.memory_space<hbm>>
    tpu.wait_dma2 semaphore(%arg11 : memref<!tpu.dma_semaphore, #tpu.memory_space<semaphore_mem>>) src(%dma_wait3A_45 : memref<128x128xf32, #tpu.memory_space<hbm>>) dst(%dma_wait3A_42 : memref<128x128xf32, #tpu.memory_space<vmem>>)
    %dma_wait3A_46 = arith.constant 0 : i32
    %dma_wait3A_47 = tpu.memref_slice %arg4[%dma_wait3A_46] : memref<327680xi32, #tpu.memory_space<hbm>> -> memref<128xi32, #tpu.memory_space<hbm>>
    %dma_wait3A_48 = arith.constant 0 : i32
    %dma_wait3A_49 = tpu.memref_slice %arg4[%dma_wait3A_48] : memref<327680xi32, #tpu.memory_space<hbm>> -> memref<128xi32, #tpu.memory_space<hbm>>
    tpu.wait_dma2 semaphore(%arg13 : memref<!tpu.dma_semaphore, #tpu.memory_space<semaphore_mem>>) src(%dma_wait3A_49 : memref<128xi32, #tpu.memory_space<hbm>>) dst(%arg7 : memref<128xi32, #tpu.memory_space<vmem>>)
    %barrier3A_50 = arith.constant 0 : index
    tpu.barrier barrier_id(%barrier3A_50)
    %scan3A_51 = arith.constant 0 : i32
    %scan3A_52 = arith.constant 0 : i32
    %scan3A_53 = arith.constant 5 : i32
    %scan3A_54 = arith.addi %scan3A_52, %scan3A_53 : i32
    %scan3A_55 = arith.constant 1 : i32
    scf.for %scan3A_57 = %scan3A_52 to %scan3A_54 step %scan3A_55  : i32 {
      %mul3A_58 = arith.constant 640 : i32
      %mul3A_59 = arith.muli %arg1, %mul3A_58 : i32
      %mul3A_60 = arith.constant 128 : i32
      %mul3A_61 = arith.muli %scan3A_57, %mul3A_60 : i32
      %add3A_62 = arith.addi %mul3A_59, %mul3A_61 : i32
      "tpu.region"() ({
        %run_scoped3A = tpu.sem_alloc : memref<!tpu.dma_semaphore, #tpu.memory_space<semaphore_mem>>
        %dma_start3A_63 = arith.constant 0 : i32
        %dma_start3A_64 = arith.constant 0 : i32
        %dma_start3A_65 = tpu.memref_slice %arg9[%scan3A_51, %dma_start3A_63, %dma_start3A_64] : memref<2x128x128xf32, #tpu.memory_space<vmem>> -> memref<1x128x128xf32, #tpu.memory_space<vmem>>
        %dma_start3A_66 = tpu.memref_squeeze %dma_start3A_65 : memref<1x128x128xf32, #tpu.memory_space<vmem>> -> memref<128x128xf32, #tpu.memory_space<vmem>>
        %dma_start3A_67 = arith.constant 0 : i32
        %dma_start3A_68 = tpu.memref_slice %arg10[%add3A_62, %dma_start3A_67] : memref<10240x128xf32, #tpu.memory_space<vmem_shared>> -> memref<128x128xf32, #tpu.memory_space<vmem_shared>>
        %dma_start3A_69 = arith.constant 0 : i32
        %dma_start3A_70 = arith.constant 0 : i32
        %dma_start3A_71 = tpu.memref_slice %arg9[%scan3A_51, %dma_start3A_69, %dma_start3A_70] : memref<2x128x128xf32, #tpu.memory_space<vmem>> -> memref<1x128x128xf32, #tpu.memory_space<vmem>>
        %dma_start3A_72 = tpu.memref_squeeze %dma_start3A_71 : memref<1x128x128xf32, #tpu.memory_space<vmem>> -> memref<128x128xf32, #tpu.memory_space<vmem>>
        %dma_start3A_73 = arith.constant 0 : i32
        %dma_start3A_74 = tpu.memref_slice %arg10[%add3A_62, %dma_start3A_73] : memref<10240x128xf32, #tpu.memory_space<vmem_shared>> -> memref<128x128xf32, #tpu.memory_space<vmem_shared>>
        tpu.enqueue_dma source(%dma_start3A_74 : memref<128x128xf32, #tpu.memory_space<vmem_shared>>) target(%dma_start3A_72 : memref<128x128xf32, #tpu.memory_space<vmem>>) target_semaphore(%run_scoped3A : memref<!tpu.dma_semaphore, #tpu.memory_space<semaphore_mem>>)
        %dma_wait3A_75 = arith.constant 0 : i32
        %dma_wait3A_76 = arith.constant 0 : i32
        %dma_wait3A_77 = tpu.memref_slice %arg9[%scan3A_51, %dma_wait3A_75, %dma_wait3A_76] : memref<2x128x128xf32, #tpu.memory_space<vmem>> -> memref<1x128x128xf32, #tpu.memory_space<vmem>>
        %dma_wait3A_78 = tpu.memref_squeeze %dma_wait3A_77 : memref<1x128x128xf32, #tpu.memory_space<vmem>> -> memref<128x128xf32, #tpu.memory_space<vmem>>
        %dma_wait3A_79 = arith.constant 0 : i32
        %dma_wait3A_80 = tpu.memref_slice %arg10[%add3A_62, %dma_wait3A_79] : memref<10240x128xf32, #tpu.memory_space<vmem_shared>> -> memref<128x128xf32, #tpu.memory_space<vmem_shared>>
        %dma_wait3A_81 = arith.constant 0 : i32
        %dma_wait3A_82 = arith.constant 0 : i32
        %dma_wait3A_83 = tpu.memref_slice %arg9[%scan3A_51, %dma_wait3A_81, %dma_wait3A_82] : memref<2x128x128xf32, #tpu.memory_space<vmem>> -> memref<1x128x128xf32, #tpu.memory_space<vmem>>
        %dma_wait3A_84 = tpu.memref_squeeze %dma_wait3A_83 : memref<1x128x128xf32, #tpu.memory_space<vmem>> -> memref<128x128xf32, #tpu.memory_space<vmem>>
        %dma_wait3A_85 = arith.constant 0 : i32
        %dma_wait3A_86 = tpu.memref_slice %arg10[%add3A_62, %dma_wait3A_85] : memref<10240x128xf32, #tpu.memory_space<vmem_shared>> -> memref<128x128xf32, #tpu.memory_space<vmem_shared>>
        tpu.wait_dma2 semaphore(%run_scoped3A : memref<!tpu.dma_semaphore, #tpu.memory_space<semaphore_mem>>) src(%dma_wait3A_86 : memref<128x128xf32, #tpu.memory_space<vmem_shared>>) dst(%dma_wait3A_84 : memref<128x128xf32, #tpu.memory_space<vmem>>)
        tpu.yield
      }) : () -> ()
      "tpu.region"() ({
        %run_scoped3A = tpu.sem_alloc : memref<!tpu.dma_semaphore, #tpu.memory_space<semaphore_mem>>
        %dma_start3A_63 = arith.constant 0 : i32
        %dma_start3A_64 = arith.constant 0 : i32
        %dma_start3A_65 = tpu.memref_slice %arg9[%scan3A_51, %dma_start3A_63, %dma_start3A_64] : memref<2x128x128xf32, #tpu.memory_space<vmem>> -> memref<1x128x128xf32, #tpu.memory_space<vmem>>
        %dma_start3A_66 = tpu.memref_squeeze %dma_start3A_65 : memref<1x128x128xf32, #tpu.memory_space<vmem>> -> memref<128x128xf32, #tpu.memory_space<vmem>>
        %dma_start3A_67 = arith.constant 0 : i32
        %dma_start3A_68 = tpu.memref_slice %arg5[%arg0, %add3A_62, %dma_start3A_67] : memref<2x10240x128xf32, #tpu.memory_space<hbm>> -> memref<1x128x128xf32, #tpu.memory_space<hbm>>
        %dma_start3A_69 = tpu.memref_squeeze %dma_start3A_68 : memref<1x128x128xf32, #tpu.memory_space<hbm>> -> memref<128x128xf32, #tpu.memory_space<hbm>>
        %dma_start3A_70 = arith.constant 0 : i32
        %dma_start3A_71 = tpu.memref_slice %arg5[%arg0, %add3A_62, %dma_start3A_70] : memref<2x10240x128xf32, #tpu.memory_space<hbm>> -> memref<1x128x128xf32, #tpu.memory_space<hbm>>
        %dma_start3A_72 = tpu.memref_squeeze %dma_start3A_71 : memref<1x128x128xf32, #tpu.memory_space<hbm>> -> memref<128x128xf32, #tpu.memory_space<hbm>>
        %dma_start3A_73 = arith.constant 0 : i32
        %dma_start3A_74 = arith.constant 0 : i32
        %dma_start3A_75 = tpu.memref_slice %arg9[%scan3A_51, %dma_start3A_73, %dma_start3A_74] : memref<2x128x128xf32, #tpu.memory_space<vmem>> -> memref<1x128x128xf32, #tpu.memory_space<vmem>>
        %dma_start3A_76 = tpu.memref_squeeze %dma_start3A_75 : memref<1x128x128xf32, #tpu.memory_space<vmem>> -> memref<128x128xf32, #tpu.memory_space<vmem>>
        tpu.enqueue_dma source(%dma_start3A_76 : memref<128x128xf32, #tpu.memory_space<vmem>>) target(%dma_start3A_72 : memref<128x128xf32, #tpu.memory_space<hbm>>) target_semaphore(%run_scoped3A : memref<!tpu.dma_semaphore, #tpu.memory_space<semaphore_mem>>)
        %dma_wait3A_77 = arith.constant 0 : i32
        %dma_wait3A_78 = arith.constant 0 : i32
        %dma_wait3A_79 = tpu.memref_slice %arg9[%scan3A_51, %dma_wait3A_77, %dma_wait3A_78] : memref<2x128x128xf32, #tpu.memory_space<vmem>> -> memref<1x128x128xf32, #tpu.memory_space<vmem>>
        %dma_wait3A_80 = tpu.memref_squeeze %dma_wait3A_79 : memref<1x128x128xf32, #tpu.memory_space<vmem>> -> memref<128x128xf32, #tpu.memory_space<vmem>>
        %dma_wait3A_81 = arith.constant 0 : i32
        %dma_wait3A_82 = tpu.memref_slice %arg5[%arg0, %add3A_62, %dma_wait3A_81] : memref<2x10240x128xf32, #tpu.memory_space<hbm>> -> memref<1x128x128xf32, #tpu.memory_space<hbm>>
        %dma_wait3A_83 = tpu.memref_squeeze %dma_wait3A_82 : memref<1x128x128xf32, #tpu.memory_space<hbm>> -> memref<128x128xf32, #tpu.memory_space<hbm>>
        %dma_wait3A_84 = arith.constant 0 : i32
        %dma_wait3A_85 = tpu.memref_slice %arg5[%arg0, %add3A_62, %dma_wait3A_84] : memref<2x10240x128xf32, #tpu.memory_space<hbm>> -> memref<1x128x128xf32, #tpu.memory_space<hbm>>
        %dma_wait3A_86 = tpu.memref_squeeze %dma_wait3A_85 : memref<1x128x128xf32, #tpu.memory_space<hbm>> -> memref<128x128xf32, #tpu.memory_space<hbm>>
        %dma_wait3A_87 = arith.constant 0 : i32
        %dma_wait3A_88 = arith.constant 0 : i32
        %dma_wait3A_89 = tpu.memref_slice %arg9[%scan3A_51, %dma_wait3A_87, %dma_wait3A_88] : memref<2x128x128xf32, #tpu.memory_space<vmem>> -> memref<1x128x128xf32, #tpu.memory_space<vmem>>
        %dma_wait3A_90 = tpu.memref_squeeze %dma_wait3A_89 : memref<1x128x128xf32, #tpu.memory_space<vmem>> -> memref<128x128xf32, #tpu.memory_space<vmem>>
        tpu.wait_dma2 semaphore(%run_scoped3A : memref<!tpu.dma_semaphore, #tpu.memory_space<semaphore_mem>>) src(%dma_wait3A_90 : memref<128x128xf32, #tpu.memory_space<vmem>>) dst(%dma_wait3A_86 : memref<128x128xf32, #tpu.memory_space<hbm>>)
        tpu.yield
      }) : () -> ()
    }
    %scan3A_56 = arith.constant 5 : i32
    return
  }
}

#map = affine_map<(d0, d1) -> (0, 0)>
#map1 = affine_map<(d0, d1) -> (0)>
#map2 = affine_map<(d0, d1) -> (0, 0, 0)>
module attributes {stable_mosaic.version = 14 : i64} {
  func.func @_sc_scatter(%arg0: i32, %arg1: i32, %arg2: memref<10240x128xf32, #tpu.memory_space<hbm>>, %arg3: memref<327680xi32, #tpu.memory_space<hbm>>, %arg4: memref<327680xi32, #tpu.memory_space<hbm>>, %arg5: memref<2x10240x128xf32, #tpu.memory_space<hbm>>, %arg6: memref<10240xi32, #tpu.memory_space<vmem>>, %arg7: memref<128xi32, #tpu.memory_space<vmem>>, %arg8: memref<128xi32, #tpu.memory_space<vmem>>, %arg9: memref<2x128x128xf32, #tpu.memory_space<vmem>>, %arg10: memref<10240x128xf32, #tpu.memory_space<vmem_shared>>, %arg11: memref<!tpu.dma_semaphore, #tpu.memory_space<semaphore_mem>>, %arg12: memref<!tpu.dma_semaphore, #tpu.memory_space<semaphore_mem>>, %arg13: memref<!tpu.dma_semaphore, #tpu.memory_space<semaphore_mem>>, %arg14: memref<!tpu.dma_semaphore, #tpu.memory_space<semaphore_mem>>) attributes {dimension_semantics = [#tpu.dimension_semantics<core_parallel>, #tpu.dimension_semantics<subcore_parallel>], iteration_bounds = array<i64: 2, 16>, scalar_prefetch = 0 : i64, scratch_operands = 9 : i64, tpu.core_type = #tpu.core_type<sc_vector_subcore>, window_params = [{transform_indices = #map}, {transform_indices = #map1}, {transform_indices = #map1}, {transform_indices = #map2}]} {
    %mul3A = arith.constant 163840 : i32
    %mul3A_0 = arith.muli %arg0, %mul3A : i32
    %mul3A_1 = arith.constant 10240 : i32
    %mul3A_2 = arith.muli %arg1, %mul3A_1 : i32
    %add3A = arith.addi %mul3A_0, %mul3A_2 : i32
    "tpu.region"() ({
      %run_scoped3A = tpu.sem_alloc : memref<!tpu.dma_semaphore, #tpu.memory_space<semaphore_mem>>
      %dma_start3A_57 = tpu.memref_slice %arg3[%add3A] : memref<327680xi32, #tpu.memory_space<hbm>> -> memref<10240xi32, #tpu.memory_space<hbm>>
      %dma_start3A_58 = tpu.memref_slice %arg3[%add3A] : memref<327680xi32, #tpu.memory_space<hbm>> -> memref<10240xi32, #tpu.memory_space<hbm>>
      tpu.enqueue_dma source(%dma_start3A_58 : memref<10240xi32, #tpu.memory_space<hbm>>) target(%arg6 : memref<10240xi32, #tpu.memory_space<vmem>>) target_semaphore(%run_scoped3A : memref<!tpu.dma_semaphore, #tpu.memory_space<semaphore_mem>>)
      %dma_wait3A_59 = tpu.memref_slice %arg3[%add3A] : memref<327680xi32, #tpu.memory_space<hbm>> -> memref<10240xi32, #tpu.memory_space<hbm>>
      %dma_wait3A_60 = tpu.memref_slice %arg3[%add3A] : memref<327680xi32, #tpu.memory_space<hbm>> -> memref<10240xi32, #tpu.memory_space<hbm>>
      tpu.wait_dma2 semaphore(%run_scoped3A : memref<!tpu.dma_semaphore, #tpu.memory_space<semaphore_mem>>) src(%dma_wait3A_60 : memref<10240xi32, #tpu.memory_space<hbm>>) dst(%arg6 : memref<10240xi32, #tpu.memory_space<vmem>>)
      tpu.yield
    }) : () -> ()
    %scan3A = arith.constant 0 : i32
    %scan3A_3 = arith.constant 0 : i32
    %scan3A_4 = arith.constant 128 : i32
    %scan3A_5 = arith.addi %scan3A_3, %scan3A_4 : i32
    %scan3A_6 = arith.constant 1 : i32
    scf.for %scan3A_57 = %scan3A_3 to %scan3A_5 step %scan3A_6  : i32 {
      %broadcast_in_dim3A = arith.constant 0.000000e+00 : f32
      %broadcast_in_dim3A_58 = vector.broadcast %broadcast_in_dim3A : f32 to vector<16xf32>
      %swap3A = arith.constant 0 : i32
      %swap3A_59 = arith.constant 0 : i32
      %swap3A_60 = tpu.memref_slice %arg9[%scan3A, %swap3A, %swap3A_59] : memref<2x128x128xf32, #tpu.memory_space<vmem>> -> memref<1x128x128xf32, #tpu.memory_space<vmem>>
      %swap3A_61 = tpu.memref_squeeze %swap3A_60 : memref<1x128x128xf32, #tpu.memory_space<vmem>> -> memref<128x128xf32, #tpu.memory_space<vmem>>
      %swap3A_62 = arith.index_cast %scan3A_57 : i32 to index
      %swap3A_63 = arith.constant 0 : index
      %swap3A_64 = tpu.vector_load %swap3A_61[%swap3A_62, %swap3A_63] {strides = array<i32>} : memref<128x128xf32, #tpu.memory_space<vmem>>, vector<1x16xf32>,
      %swap3A_65 = vector.shape_cast %swap3A_64 : vector<1x16xf32> to vector<16xf32>
      %swap3A_66 = vector.shape_cast %broadcast_in_dim3A_58 : vector<16xf32> to vector<1x16xf32>
      tpu.vector_store %swap3A_61[%swap3A_62, %swap3A_63], %swap3A_66 {strides = array<i32>} : memref<128x128xf32, #tpu.memory_space<vmem>>, vector<1x16xf32>,
      %broadcast_in_dim3A_67 = arith.constant 0.000000e+00 : f32
      %broadcast_in_dim3A_68 = vector.broadcast %broadcast_in_dim3A_67 : f32 to vector<16xf32>
      %swap3A_69 = arith.constant 0 : i32
      %swap3A_70 = arith.constant 0 : i32
      %swap3A_71 = tpu.memref_slice %arg9[%scan3A, %swap3A_69, %swap3A_70] : memref<2x128x128xf32, #tpu.memory_space<vmem>> -> memref<1x128x128xf32, #tpu.memory_space<vmem>>
      %swap3A_72 = tpu.memref_squeeze %swap3A_71 : memref<1x128x128xf32, #tpu.memory_space<vmem>> -> memref<128x128xf32, #tpu.memory_space<vmem>>
      %swap3A_73 = arith.index_cast %scan3A_57 : i32 to index
      %swap3A_74 = arith.constant 16 : index
      %swap3A_75 = tpu.vector_load %swap3A_72[%swap3A_73, %swap3A_74] {strides = array<i32>} : memref<128x128xf32, #tpu.memory_space<vmem>>, vector<1x16xf32>,
      %swap3A_76 = vector.shape_cast %swap3A_75 : vector<1x16xf32> to vector<16xf32>
      %swap3A_77 = vector.shape_cast %broadcast_in_dim3A_68 : vector<16xf32> to vector<1x16xf32>
      tpu.vector_store %swap3A_72[%swap3A_73, %swap3A_74], %swap3A_77 {strides = array<i32>} : memref<128x128xf32, #tpu.memory_space<vmem>>, vector<1x16xf32>,
      %broadcast_in_dim3A_78 = arith.constant 0.000000e+00 : f32
      %broadcast_in_dim3A_79 = vector.broadcast %broadcast_in_dim3A_78 : f32 to vector<16xf32>
      %swap3A_80 = arith.constant 0 : i32
      %swap3A_81 = arith.constant 0 : i32
      %swap3A_82 = tpu.memref_slice %arg9[%scan3A, %swap3A_80, %swap3A_81] : memref<2x128x128xf32, #tpu.memory_space<vmem>> -> memref<1x128x128xf32, #tpu.memory_space<vmem>>
      %swap3A_83 = tpu.memref_squeeze %swap3A_82 : memref<1x128x128xf32, #tpu.memory_space<vmem>> -> memref<128x128xf32, #tpu.memory_space<vmem>>
      %swap3A_84 = arith.index_cast %scan3A_57 : i32 to index
      %swap3A_85 = arith.constant 32 : index
      %swap3A_86 = tpu.vector_load %swap3A_83[%swap3A_84, %swap3A_85] {strides = array<i32>} : memref<128x128xf32, #tpu.memory_space<vmem>>, vector<1x16xf32>,
      %swap3A_87 = vector.shape_cast %swap3A_86 : vector<1x16xf32> to vector<16xf32>
      %swap3A_88 = vector.shape_cast %broadcast_in_dim3A_79 : vector<16xf32> to vector<1x16xf32>
      tpu.vector_store %swap3A_83[%swap3A_84, %swap3A_85], %swap3A_88 {strides = array<i32>} : memref<128x128xf32, #tpu.memory_space<vmem>>, vector<1x16xf32>,
      %broadcast_in_dim3A_89 = arith.constant 0.000000e+00 : f32
      %broadcast_in_dim3A_90 = vector.broadcast %broadcast_in_dim3A_89 : f32 to vector<16xf32>
      %swap3A_91 = arith.constant 0 : i32
      %swap3A_92 = arith.constant 0 : i32
      %swap3A_93 = tpu.memref_slice %arg9[%scan3A, %swap3A_91, %swap3A_92] : memref<2x128x128xf32, #tpu.memory_space<vmem>> -> memref<1x128x128xf32, #tpu.memory_space<vmem>>
      %swap3A_94 = tpu.memref_squeeze %swap3A_93 : memref<1x128x128xf32, #tpu.memory_space<vmem>> -> memref<128x128xf32, #tpu.memory_space<vmem>>
      %swap3A_95 = arith.index_cast %scan3A_57 : i32 to index
      %swap3A_96 = arith.constant 48 : index
      %swap3A_97 = tpu.vector_load %swap3A_94[%swap3A_95, %swap3A_96] {strides = array<i32>} : memref<128x128xf32, #tpu.memory_space<vmem>>, vector<1x16xf32>,
      %swap3A_98 = vector.shape_cast %swap3A_97 : vector<1x16xf32> to vector<16xf32>
      %swap3A_99 = vector.shape_cast %broadcast_in_dim3A_90 : vector<16xf32> to vector<1x16xf32>
      tpu.vector_store %swap3A_94[%swap3A_95, %swap3A_96], %swap3A_99 {strides = array<i32>} : memref<128x128xf32, #tpu.memory_space<vmem>>, vector<1x16xf32>,
      %broadcast_in_dim3A_100 = arith.constant 0.000000e+00 : f32
      %broadcast_in_dim3A_101 = vector.broadcast %broadcast_in_dim3A_100 : f32 to vector<16xf32>
      %swap3A_102 = arith.constant 0 : i32
      %swap3A_103 = arith.constant 0 : i32
      %swap3A_104 = tpu.memref_slice %arg9[%scan3A, %swap3A_102, %swap3A_103] : memref<2x128x128xf32, #tpu.memory_space<vmem>> -> memref<1x128x128xf32, #tpu.memory_space<vmem>>
      %swap3A_105 = tpu.memref_squeeze %swap3A_104 : memref<1x128x128xf32, #tpu.memory_space<vmem>> -> memref<128x128xf32, #tpu.memory_space<vmem>>
      %swap3A_106 = arith.index_cast %scan3A_57 : i32 to index
      %swap3A_107 = arith.constant 64 : index
      %swap3A_108 = tpu.vector_load %swap3A_105[%swap3A_106, %swap3A_107] {strides = array<i32>} : memref<128x128xf32, #tpu.memory_space<vmem>>, vector<1x16xf32>,
      %swap3A_109 = vector.shape_cast %swap3A_108 : vector<1x16xf32> to vector<16xf32>
      %swap3A_110 = vector.shape_cast %broadcast_in_dim3A_101 : vector<16xf32> to vector<1x16xf32>
      tpu.vector_store %swap3A_105[%swap3A_106, %swap3A_107], %swap3A_110 {strides = array<i32>} : memref<128x128xf32, #tpu.memory_space<vmem>>, vector<1x16xf32>,
      %broadcast_in_dim3A_111 = arith.constant 0.000000e+00 : f32
      %broadcast_in_dim3A_112 = vector.broadcast %broadcast_in_dim3A_111 : f32 to vector<16xf32>
      %swap3A_113 = arith.constant 0 : i32
      %swap3A_114 = arith.constant 0 : i32
      %swap3A_115 = tpu.memref_slice %arg9[%scan3A, %swap3A_113, %swap3A_114] : memref<2x128x128xf32, #tpu.memory_space<vmem>> -> memref<1x128x128xf32, #tpu.memory_space<vmem>>
      %swap3A_116 = tpu.memref_squeeze %swap3A_115 : memref<1x128x128xf32, #tpu.memory_space<vmem>> -> memref<128x128xf32, #tpu.memory_space<vmem>>
      %swap3A_117 = arith.index_cast %scan3A_57 : i32 to index
      %swap3A_118 = arith.constant 80 : index
      %swap3A_119 = tpu.vector_load %swap3A_116[%swap3A_117, %swap3A_118] {strides = array<i32>} : memref<128x128xf32, #tpu.memory_space<vmem>>, vector<1x16xf32>,
      %swap3A_120 = vector.shape_cast %swap3A_119 : vector<1x16xf32> to vector<16xf32>
      %swap3A_121 = vector.shape_cast %broadcast_in_dim3A_112 : vector<16xf32> to vector<1x16xf32>
      tpu.vector_store %swap3A_116[%swap3A_117, %swap3A_118], %swap3A_121 {strides = array<i32>} : memref<128x128xf32, #tpu.memory_space<vmem>>, vector<1x16xf32>,
      %broadcast_in_dim3A_122 = arith.constant 0.000000e+00 : f32
      %broadcast_in_dim3A_123 = vector.broadcast %broadcast_in_dim3A_122 : f32 to vector<16xf32>
      %swap3A_124 = arith.constant 0 : i32
      %swap3A_125 = arith.constant 0 : i32
      %swap3A_126 = tpu.memref_slice %arg9[%scan3A, %swap3A_124, %swap3A_125] : memref<2x128x128xf32, #tpu.memory_space<vmem>> -> memref<1x128x128xf32, #tpu.memory_space<vmem>>
      %swap3A_127 = tpu.memref_squeeze %swap3A_126 : memref<1x128x128xf32, #tpu.memory_space<vmem>> -> memref<128x128xf32, #tpu.memory_space<vmem>>
      %swap3A_128 = arith.index_cast %scan3A_57 : i32 to index
      %swap3A_129 = arith.constant 96 : index
      %swap3A_130 = tpu.vector_load %swap3A_127[%swap3A_128, %swap3A_129] {strides = array<i32>} : memref<128x128xf32, #tpu.memory_space<vmem>>, vector<1x16xf32>,
      %swap3A_131 = vector.shape_cast %swap3A_130 : vector<1x16xf32> to vector<16xf32>
      %swap3A_132 = vector.shape_cast %broadcast_in_dim3A_123 : vector<16xf32> to vector<1x16xf32>
      tpu.vector_store %swap3A_127[%swap3A_128, %swap3A_129], %swap3A_132 {strides = array<i32>} : memref<128x128xf32, #tpu.memory_space<vmem>>, vector<1x16xf32>,
      %broadcast_in_dim3A_133 = arith.constant 0.000000e+00 : f32
      %broadcast_in_dim3A_134 = vector.broadcast %broadcast_in_dim3A_133 : f32 to vector<16xf32>
      %swap3A_135 = arith.constant 0 : i32
      %swap3A_136 = arith.constant 0 : i32
      %swap3A_137 = tpu.memref_slice %arg9[%scan3A, %swap3A_135, %swap3A_136] : memref<2x128x128xf32, #tpu.memory_space<vmem>> -> memref<1x128x128xf32, #tpu.memory_space<vmem>>
      %swap3A_138 = tpu.memref_squeeze %swap3A_137 : memref<1x128x128xf32, #tpu.memory_space<vmem>> -> memref<128x128xf32, #tpu.memory_space<vmem>>
      %swap3A_139 = arith.index_cast %scan3A_57 : i32 to index
      %swap3A_140 = arith.constant 112 : index
      %swap3A_141 = tpu.vector_load %swap3A_138[%swap3A_139, %swap3A_140] {strides = array<i32>} : memref<128x128xf32, #tpu.memory_space<vmem>>, vector<1x16xf32>,
      %swap3A_142 = vector.shape_cast %swap3A_141 : vector<1x16xf32> to vector<16xf32>
      %swap3A_143 = vector.shape_cast %broadcast_in_dim3A_134 : vector<16xf32> to vector<1x16xf32>
      tpu.vector_store %swap3A_138[%swap3A_139, %swap3A_140], %swap3A_143 {strides = array<i32>} : memref<128x128xf32, #tpu.memory_space<vmem>>, vector<1x16xf32>,
    }
    %scan3A_7 = arith.constant 128 : i32
    %scan3A_8 = arith.constant 0 : i32
    %scan3A_9 = arith.constant 0 : i32
    %scan3A_10 = arith.constant 5 : i32
    %scan3A_11 = arith.addi %scan3A_9, %scan3A_10 : i32
    %scan3A_12 = arith.constant 1 : i32
    scf.for %scan3A_57 = %scan3A_9 to %scan3A_11 step %scan3A_12  : i32 {
      %mul3A_58 = arith.constant 640 : i32
      %mul3A_59 = arith.muli %arg1, %mul3A_58 : i32
      %mul3A_60 = arith.constant 128 : i32
      %mul3A_61 = arith.muli %scan3A_57, %mul3A_60 : i32
      %add3A_62 = arith.addi %mul3A_59, %mul3A_61 : i32
      "tpu.region"() ({
        %run_scoped3A = tpu.sem_alloc : memref<!tpu.dma_semaphore, #tpu.memory_space<semaphore_mem>>
        %dma_start3A_63 = arith.constant 0 : i32
        %dma_start3A_64 = arith.constant 0 : i32
        %dma_start3A_65 = tpu.memref_slice %arg9[%scan3A_8, %dma_start3A_63, %dma_start3A_64] : memref<2x128x128xf32, #tpu.memory_space<vmem>> -> memref<1x128x128xf32, #tpu.memory_space<vmem>>
        %dma_start3A_66 = tpu.memref_squeeze %dma_start3A_65 : memref<1x128x128xf32, #tpu.memory_space<vmem>> -> memref<128x128xf32, #tpu.memory_space<vmem>>
        %dma_start3A_67 = arith.constant 0 : i32
        %dma_start3A_68 = tpu.memref_slice %arg10[%add3A_62, %dma_start3A_67] : memref<10240x128xf32, #tpu.memory_space<vmem_shared>> -> memref<128x128xf32, #tpu.memory_space<vmem_shared>>
        %dma_start3A_69 = arith.constant 0 : i32
        %dma_start3A_70 = tpu.memref_slice %arg10[%add3A_62, %dma_start3A_69] : memref<10240x128xf32, #tpu.memory_space<vmem_shared>> -> memref<128x128xf32, #tpu.memory_space<vmem_shared>>
        %dma_start3A_71 = arith.constant 0 : i32
        %dma_start3A_72 = arith.constant 0 : i32
        %dma_start3A_73 = tpu.memref_slice %arg9[%scan3A_8, %dma_start3A_71, %dma_start3A_72] : memref<2x128x128xf32, #tpu.memory_space<vmem>> -> memref<1x128x128xf32, #tpu.memory_space<vmem>>
        %dma_start3A_74 = tpu.memref_squeeze %dma_start3A_73 : memref<1x128x128xf32, #tpu.memory_space<vmem>> -> memref<128x128xf32, #tpu.memory_space<vmem>>
        tpu.enqueue_dma source(%dma_start3A_74 : memref<128x128xf32, #tpu.memory_space<vmem>>) target(%dma_start3A_70 : memref<128x128xf32, #tpu.memory_space<vmem_shared>>) target_semaphore(%run_scoped3A : memref<!tpu.dma_semaphore, #tpu.memory_space<semaphore_mem>>)
        %dma_wait3A_75 = arith.constant 0 : i32
        %dma_wait3A_76 = arith.constant 0 : i32
        %dma_wait3A_77 = tpu.memref_slice %arg9[%scan3A_8, %dma_wait3A_75, %dma_wait3A_76] : memref<2x128x128xf32, #tpu.memory_space<vmem>> -> memref<1x128x128xf32, #tpu.memory_space<vmem>>
        %dma_wait3A_78 = tpu.memref_squeeze %dma_wait3A_77 : memref<1x128x128xf32, #tpu.memory_space<vmem>> -> memref<128x128xf32, #tpu.memory_space<vmem>>
        %dma_wait3A_79 = arith.constant 0 : i32
        %dma_wait3A_80 = tpu.memref_slice %arg10[%add3A_62, %dma_wait3A_79] : memref<10240x128xf32, #tpu.memory_space<vmem_shared>> -> memref<128x128xf32, #tpu.memory_space<vmem_shared>>
        %dma_wait3A_81 = arith.constant 0 : i32
        %dma_wait3A_82 = tpu.memref_slice %arg10[%add3A_62, %dma_wait3A_81] : memref<10240x128xf32, #tpu.memory_space<vmem_shared>> -> memref<128x128xf32, #tpu.memory_space<vmem_shared>>
        %dma_wait3A_83 = arith.constant 0 : i32
        %dma_wait3A_84 = arith.constant 0 : i32
        %dma_wait3A_85 = tpu.memref_slice %arg9[%scan3A_8, %dma_wait3A_83, %dma_wait3A_84] : memref<2x128x128xf32, #tpu.memory_space<vmem>> -> memref<1x128x128xf32, #tpu.memory_space<vmem>>
        %dma_wait3A_86 = tpu.memref_squeeze %dma_wait3A_85 : memref<1x128x128xf32, #tpu.memory_space<vmem>> -> memref<128x128xf32, #tpu.memory_space<vmem>>
        tpu.wait_dma2 semaphore(%run_scoped3A : memref<!tpu.dma_semaphore, #tpu.memory_space<semaphore_mem>>) src(%dma_wait3A_86 : memref<128x128xf32, #tpu.memory_space<vmem>>) dst(%dma_wait3A_82 : memref<128x128xf32, #tpu.memory_space<vmem_shared>>)
        tpu.yield
      }) : () -> ()
    }
    %scan3A_13 = arith.constant 5 : i32
    %barrier3A = arith.constant 0 : index
    tpu.barrier barrier_id(%barrier3A)
    %dma_start3A = arith.constant 0 : i32
    %dma_start3A_14 = arith.constant 0 : i32
    %dma_start3A_15 = arith.constant 0 : i32
    %dma_start3A_16 = tpu.memref_slice %arg9[%dma_start3A, %dma_start3A_14, %dma_start3A_15] : memref<2x128x128xf32, #tpu.memory_space<vmem>> -> memref<1x128x128xf32, #tpu.memory_space<vmem>>
    %dma_start3A_17 = tpu.memref_squeeze %dma_start3A_16 : memref<1x128x128xf32, #tpu.memory_space<vmem>> -> memref<128x128xf32, #tpu.memory_space<vmem>>
    %dma_start3A_18 = arith.constant 0 : i32
    %dma_start3A_19 = tpu.memref_slice %arg6[%dma_start3A_18] : memref<10240xi32, #tpu.memory_space<vmem>> -> memref<128xi32, #tpu.memory_space<vmem>>
    %dma_start3A_20 = arith.constant 0 : i32
    %dma_start3A_21 = arith.constant 0 : i32
    %dma_start3A_22 = tpu.memref_slice %arg2[%dma_start3A_20, %dma_start3A_21] : memref<10240x128xf32, #tpu.memory_space<hbm>> -> memref<10240x128xf32, #tpu.memory_space<hbm>>
    tpu.enqueue_indirect_dma source(%dma_start3A_22 : memref<10240x128xf32, #tpu.memory_space<hbm>>) target(%dma_start3A_17 : memref<128x128xf32, #tpu.memory_space<vmem>>) offsets(%dma_start3A_19 : memref<128xi32, #tpu.memory_space<vmem>>) semaphore(%arg11 : memref<!tpu.dma_semaphore, #tpu.memory_space<semaphore_mem>>)
    %add3A_23 = arith.constant 0 : i32
    %add3A_24 = arith.addi %add3A, %add3A_23 : i32
    %dma_start3A_25 = tpu.memref_slice %arg4[%add3A_24] : memref<327680xi32, #tpu.memory_space<hbm>> -> memref<128xi32, #tpu.memory_space<hbm>>
    %dma_start3A_26 = tpu.memref_slice %arg4[%add3A_24] : memref<327680xi32, #tpu.memory_space<hbm>> -> memref<128xi32, #tpu.memory_space<hbm>>
    tpu.enqueue_dma source(%dma_start3A_26 : memref<128xi32, #tpu.memory_space<hbm>>) target(%arg7 : memref<128xi32, #tpu.memory_space<vmem>>) target_semaphore(%arg13 : memref<!tpu.dma_semaphore, #tpu.memory_space<semaphore_mem>>)
    %scan3A_27 = arith.constant 0 : i32
    %scan3A_28 = arith.constant 40 : i32
    %scan3A_29 = arith.addi %scan3A_27, %scan3A_28 : i32
    %scan3A_30 = arith.constant 1 : i32
    scf.for %scan3A_57 = %scan3A_27 to %scan3A_29 step %scan3A_30  : i32 {
      %mul3A_58 = arith.constant 2 : i32
      %mul3A_59 = arith.muli %mul3A_58, %scan3A_57 : i32
      %add3A_60 = arith.constant 1 : i32
      %add3A_61 = arith.addi %mul3A_59, %add3A_60 : i32
      %mul3A_62 = arith.constant 128 : i32
      %mul3A_63 = arith.muli %add3A_61, %mul3A_62 : i32
      %dma_start3A_64 = arith.constant 1 : i32
      %dma_start3A_65 = arith.constant 0 : i32
      %dma_start3A_66 = arith.constant 0 : i32
      %dma_start3A_67 = tpu.memref_slice %arg9[%dma_start3A_64, %dma_start3A_65, %dma_start3A_66] : memref<2x128x128xf32, #tpu.memory_space<vmem>> -> memref<1x128x128xf32, #tpu.memory_space<vmem>>
      %dma_start3A_68 = tpu.memref_squeeze %dma_start3A_67 : memref<1x128x128xf32, #tpu.memory_space<vmem>> -> memref<128x128xf32, #tpu.memory_space<vmem>>
      %dma_start3A_69 = tpu.memref_slice %arg6[%mul3A_63] : memref<10240xi32, #tpu.memory_space<vmem>> -> memref<128xi32, #tpu.memory_space<vmem>>
      %dma_start3A_70 = arith.constant 0 : i32
      %dma_start3A_71 = arith.constant 0 : i32
      %dma_start3A_72 = tpu.memref_slice %arg2[%dma_start3A_70, %dma_start3A_71] : memref<10240x128xf32, #tpu.memory_space<hbm>> -> memref<10240x128xf32, #tpu.memory_space<hbm>>
      tpu.enqueue_indirect_dma source(%dma_start3A_72 : memref<10240x128xf32, #tpu.memory_space<hbm>>) target(%dma_start3A_68 : memref<128x128xf32, #tpu.memory_space<vmem>>) offsets(%dma_start3A_69 : memref<128xi32, #tpu.memory_space<vmem>>) semaphore(%arg12 : memref<!tpu.dma_semaphore, #tpu.memory_space<semaphore_mem>>)
      %add3A_73 = arith.constant 1 : i32
      %add3A_74 = arith.addi %mul3A_59, %add3A_73 : i32
      %mul3A_75 = arith.constant 128 : i32
      %mul3A_76 = arith.muli %add3A_74, %mul3A_75 : i32
      %add3A_77 = arith.addi %add3A, %mul3A_76 : i32
      %dma_start3A_78 = tpu.memref_slice %arg4[%add3A_77] : memref<327680xi32, #tpu.memory_space<hbm>> -> memref<128xi32, #tpu.memory_space<hbm>>
      %dma_start3A_79 = tpu.memref_slice %arg4[%add3A_77] : memref<327680xi32, #tpu.memory_space<hbm>> -> memref<128xi32, #tpu.memory_space<hbm>>
      tpu.enqueue_dma source(%dma_start3A_79 : memref<128xi32, #tpu.memory_space<hbm>>) target(%arg8 : memref<128xi32, #tpu.memory_space<vmem>>) target_semaphore(%arg14 : memref<!tpu.dma_semaphore, #tpu.memory_space<semaphore_mem>>)
      %dma_wait3A_80 = arith.constant 0 : i32
      %dma_wait3A_81 = arith.constant 0 : i32
      %dma_wait3A_82 = arith.constant 0 : i32
      %dma_wait3A_83 = tpu.memref_slice %arg9[%dma_wait3A_80, %dma_wait3A_81, %dma_wait3A_82] : memref<2x128x128xf32, #tpu.memory_space<vmem>> -> memref<1x128x128xf32, #tpu.memory_space<vmem>>
      %dma_wait3A_84 = tpu.memref_squeeze %dma_wait3A_83 : memref<1x128x128xf32, #tpu.memory_space<vmem>> -> memref<128x128xf32, #tpu.memory_space<vmem>>
      %dma_wait3A_85 = arith.constant 0 : i32
      %dma_wait3A_86 = arith.constant 0 : i32
      %dma_wait3A_87 = tpu.memref_slice %arg2[%dma_wait3A_85, %dma_wait3A_86] : memref<10240x128xf32, #tpu.memory_space<hbm>> -> memref<128x128xf32, #tpu.memory_space<hbm>>
      %dma_wait3A_88 = arith.constant 0 : i32
      %dma_wait3A_89 = arith.constant 0 : i32
      %dma_wait3A_90 = tpu.memref_slice %arg9[%dma_wait3A_80, %dma_wait3A_88, %dma_wait3A_89] : memref<2x128x128xf32, #tpu.memory_space<vmem>> -> memref<1x128x128xf32, #tpu.memory_space<vmem>>
      %dma_wait3A_91 = tpu.memref_squeeze %dma_wait3A_90 : memref<1x128x128xf32, #tpu.memory_space<vmem>> -> memref<128x128xf32, #tpu.memory_space<vmem>>
      %dma_wait3A_92 = arith.constant 0 : i32
      %dma_wait3A_93 = arith.constant 0 : i32
      %dma_wait3A_94 = tpu.memref_slice %arg2[%dma_wait3A_92, %dma_wait3A_93] : memref<10240x128xf32, #tpu.memory_space<hbm>> -> memref<128x128xf32, #tpu.memory_space<hbm>>
      tpu.wait_dma2 semaphore(%arg11 : memref<!tpu.dma_semaphore, #tpu.memory_space<semaphore_mem>>) src(%dma_wait3A_94 : memref<128x128xf32, #tpu.memory_space<hbm>>) dst(%dma_wait3A_91 : memref<128x128xf32, #tpu.memory_space<vmem>>)
      %dma_wait3A_95 = arith.constant 0 : i32
      %dma_wait3A_96 = tpu.memref_slice %arg4[%dma_wait3A_95] : memref<327680xi32, #tpu.memory_space<hbm>> -> memref<128xi32, #tpu.memory_space<hbm>>
      %dma_wait3A_97 = arith.constant 0 : i32
      %dma_wait3A_98 = tpu.memref_slice %arg4[%dma_wait3A_97] : memref<327680xi32, #tpu.memory_space<hbm>> -> memref<128xi32, #tpu.memory_space<hbm>>
      tpu.wait_dma2 semaphore(%arg13 : memref<!tpu.dma_semaphore, #tpu.memory_space<semaphore_mem>>) src(%dma_wait3A_98 : memref<128xi32, #tpu.memory_space<hbm>>) dst(%arg7 : memref<128xi32, #tpu.memory_space<vmem>>)
      %run_scoped3A = arith.constant 0 : i32
      "tpu.region"() ({
        %run_scoped3A_138 = tpu.sem_alloc : memref<!tpu.dma_semaphore, #tpu.memory_space<semaphore_mem>>
        %dma_start3A_139 = arith.constant 0 : i32
        %dma_start3A_140 = arith.constant 0 : i32
        %dma_start3A_141 = tpu.memref_slice %arg9[%run_scoped3A, %dma_start3A_139, %dma_start3A_140] : memref<2x128x128xf32, #tpu.memory_space<vmem>> -> memref<1x128x128xf32, #tpu.memory_space<vmem>>
        %dma_start3A_142 = tpu.memref_squeeze %dma_start3A_141 : memref<1x128x128xf32, #tpu.memory_space<vmem>> -> memref<128x128xf32, #tpu.memory_space<vmem>>
        %dma_start3A_143 = arith.constant 0 : i32
        %dma_start3A_144 = arith.constant 0 : i32
        %dma_start3A_145 = tpu.memref_slice %arg10[%dma_start3A_143, %dma_start3A_144] : memref<10240x128xf32, #tpu.memory_space<vmem_shared>> -> memref<10240x128xf32, #tpu.memory_space<vmem_shared>>
        tpu.enqueue_indirect_dma source(%dma_start3A_142 : memref<128x128xf32, #tpu.memory_space<vmem>>) target(%dma_start3A_145 : memref<10240x128xf32, #tpu.memory_space<vmem_shared>>) offsets(%arg7 : memref<128xi32, #tpu.memory_space<vmem>>) semaphore(%run_scoped3A_138 : memref<!tpu.dma_semaphore, #tpu.memory_space<semaphore_mem>>) {add = true}
        %dma_wait3A_146 = arith.constant 0 : i32
        %dma_wait3A_147 = arith.constant 0 : i32
        %dma_wait3A_148 = tpu.memref_slice %arg9[%run_scoped3A, %dma_wait3A_146, %dma_wait3A_147] : memref<2x128x128xf32, #tpu.memory_space<vmem>> -> memref<1x128x128xf32, #tpu.memory_space<vmem>>
        %dma_wait3A_149 = tpu.memref_squeeze %dma_wait3A_148 : memref<1x128x128xf32, #tpu.memory_space<vmem>> -> memref<128x128xf32, #tpu.memory_space<vmem>>
        %dma_wait3A_150 = arith.constant 0 : i32
        %dma_wait3A_151 = arith.constant 0 : i32
        %dma_wait3A_152 = tpu.memref_slice %arg10[%dma_wait3A_150, %dma_wait3A_151] : memref<10240x128xf32, #tpu.memory_space<vmem_shared>> -> memref<10240x128xf32, #tpu.memory_space<vmem_shared>>
        tpu.wait_indirect_dma semaphore(%run_scoped3A_138 : memref<!tpu.dma_semaphore, #tpu.memory_space<semaphore_mem>>) src(%dma_wait3A_149 : memref<128x128xf32, #tpu.memory_space<vmem>>) dst(%dma_wait3A_152 : memref<10240x128xf32, #tpu.memory_space<vmem_shared>>)
        tpu.yield
      }) : () -> ()
      %add3A_99 = arith.constant 2 : i32
      %add3A_100 = arith.addi %mul3A_59, %add3A_99 : i32
      %eq3A = arith.constant 80 : i32
      %eq3A_101 = arith.cmpi eq, %add3A_100, %eq3A : i32
      %jit3A = arith.constant 0 : i32
      %select_n3A = arith.select %eq3A_101, %jit3A, %add3A_100 : i32
      %mul3A_102 = arith.constant 128 : i32
      %mul3A_103 = arith.muli %select_n3A, %mul3A_102 : i32
      %dma_start3A_104 = arith.constant 0 : i32
      %dma_start3A_105 = arith.constant 0 : i32
      %dma_start3A_106 = arith.constant 0 : i32
      %dma_start3A_107 = tpu.memref_slice %arg9[%dma_start3A_104, %dma_start3A_105, %dma_start3A_106] : memref<2x128x128xf32, #tpu.memory_space<vmem>> -> memref<1x128x128xf32, #tpu.memory_space<vmem>>
      %dma_start3A_108 = tpu.memref_squeeze %dma_start3A_107 : memref<1x128x128xf32, #tpu.memory_space<vmem>> -> memref<128x128xf32, #tpu.memory_space<vmem>>
      %dma_start3A_109 = tpu.memref_slice %arg6[%mul3A_103] : memref<10240xi32, #tpu.memory_space<vmem>> -> memref<128xi32, #tpu.memory_space<vmem>>
      %dma_start3A_110 = arith.constant 0 : i32
      %dma_start3A_111 = arith.constant 0 : i32
      %dma_start3A_112 = tpu.memref_slice %arg2[%dma_start3A_110, %dma_start3A_111] : memref<10240x128xf32, #tpu.memory_space<hbm>> -> memref<10240x128xf32, #tpu.memory_space<hbm>>
      tpu.enqueue_indirect_dma source(%dma_start3A_112 : memref<10240x128xf32, #tpu.memory_space<hbm>>) target(%dma_start3A_108 : memref<128x128xf32, #tpu.memory_space<vmem>>) offsets(%dma_start3A_109 : memref<128xi32, #tpu.memory_space<vmem>>) semaphore(%arg11 : memref<!tpu.dma_semaphore, #tpu.memory_space<semaphore_mem>>)
      %mul3A_113 = arith.constant 128 : i32
      %mul3A_114 = arith.muli %select_n3A, %mul3A_113 : i32
      %add3A_115 = arith.addi %add3A, %mul3A_114 : i32
      %dma_start3A_116 = tpu.memref_slice %arg4[%add3A_115] : memref<327680xi32, #tpu.memory_space<hbm>> -> memref<128xi32, #tpu.memory_space<hbm>>
      %dma_start3A_117 = tpu.memref_slice %arg4[%add3A_115] : memref<327680xi32, #tpu.memory_space<hbm>> -> memref<128xi32, #tpu.memory_space<hbm>>
      tpu.enqueue_dma source(%dma_start3A_117 : memref<128xi32, #tpu.memory_space<hbm>>) target(%arg7 : memref<128xi32, #tpu.memory_space<vmem>>) target_semaphore(%arg13 : memref<!tpu.dma_semaphore, #tpu.memory_space<semaphore_mem>>)
      %dma_wait3A_118 = arith.constant 1 : i32
      %dma_wait3A_119 = arith.constant 0 : i32
      %dma_wait3A_120 = arith.constant 0 : i32
      %dma_wait3A_121 = tpu.memref_slice %arg9[%dma_wait3A_118, %dma_wait3A_119, %dma_wait3A_120] : memref<2x128x128xf32, #tpu.memory_space<vmem>> -> memref<1x128x128xf32, #tpu.memory_space<vmem>>
      %dma_wait3A_122 = tpu.memref_squeeze %dma_wait3A_121 : memref<1x128x128xf32, #tpu.memory_space<vmem>> -> memref<128x128xf32, #tpu.memory_space<vmem>>
      %dma_wait3A_123 = arith.constant 0 : i32
      %dma_wait3A_124 = arith.constant 0 : i32
      %dma_wait3A_125 = tpu.memref_slice %arg2[%dma_wait3A_123, %dma_wait3A_124] : memref<10240x128xf32, #tpu.memory_space<hbm>> -> memref<128x128xf32, #tpu.memory_space<hbm>>
      %dma_wait3A_126 = arith.constant 0 : i32
      %dma_wait3A_127 = arith.constant 0 : i32
      %dma_wait3A_128 = tpu.memref_slice %arg9[%dma_wait3A_118, %dma_wait3A_126, %dma_wait3A_127] : memref<2x128x128xf32, #tpu.memory_space<vmem>> -> memref<1x128x128xf32, #tpu.memory_space<vmem>>
      %dma_wait3A_129 = tpu.memref_squeeze %dma_wait3A_128 : memref<1x128x128xf32, #tpu.memory_space<vmem>> -> memref<128x128xf32, #tpu.memory_space<vmem>>
      %dma_wait3A_130 = arith.constant 0 : i32
      %dma_wait3A_131 = arith.constant 0 : i32
      %dma_wait3A_132 = tpu.memref_slice %arg2[%dma_wait3A_130, %dma_wait3A_131] : memref<10240x128xf32, #tpu.memory_space<hbm>> -> memref<128x128xf32, #tpu.memory_space<hbm>>
      tpu.wait_dma2 semaphore(%arg12 : memref<!tpu.dma_semaphore, #tpu.memory_space<semaphore_mem>>) src(%dma_wait3A_132 : memref<128x128xf32, #tpu.memory_space<hbm>>) dst(%dma_wait3A_129 : memref<128x128xf32, #tpu.memory_space<vmem>>)
      %dma_wait3A_133 = arith.constant 0 : i32
      %dma_wait3A_134 = tpu.memref_slice %arg4[%dma_wait3A_133] : memref<327680xi32, #tpu.memory_space<hbm>> -> memref<128xi32, #tpu.memory_space<hbm>>
      %dma_wait3A_135 = arith.constant 0 : i32
      %dma_wait3A_136 = tpu.memref_slice %arg4[%dma_wait3A_135] : memref<327680xi32, #tpu.memory_space<hbm>> -> memref<128xi32, #tpu.memory_space<hbm>>
      tpu.wait_dma2 semaphore(%arg14 : memref<!tpu.dma_semaphore, #tpu.memory_space<semaphore_mem>>) src(%dma_wait3A_136 : memref<128xi32, #tpu.memory_space<hbm>>) dst(%arg8 : memref<128xi32, #tpu.memory_space<vmem>>)
      %run_scoped3A_137 = arith.constant 1 : i32
      "tpu.region"() ({
        %run_scoped3A_138 = tpu.sem_alloc : memref<!tpu.dma_semaphore, #tpu.memory_space<semaphore_mem>>
        %dma_start3A_139 = arith.constant 0 : i32
        %dma_start3A_140 = arith.constant 0 : i32
        %dma_start3A_141 = tpu.memref_slice %arg9[%run_scoped3A_137, %dma_start3A_139, %dma_start3A_140] : memref<2x128x128xf32, #tpu.memory_space<vmem>> -> memref<1x128x128xf32, #tpu.memory_space<vmem>>
        %dma_start3A_142 = tpu.memref_squeeze %dma_start3A_141 : memref<1x128x128xf32, #tpu.memory_space<vmem>> -> memref<128x128xf32, #tpu.memory_space<vmem>>
        %dma_start3A_143 = arith.constant 0 : i32
        %dma_start3A_144 = arith.constant 0 : i32
        %dma_start3A_145 = tpu.memref_slice %arg10[%dma_start3A_143, %dma_start3A_144] : memref<10240x128xf32, #tpu.memory_space<vmem_shared>> -> memref<10240x128xf32, #tpu.memory_space<vmem_shared>>
        tpu.enqueue_indirect_dma source(%dma_start3A_142 : memref<128x128xf32, #tpu.memory_space<vmem>>) target(%dma_start3A_145 : memref<10240x128xf32, #tpu.memory_space<vmem_shared>>) offsets(%arg8 : memref<128xi32, #tpu.memory_space<vmem>>) semaphore(%run_scoped3A_138 : memref<!tpu.dma_semaphore, #tpu.memory_space<semaphore_mem>>) {add = true}
        %dma_wait3A_146 = arith.constant 0 : i32
        %dma_wait3A_147 = arith.constant 0 : i32
        %dma_wait3A_148 = tpu.memref_slice %arg9[%run_scoped3A_137, %dma_wait3A_146, %dma_wait3A_147] : memref<2x128x128xf32, #tpu.memory_space<vmem>> -> memref<1x128x128xf32, #tpu.memory_space<vmem>>
        %dma_wait3A_149 = tpu.memref_squeeze %dma_wait3A_148 : memref<1x128x128xf32, #tpu.memory_space<vmem>> -> memref<128x128xf32, #tpu.memory_space<vmem>>
        %dma_wait3A_150 = arith.constant 0 : i32
        %dma_wait3A_151 = arith.constant 0 : i32
        %dma_wait3A_152 = tpu.memref_slice %arg10[%dma_wait3A_150, %dma_wait3A_151] : memref<10240x128xf32, #tpu.memory_space<vmem_shared>> -> memref<10240x128xf32, #tpu.memory_space<vmem_shared>>
        tpu.wait_indirect_dma semaphore(%run_scoped3A_138 : memref<!tpu.dma_semaphore, #tpu.memory_space<semaphore_mem>>) src(%dma_wait3A_149 : memref<128x128xf32, #tpu.memory_space<vmem>>) dst(%dma_wait3A_152 : memref<10240x128xf32, #tpu.memory_space<vmem_shared>>)
        tpu.yield
      }) : () -> ()
    }
    %scan3A_31 = arith.constant 40 : i32
    %dma_wait3A = arith.constant 0 : i32
    %dma_wait3A_32 = arith.constant 0 : i32
    %dma_wait3A_33 = arith.constant 0 : i32
    %dma_wait3A_34 = tpu.memref_slice %arg9[%dma_wait3A, %dma_wait3A_32, %dma_wait3A_33] : memref<2x128x128xf32, #tpu.memory_space<vmem>> -> memref<1x128x128xf32, #tpu.memory_space<vmem>>
    %dma_wait3A_35 = tpu.memref_squeeze %dma_wait3A_34 : memref<1x128x128xf32, #tpu.memory_space<vmem>> -> memref<128x128xf32, #tpu.memory_space<vmem>>
    %dma_wait3A_36 = arith.constant 0 : i32
    %dma_wait3A_37 = arith.constant 0 : i32
    %dma_wait3A_38 = tpu.memref_slice %arg2[%dma_wait3A_36, %dma_wait3A_37] : memref<10240x128xf32, #tpu.memory_space<hbm>> -> memref<128x128xf32, #tpu.memory_space<hbm>>
    %dma_wait3A_39 = arith.constant 0 : i32
    %dma_wait3A_40 = arith.constant 0 : i32
    %dma_wait3A_41 = tpu.memref_slice %arg9[%dma_wait3A, %dma_wait3A_39, %dma_wait3A_40] : memref<2x128x128xf32, #tpu.memory_space<vmem>> -> memref<1x128x128xf32, #tpu.memory_space<vmem>>
    %dma_wait3A_42 = tpu.memref_squeeze %dma_wait3A_41 : memref<1x128x128xf32, #tpu.memory_space<vmem>> -> memref<128x128xf32, #tpu.memory_space<vmem>>
    %dma_wait3A_43 = arith.constant 0 : i32
    %dma_wait3A_44 = arith.constant 0 : i32
    %dma_wait3A_45 = tpu.memref_slice %arg2[%dma_wait3A_43, %dma_wait3A_44] : memref<10240x128xf32, #tpu.memory_space<hbm>> -> memref<128x128xf32, #tpu.memory_space<hbm>>
    tpu.wait_dma2 semaphore(%arg11 : memref<!tpu.dma_semaphore, #tpu.memory_space<semaphore_mem>>) src(%dma_wait3A_45 : memref<128x128xf32, #tpu.memory_space<hbm>>) dst(%dma_wait3A_42 : memref<128x128xf32, #tpu.memory_space<vmem>>)
    %dma_wait3A_46 = arith.constant 0 : i32
    %dma_wait3A_47 = tpu.memref_slice %arg4[%dma_wait3A_46] : memref<327680xi32, #tpu.memory_space<hbm>> -> memref<128xi32, #tpu.memory_space<hbm>>
    %dma_wait3A_48 = arith.constant 0 : i32
    %dma_wait3A_49 = tpu.memref_slice %arg4[%dma_wait3A_48] : memref<327680xi32, #tpu.memory_space<hbm>> -> memref<128xi32, #tpu.memory_space<hbm>>
    tpu.wait_dma2 semaphore(%arg13 : memref<!tpu.dma_semaphore, #tpu.memory_space<semaphore_mem>>) src(%dma_wait3A_49 : memref<128xi32, #tpu.memory_space<hbm>>) dst(%arg7 : memref<128xi32, #tpu.memory_space<vmem>>)
    %barrier3A_50 = arith.constant 0 : index
    tpu.barrier barrier_id(%barrier3A_50)
    %scan3A_51 = arith.constant 0 : i32
    %scan3A_52 = arith.constant 0 : i32
    %scan3A_53 = arith.constant 5 : i32
    %scan3A_54 = arith.addi %scan3A_52, %scan3A_53 : i32
    %scan3A_55 = arith.constant 1 : i32
    scf.for %scan3A_57 = %scan3A_52 to %scan3A_54 step %scan3A_55  : i32 {
      %mul3A_58 = arith.constant 640 : i32
      %mul3A_59 = arith.muli %arg1, %mul3A_58 : i32
      %mul3A_60 = arith.constant 128 : i32
      %mul3A_61 = arith.muli %scan3A_57, %mul3A_60 : i32
      %add3A_62 = arith.addi %mul3A_59, %mul3A_61 : i32
      "tpu.region"() ({
        %run_scoped3A = tpu.sem_alloc : memref<!tpu.dma_semaphore, #tpu.memory_space<semaphore_mem>>
        %dma_start3A_63 = arith.constant 0 : i32
        %dma_start3A_64 = arith.constant 0 : i32
        %dma_start3A_65 = tpu.memref_slice %arg9[%scan3A_51, %dma_start3A_63, %dma_start3A_64] : memref<2x128x128xf32, #tpu.memory_space<vmem>> -> memref<1x128x128xf32, #tpu.memory_space<vmem>>
        %dma_start3A_66 = tpu.memref_squeeze %dma_start3A_65 : memref<1x128x128xf32, #tpu.memory_space<vmem>> -> memref<128x128xf32, #tpu.memory_space<vmem>>
        %dma_start3A_67 = arith.constant 0 : i32
        %dma_start3A_68 = tpu.memref_slice %arg10[%add3A_62, %dma_start3A_67] : memref<10240x128xf32, #tpu.memory_space<vmem_shared>> -> memref<128x128xf32, #tpu.memory_space<vmem_shared>>
        %dma_start3A_69 = arith.constant 0 : i32
        %dma_start3A_70 = arith.constant 0 : i32
        %dma_start3A_71 = tpu.memref_slice %arg9[%scan3A_51, %dma_start3A_69, %dma_start3A_70] : memref<2x128x128xf32, #tpu.memory_space<vmem>> -> memref<1x128x128xf32, #tpu.memory_space<vmem>>
        %dma_start3A_72 = tpu.memref_squeeze %dma_start3A_71 : memref<1x128x128xf32, #tpu.memory_space<vmem>> -> memref<128x128xf32, #tpu.memory_space<vmem>>
        %dma_start3A_73 = arith.constant 0 : i32
        %dma_start3A_74 = tpu.memref_slice %arg10[%add3A_62, %dma_start3A_73] : memref<10240x128xf32, #tpu.memory_space<vmem_shared>> -> memref<128x128xf32, #tpu.memory_space<vmem_shared>>
        tpu.enqueue_dma source(%dma_start3A_74 : memref<128x128xf32, #tpu.memory_space<vmem_shared>>) target(%dma_start3A_72 : memref<128x128xf32, #tpu.memory_space<vmem>>) target_semaphore(%run_scoped3A : memref<!tpu.dma_semaphore, #tpu.memory_space<semaphore_mem>>)
        %dma_wait3A_75 = arith.constant 0 : i32
        %dma_wait3A_76 = arith.constant 0 : i32
        %dma_wait3A_77 = tpu.memref_slice %arg9[%scan3A_51, %dma_wait3A_75, %dma_wait3A_76] : memref<2x128x128xf32, #tpu.memory_space<vmem>> -> memref<1x128x128xf32, #tpu.memory_space<vmem>>
        %dma_wait3A_78 = tpu.memref_squeeze %dma_wait3A_77 : memref<1x128x128xf32, #tpu.memory_space<vmem>> -> memref<128x128xf32, #tpu.memory_space<vmem>>
        %dma_wait3A_79 = arith.constant 0 : i32
        %dma_wait3A_80 = tpu.memref_slice %arg10[%add3A_62, %dma_wait3A_79] : memref<10240x128xf32, #tpu.memory_space<vmem_shared>> -> memref<128x128xf32, #tpu.memory_space<vmem_shared>>
        %dma_wait3A_81 = arith.constant 0 : i32
        %dma_wait3A_82 = arith.constant 0 : i32
        %dma_wait3A_83 = tpu.memref_slice %arg9[%scan3A_51, %dma_wait3A_81, %dma_wait3A_82] : memref<2x128x128xf32, #tpu.memory_space<vmem>> -> memref<1x128x128xf32, #tpu.memory_space<vmem>>
        %dma_wait3A_84 = tpu.memref_squeeze %dma_wait3A_83 : memref<1x128x128xf32, #tpu.memory_space<vmem>> -> memref<128x128xf32, #tpu.memory_space<vmem>>
        %dma_wait3A_85 = arith.constant 0 : i32
        %dma_wait3A_86 = tpu.memref_slice %arg10[%add3A_62, %dma_wait3A_85] : memref<10240x128xf32, #tpu.memory_space<vmem_shared>> -> memref<128x128xf32, #tpu.memory_space<vmem_shared>>
        tpu.wait_dma2 semaphore(%run_scoped3A : memref<!tpu.dma_semaphore, #tpu.memory_space<semaphore_mem>>) src(%dma_wait3A_86 : memref<128x128xf32, #tpu.memory_space<vmem_shared>>) dst(%dma_wait3A_84 : memref<128x128xf32, #tpu.memory_space<vmem>>)
        tpu.yield
      }) : () -> ()
      "tpu.region"() ({
        %run_scoped3A = tpu.sem_alloc : memref<!tpu.dma_semaphore, #tpu.memory_space<semaphore_mem>>
        %dma_start3A_63 = arith.constant 0 : i32
        %dma_start3A_64 = arith.constant 0 : i32
        %dma_start3A_65 = tpu.memref_slice %arg9[%scan3A_51, %dma_start3A_63, %dma_start3A_64] : memref<2x128x128xf32, #tpu.memory_space<vmem>> -> memref<1x128x128xf32, #tpu.memory_space<vmem>>
        %dma_start3A_66 = tpu.memref_squeeze %dma_start3A_65 : memref<1x128x128xf32, #tpu.memory_space<vmem>> -> memref<128x128xf32, #tpu.memory_space<vmem>>
        %dma_start3A_67 = arith.constant 0 : i32
        %dma_start3A_68 = tpu.memref_slice %arg5[%arg0, %add3A_62, %dma_start3A_67] : memref<2x10240x128xf32, #tpu.memory_space<hbm>> -> memref<1x128x128xf32, #tpu.memory_space<hbm>>
        %dma_start3A_69 = tpu.memref_squeeze %dma_start3A_68 : memref<1x128x128xf32, #tpu.memory_space<hbm>> -> memref<128x128xf32, #tpu.memory_space<hbm>>
        %dma_start3A_70 = arith.constant 0 : i32
        %dma_start3A_71 = tpu.memref_slice %arg5[%arg0, %add3A_62, %dma_start3A_70] : memref<2x10240x128xf32, #tpu.memory_space<hbm>> -> memref<1x128x128xf32, #tpu.memory_space<hbm>>
        %dma_start3A_72 = tpu.memref_squeeze %dma_start3A_71 : memref<1x128x128xf32, #tpu.memory_space<hbm>> -> memref<128x128xf32, #tpu.memory_space<hbm>>
        %dma_start3A_73 = arith.constant 0 : i32
        %dma_start3A_74 = arith.constant 0 : i32
        %dma_start3A_75 = tpu.memref_slice %arg9[%scan3A_51, %dma_start3A_73, %dma_start3A_74] : memref<2x128x128xf32, #tpu.memory_space<vmem>> -> memref<1x128x128xf32, #tpu.memory_space<vmem>>
        %dma_start3A_76 = tpu.memref_squeeze %dma_start3A_75 : memref<1x128x128xf32, #tpu.memory_space<vmem>> -> memref<128x128xf32, #tpu.memory_space<vmem>>
        tpu.enqueue_dma source(%dma_start3A_76 : memref<128x128xf32, #tpu.memory_space<vmem>>) target(%dma_start3A_72 : memref<128x128xf32, #tpu.memory_space<hbm>>) target_semaphore(%run_scoped3A : memref<!tpu.dma_semaphore, #tpu.memory_space<semaphore_mem>>)
        %dma_wait3A_77 = arith.constant 0 : i32
        %dma_wait3A_78 = arith.constant 0 : i32
        %dma_wait3A_79 = tpu.memref_slice %arg9[%scan3A_51, %dma_wait3A_77, %dma_wait3A_78] : memref<2x128x128xf32, #tpu.memory_space<vmem>> -> memref<1x128x128xf32, #tpu.memory_space<vmem>>
        %dma_wait3A_80 = tpu.memref_squeeze %dma_wait3A_79 : memref<1x128x128xf32, #tpu.memory_space<vmem>> -> memref<128x128xf32, #tpu.memory_space<vmem>>
        %dma_wait3A_81 = arith.constant 0 : i32
        %dma_wait3A_82 = tpu.memref_slice %arg5[%arg0, %add3A_62, %dma_wait3A_81] : memref<2x10240x128xf32, #tpu.memory_space<hbm>> -> memref<1x128x128xf32, #tpu.memory_space<hbm>>
        %dma_wait3A_83 = tpu.memref_squeeze %dma_wait3A_82 : memref<1x128x128xf32, #tpu.memory_space<hbm>> -> memref<128x128xf32, #tpu.memory_space<hbm>>
        %dma_wait3A_84 = arith.constant 0 : i32
        %dma_wait3A_85 = tpu.memref_slice %arg5[%arg0, %add3A_62, %dma_wait3A_84] : memref<2x10240x128xf32, #tpu.memory_space<hbm>> -> memref<1x128x128xf32, #tpu.memory_space<hbm>>
        %dma_wait3A_86 = tpu.memref_squeeze %dma_wait3A_85 : memref<1x128x128xf32, #tpu.memory_space<hbm>> -> memref<128x128xf32, #tpu.memory_space<hbm>>
        %dma_wait3A_87 = arith.constant 0 : i32
        %dma_wait3A_88 = arith.constant 0 : i32
        %dma_wait3A_89 = tpu.memref_slice %arg9[%scan3A_51, %dma_wait3A_87, %dma_wait3A_88] : memref<2x128x128xf32, #tpu.memory_space<vmem>> -> memref<1x128x128xf32, #tpu.memory_space<vmem>>
        %dma_wait3A_90 = tpu.memref_squeeze %dma_wait3A_89 : memref<1x128x128xf32, #tpu.memory_space<vmem>> -> memref<128x128xf32, #tpu.memory_space<vmem>>
        tpu.wait_dma2 semaphore(%run_scoped3A : memref<!tpu.dma_semaphore, #tpu.memory_space<semaphore_mem>>) src(%dma_wait3A_90 : memref<128x128xf32, #tpu.memory_space<vmem>>) dst(%dma_wait3A_86 : memref<128x128xf32, #tpu.memory_space<hbm>>)
        tpu.yield
      }) : () -> ()
    }
    %scan3A_56 = arith.constant 5 : i32
    return
  }
}

#map = affine_map<(d0, d1) -> (0, 0)>
#map1 = affine_map<(d0, d1) -> (0)>
#map2 = affine_map<(d0, d1) -> (0, 0, 0)>
module attributes {stable_mosaic.version = 14 : i64} {
  func.func @_sc_scatter(%arg0: i32, %arg1: i32, %arg2: memref<10240x128xf32, #tpu.memory_space<hbm>>, %arg3: memref<327680xi32, #tpu.memory_space<hbm>>, %arg4: memref<327680xi32, #tpu.memory_space<hbm>>, %arg5: memref<2x10240x128xf32, #tpu.memory_space<hbm>>, %arg6: memref<10240xi32, #tpu.memory_space<vmem>>, %arg7: memref<128xi32, #tpu.memory_space<vmem>>, %arg8: memref<128xi32, #tpu.memory_space<vmem>>, %arg9: memref<2x128x128xf32, #tpu.memory_space<vmem>>, %arg10: memref<10240x128xf32, #tpu.memory_space<vmem_shared>>, %arg11: memref<!tpu.dma_semaphore, #tpu.memory_space<semaphore_mem>>, %arg12: memref<!tpu.dma_semaphore, #tpu.memory_space<semaphore_mem>>, %arg13: memref<!tpu.dma_semaphore, #tpu.memory_space<semaphore_mem>>, %arg14: memref<!tpu.dma_semaphore, #tpu.memory_space<semaphore_mem>>) attributes {dimension_semantics = [#tpu.dimension_semantics<core_parallel>, #tpu.dimension_semantics<subcore_parallel>], iteration_bounds = array<i64: 2, 16>, scalar_prefetch = 0 : i64, scratch_operands = 9 : i64, tpu.core_type = #tpu.core_type<sc_vector_subcore>, window_params = [{transform_indices = #map}, {transform_indices = #map1}, {transform_indices = #map1}, {transform_indices = #map2}]} {
    %mul3A = arith.constant 163840 : i32
    %mul3A_0 = arith.muli %arg0, %mul3A : i32
    %mul3A_1 = arith.constant 10240 : i32
    %mul3A_2 = arith.muli %arg1, %mul3A_1 : i32
    %add3A = arith.addi %mul3A_0, %mul3A_2 : i32
    "tpu.region"() ({
      %run_scoped3A = tpu.sem_alloc : memref<!tpu.dma_semaphore, #tpu.memory_space<semaphore_mem>>
      %dma_start3A_57 = tpu.memref_slice %arg3[%add3A] : memref<327680xi32, #tpu.memory_space<hbm>> -> memref<10240xi32, #tpu.memory_space<hbm>>
      %dma_start3A_58 = tpu.memref_slice %arg3[%add3A] : memref<327680xi32, #tpu.memory_space<hbm>> -> memref<10240xi32, #tpu.memory_space<hbm>>
      tpu.enqueue_dma source(%dma_start3A_58 : memref<10240xi32, #tpu.memory_space<hbm>>) target(%arg6 : memref<10240xi32, #tpu.memory_space<vmem>>) target_semaphore(%run_scoped3A : memref<!tpu.dma_semaphore, #tpu.memory_space<semaphore_mem>>)
      %dma_wait3A_59 = tpu.memref_slice %arg3[%add3A] : memref<327680xi32, #tpu.memory_space<hbm>> -> memref<10240xi32, #tpu.memory_space<hbm>>
      %dma_wait3A_60 = tpu.memref_slice %arg3[%add3A] : memref<327680xi32, #tpu.memory_space<hbm>> -> memref<10240xi32, #tpu.memory_space<hbm>>
      tpu.wait_dma2 semaphore(%run_scoped3A : memref<!tpu.dma_semaphore, #tpu.memory_space<semaphore_mem>>) src(%dma_wait3A_60 : memref<10240xi32, #tpu.memory_space<hbm>>) dst(%arg6 : memref<10240xi32, #tpu.memory_space<vmem>>)
      tpu.yield
    }) : () -> ()
    %scan3A = arith.constant 0 : i32
    %scan3A_3 = arith.constant 0 : i32
    %scan3A_4 = arith.constant 128 : i32
    %scan3A_5 = arith.addi %scan3A_3, %scan3A_4 : i32
    %scan3A_6 = arith.constant 1 : i32
    scf.for %scan3A_57 = %scan3A_3 to %scan3A_5 step %scan3A_6  : i32 {
      %broadcast_in_dim3A = arith.constant 0.000000e+00 : f32
      %broadcast_in_dim3A_58 = vector.broadcast %broadcast_in_dim3A : f32 to vector<16xf32>
      %swap3A = arith.constant 0 : i32
      %swap3A_59 = arith.constant 0 : i32
      %swap3A_60 = tpu.memref_slice %arg9[%scan3A, %swap3A, %swap3A_59] : memref<2x128x128xf32, #tpu.memory_space<vmem>> -> memref<1x128x128xf32, #tpu.memory_space<vmem>>
      %swap3A_61 = tpu.memref_squeeze %swap3A_60 : memref<1x128x128xf32, #tpu.memory_space<vmem>> -> memref<128x128xf32, #tpu.memory_space<vmem>>
      %swap3A_62 = arith.index_cast %scan3A_57 : i32 to index
      %swap3A_63 = arith.constant 0 : index
      %swap3A_64 = tpu.vector_load %swap3A_61[%swap3A_62, %swap3A_63] {strides = array<i32>} : memref<128x128xf32, #tpu.memory_space<vmem>>, vector<1x16xf32>,
      %swap3A_65 = vector.shape_cast %swap3A_64 : vector<1x16xf32> to vector<16xf32>
      %swap3A_66 = vector.shape_cast %broadcast_in_dim3A_58 : vector<16xf32> to vector<1x16xf32>
      tpu.vector_store %swap3A_61[%swap3A_62, %swap3A_63], %swap3A_66 {strides = array<i32>} : memref<128x128xf32, #tpu.memory_space<vmem>>, vector<1x16xf32>,
      %broadcast_in_dim3A_67 = arith.constant 0.000000e+00 : f32
      %broadcast_in_dim3A_68 = vector.broadcast %broadcast_in_dim3A_67 : f32 to vector<16xf32>
      %swap3A_69 = arith.constant 0 : i32
      %swap3A_70 = arith.constant 0 : i32
      %swap3A_71 = tpu.memref_slice %arg9[%scan3A, %swap3A_69, %swap3A_70] : memref<2x128x128xf32, #tpu.memory_space<vmem>> -> memref<1x128x128xf32, #tpu.memory_space<vmem>>
      %swap3A_72 = tpu.memref_squeeze %swap3A_71 : memref<1x128x128xf32, #tpu.memory_space<vmem>> -> memref<128x128xf32, #tpu.memory_space<vmem>>
      %swap3A_73 = arith.index_cast %scan3A_57 : i32 to index
      %swap3A_74 = arith.constant 16 : index
      %swap3A_75 = tpu.vector_load %swap3A_72[%swap3A_73, %swap3A_74] {strides = array<i32>} : memref<128x128xf32, #tpu.memory_space<vmem>>, vector<1x16xf32>,
      %swap3A_76 = vector.shape_cast %swap3A_75 : vector<1x16xf32> to vector<16xf32>
      %swap3A_77 = vector.shape_cast %broadcast_in_dim3A_68 : vector<16xf32> to vector<1x16xf32>
      tpu.vector_store %swap3A_72[%swap3A_73, %swap3A_74], %swap3A_77 {strides = array<i32>} : memref<128x128xf32, #tpu.memory_space<vmem>>, vector<1x16xf32>,
      %broadcast_in_dim3A_78 = arith.constant 0.000000e+00 : f32
      %broadcast_in_dim3A_79 = vector.broadcast %broadcast_in_dim3A_78 : f32 to vector<16xf32>
      %swap3A_80 = arith.constant 0 : i32
      %swap3A_81 = arith.constant 0 : i32
      %swap3A_82 = tpu.memref_slice %arg9[%scan3A, %swap3A_80, %swap3A_81] : memref<2x128x128xf32, #tpu.memory_space<vmem>> -> memref<1x128x128xf32, #tpu.memory_space<vmem>>
      %swap3A_83 = tpu.memref_squeeze %swap3A_82 : memref<1x128x128xf32, #tpu.memory_space<vmem>> -> memref<128x128xf32, #tpu.memory_space<vmem>>
      %swap3A_84 = arith.index_cast %scan3A_57 : i32 to index
      %swap3A_85 = arith.constant 32 : index
      %swap3A_86 = tpu.vector_load %swap3A_83[%swap3A_84, %swap3A_85] {strides = array<i32>} : memref<128x128xf32, #tpu.memory_space<vmem>>, vector<1x16xf32>,
      %swap3A_87 = vector.shape_cast %swap3A_86 : vector<1x16xf32> to vector<16xf32>
      %swap3A_88 = vector.shape_cast %broadcast_in_dim3A_79 : vector<16xf32> to vector<1x16xf32>
      tpu.vector_store %swap3A_83[%swap3A_84, %swap3A_85], %swap3A_88 {strides = array<i32>} : memref<128x128xf32, #tpu.memory_space<vmem>>, vector<1x16xf32>,
      %broadcast_in_dim3A_89 = arith.constant 0.000000e+00 : f32
      %broadcast_in_dim3A_90 = vector.broadcast %broadcast_in_dim3A_89 : f32 to vector<16xf32>
      %swap3A_91 = arith.constant 0 : i32
      %swap3A_92 = arith.constant 0 : i32
      %swap3A_93 = tpu.memref_slice %arg9[%scan3A, %swap3A_91, %swap3A_92] : memref<2x128x128xf32, #tpu.memory_space<vmem>> -> memref<1x128x128xf32, #tpu.memory_space<vmem>>
      %swap3A_94 = tpu.memref_squeeze %swap3A_93 : memref<1x128x128xf32, #tpu.memory_space<vmem>> -> memref<128x128xf32, #tpu.memory_space<vmem>>
      %swap3A_95 = arith.index_cast %scan3A_57 : i32 to index
      %swap3A_96 = arith.constant 48 : index
      %swap3A_97 = tpu.vector_load %swap3A_94[%swap3A_95, %swap3A_96] {strides = array<i32>} : memref<128x128xf32, #tpu.memory_space<vmem>>, vector<1x16xf32>,
      %swap3A_98 = vector.shape_cast %swap3A_97 : vector<1x16xf32> to vector<16xf32>
      %swap3A_99 = vector.shape_cast %broadcast_in_dim3A_90 : vector<16xf32> to vector<1x16xf32>
      tpu.vector_store %swap3A_94[%swap3A_95, %swap3A_96], %swap3A_99 {strides = array<i32>} : memref<128x128xf32, #tpu.memory_space<vmem>>, vector<1x16xf32>,
      %broadcast_in_dim3A_100 = arith.constant 0.000000e+00 : f32
      %broadcast_in_dim3A_101 = vector.broadcast %broadcast_in_dim3A_100 : f32 to vector<16xf32>
      %swap3A_102 = arith.constant 0 : i32
      %swap3A_103 = arith.constant 0 : i32
      %swap3A_104 = tpu.memref_slice %arg9[%scan3A, %swap3A_102, %swap3A_103] : memref<2x128x128xf32, #tpu.memory_space<vmem>> -> memref<1x128x128xf32, #tpu.memory_space<vmem>>
      %swap3A_105 = tpu.memref_squeeze %swap3A_104 : memref<1x128x128xf32, #tpu.memory_space<vmem>> -> memref<128x128xf32, #tpu.memory_space<vmem>>
      %swap3A_106 = arith.index_cast %scan3A_57 : i32 to index
      %swap3A_107 = arith.constant 64 : index
      %swap3A_108 = tpu.vector_load %swap3A_105[%swap3A_106, %swap3A_107] {strides = array<i32>} : memref<128x128xf32, #tpu.memory_space<vmem>>, vector<1x16xf32>,
      %swap3A_109 = vector.shape_cast %swap3A_108 : vector<1x16xf32> to vector<16xf32>
      %swap3A_110 = vector.shape_cast %broadcast_in_dim3A_101 : vector<16xf32> to vector<1x16xf32>
      tpu.vector_store %swap3A_105[%swap3A_106, %swap3A_107], %swap3A_110 {strides = array<i32>} : memref<128x128xf32, #tpu.memory_space<vmem>>, vector<1x16xf32>,
      %broadcast_in_dim3A_111 = arith.constant 0.000000e+00 : f32
      %broadcast_in_dim3A_112 = vector.broadcast %broadcast_in_dim3A_111 : f32 to vector<16xf32>
      %swap3A_113 = arith.constant 0 : i32
      %swap3A_114 = arith.constant 0 : i32
      %swap3A_115 = tpu.memref_slice %arg9[%scan3A, %swap3A_113, %swap3A_114] : memref<2x128x128xf32, #tpu.memory_space<vmem>> -> memref<1x128x128xf32, #tpu.memory_space<vmem>>
      %swap3A_116 = tpu.memref_squeeze %swap3A_115 : memref<1x128x128xf32, #tpu.memory_space<vmem>> -> memref<128x128xf32, #tpu.memory_space<vmem>>
      %swap3A_117 = arith.index_cast %scan3A_57 : i32 to index
      %swap3A_118 = arith.constant 80 : index
      %swap3A_119 = tpu.vector_load %swap3A_116[%swap3A_117, %swap3A_118] {strides = array<i32>} : memref<128x128xf32, #tpu.memory_space<vmem>>, vector<1x16xf32>,
      %swap3A_120 = vector.shape_cast %swap3A_119 : vector<1x16xf32> to vector<16xf32>
      %swap3A_121 = vector.shape_cast %broadcast_in_dim3A_112 : vector<16xf32> to vector<1x16xf32>
      tpu.vector_store %swap3A_116[%swap3A_117, %swap3A_118], %swap3A_121 {strides = array<i32>} : memref<128x128xf32, #tpu.memory_space<vmem>>, vector<1x16xf32>,
      %broadcast_in_dim3A_122 = arith.constant 0.000000e+00 : f32
      %broadcast_in_dim3A_123 = vector.broadcast %broadcast_in_dim3A_122 : f32 to vector<16xf32>
      %swap3A_124 = arith.constant 0 : i32
      %swap3A_125 = arith.constant 0 : i32
      %swap3A_126 = tpu.memref_slice %arg9[%scan3A, %swap3A_124, %swap3A_125] : memref<2x128x128xf32, #tpu.memory_space<vmem>> -> memref<1x128x128xf32, #tpu.memory_space<vmem>>
      %swap3A_127 = tpu.memref_squeeze %swap3A_126 : memref<1x128x128xf32, #tpu.memory_space<vmem>> -> memref<128x128xf32, #tpu.memory_space<vmem>>
      %swap3A_128 = arith.index_cast %scan3A_57 : i32 to index
      %swap3A_129 = arith.constant 96 : index
      %swap3A_130 = tpu.vector_load %swap3A_127[%swap3A_128, %swap3A_129] {strides = array<i32>} : memref<128x128xf32, #tpu.memory_space<vmem>>, vector<1x16xf32>,
      %swap3A_131 = vector.shape_cast %swap3A_130 : vector<1x16xf32> to vector<16xf32>
      %swap3A_132 = vector.shape_cast %broadcast_in_dim3A_123 : vector<16xf32> to vector<1x16xf32>
      tpu.vector_store %swap3A_127[%swap3A_128, %swap3A_129], %swap3A_132 {strides = array<i32>} : memref<128x128xf32, #tpu.memory_space<vmem>>, vector<1x16xf32>,
      %broadcast_in_dim3A_133 = arith.constant 0.000000e+00 : f32
      %broadcast_in_dim3A_134 = vector.broadcast %broadcast_in_dim3A_133 : f32 to vector<16xf32>
      %swap3A_135 = arith.constant 0 : i32
      %swap3A_136 = arith.constant 0 : i32
      %swap3A_137 = tpu.memref_slice %arg9[%scan3A, %swap3A_135, %swap3A_136] : memref<2x128x128xf32, #tpu.memory_space<vmem>> -> memref<1x128x128xf32, #tpu.memory_space<vmem>>
      %swap3A_138 = tpu.memref_squeeze %swap3A_137 : memref<1x128x128xf32, #tpu.memory_space<vmem>> -> memref<128x128xf32, #tpu.memory_space<vmem>>
      %swap3A_139 = arith.index_cast %scan3A_57 : i32 to index
      %swap3A_140 = arith.constant 112 : index
      %swap3A_141 = tpu.vector_load %swap3A_138[%swap3A_139, %swap3A_140] {strides = array<i32>} : memref<128x128xf32, #tpu.memory_space<vmem>>, vector<1x16xf32>,
      %swap3A_142 = vector.shape_cast %swap3A_141 : vector<1x16xf32> to vector<16xf32>
      %swap3A_143 = vector.shape_cast %broadcast_in_dim3A_134 : vector<16xf32> to vector<1x16xf32>
      tpu.vector_store %swap3A_138[%swap3A_139, %swap3A_140], %swap3A_143 {strides = array<i32>} : memref<128x128xf32, #tpu.memory_space<vmem>>, vector<1x16xf32>,
    }
    %scan3A_7 = arith.constant 128 : i32
    %scan3A_8 = arith.constant 0 : i32
    %scan3A_9 = arith.constant 0 : i32
    %scan3A_10 = arith.constant 5 : i32
    %scan3A_11 = arith.addi %scan3A_9, %scan3A_10 : i32
    %scan3A_12 = arith.constant 1 : i32
    scf.for %scan3A_57 = %scan3A_9 to %scan3A_11 step %scan3A_12  : i32 {
      %mul3A_58 = arith.constant 640 : i32
      %mul3A_59 = arith.muli %arg1, %mul3A_58 : i32
      %mul3A_60 = arith.constant 128 : i32
      %mul3A_61 = arith.muli %scan3A_57, %mul3A_60 : i32
      %add3A_62 = arith.addi %mul3A_59, %mul3A_61 : i32
      "tpu.region"() ({
        %run_scoped3A = tpu.sem_alloc : memref<!tpu.dma_semaphore, #tpu.memory_space<semaphore_mem>>
        %dma_start3A_63 = arith.constant 0 : i32
        %dma_start3A_64 = arith.constant 0 : i32
        %dma_start3A_65 = tpu.memref_slice %arg9[%scan3A_8, %dma_start3A_63, %dma_start3A_64] : memref<2x128x128xf32, #tpu.memory_space<vmem>> -> memref<1x128x128xf32, #tpu.memory_space<vmem>>
        %dma_start3A_66 = tpu.memref_squeeze %dma_start3A_65 : memref<1x128x128xf32, #tpu.memory_space<vmem>> -> memref<128x128xf32, #tpu.memory_space<vmem>>
        %dma_start3A_67 = arith.constant 0 : i32
        %dma_start3A_68 = tpu.memref_slice %arg10[%add3A_62, %dma_start3A_67] : memref<10240x128xf32, #tpu.memory_space<vmem_shared>> -> memref<128x128xf32, #tpu.memory_space<vmem_shared>>
        %dma_start3A_69 = arith.constant 0 : i32
        %dma_start3A_70 = tpu.memref_slice %arg10[%add3A_62, %dma_start3A_69] : memref<10240x128xf32, #tpu.memory_space<vmem_shared>> -> memref<128x128xf32, #tpu.memory_space<vmem_shared>>
        %dma_start3A_71 = arith.constant 0 : i32
        %dma_start3A_72 = arith.constant 0 : i32
        %dma_start3A_73 = tpu.memref_slice %arg9[%scan3A_8, %dma_start3A_71, %dma_start3A_72] : memref<2x128x128xf32, #tpu.memory_space<vmem>> -> memref<1x128x128xf32, #tpu.memory_space<vmem>>
        %dma_start3A_74 = tpu.memref_squeeze %dma_start3A_73 : memref<1x128x128xf32, #tpu.memory_space<vmem>> -> memref<128x128xf32, #tpu.memory_space<vmem>>
        tpu.enqueue_dma source(%dma_start3A_74 : memref<128x128xf32, #tpu.memory_space<vmem>>) target(%dma_start3A_70 : memref<128x128xf32, #tpu.memory_space<vmem_shared>>) target_semaphore(%run_scoped3A : memref<!tpu.dma_semaphore, #tpu.memory_space<semaphore_mem>>)
        %dma_wait3A_75 = arith.constant 0 : i32
        %dma_wait3A_76 = arith.constant 0 : i32
        %dma_wait3A_77 = tpu.memref_slice %arg9[%scan3A_8, %dma_wait3A_75, %dma_wait3A_76] : memref<2x128x128xf32, #tpu.memory_space<vmem>> -> memref<1x128x128xf32, #tpu.memory_space<vmem>>
        %dma_wait3A_78 = tpu.memref_squeeze %dma_wait3A_77 : memref<1x128x128xf32, #tpu.memory_space<vmem>> -> memref<128x128xf32, #tpu.memory_space<vmem>>
        %dma_wait3A_79 = arith.constant 0 : i32
        %dma_wait3A_80 = tpu.memref_slice %arg10[%add3A_62, %dma_wait3A_79] : memref<10240x128xf32, #tpu.memory_space<vmem_shared>> -> memref<128x128xf32, #tpu.memory_space<vmem_shared>>
        %dma_wait3A_81 = arith.constant 0 : i32
        %dma_wait3A_82 = tpu.memref_slice %arg10[%add3A_62, %dma_wait3A_81] : memref<10240x128xf32, #tpu.memory_space<vmem_shared>> -> memref<128x128xf32, #tpu.memory_space<vmem_shared>>
        %dma_wait3A_83 = arith.constant 0 : i32
        %dma_wait3A_84 = arith.constant 0 : i32
        %dma_wait3A_85 = tpu.memref_slice %arg9[%scan3A_8, %dma_wait3A_83, %dma_wait3A_84] : memref<2x128x128xf32, #tpu.memory_space<vmem>> -> memref<1x128x128xf32, #tpu.memory_space<vmem>>
        %dma_wait3A_86 = tpu.memref_squeeze %dma_wait3A_85 : memref<1x128x128xf32, #tpu.memory_space<vmem>> -> memref<128x128xf32, #tpu.memory_space<vmem>>
        tpu.wait_dma2 semaphore(%run_scoped3A : memref<!tpu.dma_semaphore, #tpu.memory_space<semaphore_mem>>) src(%dma_wait3A_86 : memref<128x128xf32, #tpu.memory_space<vmem>>) dst(%dma_wait3A_82 : memref<128x128xf32, #tpu.memory_space<vmem_shared>>)
        tpu.yield
      }) : () -> ()
    }
    %scan3A_13 = arith.constant 5 : i32
    %barrier3A = arith.constant 0 : index
    tpu.barrier barrier_id(%barrier3A)
    %dma_start3A = arith.constant 0 : i32
    %dma_start3A_14 = arith.constant 0 : i32
    %dma_start3A_15 = arith.constant 0 : i32
    %dma_start3A_16 = tpu.memref_slice %arg9[%dma_start3A, %dma_start3A_14, %dma_start3A_15] : memref<2x128x128xf32, #tpu.memory_space<vmem>> -> memref<1x128x128xf32, #tpu.memory_space<vmem>>
    %dma_start3A_17 = tpu.memref_squeeze %dma_start3A_16 : memref<1x128x128xf32, #tpu.memory_space<vmem>> -> memref<128x128xf32, #tpu.memory_space<vmem>>
    %dma_start3A_18 = arith.constant 0 : i32
    %dma_start3A_19 = tpu.memref_slice %arg6[%dma_start3A_18] : memref<10240xi32, #tpu.memory_space<vmem>> -> memref<128xi32, #tpu.memory_space<vmem>>
    %dma_start3A_20 = arith.constant 0 : i32
    %dma_start3A_21 = arith.constant 0 : i32
    %dma_start3A_22 = tpu.memref_slice %arg2[%dma_start3A_20, %dma_start3A_21] : memref<10240x128xf32, #tpu.memory_space<hbm>> -> memref<10240x128xf32, #tpu.memory_space<hbm>>
    tpu.enqueue_indirect_dma source(%dma_start3A_22 : memref<10240x128xf32, #tpu.memory_space<hbm>>) target(%dma_start3A_17 : memref<128x128xf32, #tpu.memory_space<vmem>>) offsets(%dma_start3A_19 : memref<128xi32, #tpu.memory_space<vmem>>) semaphore(%arg11 : memref<!tpu.dma_semaphore, #tpu.memory_space<semaphore_mem>>)
    %add3A_23 = arith.constant 0 : i32
    %add3A_24 = arith.addi %add3A, %add3A_23 : i32
    %dma_start3A_25 = tpu.memref_slice %arg4[%add3A_24] : memref<327680xi32, #tpu.memory_space<hbm>> -> memref<128xi32, #tpu.memory_space<hbm>>
    %dma_start3A_26 = tpu.memref_slice %arg4[%add3A_24] : memref<327680xi32, #tpu.memory_space<hbm>> -> memref<128xi32, #tpu.memory_space<hbm>>
    tpu.enqueue_dma source(%dma_start3A_26 : memref<128xi32, #tpu.memory_space<hbm>>) target(%arg7 : memref<128xi32, #tpu.memory_space<vmem>>) target_semaphore(%arg13 : memref<!tpu.dma_semaphore, #tpu.memory_space<semaphore_mem>>)
    %scan3A_27 = arith.constant 0 : i32
    %scan3A_28 = arith.constant 40 : i32
    %scan3A_29 = arith.addi %scan3A_27, %scan3A_28 : i32
    %scan3A_30 = arith.constant 1 : i32
    scf.for %scan3A_57 = %scan3A_27 to %scan3A_29 step %scan3A_30  : i32 {
      %mul3A_58 = arith.constant 2 : i32
      %mul3A_59 = arith.muli %mul3A_58, %scan3A_57 : i32
      %add3A_60 = arith.constant 1 : i32
      %add3A_61 = arith.addi %mul3A_59, %add3A_60 : i32
      %mul3A_62 = arith.constant 128 : i32
      %mul3A_63 = arith.muli %add3A_61, %mul3A_62 : i32
      %dma_start3A_64 = arith.constant 1 : i32
      %dma_start3A_65 = arith.constant 0 : i32
      %dma_start3A_66 = arith.constant 0 : i32
      %dma_start3A_67 = tpu.memref_slice %arg9[%dma_start3A_64, %dma_start3A_65, %dma_start3A_66] : memref<2x128x128xf32, #tpu.memory_space<vmem>> -> memref<1x128x128xf32, #tpu.memory_space<vmem>>
      %dma_start3A_68 = tpu.memref_squeeze %dma_start3A_67 : memref<1x128x128xf32, #tpu.memory_space<vmem>> -> memref<128x128xf32, #tpu.memory_space<vmem>>
      %dma_start3A_69 = tpu.memref_slice %arg6[%mul3A_63] : memref<10240xi32, #tpu.memory_space<vmem>> -> memref<128xi32, #tpu.memory_space<vmem>>
      %dma_start3A_70 = arith.constant 0 : i32
      %dma_start3A_71 = arith.constant 0 : i32
      %dma_start3A_72 = tpu.memref_slice %arg2[%dma_start3A_70, %dma_start3A_71] : memref<10240x128xf32, #tpu.memory_space<hbm>> -> memref<10240x128xf32, #tpu.memory_space<hbm>>
      tpu.enqueue_indirect_dma source(%dma_start3A_72 : memref<10240x128xf32, #tpu.memory_space<hbm>>) target(%dma_start3A_68 : memref<128x128xf32, #tpu.memory_space<vmem>>) offsets(%dma_start3A_69 : memref<128xi32, #tpu.memory_space<vmem>>) semaphore(%arg12 : memref<!tpu.dma_semaphore, #tpu.memory_space<semaphore_mem>>)
      %add3A_73 = arith.constant 1 : i32
      %add3A_74 = arith.addi %mul3A_59, %add3A_73 : i32
      %mul3A_75 = arith.constant 128 : i32
      %mul3A_76 = arith.muli %add3A_74, %mul3A_75 : i32
      %add3A_77 = arith.addi %add3A, %mul3A_76 : i32
      %dma_start3A_78 = tpu.memref_slice %arg4[%add3A_77] : memref<327680xi32, #tpu.memory_space<hbm>> -> memref<128xi32, #tpu.memory_space<hbm>>
      %dma_start3A_79 = tpu.memref_slice %arg4[%add3A_77] : memref<327680xi32, #tpu.memory_space<hbm>> -> memref<128xi32, #tpu.memory_space<hbm>>
      tpu.enqueue_dma source(%dma_start3A_79 : memref<128xi32, #tpu.memory_space<hbm>>) target(%arg8 : memref<128xi32, #tpu.memory_space<vmem>>) target_semaphore(%arg14 : memref<!tpu.dma_semaphore, #tpu.memory_space<semaphore_mem>>)
      %dma_wait3A_80 = arith.constant 0 : i32
      %dma_wait3A_81 = arith.constant 0 : i32
      %dma_wait3A_82 = arith.constant 0 : i32
      %dma_wait3A_83 = tpu.memref_slice %arg9[%dma_wait3A_80, %dma_wait3A_81, %dma_wait3A_82] : memref<2x128x128xf32, #tpu.memory_space<vmem>> -> memref<1x128x128xf32, #tpu.memory_space<vmem>>
      %dma_wait3A_84 = tpu.memref_squeeze %dma_wait3A_83 : memref<1x128x128xf32, #tpu.memory_space<vmem>> -> memref<128x128xf32, #tpu.memory_space<vmem>>
      %dma_wait3A_85 = arith.constant 0 : i32
      %dma_wait3A_86 = arith.constant 0 : i32
      %dma_wait3A_87 = tpu.memref_slice %arg2[%dma_wait3A_85, %dma_wait3A_86] : memref<10240x128xf32, #tpu.memory_space<hbm>> -> memref<128x128xf32, #tpu.memory_space<hbm>>
      %dma_wait3A_88 = arith.constant 0 : i32
      %dma_wait3A_89 = arith.constant 0 : i32
      %dma_wait3A_90 = tpu.memref_slice %arg9[%dma_wait3A_80, %dma_wait3A_88, %dma_wait3A_89] : memref<2x128x128xf32, #tpu.memory_space<vmem>> -> memref<1x128x128xf32, #tpu.memory_space<vmem>>
      %dma_wait3A_91 = tpu.memref_squeeze %dma_wait3A_90 : memref<1x128x128xf32, #tpu.memory_space<vmem>> -> memref<128x128xf32, #tpu.memory_space<vmem>>
      %dma_wait3A_92 = arith.constant 0 : i32
      %dma_wait3A_93 = arith.constant 0 : i32
      %dma_wait3A_94 = tpu.memref_slice %arg2[%dma_wait3A_92, %dma_wait3A_93] : memref<10240x128xf32, #tpu.memory_space<hbm>> -> memref<128x128xf32, #tpu.memory_space<hbm>>
      tpu.wait_dma2 semaphore(%arg11 : memref<!tpu.dma_semaphore, #tpu.memory_space<semaphore_mem>>) src(%dma_wait3A_94 : memref<128x128xf32, #tpu.memory_space<hbm>>) dst(%dma_wait3A_91 : memref<128x128xf32, #tpu.memory_space<vmem>>)
      %dma_wait3A_95 = arith.constant 0 : i32
      %dma_wait3A_96 = tpu.memref_slice %arg4[%dma_wait3A_95] : memref<327680xi32, #tpu.memory_space<hbm>> -> memref<128xi32, #tpu.memory_space<hbm>>
      %dma_wait3A_97 = arith.constant 0 : i32
      %dma_wait3A_98 = tpu.memref_slice %arg4[%dma_wait3A_97] : memref<327680xi32, #tpu.memory_space<hbm>> -> memref<128xi32, #tpu.memory_space<hbm>>
      tpu.wait_dma2 semaphore(%arg13 : memref<!tpu.dma_semaphore, #tpu.memory_space<semaphore_mem>>) src(%dma_wait3A_98 : memref<128xi32, #tpu.memory_space<hbm>>) dst(%arg7 : memref<128xi32, #tpu.memory_space<vmem>>)
      %run_scoped3A = arith.constant 0 : i32
      "tpu.region"() ({
        %run_scoped3A_138 = tpu.sem_alloc : memref<!tpu.dma_semaphore, #tpu.memory_space<semaphore_mem>>
        %dma_start3A_139 = arith.constant 0 : i32
        %dma_start3A_140 = arith.constant 0 : i32
        %dma_start3A_141 = tpu.memref_slice %arg9[%run_scoped3A, %dma_start3A_139, %dma_start3A_140] : memref<2x128x128xf32, #tpu.memory_space<vmem>> -> memref<1x128x128xf32, #tpu.memory_space<vmem>>
        %dma_start3A_142 = tpu.memref_squeeze %dma_start3A_141 : memref<1x128x128xf32, #tpu.memory_space<vmem>> -> memref<128x128xf32, #tpu.memory_space<vmem>>
        %dma_start3A_143 = arith.constant 0 : i32
        %dma_start3A_144 = arith.constant 0 : i32
        %dma_start3A_145 = tpu.memref_slice %arg10[%dma_start3A_143, %dma_start3A_144] : memref<10240x128xf32, #tpu.memory_space<vmem_shared>> -> memref<10240x128xf32, #tpu.memory_space<vmem_shared>>
        tpu.enqueue_indirect_dma source(%dma_start3A_142 : memref<128x128xf32, #tpu.memory_space<vmem>>) target(%dma_start3A_145 : memref<10240x128xf32, #tpu.memory_space<vmem_shared>>) offsets(%arg7 : memref<128xi32, #tpu.memory_space<vmem>>) semaphore(%run_scoped3A_138 : memref<!tpu.dma_semaphore, #tpu.memory_space<semaphore_mem>>) {add = true}
        %dma_wait3A_146 = arith.constant 0 : i32
        %dma_wait3A_147 = arith.constant 0 : i32
        %dma_wait3A_148 = tpu.memref_slice %arg9[%run_scoped3A, %dma_wait3A_146, %dma_wait3A_147] : memref<2x128x128xf32, #tpu.memory_space<vmem>> -> memref<1x128x128xf32, #tpu.memory_space<vmem>>
        %dma_wait3A_149 = tpu.memref_squeeze %dma_wait3A_148 : memref<1x128x128xf32, #tpu.memory_space<vmem>> -> memref<128x128xf32, #tpu.memory_space<vmem>>
        %dma_wait3A_150 = arith.constant 0 : i32
        %dma_wait3A_151 = arith.constant 0 : i32
        %dma_wait3A_152 = tpu.memref_slice %arg10[%dma_wait3A_150, %dma_wait3A_151] : memref<10240x128xf32, #tpu.memory_space<vmem_shared>> -> memref<10240x128xf32, #tpu.memory_space<vmem_shared>>
        tpu.wait_indirect_dma semaphore(%run_scoped3A_138 : memref<!tpu.dma_semaphore, #tpu.memory_space<semaphore_mem>>) src(%dma_wait3A_149 : memref<128x128xf32, #tpu.memory_space<vmem>>) dst(%dma_wait3A_152 : memref<10240x128xf32, #tpu.memory_space<vmem_shared>>)
        tpu.yield
      }) : () -> ()
      %add3A_99 = arith.constant 2 : i32
      %add3A_100 = arith.addi %mul3A_59, %add3A_99 : i32
      %eq3A = arith.constant 80 : i32
      %eq3A_101 = arith.cmpi eq, %add3A_100, %eq3A : i32
      %jit3A = arith.constant 0 : i32
      %select_n3A = arith.select %eq3A_101, %jit3A, %add3A_100 : i32
      %mul3A_102 = arith.constant 128 : i32
      %mul3A_103 = arith.muli %select_n3A, %mul3A_102 : i32
      %dma_start3A_104 = arith.constant 0 : i32
      %dma_start3A_105 = arith.constant 0 : i32
      %dma_start3A_106 = arith.constant 0 : i32
      %dma_start3A_107 = tpu.memref_slice %arg9[%dma_start3A_104, %dma_start3A_105, %dma_start3A_106] : memref<2x128x128xf32, #tpu.memory_space<vmem>> -> memref<1x128x128xf32, #tpu.memory_space<vmem>>
      %dma_start3A_108 = tpu.memref_squeeze %dma_start3A_107 : memref<1x128x128xf32, #tpu.memory_space<vmem>> -> memref<128x128xf32, #tpu.memory_space<vmem>>
      %dma_start3A_109 = tpu.memref_slice %arg6[%mul3A_103] : memref<10240xi32, #tpu.memory_space<vmem>> -> memref<128xi32, #tpu.memory_space<vmem>>
      %dma_start3A_110 = arith.constant 0 : i32
      %dma_start3A_111 = arith.constant 0 : i32
      %dma_start3A_112 = tpu.memref_slice %arg2[%dma_start3A_110, %dma_start3A_111] : memref<10240x128xf32, #tpu.memory_space<hbm>> -> memref<10240x128xf32, #tpu.memory_space<hbm>>
      tpu.enqueue_indirect_dma source(%dma_start3A_112 : memref<10240x128xf32, #tpu.memory_space<hbm>>) target(%dma_start3A_108 : memref<128x128xf32, #tpu.memory_space<vmem>>) offsets(%dma_start3A_109 : memref<128xi32, #tpu.memory_space<vmem>>) semaphore(%arg11 : memref<!tpu.dma_semaphore, #tpu.memory_space<semaphore_mem>>)
      %mul3A_113 = arith.constant 128 : i32
      %mul3A_114 = arith.muli %select_n3A, %mul3A_113 : i32
      %add3A_115 = arith.addi %add3A, %mul3A_114 : i32
      %dma_start3A_116 = tpu.memref_slice %arg4[%add3A_115] : memref<327680xi32, #tpu.memory_space<hbm>> -> memref<128xi32, #tpu.memory_space<hbm>>
      %dma_start3A_117 = tpu.memref_slice %arg4[%add3A_115] : memref<327680xi32, #tpu.memory_space<hbm>> -> memref<128xi32, #tpu.memory_space<hbm>>
      tpu.enqueue_dma source(%dma_start3A_117 : memref<128xi32, #tpu.memory_space<hbm>>) target(%arg7 : memref<128xi32, #tpu.memory_space<vmem>>) target_semaphore(%arg13 : memref<!tpu.dma_semaphore, #tpu.memory_space<semaphore_mem>>)
      %dma_wait3A_118 = arith.constant 1 : i32
      %dma_wait3A_119 = arith.constant 0 : i32
      %dma_wait3A_120 = arith.constant 0 : i32
      %dma_wait3A_121 = tpu.memref_slice %arg9[%dma_wait3A_118, %dma_wait3A_119, %dma_wait3A_120] : memref<2x128x128xf32, #tpu.memory_space<vmem>> -> memref<1x128x128xf32, #tpu.memory_space<vmem>>
      %dma_wait3A_122 = tpu.memref_squeeze %dma_wait3A_121 : memref<1x128x128xf32, #tpu.memory_space<vmem>> -> memref<128x128xf32, #tpu.memory_space<vmem>>
      %dma_wait3A_123 = arith.constant 0 : i32
      %dma_wait3A_124 = arith.constant 0 : i32
      %dma_wait3A_125 = tpu.memref_slice %arg2[%dma_wait3A_123, %dma_wait3A_124] : memref<10240x128xf32, #tpu.memory_space<hbm>> -> memref<128x128xf32, #tpu.memory_space<hbm>>
      %dma_wait3A_126 = arith.constant 0 : i32
      %dma_wait3A_127 = arith.constant 0 : i32
      %dma_wait3A_128 = tpu.memref_slice %arg9[%dma_wait3A_118, %dma_wait3A_126, %dma_wait3A_127] : memref<2x128x128xf32, #tpu.memory_space<vmem>> -> memref<1x128x128xf32, #tpu.memory_space<vmem>>
      %dma_wait3A_129 = tpu.memref_squeeze %dma_wait3A_128 : memref<1x128x128xf32, #tpu.memory_space<vmem>> -> memref<128x128xf32, #tpu.memory_space<vmem>>
      %dma_wait3A_130 = arith.constant 0 : i32
      %dma_wait3A_131 = arith.constant 0 : i32
      %dma_wait3A_132 = tpu.memref_slice %arg2[%dma_wait3A_130, %dma_wait3A_131] : memref<10240x128xf32, #tpu.memory_space<hbm>> -> memref<128x128xf32, #tpu.memory_space<hbm>>
      tpu.wait_dma2 semaphore(%arg12 : memref<!tpu.dma_semaphore, #tpu.memory_space<semaphore_mem>>) src(%dma_wait3A_132 : memref<128x128xf32, #tpu.memory_space<hbm>>) dst(%dma_wait3A_129 : memref<128x128xf32, #tpu.memory_space<vmem>>)
      %dma_wait3A_133 = arith.constant 0 : i32
      %dma_wait3A_134 = tpu.memref_slice %arg4[%dma_wait3A_133] : memref<327680xi32, #tpu.memory_space<hbm>> -> memref<128xi32, #tpu.memory_space<hbm>>
      %dma_wait3A_135 = arith.constant 0 : i32
      %dma_wait3A_136 = tpu.memref_slice %arg4[%dma_wait3A_135] : memref<327680xi32, #tpu.memory_space<hbm>> -> memref<128xi32, #tpu.memory_space<hbm>>
      tpu.wait_dma2 semaphore(%arg14 : memref<!tpu.dma_semaphore, #tpu.memory_space<semaphore_mem>>) src(%dma_wait3A_136 : memref<128xi32, #tpu.memory_space<hbm>>) dst(%arg8 : memref<128xi32, #tpu.memory_space<vmem>>)
      %run_scoped3A_137 = arith.constant 1 : i32
      "tpu.region"() ({
        %run_scoped3A_138 = tpu.sem_alloc : memref<!tpu.dma_semaphore, #tpu.memory_space<semaphore_mem>>
        %dma_start3A_139 = arith.constant 0 : i32
        %dma_start3A_140 = arith.constant 0 : i32
        %dma_start3A_141 = tpu.memref_slice %arg9[%run_scoped3A_137, %dma_start3A_139, %dma_start3A_140] : memref<2x128x128xf32, #tpu.memory_space<vmem>> -> memref<1x128x128xf32, #tpu.memory_space<vmem>>
        %dma_start3A_142 = tpu.memref_squeeze %dma_start3A_141 : memref<1x128x128xf32, #tpu.memory_space<vmem>> -> memref<128x128xf32, #tpu.memory_space<vmem>>
        %dma_start3A_143 = arith.constant 0 : i32
        %dma_start3A_144 = arith.constant 0 : i32
        %dma_start3A_145 = tpu.memref_slice %arg10[%dma_start3A_143, %dma_start3A_144] : memref<10240x128xf32, #tpu.memory_space<vmem_shared>> -> memref<10240x128xf32, #tpu.memory_space<vmem_shared>>
        tpu.enqueue_indirect_dma source(%dma_start3A_142 : memref<128x128xf32, #tpu.memory_space<vmem>>) target(%dma_start3A_145 : memref<10240x128xf32, #tpu.memory_space<vmem_shared>>) offsets(%arg8 : memref<128xi32, #tpu.memory_space<vmem>>) semaphore(%run_scoped3A_138 : memref<!tpu.dma_semaphore, #tpu.memory_space<semaphore_mem>>) {add = true}
        %dma_wait3A_146 = arith.constant 0 : i32
        %dma_wait3A_147 = arith.constant 0 : i32
        %dma_wait3A_148 = tpu.memref_slice %arg9[%run_scoped3A_137, %dma_wait3A_146, %dma_wait3A_147] : memref<2x128x128xf32, #tpu.memory_space<vmem>> -> memref<1x128x128xf32, #tpu.memory_space<vmem>>
        %dma_wait3A_149 = tpu.memref_squeeze %dma_wait3A_148 : memref<1x128x128xf32, #tpu.memory_space<vmem>> -> memref<128x128xf32, #tpu.memory_space<vmem>>
        %dma_wait3A_150 = arith.constant 0 : i32
        %dma_wait3A_151 = arith.constant 0 : i32
        %dma_wait3A_152 = tpu.memref_slice %arg10[%dma_wait3A_150, %dma_wait3A_151] : memref<10240x128xf32, #tpu.memory_space<vmem_shared>> -> memref<10240x128xf32, #tpu.memory_space<vmem_shared>>
        tpu.wait_indirect_dma semaphore(%run_scoped3A_138 : memref<!tpu.dma_semaphore, #tpu.memory_space<semaphore_mem>>) src(%dma_wait3A_149 : memref<128x128xf32, #tpu.memory_space<vmem>>) dst(%dma_wait3A_152 : memref<10240x128xf32, #tpu.memory_space<vmem_shared>>)
        tpu.yield
      }) : () -> ()
    }
    %scan3A_31 = arith.constant 40 : i32
    %dma_wait3A = arith.constant 0 : i32
    %dma_wait3A_32 = arith.constant 0 : i32
    %dma_wait3A_33 = arith.constant 0 : i32
    %dma_wait3A_34 = tpu.memref_slice %arg9[%dma_wait3A, %dma_wait3A_32, %dma_wait3A_33] : memref<2x128x128xf32, #tpu.memory_space<vmem>> -> memref<1x128x128xf32, #tpu.memory_space<vmem>>
    %dma_wait3A_35 = tpu.memref_squeeze %dma_wait3A_34 : memref<1x128x128xf32, #tpu.memory_space<vmem>> -> memref<128x128xf32, #tpu.memory_space<vmem>>
    %dma_wait3A_36 = arith.constant 0 : i32
    %dma_wait3A_37 = arith.constant 0 : i32
    %dma_wait3A_38 = tpu.memref_slice %arg2[%dma_wait3A_36, %dma_wait3A_37] : memref<10240x128xf32, #tpu.memory_space<hbm>> -> memref<128x128xf32, #tpu.memory_space<hbm>>
    %dma_wait3A_39 = arith.constant 0 : i32
    %dma_wait3A_40 = arith.constant 0 : i32
    %dma_wait3A_41 = tpu.memref_slice %arg9[%dma_wait3A, %dma_wait3A_39, %dma_wait3A_40] : memref<2x128x128xf32, #tpu.memory_space<vmem>> -> memref<1x128x128xf32, #tpu.memory_space<vmem>>
    %dma_wait3A_42 = tpu.memref_squeeze %dma_wait3A_41 : memref<1x128x128xf32, #tpu.memory_space<vmem>> -> memref<128x128xf32, #tpu.memory_space<vmem>>
    %dma_wait3A_43 = arith.constant 0 : i32
    %dma_wait3A_44 = arith.constant 0 : i32
    %dma_wait3A_45 = tpu.memref_slice %arg2[%dma_wait3A_43, %dma_wait3A_44] : memref<10240x128xf32, #tpu.memory_space<hbm>> -> memref<128x128xf32, #tpu.memory_space<hbm>>
    tpu.wait_dma2 semaphore(%arg11 : memref<!tpu.dma_semaphore, #tpu.memory_space<semaphore_mem>>) src(%dma_wait3A_45 : memref<128x128xf32, #tpu.memory_space<hbm>>) dst(%dma_wait3A_42 : memref<128x128xf32, #tpu.memory_space<vmem>>)
    %dma_wait3A_46 = arith.constant 0 : i32
    %dma_wait3A_47 = tpu.memref_slice %arg4[%dma_wait3A_46] : memref<327680xi32, #tpu.memory_space<hbm>> -> memref<128xi32, #tpu.memory_space<hbm>>
    %dma_wait3A_48 = arith.constant 0 : i32
    %dma_wait3A_49 = tpu.memref_slice %arg4[%dma_wait3A_48] : memref<327680xi32, #tpu.memory_space<hbm>> -> memref<128xi32, #tpu.memory_space<hbm>>
    tpu.wait_dma2 semaphore(%arg13 : memref<!tpu.dma_semaphore, #tpu.memory_space<semaphore_mem>>) src(%dma_wait3A_49 : memref<128xi32, #tpu.memory_space<hbm>>) dst(%arg7 : memref<128xi32, #tpu.memory_space<vmem>>)
    %barrier3A_50 = arith.constant 0 : index
    tpu.barrier barrier_id(%barrier3A_50)
    %scan3A_51 = arith.constant 0 : i32
    %scan3A_52 = arith.constant 0 : i32
    %scan3A_53 = arith.constant 5 : i32
    %scan3A_54 = arith.addi %scan3A_52, %scan3A_53 : i32
    %scan3A_55 = arith.constant 1 : i32
    scf.for %scan3A_57 = %scan3A_52 to %scan3A_54 step %scan3A_55  : i32 {
      %mul3A_58 = arith.constant 640 : i32
      %mul3A_59 = arith.muli %arg1, %mul3A_58 : i32
      %mul3A_60 = arith.constant 128 : i32
      %mul3A_61 = arith.muli %scan3A_57, %mul3A_60 : i32
      %add3A_62 = arith.addi %mul3A_59, %mul3A_61 : i32
      "tpu.region"() ({
        %run_scoped3A = tpu.sem_alloc : memref<!tpu.dma_semaphore, #tpu.memory_space<semaphore_mem>>
        %dma_start3A_63 = arith.constant 0 : i32
        %dma_start3A_64 = arith.constant 0 : i32
        %dma_start3A_65 = tpu.memref_slice %arg9[%scan3A_51, %dma_start3A_63, %dma_start3A_64] : memref<2x128x128xf32, #tpu.memory_space<vmem>> -> memref<1x128x128xf32, #tpu.memory_space<vmem>>
        %dma_start3A_66 = tpu.memref_squeeze %dma_start3A_65 : memref<1x128x128xf32, #tpu.memory_space<vmem>> -> memref<128x128xf32, #tpu.memory_space<vmem>>
        %dma_start3A_67 = arith.constant 0 : i32
        %dma_start3A_68 = tpu.memref_slice %arg10[%add3A_62, %dma_start3A_67] : memref<10240x128xf32, #tpu.memory_space<vmem_shared>> -> memref<128x128xf32, #tpu.memory_space<vmem_shared>>
        %dma_start3A_69 = arith.constant 0 : i32
        %dma_start3A_70 = arith.constant 0 : i32
        %dma_start3A_71 = tpu.memref_slice %arg9[%scan3A_51, %dma_start3A_69, %dma_start3A_70] : memref<2x128x128xf32, #tpu.memory_space<vmem>> -> memref<1x128x128xf32, #tpu.memory_space<vmem>>
        %dma_start3A_72 = tpu.memref_squeeze %dma_start3A_71 : memref<1x128x128xf32, #tpu.memory_space<vmem>> -> memref<128x128xf32, #tpu.memory_space<vmem>>
        %dma_start3A_73 = arith.constant 0 : i32
        %dma_start3A_74 = tpu.memref_slice %arg10[%add3A_62, %dma_start3A_73] : memref<10240x128xf32, #tpu.memory_space<vmem_shared>> -> memref<128x128xf32, #tpu.memory_space<vmem_shared>>
        tpu.enqueue_dma source(%dma_start3A_74 : memref<128x128xf32, #tpu.memory_space<vmem_shared>>) target(%dma_start3A_72 : memref<128x128xf32, #tpu.memory_space<vmem>>) target_semaphore(%run_scoped3A : memref<!tpu.dma_semaphore, #tpu.memory_space<semaphore_mem>>)
        %dma_wait3A_75 = arith.constant 0 : i32
        %dma_wait3A_76 = arith.constant 0 : i32
        %dma_wait3A_77 = tpu.memref_slice %arg9[%scan3A_51, %dma_wait3A_75, %dma_wait3A_76] : memref<2x128x128xf32, #tpu.memory_space<vmem>> -> memref<1x128x128xf32, #tpu.memory_space<vmem>>
        %dma_wait3A_78 = tpu.memref_squeeze %dma_wait3A_77 : memref<1x128x128xf32, #tpu.memory_space<vmem>> -> memref<128x128xf32, #tpu.memory_space<vmem>>
        %dma_wait3A_79 = arith.constant 0 : i32
        %dma_wait3A_80 = tpu.memref_slice %arg10[%add3A_62, %dma_wait3A_79] : memref<10240x128xf32, #tpu.memory_space<vmem_shared>> -> memref<128x128xf32, #tpu.memory_space<vmem_shared>>
        %dma_wait3A_81 = arith.constant 0 : i32
        %dma_wait3A_82 = arith.constant 0 : i32
        %dma_wait3A_83 = tpu.memref_slice %arg9[%scan3A_51, %dma_wait3A_81, %dma_wait3A_82] : memref<2x128x128xf32, #tpu.memory_space<vmem>> -> memref<1x128x128xf32, #tpu.memory_space<vmem>>
        %dma_wait3A_84 = tpu.memref_squeeze %dma_wait3A_83 : memref<1x128x128xf32, #tpu.memory_space<vmem>> -> memref<128x128xf32, #tpu.memory_space<vmem>>
        %dma_wait3A_85 = arith.constant 0 : i32
        %dma_wait3A_86 = tpu.memref_slice %arg10[%add3A_62, %dma_wait3A_85] : memref<10240x128xf32, #tpu.memory_space<vmem_shared>> -> memref<128x128xf32, #tpu.memory_space<vmem_shared>>
        tpu.wait_dma2 semaphore(%run_scoped3A : memref<!tpu.dma_semaphore, #tpu.memory_space<semaphore_mem>>) src(%dma_wait3A_86 : memref<128x128xf32, #tpu.memory_space<vmem_shared>>) dst(%dma_wait3A_84 : memref<128x128xf32, #tpu.memory_space<vmem>>)
        tpu.yield
      }) : () -> ()
      "tpu.region"() ({
        %run_scoped3A = tpu.sem_alloc : memref<!tpu.dma_semaphore, #tpu.memory_space<semaphore_mem>>
        %dma_start3A_63 = arith.constant 0 : i32
        %dma_start3A_64 = arith.constant 0 : i32
        %dma_start3A_65 = tpu.memref_slice %arg9[%scan3A_51, %dma_start3A_63, %dma_start3A_64] : memref<2x128x128xf32, #tpu.memory_space<vmem>> -> memref<1x128x128xf32, #tpu.memory_space<vmem>>
        %dma_start3A_66 = tpu.memref_squeeze %dma_start3A_65 : memref<1x128x128xf32, #tpu.memory_space<vmem>> -> memref<128x128xf32, #tpu.memory_space<vmem>>
        %dma_start3A_67 = arith.constant 0 : i32
        %dma_start3A_68 = tpu.memref_slice %arg5[%arg0, %add3A_62, %dma_start3A_67] : memref<2x10240x128xf32, #tpu.memory_space<hbm>> -> memref<1x128x128xf32, #tpu.memory_space<hbm>>
        %dma_start3A_69 = tpu.memref_squeeze %dma_start3A_68 : memref<1x128x128xf32, #tpu.memory_space<hbm>> -> memref<128x128xf32, #tpu.memory_space<hbm>>
        %dma_start3A_70 = arith.constant 0 : i32
        %dma_start3A_71 = tpu.memref_slice %arg5[%arg0, %add3A_62, %dma_start3A_70] : memref<2x10240x128xf32, #tpu.memory_space<hbm>> -> memref<1x128x128xf32, #tpu.memory_space<hbm>>
        %dma_start3A_72 = tpu.memref_squeeze %dma_start3A_71 : memref<1x128x128xf32, #tpu.memory_space<hbm>> -> memref<128x128xf32, #tpu.memory_space<hbm>>
        %dma_start3A_73 = arith.constant 0 : i32
        %dma_start3A_74 = arith.constant 0 : i32
        %dma_start3A_75 = tpu.memref_slice %arg9[%scan3A_51, %dma_start3A_73, %dma_start3A_74] : memref<2x128x128xf32, #tpu.memory_space<vmem>> -> memref<1x128x128xf32, #tpu.memory_space<vmem>>
        %dma_start3A_76 = tpu.memref_squeeze %dma_start3A_75 : memref<1x128x128xf32, #tpu.memory_space<vmem>> -> memref<128x128xf32, #tpu.memory_space<vmem>>
        tpu.enqueue_dma source(%dma_start3A_76 : memref<128x128xf32, #tpu.memory_space<vmem>>) target(%dma_start3A_72 : memref<128x128xf32, #tpu.memory_space<hbm>>) target_semaphore(%run_scoped3A : memref<!tpu.dma_semaphore, #tpu.memory_space<semaphore_mem>>)
        %dma_wait3A_77 = arith.constant 0 : i32
        %dma_wait3A_78 = arith.constant 0 : i32
        %dma_wait3A_79 = tpu.memref_slice %arg9[%scan3A_51, %dma_wait3A_77, %dma_wait3A_78] : memref<2x128x128xf32, #tpu.memory_space<vmem>> -> memref<1x128x128xf32, #tpu.memory_space<vmem>>
        %dma_wait3A_80 = tpu.memref_squeeze %dma_wait3A_79 : memref<1x128x128xf32, #tpu.memory_space<vmem>> -> memref<128x128xf32, #tpu.memory_space<vmem>>
        %dma_wait3A_81 = arith.constant 0 : i32
        %dma_wait3A_82 = tpu.memref_slice %arg5[%arg0, %add3A_62, %dma_wait3A_81] : memref<2x10240x128xf32, #tpu.memory_space<hbm>> -> memref<1x128x128xf32, #tpu.memory_space<hbm>>
        %dma_wait3A_83 = tpu.memref_squeeze %dma_wait3A_82 : memref<1x128x128xf32, #tpu.memory_space<hbm>> -> memref<128x128xf32, #tpu.memory_space<hbm>>
        %dma_wait3A_84 = arith.constant 0 : i32
        %dma_wait3A_85 = tpu.memref_slice %arg5[%arg0, %add3A_62, %dma_wait3A_84] : memref<2x10240x128xf32, #tpu.memory_space<hbm>> -> memref<1x128x128xf32, #tpu.memory_space<hbm>>
        %dma_wait3A_86 = tpu.memref_squeeze %dma_wait3A_85 : memref<1x128x128xf32, #tpu.memory_space<hbm>> -> memref<128x128xf32, #tpu.memory_space<hbm>>
        %dma_wait3A_87 = arith.constant 0 : i32
        %dma_wait3A_88 = arith.constant 0 : i32
        %dma_wait3A_89 = tpu.memref_slice %arg9[%scan3A_51, %dma_wait3A_87, %dma_wait3A_88] : memref<2x128x128xf32, #tpu.memory_space<vmem>> -> memref<1x128x128xf32, #tpu.memory_space<vmem>>
        %dma_wait3A_90 = tpu.memref_squeeze %dma_wait3A_89 : memref<1x128x128xf32, #tpu.memory_space<vmem>> -> memref<128x128xf32, #tpu.memory_space<vmem>>
        tpu.wait_dma2 semaphore(%run_scoped3A : memref<!tpu.dma_semaphore, #tpu.memory_space<semaphore_mem>>) src(%dma_wait3A_90 : memref<128x128xf32, #tpu.memory_space<vmem>>) dst(%dma_wait3A_86 : memref<128x128xf32, #tpu.memory_space<hbm>>)
        tpu.yield
      }) : () -> ()
    }
    %scan3A_56 = arith.constant 5 : i32
    return
  }
}

module attributes {stable_mosaic.version = 14 : i64} {
  func.func @_tc_deg_body(%arg0: i32, %arg1: memref<2x1024x128xf32, #tpu.memory_space<vmem>>, %arg2: memref<1024x1xf32, #tpu.memory_space<vmem>>) attributes {dimension_semantics = [#tpu.dimension_semantics<arbitrary>], iteration_bounds = array<i64: 10>, scalar_prefetch = 0 : i64, scratch_operands = 0 : i64, tpu.core_type = #tpu.core_type<tc>, window_params = [{transform_indices = @transform_0, window_bounds = array<i64: 2, 1024, 128>}, {transform_indices = @transform_1, window_bounds = array<i64: 1024, 1>}]} {
    %get3A = arith.constant 0 : index
    %get3A_0 = arith.constant 0 : index
    %get3A_1 = arith.constant 0 : index
    %get3A_2 = vector.load %arg1[%get3A, %get3A_0, %get3A_1] : memref<2x1024x128xf32, #tpu.memory_space<vmem>>, vector<1x1024x1xf32>
    %get3A_3 = vector.shape_cast %get3A_2 : vector<1x1024x1xf32> to vector<1024x1xf32>
    %get3A_4 = arith.constant 1 : index
    %get3A_5 = arith.constant 0 : index
    %get3A_6 = arith.constant 0 : index
    %get3A_7 = vector.load %arg1[%get3A_4, %get3A_5, %get3A_6] : memref<2x1024x128xf32, #tpu.memory_space<vmem>>, vector<1x1024x1xf32>
    %get3A_8 = vector.shape_cast %get3A_7 : vector<1x1024x1xf32> to vector<1024x1xf32>
    %add3A = arith.addf %get3A_3, %get3A_8 : vector<1024x1xf32>
    %add3A_9 = arith.constant 1.000000e+00 : f32
    %add3A_10 = vector.broadcast %add3A_9 : f32 to vector<1024x1xf32>
    %add3A_11 = arith.addf %add3A, %add3A_10 : vector<1024x1xf32>
    %rsqrt3A = math.rsqrt %add3A_11 : vector<1024x1xf32>
    %swap3A = arith.constant 0 : index
    %swap3A_12 = arith.constant 0 : index
    %swap3A_13 = vector.load %arg2[%swap3A, %swap3A_12] : memref<1024x1xf32, #tpu.memory_space<vmem>>, vector<1024x1xf32>
    tpu.vector_store %arg2[%swap3A, %swap3A_12], %rsqrt3A {strides = array<i32>} : memref<1024x1xf32, #tpu.memory_space<vmem>>, vector<1024x1xf32>,
    return
  }
  func.func @transform_0(%arg0: i32) -> (i32, i32, i32) {
    %c0_i32 = arith.constant 0 : i32
    %c0_i32_0 = arith.constant 0 : i32
    %c0_i32_1 = arith.constant 0 : i32
    return %c0_i32, %arg0, %c0_i32_0 : i32, i32, i32
  }
  func.func @transform_1(%arg0: i32) -> (i32, i32) {
    %c0_i32 = arith.constant 0 : i32
    %c0_i32_0 = arith.constant 0 : i32
    return %arg0, %c0_i32 : i32, i32
  }
}

module attributes {stable_mosaic.version = 14 : i64} {
  func.func @_tc_a_body(%arg0: i32, %arg1: memref<1024x128xf32, #tpu.memory_space<vmem>>, %arg2: memref<1024x1xf32, #tpu.memory_space<vmem>>, %arg3: memref<128x128xf32, #tpu.memory_space<vmem>>, %arg4: memref<1024x128xf32, #tpu.memory_space<vmem>>, %arg5: memref<1024x128xf32, #tpu.memory_space<vmem>>) attributes {dimension_semantics = [#tpu.dimension_semantics<arbitrary>], iteration_bounds = array<i64: 10>, scalar_prefetch = 0 : i64, scratch_operands = 0 : i64, tpu.core_type = #tpu.core_type<tc>, window_params = [{transform_indices = @transform_0, window_bounds = array<i64: 1024, 128>}, {transform_indices = @transform_1, window_bounds = array<i64: 1024, 1>}, {pipeline_mode = #tpu.pipeline_mode<synchronous>, transform_indices = @transform_2, window_bounds = array<i64: 128, 128>}, {transform_indices = @transform_3, window_bounds = array<i64: 1024, 128>}, {transform_indices = @transform_4, window_bounds = array<i64: 1024, 128>}]} {
    %get3A = arith.constant 0 : index
    %get3A_0 = arith.constant 0 : index
    %get3A_1 = vector.load %arg1[%get3A, %get3A_0] : memref<1024x128xf32, #tpu.memory_space<vmem>>, vector<1024x128xf32>
    %get3A_2 = arith.constant 0 : index
    %get3A_3 = arith.constant 0 : index
    %get3A_4 = vector.load %arg3[%get3A_2, %get3A_3] : memref<128x128xf32, #tpu.memory_space<vmem>>, vector<128x128xf32>
    %dot_general3A = arith.constant dense<0.000000e+00> : vector<1024x128xf32>
    %dot_general3A_5 = tpu.matmul %get3A_1, %get3A_4, %dot_general3A {dimension_numbers = #tpu.dot_dimension_numbers<[1], [0], [0], [1], [0, 0, 1, 1], [], []>, transpose_lhs_hint = false} : vector<1024x128xf32>, vector<128x128xf32>, vector<1024x128xf32> -> vector<1024x128xf32>
    %swap3A = arith.constant 0 : index
    %swap3A_6 = arith.constant 0 : index
    %swap3A_7 = vector.load %arg4[%swap3A, %swap3A_6] : memref<1024x128xf32, #tpu.memory_space<vmem>>, vector<1024x128xf32>
    tpu.vector_store %arg4[%swap3A, %swap3A_6], %dot_general3A_5 {strides = array<i32>} : memref<1024x128xf32, #tpu.memory_space<vmem>>, vector<1024x128xf32>,
    %get3A_8 = arith.constant 0 : index
    %get3A_9 = arith.constant 0 : index
    %get3A_10 = vector.load %arg2[%get3A_8, %get3A_9] : memref<1024x1xf32, #tpu.memory_space<vmem>>, vector<1024x1xf32>
    %mul3A = vector.broadcast %get3A_10 : vector<1024x1xf32> to vector<1024x128xf32>
    %mul3A_11 = arith.mulf %dot_general3A_5, %mul3A : vector<1024x128xf32>
    %swap3A_12 = arith.constant 0 : index
    %swap3A_13 = arith.constant 0 : index
    %swap3A_14 = vector.load %arg5[%swap3A_12, %swap3A_13] : memref<1024x128xf32, #tpu.memory_space<vmem>>, vector<1024x128xf32>
    tpu.vector_store %arg5[%swap3A_12, %swap3A_13], %mul3A_11 {strides = array<i32>} : memref<1024x128xf32, #tpu.memory_space<vmem>>, vector<1024x128xf32>,
    return
  }
  func.func @transform_0(%arg0: i32) -> (i32, i32) {
    %c0_i32 = arith.constant 0 : i32
    %c0_i32_0 = arith.constant 0 : i32
    return %arg0, %c0_i32 : i32, i32
  }
  func.func @transform_1(%arg0: i32) -> (i32, i32) {
    %c0_i32 = arith.constant 0 : i32
    %c0_i32_0 = arith.constant 0 : i32
    return %arg0, %c0_i32 : i32, i32
  }
  func.func @transform_2(%arg0: i32) -> (i32, i32) {
    %c0_i32 = arith.constant 0 : i32
    %c0_i32_0 = arith.constant 0 : i32
    %c0_i32_1 = arith.constant 0 : i32
    return %c0_i32, %c0_i32_0 : i32, i32
  }
  func.func @transform_3(%arg0: i32) -> (i32, i32) {
    %c0_i32 = arith.constant 0 : i32
    %c0_i32_0 = arith.constant 0 : i32
    return %arg0, %c0_i32 : i32, i32
  }
  func.func @transform_4(%arg0: i32) -> (i32, i32) {
    %c0_i32 = arith.constant 0 : i32
    %c0_i32_0 = arith.constant 0 : i32
    return %arg0, %c0_i32 : i32, i32
  }
}

module attributes {stable_mosaic.version = 14 : i64} {
  func.func @_tc_b_body(%arg0: i32, %arg1: memref<2x1024x128xf32, #tpu.memory_space<vmem>>, %arg2: memref<1024x128xf32, #tpu.memory_space<vmem>>, %arg3: memref<1024x1xf32, #tpu.memory_space<vmem>>, %arg4: memref<1x128xf32, #tpu.memory_space<vmem>>, %arg5: memref<128x128xf32, #tpu.memory_space<vmem>>, %arg6: memref<1024x128xf32, #tpu.memory_space<vmem>>, %arg7: memref<1024x128xf32, #tpu.memory_space<vmem>>, %arg8: memref<1024x128xf32, #tpu.memory_space<vmem>>) attributes {dimension_semantics = [#tpu.dimension_semantics<arbitrary>], iteration_bounds = array<i64: 10>, scalar_prefetch = 0 : i64, scratch_operands = 0 : i64, tpu.core_type = #tpu.core_type<tc>, window_params = [{transform_indices = @transform_0, window_bounds = array<i64: 2, 1024, 128>}, {transform_indices = @transform_1, window_bounds = array<i64: 1024, 128>}, {transform_indices = @transform_2, window_bounds = array<i64: 1024, 1>}, {pipeline_mode = #tpu.pipeline_mode<synchronous>, transform_indices = @transform_3, window_bounds = array<i64: 1, 128>}, {pipeline_mode = #tpu.pipeline_mode<synchronous>, transform_indices = @transform_4, window_bounds = array<i64: 128, 128>}, {transform_indices = @transform_5, window_bounds = array<i64: 1024, 128>}, {transform_indices = @transform_6, window_bounds = array<i64: 1024, 128>}, {transform_indices = @transform_7, window_bounds = array<i64: 1024, 128>}]} {
    %get3A = arith.constant 0 : index
    %get3A_0 = arith.constant 0 : index
    %get3A_1 = vector.load %arg3[%get3A, %get3A_0] : memref<1024x1xf32, #tpu.memory_space<vmem>>, vector<1024x1xf32>
    %get3A_2 = arith.constant 0 : index
    %get3A_3 = arith.constant 0 : index
    %get3A_4 = arith.constant 0 : index
    %get3A_5 = vector.load %arg1[%get3A_2, %get3A_3, %get3A_4] : memref<2x1024x128xf32, #tpu.memory_space<vmem>>, vector<1x1024x128xf32>
    %get3A_6 = vector.shape_cast %get3A_5 : vector<1x1024x128xf32> to vector<1024x128xf32>
    %get3A_7 = arith.constant 1 : index
    %get3A_8 = arith.constant 0 : index
    %get3A_9 = arith.constant 0 : index
    %get3A_10 = vector.load %arg1[%get3A_7, %get3A_8, %get3A_9] : memref<2x1024x128xf32, #tpu.memory_space<vmem>>, vector<1x1024x128xf32>
    %get3A_11 = vector.shape_cast %get3A_10 : vector<1x1024x128xf32> to vector<1024x128xf32>
    %add3A = arith.addf %get3A_6, %get3A_11 : vector<1024x128xf32>
    %mul3A = vector.broadcast %get3A_1 : vector<1024x1xf32> to vector<1024x128xf32>
    %mul3A_12 = arith.mulf %mul3A, %add3A : vector<1024x128xf32>
    %mul3A_13 = arith.mulf %get3A_1, %get3A_1 : vector<1024x1xf32>
    %get3A_14 = arith.constant 0 : index
    %get3A_15 = arith.constant 0 : index
    %get3A_16 = vector.load %arg2[%get3A_14, %get3A_15] : memref<1024x128xf32, #tpu.memory_space<vmem>>, vector<1024x128xf32>
    %mul3A_17 = vector.broadcast %mul3A_13 : vector<1024x1xf32> to vector<1024x128xf32>
    %mul3A_18 = arith.mulf %mul3A_17, %get3A_16 : vector<1024x128xf32>
    %add3A_19 = arith.addf %mul3A_12, %mul3A_18 : vector<1024x128xf32>
    %get3A_20 = arith.constant 0 : index
    %get3A_21 = arith.constant 0 : index
    %get3A_22 = vector.load %arg4[%get3A_20, %get3A_21] : memref<1x128xf32, #tpu.memory_space<vmem>>, vector<1x128xf32>
    %add3A_23 = vector.broadcast %get3A_22 : vector<1x128xf32> to vector<1024x128xf32>
    %add3A_24 = arith.addf %add3A_19, %add3A_23 : vector<1024x128xf32>
    %max3A = arith.constant 0.000000e+00 : f32
    %max3A_25 = vector.broadcast %max3A : f32 to vector<1024x128xf32>
    %max3A_26 = arith.maximumf %add3A_24, %max3A_25 : vector<1024x128xf32>
    %swap3A = arith.constant 0 : index
    %swap3A_27 = arith.constant 0 : index
    %swap3A_28 = vector.load %arg6[%swap3A, %swap3A_27] : memref<1024x128xf32, #tpu.memory_space<vmem>>, vector<1024x128xf32>
    tpu.vector_store %arg6[%swap3A, %swap3A_27], %max3A_26 {strides = array<i32>} : memref<1024x128xf32, #tpu.memory_space<vmem>>, vector<1024x128xf32>,
    %get3A_29 = arith.constant 0 : index
    %get3A_30 = arith.constant 0 : index
    %get3A_31 = vector.load %arg5[%get3A_29, %get3A_30] : memref<128x128xf32, #tpu.memory_space<vmem>>, vector<128x128xf32>
    %dot_general3A = arith.constant dense<0.000000e+00> : vector<1024x128xf32>
    %dot_general3A_32 = tpu.matmul %max3A_26, %get3A_31, %dot_general3A {dimension_numbers = #tpu.dot_dimension_numbers<[1], [0], [0], [1], [0, 0, 1, 1], [], []>, transpose_lhs_hint = false} : vector<1024x128xf32>, vector<128x128xf32>, vector<1024x128xf32> -> vector<1024x128xf32>
    %swap3A_33 = arith.constant 0 : index
    %swap3A_34 = arith.constant 0 : index
    %swap3A_35 = vector.load %arg7[%swap3A_33, %swap3A_34] : memref<1024x128xf32, #tpu.memory_space<vmem>>, vector<1024x128xf32>
    tpu.vector_store %arg7[%swap3A_33, %swap3A_34], %dot_general3A_32 {strides = array<i32>} : memref<1024x128xf32, #tpu.memory_space<vmem>>, vector<1024x128xf32>,
    %mul3A_36 = vector.broadcast %get3A_1 : vector<1024x1xf32> to vector<1024x128xf32>
    %mul3A_37 = arith.mulf %dot_general3A_32, %mul3A_36 : vector<1024x128xf32>
    %swap3A_38 = arith.constant 0 : index
    %swap3A_39 = arith.constant 0 : index
    %swap3A_40 = vector.load %arg8[%swap3A_38, %swap3A_39] : memref<1024x128xf32, #tpu.memory_space<vmem>>, vector<1024x128xf32>
    tpu.vector_store %arg8[%swap3A_38, %swap3A_39], %mul3A_37 {strides = array<i32>} : memref<1024x128xf32, #tpu.memory_space<vmem>>, vector<1024x128xf32>,
    return
  }
  func.func @transform_0(%arg0: i32) -> (i32, i32, i32) {
    %c0_i32 = arith.constant 0 : i32
    %c0_i32_0 = arith.constant 0 : i32
    %c0_i32_1 = arith.constant 0 : i32
    return %c0_i32, %arg0, %c0_i32_0 : i32, i32, i32
  }
  func.func @transform_1(%arg0: i32) -> (i32, i32) {
    %c0_i32 = arith.constant 0 : i32
    %c0_i32_0 = arith.constant 0 : i32
    return %arg0, %c0_i32 : i32, i32
  }
  func.func @transform_2(%arg0: i32) -> (i32, i32) {
    %c0_i32 = arith.constant 0 : i32
    %c0_i32_0 = arith.constant 0 : i32
    return %arg0, %c0_i32 : i32, i32
  }
  func.func @transform_3(%arg0: i32) -> (i32, i32) {
    %c0_i32 = arith.constant 0 : i32
    %c0_i32_0 = arith.constant 0 : i32
    %c0_i32_1 = arith.constant 0 : i32
    return %c0_i32, %c0_i32_0 : i32, i32
  }
  func.func @transform_4(%arg0: i32) -> (i32, i32) {
    %c0_i32 = arith.constant 0 : i32
    %c0_i32_0 = arith.constant 0 : i32
    %c0_i32_1 = arith.constant 0 : i32
    return %c0_i32, %c0_i32_0 : i32, i32
  }
  func.func @transform_5(%arg0: i32) -> (i32, i32) {
    %c0_i32 = arith.constant 0 : i32
    %c0_i32_0 = arith.constant 0 : i32
    return %arg0, %c0_i32 : i32, i32
  }
  func.func @transform_6(%arg0: i32) -> (i32, i32) {
    %c0_i32 = arith.constant 0 : i32
    %c0_i32_0 = arith.constant 0 : i32
    return %arg0, %c0_i32 : i32, i32
  }
  func.func @transform_7(%arg0: i32) -> (i32, i32) {
    %c0_i32 = arith.constant 0 : i32
    %c0_i32_0 = arith.constant 0 : i32
    return %arg0, %c0_i32 : i32, i32
  }
}

module attributes {stable_mosaic.version = 14 : i64} {
  func.func @_tc_c_body(%arg0: i32, %arg1: memref<2x1024x128xf32, #tpu.memory_space<vmem>>, %arg2: memref<1024x128xf32, #tpu.memory_space<vmem>>, %arg3: memref<1024x128xf32, #tpu.memory_space<vmem>>, %arg4: memref<1024x1xf32, #tpu.memory_space<vmem>>, %arg5: memref<1x128xf32, #tpu.memory_space<vmem>>, %arg6: memref<128x128xf32, #tpu.memory_space<vmem>>, %arg7: memref<1024x128xf32, #tpu.memory_space<vmem>>, %arg8: memref<1024x128xf32, #tpu.memory_space<vmem>>) attributes {dimension_semantics = [#tpu.dimension_semantics<arbitrary>], iteration_bounds = array<i64: 10>, scalar_prefetch = 0 : i64, scratch_operands = 0 : i64, tpu.core_type = #tpu.core_type<tc>, window_params = [{transform_indices = @transform_0, window_bounds = array<i64: 2, 1024, 128>}, {transform_indices = @transform_1, window_bounds = array<i64: 1024, 128>}, {transform_indices = @transform_2, window_bounds = array<i64: 1024, 128>}, {transform_indices = @transform_3, window_bounds = array<i64: 1024, 1>}, {pipeline_mode = #tpu.pipeline_mode<synchronous>, transform_indices = @transform_4, window_bounds = array<i64: 1, 128>}, {pipeline_mode = #tpu.pipeline_mode<synchronous>, transform_indices = @transform_5, window_bounds = array<i64: 128, 128>}, {transform_indices = @transform_6, window_bounds = array<i64: 1024, 128>}, {transform_indices = @transform_7, window_bounds = array<i64: 1024, 128>}]} {
    %get3A = arith.constant 0 : index
    %get3A_0 = arith.constant 0 : index
    %get3A_1 = vector.load %arg4[%get3A, %get3A_0] : memref<1024x1xf32, #tpu.memory_space<vmem>>, vector<1024x1xf32>
    %get3A_2 = arith.constant 0 : index
    %get3A_3 = arith.constant 0 : index
    %get3A_4 = arith.constant 0 : index
    %get3A_5 = vector.load %arg1[%get3A_2, %get3A_3, %get3A_4] : memref<2x1024x128xf32, #tpu.memory_space<vmem>>, vector<1x1024x128xf32>
    %get3A_6 = vector.shape_cast %get3A_5 : vector<1x1024x128xf32> to vector<1024x128xf32>
    %get3A_7 = arith.constant 1 : index
    %get3A_8 = arith.constant 0 : index
    %get3A_9 = arith.constant 0 : index
    %get3A_10 = vector.load %arg1[%get3A_7, %get3A_8, %get3A_9] : memref<2x1024x128xf32, #tpu.memory_space<vmem>>, vector<1x1024x128xf32>
    %get3A_11 = vector.shape_cast %get3A_10 : vector<1x1024x128xf32> to vector<1024x128xf32>
    %add3A = arith.addf %get3A_6, %get3A_11 : vector<1024x128xf32>
    %mul3A = vector.broadcast %get3A_1 : vector<1024x1xf32> to vector<1024x128xf32>
    %mul3A_12 = arith.mulf %mul3A, %add3A : vector<1024x128xf32>
    %mul3A_13 = arith.mulf %get3A_1, %get3A_1 : vector<1024x1xf32>
    %get3A_14 = arith.constant 0 : index
    %get3A_15 = arith.constant 0 : index
    %get3A_16 = vector.load %arg2[%get3A_14, %get3A_15] : memref<1024x128xf32, #tpu.memory_space<vmem>>, vector<1024x128xf32>
    %mul3A_17 = vector.broadcast %mul3A_13 : vector<1024x1xf32> to vector<1024x128xf32>
    %mul3A_18 = arith.mulf %mul3A_17, %get3A_16 : vector<1024x128xf32>
    %add3A_19 = arith.addf %mul3A_12, %mul3A_18 : vector<1024x128xf32>
    %get3A_20 = arith.constant 0 : index
    %get3A_21 = arith.constant 0 : index
    %get3A_22 = vector.load %arg5[%get3A_20, %get3A_21] : memref<1x128xf32, #tpu.memory_space<vmem>>, vector<1x128xf32>
    %add3A_23 = vector.broadcast %get3A_22 : vector<1x128xf32> to vector<1024x128xf32>
    %add3A_24 = arith.addf %add3A_19, %add3A_23 : vector<1024x128xf32>
    %get3A_25 = arith.constant 0 : index
    %get3A_26 = arith.constant 0 : index
    %get3A_27 = vector.load %arg3[%get3A_25, %get3A_26] : memref<1024x128xf32, #tpu.memory_space<vmem>>, vector<1024x128xf32>
    %add3A_28 = arith.addf %get3A_27, %add3A_24 : vector<1024x128xf32>
    %max3A = arith.constant 0.000000e+00 : f32
    %max3A_29 = vector.broadcast %max3A : f32 to vector<1024x128xf32>
    %max3A_30 = arith.maximumf %add3A_28, %max3A_29 : vector<1024x128xf32>
    %get3A_31 = arith.constant 0 : index
    %get3A_32 = arith.constant 0 : index
    %get3A_33 = vector.load %arg6[%get3A_31, %get3A_32] : memref<128x128xf32, #tpu.memory_space<vmem>>, vector<128x128xf32>
    %dot_general3A = arith.constant dense<0.000000e+00> : vector<1024x128xf32>
    %dot_general3A_34 = tpu.matmul %max3A_30, %get3A_33, %dot_general3A {dimension_numbers = #tpu.dot_dimension_numbers<[1], [0], [0], [1], [0, 0, 1, 1], [], []>, transpose_lhs_hint = false} : vector<1024x128xf32>, vector<128x128xf32>, vector<1024x128xf32> -> vector<1024x128xf32>
    %swap3A = arith.constant 0 : index
    %swap3A_35 = arith.constant 0 : index
    %swap3A_36 = vector.load %arg7[%swap3A, %swap3A_35] : memref<1024x128xf32, #tpu.memory_space<vmem>>, vector<1024x128xf32>
    tpu.vector_store %arg7[%swap3A, %swap3A_35], %dot_general3A_34 {strides = array<i32>} : memref<1024x128xf32, #tpu.memory_space<vmem>>, vector<1024x128xf32>,
    %mul3A_37 = vector.broadcast %get3A_1 : vector<1024x1xf32> to vector<1024x128xf32>
    %mul3A_38 = arith.mulf %dot_general3A_34, %mul3A_37 : vector<1024x128xf32>
    %swap3A_39 = arith.constant 0 : index
    %swap3A_40 = arith.constant 0 : index
    %swap3A_41 = vector.load %arg8[%swap3A_39, %swap3A_40] : memref<1024x128xf32, #tpu.memory_space<vmem>>, vector<1024x128xf32>
    tpu.vector_store %arg8[%swap3A_39, %swap3A_40], %mul3A_38 {strides = array<i32>} : memref<1024x128xf32, #tpu.memory_space<vmem>>, vector<1024x128xf32>,
    return
  }
  func.func @transform_0(%arg0: i32) -> (i32, i32, i32) {
    %c0_i32 = arith.constant 0 : i32
    %c0_i32_0 = arith.constant 0 : i32
    %c0_i32_1 = arith.constant 0 : i32
    return %c0_i32, %arg0, %c0_i32_0 : i32, i32, i32
  }
  func.func @transform_1(%arg0: i32) -> (i32, i32) {
    %c0_i32 = arith.constant 0 : i32
    %c0_i32_0 = arith.constant 0 : i32
    return %arg0, %c0_i32 : i32, i32
  }
  func.func @transform_2(%arg0: i32) -> (i32, i32) {
    %c0_i32 = arith.constant 0 : i32
    %c0_i32_0 = arith.constant 0 : i32
    return %arg0, %c0_i32 : i32, i32
  }
  func.func @transform_3(%arg0: i32) -> (i32, i32) {
    %c0_i32 = arith.constant 0 : i32
    %c0_i32_0 = arith.constant 0 : i32
    return %arg0, %c0_i32 : i32, i32
  }
  func.func @transform_4(%arg0: i32) -> (i32, i32) {
    %c0_i32 = arith.constant 0 : i32
    %c0_i32_0 = arith.constant 0 : i32
    %c0_i32_1 = arith.constant 0 : i32
    return %c0_i32, %c0_i32_0 : i32, i32
  }
  func.func @transform_5(%arg0: i32) -> (i32, i32) {
    %c0_i32 = arith.constant 0 : i32
    %c0_i32_0 = arith.constant 0 : i32
    %c0_i32_1 = arith.constant 0 : i32
    return %c0_i32, %c0_i32_0 : i32, i32
  }
  func.func @transform_6(%arg0: i32) -> (i32, i32) {
    %c0_i32 = arith.constant 0 : i32
    %c0_i32_0 = arith.constant 0 : i32
    return %arg0, %c0_i32 : i32, i32
  }
  func.func @transform_7(%arg0: i32) -> (i32, i32) {
    %c0_i32 = arith.constant 0 : i32
    %c0_i32_0 = arith.constant 0 : i32
    return %arg0, %c0_i32 : i32, i32
  }
}

module attributes {stable_mosaic.version = 14 : i64} {
  func.func @_tc_d_body(%arg0: i32, %arg1: memref<2x1024x128xf32, #tpu.memory_space<vmem>>, %arg2: memref<1024x128xf32, #tpu.memory_space<vmem>>, %arg3: memref<1024x1xf32, #tpu.memory_space<vmem>>, %arg4: memref<1x128xf32, #tpu.memory_space<vmem>>, %arg5: memref<1024x1xi32, #tpu.memory_space<vmem>>, %arg6: memref<128x10xf32, #tpu.memory_space<vmem>>, %arg7: memref<1x10xf32, #tpu.memory_space<vmem>>, %arg8: memref<16x10xf32, #tpu.memory_space<vmem>>, %arg9: memref<16x10xf32, #tpu.memory_space<vmem>>, %arg10: memref<16x128xf32, #tpu.memory_space<vmem>>, %arg11: memref<16x1xf32, #tpu.memory_space<vmem>>) attributes {dimension_semantics = [#tpu.dimension_semantics<arbitrary>], iteration_bounds = array<i64: 10>, scalar_prefetch = 0 : i64, scratch_operands = 2 : i64, tpu.core_type = #tpu.core_type<tc>, window_params = [{transform_indices = @transform_0, window_bounds = array<i64: 2, 1024, 128>}, {transform_indices = @transform_1, window_bounds = array<i64: 1024, 128>}, {transform_indices = @transform_2, window_bounds = array<i64: 1024, 1>}, {pipeline_mode = #tpu.pipeline_mode<synchronous>, transform_indices = @transform_3, window_bounds = array<i64: 1, 128>}, {transform_indices = @transform_4, window_bounds = array<i64: 1024, 1>}, {pipeline_mode = #tpu.pipeline_mode<synchronous>, transform_indices = @transform_5, window_bounds = array<i64: 128, 10>}, {pipeline_mode = #tpu.pipeline_mode<synchronous>, transform_indices = @transform_6, window_bounds = array<i64: 1, 10>}, {pipeline_mode = #tpu.pipeline_mode<synchronous>, transform_indices = @transform_7, window_bounds = array<i64: 16, 10>}, {pipeline_mode = #tpu.pipeline_mode<synchronous>, transform_indices = @transform_8, window_bounds = array<i64: 16, 10>}]} {
    %eq3A = arith.constant 0 : i32
    %eq3A_0 = arith.cmpi eq, %arg0, %eq3A : i32
    %convert_element_type3A = arith.extui %eq3A_0 : i1 to i32
    %cond3A = arith.constant 0 : i32
    %cond3A_1 = arith.cmpi ne, %convert_element_type3A, %cond3A : i32
    scf.if %cond3A_1 {
      %broadcast_in_dim3A_55 = arith.constant 0.000000e+00 : f32
      %broadcast_in_dim3A_56 = vector.broadcast %broadcast_in_dim3A_55 : f32 to vector<16x128xf32>
      %swap3A_57 = arith.constant 0 : index
      %swap3A_58 = arith.constant 0 : index
      %swap3A_59 = vector.load %arg10[%swap3A_57, %swap3A_58] : memref<16x128xf32, #tpu.memory_space<vmem>>, vector<16x128xf32>
      tpu.vector_store %arg10[%swap3A_57, %swap3A_58], %broadcast_in_dim3A_56 {strides = array<i32>} : memref<16x128xf32, #tpu.memory_space<vmem>>, vector<16x128xf32>,
      %broadcast_in_dim3A_60 = arith.constant 0.000000e+00 : f32
      %broadcast_in_dim3A_61 = vector.broadcast %broadcast_in_dim3A_60 : f32 to vector<16x1xf32>
      %swap3A_62 = arith.constant 0 : index
      %swap3A_63 = arith.constant 0 : index
      %swap3A_64 = vector.load %arg11[%swap3A_62, %swap3A_63] : memref<16x1xf32, #tpu.memory_space<vmem>>, vector<16x1xf32>
      tpu.vector_store %arg11[%swap3A_62, %swap3A_63], %broadcast_in_dim3A_61 {strides = array<i32>} : memref<16x1xf32, #tpu.memory_space<vmem>>, vector<16x1xf32>,
    } else {
    }
    %get3A = arith.constant 0 : index
    %get3A_2 = arith.constant 0 : index
    %get3A_3 = vector.load %arg3[%get3A, %get3A_2] : memref<1024x1xf32, #tpu.memory_space<vmem>>, vector<1024x1xf32>
    %get3A_4 = arith.constant 0 : index
    %get3A_5 = arith.constant 0 : index
    %get3A_6 = arith.constant 0 : index
    %get3A_7 = vector.load %arg1[%get3A_4, %get3A_5, %get3A_6] : memref<2x1024x128xf32, #tpu.memory_space<vmem>>, vector<1x1024x128xf32>
    %get3A_8 = vector.shape_cast %get3A_7 : vector<1x1024x128xf32> to vector<1024x128xf32>
    %get3A_9 = arith.constant 1 : index
    %get3A_10 = arith.constant 0 : index
    %get3A_11 = arith.constant 0 : index
    %get3A_12 = vector.load %arg1[%get3A_9, %get3A_10, %get3A_11] : memref<2x1024x128xf32, #tpu.memory_space<vmem>>, vector<1x1024x128xf32>
    %get3A_13 = vector.shape_cast %get3A_12 : vector<1x1024x128xf32> to vector<1024x128xf32>
    %add3A = arith.addf %get3A_8, %get3A_13 : vector<1024x128xf32>
    %mul3A = vector.broadcast %get3A_3 : vector<1024x1xf32> to vector<1024x128xf32>
    %mul3A_14 = arith.mulf %mul3A, %add3A : vector<1024x128xf32>
    %mul3A_15 = arith.mulf %get3A_3, %get3A_3 : vector<1024x1xf32>
    %get3A_16 = arith.constant 0 : index
    %get3A_17 = arith.constant 0 : index
    %get3A_18 = vector.load %arg2[%get3A_16, %get3A_17] : memref<1024x128xf32, #tpu.memory_space<vmem>>, vector<1024x128xf32>
    %mul3A_19 = vector.broadcast %mul3A_15 : vector<1024x1xf32> to vector<1024x128xf32>
    %mul3A_20 = arith.mulf %mul3A_19, %get3A_18 : vector<1024x128xf32>
    %add3A_21 = arith.addf %mul3A_14, %mul3A_20 : vector<1024x128xf32>
    %get3A_22 = arith.constant 0 : index
    %get3A_23 = arith.constant 0 : index
    %get3A_24 = vector.load %arg4[%get3A_22, %get3A_23] : memref<1x128xf32, #tpu.memory_space<vmem>>, vector<1x128xf32>
    %add3A_25 = vector.broadcast %get3A_24 : vector<1x128xf32> to vector<1024x128xf32>
    %add3A_26 = arith.addf %add3A_21, %add3A_25 : vector<1024x128xf32>
    %iota3A = tpu.iota {dimensions = array<i32: 1>} : vector<1x16xi32>
    %get3A_27 = arith.constant 0 : index
    %get3A_28 = arith.constant 0 : index
    %get3A_29 = vector.load %arg5[%get3A_27, %get3A_28] : memref<1024x1xi32, #tpu.memory_space<vmem>>, vector<1024x1xi32>
    %eq3A_30 = vector.broadcast %get3A_29 : vector<1024x1xi32> to vector<1024x16xi32>
    %eq3A_31 = vector.broadcast %iota3A : vector<1x16xi32> to vector<1024x16xi32>
    %eq3A_32 = arith.cmpi eq, %eq3A_30, %eq3A_31 : vector<1024x16xi32>
    %convert_element_type3A_33 = arith.extui %eq3A_32 : vector<1024x16xi1> to vector<1024x16xi32>
    %convert_element_type3A_34 = arith.sitofp %convert_element_type3A_33 : vector<1024x16xi32> to vector<1024x16xf32>
    %get3A_35 = arith.constant 0 : index
    %get3A_36 = arith.constant 0 : index
    %get3A_37 = vector.load %arg10[%get3A_35, %get3A_36] : memref<16x128xf32, #tpu.memory_space<vmem>>, vector<16x128xf32>
    %dot_general3A = arith.constant dense<0.000000e+00> : vector<16x128xf32>
    %dot_general3A_38 = tpu.matmul %convert_element_type3A_34, %add3A_26, %dot_general3A {dimension_numbers = #tpu.dot_dimension_numbers<[0], [0], [1], [1], [0, 1, 1, 1], [], []>, transpose_lhs_hint = false} : vector<1024x16xf32>, vector<1024x128xf32>, vector<16x128xf32> -> vector<16x128xf32>
    %add3A_39 = arith.addf %get3A_37, %dot_general3A_38 : vector<16x128xf32>
    %swap3A = arith.constant 0 : index
    %swap3A_40 = arith.constant 0 : index
    %swap3A_41 = vector.load %arg10[%swap3A, %swap3A_40] : memref<16x128xf32, #tpu.memory_space<vmem>>, vector<16x128xf32>
    tpu.vector_store %arg10[%swap3A, %swap3A_40], %add3A_39 {strides = array<i32>} : memref<16x128xf32, #tpu.memory_space<vmem>>, vector<16x128xf32>,
    %get3A_42 = arith.constant 0 : index
    %get3A_43 = arith.constant 0 : index
    %get3A_44 = vector.load %arg11[%get3A_42, %get3A_43] : memref<16x1xf32, #tpu.memory_space<vmem>>, vector<16x1xf32>
    %reduce_sum3A = arith.constant dense<0.000000e+00> : vector<16xf32>
    %reduce_sum3A_45 = vector.multi_reduction <add>, %convert_element_type3A_34, %reduce_sum3A [0] : vector<1024x16xf32> to vector<16xf32>
    %broadcast_in_dim3A = vector.shape_cast %reduce_sum3A_45 : vector<16xf32> to vector<16x1xf32>
    %add3A_46 = arith.addf %get3A_44, %broadcast_in_dim3A : vector<16x1xf32>
    %swap3A_47 = arith.constant 0 : index
    %swap3A_48 = arith.constant 0 : index
    %swap3A_49 = vector.load %arg11[%swap3A_47, %swap3A_48] : memref<16x1xf32, #tpu.memory_space<vmem>>, vector<16x1xf32>
    tpu.vector_store %arg11[%swap3A_47, %swap3A_48], %add3A_46 {strides = array<i32>} : memref<16x1xf32, #tpu.memory_space<vmem>>, vector<16x1xf32>,
    %eq3A_50 = arith.constant 9 : i32
    %eq3A_51 = arith.cmpi eq, %arg0, %eq3A_50 : i32
    %convert_element_type3A_52 = arith.extui %eq3A_51 : i1 to i32
    %cond3A_53 = arith.constant 0 : i32
    %cond3A_54 = arith.cmpi ne, %convert_element_type3A_52, %cond3A_53 : i32
    scf.if %cond3A_54 {
      %get3A_55 = arith.constant 0 : index
      %get3A_56 = arith.constant 0 : index
      %get3A_57 = vector.load %arg10[%get3A_55, %get3A_56] : memref<16x128xf32, #tpu.memory_space<vmem>>, vector<16x128xf32>
      %get3A_58 = arith.constant 0 : index
      %get3A_59 = arith.constant 0 : index
      %get3A_60 = vector.load %arg11[%get3A_58, %get3A_59] : memref<16x1xf32, #tpu.memory_space<vmem>>, vector<16x1xf32>
      %max3A = arith.constant 1.000000e+00 : f32
      %max3A_61 = vector.broadcast %max3A : f32 to vector<16x1xf32>
      %max3A_62 = arith.maximumf %get3A_60, %max3A_61 : vector<16x1xf32>
      %div3A = vector.broadcast %max3A_62 : vector<16x1xf32> to vector<16x128xf32>
      %div3A_63 = arith.divf %get3A_57, %div3A : vector<16x128xf32>
      %get3A_64 = arith.constant 0 : index
      %get3A_65 = arith.constant 0 : index
      %get3A_66 = vector.load %arg6[%get3A_64, %get3A_65] : memref<128x10xf32, #tpu.memory_space<vmem>>, vector<128x10xf32>
      %dot_general3A_67 = arith.constant dense<0.000000e+00> : vector<16x10xf32>
      %dot_general3A_68 = tpu.matmul %div3A_63, %get3A_66, %dot_general3A_67 {dimension_numbers = #tpu.dot_dimension_numbers<[1], [0], [0], [1], [0, 0, 1, 1], [], []>, transpose_lhs_hint = false} : vector<16x128xf32>, vector<128x10xf32>, vector<16x10xf32> -> vector<16x10xf32>
      %get3A_69 = arith.constant 0 : index
      %get3A_70 = arith.constant 0 : index
      %get3A_71 = vector.load %arg7[%get3A_69, %get3A_70] : memref<1x10xf32, #tpu.memory_space<vmem>>, vector<1x10xf32>
      %add3A_72 = vector.broadcast %get3A_71 : vector<1x10xf32> to vector<16x10xf32>
      %add3A_73 = arith.addf %dot_general3A_68, %add3A_72 : vector<16x10xf32>
      %reduce_max3A = arith.constant dense<0xFF800000> : vector<16xf32>
      %reduce_max3A_74 = vector.multi_reduction <maximumf>, %add3A_73, %reduce_max3A [1] : vector<16x10xf32> to vector<16xf32>
      %broadcast_in_dim3A_75 = vector.shape_cast %reduce_max3A_74 : vector<16xf32> to vector<16x1xf32>
      %sub3A = vector.broadcast %broadcast_in_dim3A_75 : vector<16x1xf32> to vector<16x10xf32>
      %sub3A_76 = arith.subf %add3A_73, %sub3A : vector<16x10xf32>
      %exp3A = math.exp %sub3A_76 : vector<16x10xf32>
      %reduce_sum3A_77 = arith.constant dense<0.000000e+00> : vector<16xf32>
      %reduce_sum3A_78 = vector.multi_reduction <add>, %exp3A, %reduce_sum3A_77 [1] : vector<16x10xf32> to vector<16xf32>
      %broadcast_in_dim3A_79 = vector.shape_cast %reduce_sum3A_78 : vector<16xf32> to vector<16x1xf32>
      %log3A = math.log %broadcast_in_dim3A_79 : vector<16x1xf32>
      %add3A_80 = arith.addf %log3A, %broadcast_in_dim3A_75 : vector<16x1xf32>
      %swap3A_81 = arith.constant 0 : index
      %swap3A_82 = arith.constant 0 : index
      %swap3A_83 = vector.load %arg8[%swap3A_81, %swap3A_82] : memref<16x10xf32, #tpu.memory_space<vmem>>, vector<16x10xf32>
      tpu.vector_store %arg8[%swap3A_81, %swap3A_82], %add3A_73 {strides = array<i32>} : memref<16x10xf32, #tpu.memory_space<vmem>>, vector<16x10xf32>,
      %sub3A_84 = vector.broadcast %add3A_80 : vector<16x1xf32> to vector<16x10xf32>
      %sub3A_85 = arith.subf %add3A_73, %sub3A_84 : vector<16x10xf32>
      %swap3A_86 = arith.constant 0 : index
      %swap3A_87 = arith.constant 0 : index
      %swap3A_88 = vector.load %arg9[%swap3A_86, %swap3A_87] : memref<16x10xf32, #tpu.memory_space<vmem>>, vector<16x10xf32>
      tpu.vector_store %arg9[%swap3A_86, %swap3A_87], %sub3A_85 {strides = array<i32>} : memref<16x10xf32, #tpu.memory_space<vmem>>, vector<16x10xf32>,
    } else {
    }
    return
  }
  func.func @transform_0(%arg0: i32) -> (i32, i32, i32) {
    %c0_i32 = arith.constant 0 : i32
    %c0_i32_0 = arith.constant 0 : i32
    %c0_i32_1 = arith.constant 0 : i32
    return %c0_i32, %arg0, %c0_i32_0 : i32, i32, i32
  }
  func.func @transform_1(%arg0: i32) -> (i32, i32) {
    %c0_i32 = arith.constant 0 : i32
    %c0_i32_0 = arith.constant 0 : i32
    return %arg0, %c0_i32 : i32, i32
  }
  func.func @transform_2(%arg0: i32) -> (i32, i32) {
    %c0_i32 = arith.constant 0 : i32
    %c0_i32_0 = arith.constant 0 : i32
    return %arg0, %c0_i32 : i32, i32
  }
  func.func @transform_3(%arg0: i32) -> (i32, i32) {
    %c0_i32 = arith.constant 0 : i32
    %c0_i32_0 = arith.constant 0 : i32
    %c0_i32_1 = arith.constant 0 : i32
    return %c0_i32, %c0_i32_0 : i32, i32
  }
  func.func @transform_4(%arg0: i32) -> (i32, i32) {
    %c0_i32 = arith.constant 0 : i32
    %c0_i32_0 = arith.constant 0 : i32
    return %arg0, %c0_i32 : i32, i32
  }
  func.func @transform_5(%arg0: i32) -> (i32, i32) {
    %c0_i32 = arith.constant 0 : i32
    %c0_i32_0 = arith.constant 0 : i32
    %c0_i32_1 = arith.constant 0 : i32
    return %c0_i32, %c0_i32_0 : i32, i32
  }
  func.func @transform_6(%arg0: i32) -> (i32, i32) {
    %c0_i32 = arith.constant 0 : i32
    %c0_i32_0 = arith.constant 0 : i32
    %c0_i32_1 = arith.constant 0 : i32
    return %c0_i32, %c0_i32_0 : i32, i32
  }
  func.func @transform_7(%arg0: i32) -> (i32, i32) {
    %c0_i32 = arith.constant 0 : i32
    %c0_i32_0 = arith.constant 0 : i32
    %c0_i32_1 = arith.constant 0 : i32
    return %c0_i32, %c0_i32_0 : i32, i32
  }
  func.func @transform_8(%arg0: i32) -> (i32, i32) {
    %c0_i32 = arith.constant 0 : i32
    %c0_i32_0 = arith.constant 0 : i32
    %c0_i32_1 = arith.constant 0 : i32
    return %c0_i32, %c0_i32_0 : i32, i32
  }
}

</mosaic_0001>

<sc_bundles>
// kernel: kernel.11.cloned.1.call-start
scs
__scs_entry_jumppad:
0x0: {  	(pc) =	sbr.rel $0x88, $3  }
0x1: {  	(tag) =	ssettag $0x0;
	lr =	simm.s32 $0x1  }
0x2: {  	[smem:$0x3F96] =	sst lr;
	_ =	strace $0xD0000000  }
0x3: {  	_ = 	snop  }
0x4: {  	_ = 	snop  }
0x5: {  	_ = 	snop  }
0x6: {  	_ = 	snop  }
0x7: {  	_ = 	snop  }
__scs_overlays_trampoline_lowered:
0x8: {  	[smem:$0x3FA5] =	sst s0  }
0x9: {  	[smem:$0x3FA6] =	sst s1  }
0xa: {  	[smem:$0x3FA7] =	sst s2  }
0xb: {  	[smem:$0x3FA8] =	sst s3  }
0xc: {  	[smem:$0x3FA9] =	sst s4  }
0xd: {  	[smem:$0x3FAA] =	sst s5  }
0xe: {  	[smem:$0x3FAB] =	sst s6  }
0xf: {  	[smem:$0x3FAC] =	sst s7  }
0x10: {  	[smem:$0x3FAD] =	sst s8  }
0x11: {  	[smem:$0x3FAE] =	sst s9;
	s0 =	simm.s32 @!p0 $0x0  }
0x12: {  	s1 =	sld [smem:$0x3F94];
	s0 =	simm.s32 @p0 $0x1  }
0x13: {  	[smem:$0x3FAF] =	sst s0;
	s0 =	simm.s32 @!p1 $0x0  }
0x14: {  	s2 =	sld [smem:$0x3F93];
	s0 =	simm.s32 @p1 $0x1  }
0x15: {  	[smem:$0x3FB0] =	sst s0;
	s0 =	simm.s32 @!p2 $0x0  }
0x16: {  	s3 =	sld [smem:$0x3FDB];
	s0 =	simm.s32 @p2 $0x1  }
0x17: {  	s4 =	simm.s32 $0x1BF5;
	[smem:$0x3FB2] =	sst s0  }
0x18: {  	s0 =	sld [smem:$0x3F95];
	_ =	swait.ge [sflag:s4], $0x0  }
0x19: {  	s7 =	sld [smem:$0x3F96]  }
0x1a: {  	s8 =	sadd.s32 $0xFFFFE003, lr  }
0x1b: {  	s9 =	sadd.s32 $0xFFFFFEF7, lr;
	s5 =	simm.s32 $0xFFFFFFFF;
	p2 =	slt.u32 s8, $0xFFFFF086  }
0x1c: {  	p1 =	slt.u32 s9, $0xF7A;
	s5 =	simm.s32 @!p2 $0x0  }
0x1d: {  	s5 =	simm.s32 @p1 $0x1;
	p0 =	seq.s32 s7, s2  }
0x1e: {  	s7 =	smul.u32 @!p0 $0xF7A, s2;
	p2 =	seq.s32 @!p0 s5, $0x0  }
0x1f: {  	s9 =	smul.u32 $0xF7A, s1;
	s8 =	simm.s32 @!p0 $0x1BF5;
	p2 =	por !p2, p0  }
0x20: {  	[sflag:s8] =	ssyncset.s32 @!p0 $0xFFFFF086;
	s6 =	sadd.s32 @!p0 s3, s7;
	s7 =	simm.s32 @!p0 $0x108  }
0x21: {  	s3 =	sadd.s32 s3, s9;
	s6 =	sadd.s32 @!p0 $0x88, s6;
	s7 =	simm.s32 @p2 $0x1082  }
0x22: {  	[simem:s7], [sflag:s8] =	dma.local @!p0 [hbm:s6], $0xF7A  }
0x23: {  	s9 =	sor.u32 $0xD0000000, s2;
	s6 =	simm.s32 $0x108;
	_ =	swait.ge @!p0 [sflag:s8], $0x0  }
0x24: {  	s3 =	sadd.s32 $0x88, s3;
	s6 =	simm.s32 @!p1 $0x1082;
	[sflag:s4] =	ssyncset.s32 $0xFFFFF086  }
0x25: {  	[simem:s6], [sflag:s4] =	dma.local [hbm:s3], $0xF7A  }
0x26: {  	[smem:$0x3F96] =	sst s1;
	(tag) =	ssettag s2;
	_ =	strace s9  }
0x27: {  	s1 =	sld [smem:$0x3FA6]  }
0x28: {  	s2 =	sld [smem:$0x3FA7]  }
0x29: {  	s4 =	sld [smem:$0x3FA9]  }
0x2a: {  	p0 =	seq.s32 s5, $0x0;
	s5 =	sld [smem:$0x3FAA]  }
0x2b: {  	s6 =	sld [smem:$0x3FAB]  }
0x2c: {  	s7 =	sld [smem:$0x3FAC]  }
0x2d: {  	s3 =	simm.s32 $0x108;
	s8 =	sld [smem:$0x3FAD]  }
0x2e: {  	s3 =	simm.s32 @!p0 $0x1082;
	s9 =	sld [smem:$0x3FAE]  }
0x2f: {  	lr =	sadd.s32 s0, s3;
	s0 =	sld [smem:$0x3FA5]  }
0x30: {  	s3 =	sld [smem:$0x3FA8]  }
0x31: {  	[smem:$0x3FB1] =	sst s10  }
0x32: {  	s10 =	sld [smem:$0x3FAF];
	_ =	sdelay $0x3  }
0x33: {  	p0 =	seq.s32 s10, $0x1;
	s10 =	sld [smem:$0x3FB1];
	_ =	sdelay $0x3  }
0x34: {  	[smem:$0x3FB1] =	sst s10  }
0x35: {  	s10 =	sld [smem:$0x3FB0];
	_ =	sdelay $0x3  }
0x36: {  	p1 =	seq.s32 s10, $0x1;
	s10 =	sld [smem:$0x3FB1];
	_ =	sdelay $0x3  }
0x37: {  	[smem:$0x3FB1] =	sst s10  }
0x38: {  	s10 =	sld [smem:$0x3FB2]  }
0x39: {  	_ = 	snop;
	(pc) =	sbr.ind lr, $3  }
0x3a: {  	_ = 	snop  }
0x3b: {  	_ = 	snop  }
0x3c: {  	p2 =	seq.s32 s10, $0x1;
	s10 =	sld [smem:$0x3FB1]  }
0x3d: {  	_ =	shalt  }
0x3e: {  	_ =	shalt  }
0x3f: {  	_ =	shalt  }
0x40: {  	_ =	shalt  }
0x41: {  	_ =	shalt  }
0x42: {  	_ =	shalt  }
0x43: {  	_ =	shalt  }
0x44: {  	_ =	shalt  }
0x45: {  	_ =	shalt  }
0x46: {  	_ =	shalt  }
0x47: {  	_ =	shalt  }
0x48: {  	_ =	shalt  }
0x49: {  	_ =	shalt  }
0x4a: {  	_ =	shalt  }
0x4b: {  	_ =	shalt  }
0x4c: {  	_ =	shalt  }
0x4d: {  	_ =	shalt  }
0x4e: {  	_ =	shalt  }
0x4f: {  	_ =	shalt  }
0x50: {  	_ =	shalt  }
0x51: {  	_ =	shalt  }
0x52: {  	_ =	shalt  }
0x53: {  	_ =	shalt  }
0x54: {  	_ =	shalt  }
0x55: {  	_ =	shalt  }
0x56: {  	_ =	shalt  }
0x57: {  	_ =	shalt  }
0x58: {  	_ =	shalt  }
0x59: {  	_ =	shalt  }
0x5a: {  	_ =	shalt  }
0x5b: {  	_ =	shalt  }
0x5c: {  	_ =	shalt  }
0x5d: {  	_ =	shalt  }
0x5e: {  	_ =	shalt  }
0x5f: {  	_ =	shalt  }
0x60: {  	_ =	shalt  }
0x61: {  	_ =	shalt  }
0x62: {  	_ =	shalt  }
0x63: {  	_ =	shalt  }
0x64: {  	_ =	shalt  }
0x65: {  	_ =	shalt  }
0x66: {  	_ =	shalt  }
0x67: {  	_ =	shalt  }
0x68: {  	_ =	shalt  }
0x69: {  	_ =	shalt  }
0x6a: {  	_ =	shalt  }
0x6b: {  	_ =	shalt  }
0x6c: {  	_ =	shalt  }
0x6d: {  	_ =	shalt  }
0x6e: {  	_ =	shalt  }
0x6f: {  	_ =	shalt  }
0x70: {  	_ =	shalt  }
0x71: {  	_ =	shalt  }
0x72: {  	_ =	shalt  }
0x73: {  	_ =	shalt  }
0x74: {  	_ =	shalt  }
0x75: {  	_ =	shalt  }
0x76: {  	_ =	shalt  }
0x77: {  	_ =	shalt  }
0x78: {  	_ =	shalt  }
0x79: {  	_ =	shalt  }
0x7a: {  	_ =	shalt  }
0x7b: {  	_ =	shalt  }
0x7c: {  	_ =	shalt  }
0x7d: {  	_ =	shalt  }
0x7e: {  	_ =	shalt  }
0x7f: {  	_ =	shalt  }
0x80: {  	_ =	shalt  }
0x81: {  	_ =	shalt  }
0x82: {  	_ =	shalt  }
0x83: {  	_ =	shalt  }
0x84: {  	_ =	shalt  }
0x85: {  	_ =	shalt  }
0x86: {  	_ =	shalt  }
0x87: {  	_ =	shalt  }
.Lfunc_end0:
.L_simem_size_0:
called_computation_lowered:
.L_overlay_start_0:
0x88: {  	s2 =	sld [smem:$0x3FD9]  }
0x89: {  	s3 =	sld [smem:$0x3FFE];
	_ =	sdelay $0x1  }
0x8a: {  	s1 =	srdreg.scid  }
0x8b: {  	s0 =	sand.u32 $0x1, s1  }
0x8c: {  	s16 =	sshll.u32 s0, $0xA;
	s2 =	sadd.s32 s3, s2  }
0x8d: {  	s2 =	sadd.s32 s2, s16  }
0x8e: {  	[smem:$0x3FBD] =	sst s2  }
0x8f: {  	_ = 	snop  }
0x90: {  	(tm) =	ssettm $0x1  }
0x91: {  	s17 =	sld [smem:$0x3FFB];
	_ =	sdelay $0x3  }
0x92: {  	_ =	strace s17  }
0x93: {  	s2 =	sld [smem:$0x3FFC];
	_ =	sdelay $0x3  }
0x94: {  	_ =	strace s2  }
0x95: {  	s2 =	sld [smem:$0x3FFD];
	_ =	sdelay $0x3  }
0x96: {  	_ =	strace s2  }
0x97: {  	_ =	strace $0x8FFFFFFF  }
0x98: {  	s18 =	sld [smem:$0x3FDB];
	_ =	sdelay $0x1  }
0x99: {  	s19 =	simm.s32 $_scs_section_size  }
0x9a: {  	s4 =	simm.s32 $_size__tile_overlayer_lowered;
	s5 =	simm.s32 $_tile_overlayer_lowered  }
0x9b: {  	s22 =	simm.s32 $0x1BFF;
	s21 =	sshll.u32 s5, $0x1;
	s2 =	sadd.s32 s19, s18  }
0x9c: {  	s6 =	simm.s32 $0x0;
	s20 =	sshll.u32 s4, $0x1;
	s4 =	sadd.s32 s21, s2  }
0x9d: {  	[timem:s6], [sflag:s22] =	dma.local [hbm:s4], s20  }
0x9e: {  	_ =	swait.ge [sflag:s22], s20  }
0x9f: {  	s3 =	ssub.s32 $0x0, s20;
	[sflag:s22] =	ssyncset.done $0x0  }
0xa0: {  	[sflag:s22] =	ssyncadd.s32 s3;
	_ =	sdelay $0x1  }
0xa1: {  	s23 =	simm.s32 $0x1B8B  }
0xa2: {  	_ =	swait.ge [sflag:s23], $0x1  }
0xa3: {  	[sflag:s23] =	ssyncset.done $0x0  }
0xa4: {  	s25 =	simm.s32 $0x1B8E;
	s24 =	sld [smem:$0x3FFE];
	[sflag:s23] =	ssyncadd.s32 $0xFFFFFFFF  }
0xa5: {  	s26 =	simm.s32 $execute0_lowered;
	[smem:$0x3FD2] =	sst s25  }
0xa6: {  	s4 =	sshll.u32 s26, $0x1;
	_ =	strace $0x80000046;
	[dreg:$0x1] =	wrdreg $0xFFFFFFFF  }
0xa7: {  	s28 =	simm.s32 $_size_execute0_lowered;
	s2 =	sadd.s32 s2, s4;
	[dreg:$0x0] =	wrdreg $0x0  }
0xa8: {  	s4 =	sshll.u32 s28, $0x1;
	[dreg:$0x2] =	wrdreg s2  }
0xa9: {  	[dreg:$0x3] =	wrdreg s4  }
0xaa: {  	[dreg:$0x4] =	wrdreg $0xC0  }
0xab: {  	_ =	task [dreg:s6], $0x5FFFF  }
0xac: {  	[dreg:$0x1] =	wrdreg $0xFFFFFFFF  }
0xad: {  	[dreg:$0x0] =	wrdreg $0x60  }
0xae: {  	[dreg:$0x2] =	wrdreg s24  }
0xaf: {  	[dreg:$0x3] =	wrdreg $0x41000  }
0xb0: {  	[dreg:$0x4] =	wrdreg $0x9  }
0xb1: {  	_ =	task.clear_ibuf [dreg:s6], $0x5FFFF;
	_ =	strace $0x90000046  }
0xb2: {  	s29 =	simm.s32 $0x9;
	_ =	strace $0x80000048  }
0xb3: {  	_ =	swait.ge [sflag:s29], $0x1  }
0xb4: {  	[sflag:s29] =	ssyncadd.s32 $0xFFFFFFFF  }
0xb5: {  	_ =	strace $0x90000048  }
0xb6: {  	_ =	sfence  }
0xb7: {  	s30 =	sld [smem:$0x0];
	_ =	sdelay $0x2  }
0xb8: {  	s31 =	sshll.u32 s1, $0xD;
	s1 =	sshrl.u32 s1, $0x2  }
0xb9: {  	s3 =	sand.u32 $0x4000, s31;
	s1 =	sadd.s32 s1, s30  }
0xba: {  	s0 =	sor.u32 s3, s0;
	s1 =	sshll.u32 s1, $0x11  }
0xbb: {  	s0 =	sor.u32 s1, s0  }
0xbc: {  	s0 =	sadd.s32 $0x8F2B, s0  }
0xbd: {  	[sflag:s0] =	ssyncadd.remote.s32 $0x1  }
0xbe: {  	_ =	sfence.sel $0xFFFF  }
0xbf: {  	[dreg:$0x0] =	wrdreg $0xFFFFFFFF;
	(pc) =	sbr.abs _section_cstart, $3  }
0xc0: {  	[dreg:$0x1] =	wrdreg $0xFFFFFFFF  }
0xc1: {  	_ =	task.clear_ibuf [dreg:s6], $0x2FFFF;
	_ =	strace $0x9FFFFFFF  }
0xc2: {  	(tm) =	ssettm $0x7FFFFFFF  }
0xc3: {  	_ =	shalt  }
tec
execute0_lowered:
.L_overlay_start_1:
0x0: {  	(tag) =	ssettag $0x1  }
0x1: {  	s4 =	rddreg [dreg:$0x0]  }
0x2: {  	s1 =	rddreg [dreg:$0x1]  }
0x3: {  	s3 =	simm.s32 $0x0;
	s2 =	srdreg.scid;
	s0 =	stileid.u32  }
0x4: {  	s28 =	simm.s32 $0x2;
	s29 =	simm.s32 $0x0;
	s7 =	smul.u32 $0x2800, s0  }
0x5: {  	[smem:$0x7FF] =	sst s3;
	s5 =	sand.u32 $0x1, s2;
	s19 =	smul.u32 $0x50000, s0  }
0x6: {  	s22 =	sadd.s32 $0xDC00, s4;
	s20 =	sadd.s32 $0x17C00, s4;
	s17 =	smul.u32 $0x14000, s0  }
0x7: {  	s6 =	smul.u32 $0x28000, s5;
	_ =	strace $0x80000047;
	s18 =	ssub.s32 $0x2, s5  }
0x8: {  	s23 =	smul.u32 $0x140000, s5;
	s8 =	sshrl.u32 s18, $0x1;
	s26 =	sshrl.u32 s19, $0x2  }
0x9: {  	s13 =	sadd.s32 $0x4000, s17;
	s15 =	sadd.s32 $0x8000, s17;
	s21 =	sadd.s32 s7, s6  }
0xa: {  	s24 =	ssub.s32 s18, s8;
	s5 =	sadd.s32 s26, s1;
	s11 =	sadd.s32 s23, s17  }
0xb: {  	s14 =	sadd.s32 s23, s13;
	s13 =	sadd.s32 s13, s1;
	s16 =	sadd.s32 s23, s15  }
0xc: {  	s18 =	sadd.s32 $0xC000, s17;
	s15 =	sadd.s32 s15, s1;
	s26 =	simm.s32 $0x1  }
0xd: {  	s25 =	sshrl.u32 s21, $0x3;
	s30 =	smax.u32 s24, $0x1;
	s8 =	sadd.s32 $0x4000, s5  }
0xe: {  	s9 =	sadd.s32 $0x8000, s5;
	s10 =	sadd.s32 $0xC000, s5;
	s12 =	sshrl.u32 s11, $0x3  }
0xf: {  	s11 =	sadd.s32 $0x10000, s5;
	s14 =	sshrl.u32 s14, $0x3;
	s16 =	sshrl.u32 s16, $0x3  }
0x10: {  	s19 =	sadd.s32 s23, s18;
	s24 =	sadd.s32 $0x10000, s17;
	s17 =	sadd.s32 s18, s1  }
0x11: {  	s31 =	sor.u32 $0x100, s21;
	s21 =	sor.u32 $0x80, s21;
	s4 =	sadd.s32 s22, s25  }
0x12: {  	[dreg:$0x3] =	wrdreg s30;
	s12 =	sadd.s32 s20, s12;
	s14 =	sadd.s32 s20, s14  }
0x13: {  	s16 =	sadd.s32 s20, s16;
	s19 =	sshrl.u32 s19, $0x3;
	s23 =	sadd.s32 s23, s24  }
0x14: {  	s25 =	sshrl.u32 s21, $0x3;
	s7 =	sadd.s32 $0x4F0, s4;
	s18 =	sadd.s32 s20, s19  }
0x15: {  	s19 =	sadd.s32 s24, s1;
	s23 =	sshrl.u32 s23, $0x3;
	s24 =	sshrl.u32 s31, $0x3  }
0x16: {  	s20 =	sadd.s32 s20, s23;
	s21 =	sadd.s32 s24, s22;
	s22 =	sadd.s32 s25, s22  }
0x17: {  	v0 =	vimm.f32 $0.0e+00;
	v1 =	vimm.f32 $1.000000000e+00;
	s23 =	simm.s32 $0x100;
	s24 =	simm.s32 $0x3;
	s25 =	simm.s32 $0x80  }
.LBB2_1:
0x18: {  	s30 =	simm.s32 $0x0;
	s31 =	simm.s32 $0x200  }
.LBB2_2:
0x19: {  	p0 =	sne.s32 s31, $0xFE00;
	[tilespmem:s30+$0x170] =	vst v0  }
0x1a: {  	[tilespmem:s30+$0x100] =	vst v0  }
0x1b: {  	[tilespmem:s30+$0x110] =	vst v0  }
.Ltmp0:
0x1c: {  	[tilespmem:s30+$0x120] =	vst v0;
	(pc) =	sbr.rel @p0 .LBB2_2-.Ltmp0, $4  }
0x1d: {  	[tilespmem:s30+$0x130] =	vst v0  }
0x1e: {  	[tilespmem:s30+$0x140] =	vst v0  }
0x1f: {  	[tilespmem:s30+$0x150] =	vst v0  }
0x20: {  	[tilespmem:s30+$0x160] =	vst v0;
	s30 =	sshra.s32 s31, $0x2;
	s31 =	sadd.s32 $0x200, s31  }
0x21: {  	[tilespmem:s30+$0x170] =	vst v0  }
0x22: {  	[tilespmem:s30+$0x100] =	vst v0  }
0x23: {  	[tilespmem:s30+$0x110] =	vst v0  }
0x24: {  	[tilespmem:s30+$0x120] =	vst v0  }
0x25: {  	[tilespmem:s30+$0x130] =	vst v0  }
0x26: {  	[tilespmem:s30+$0x140] =	vst v0  }
0x27: {  	[tilespmem:s30+$0x150] =	vst v0  }
0x28: {  	[tilespmem:s30+$0x160] =	vst v0  }
0x29: {  	[spmem:s5] =	stream.linear.scatter [tilespmem:s23], [sflag:$0x3], $0x4000, $0x38;
	[tilespmem:$0x18100] =	vst v63  }
0x2a: {  	_ =	swait.ge [sflag:s24], $0x4000  }
0x2b: {  	[sflag:s24] =	ssyncset.done $0x0  }
0x2c: {  	[sflag:s24] =	ssyncadd.s32 $0xFFFFC000  }
0x2d: {  	[spmem:s8] =	stream.linear.scatter [tilespmem:s23], [sflag:$0x3], $0x4000, $0x38;
	[tilespmem:$0x18100] =	vst v63  }
0x2e: {  	_ =	swait.ge [sflag:s24], $0x4000  }
0x2f: {  	[sflag:s24] =	ssyncset.done $0x0  }
0x30: {  	[sflag:s24] =	ssyncadd.s32 $0xFFFFC000  }
0x31: {  	[spmem:s9] =	stream.linear.scatter [tilespmem:s23], [sflag:$0x3], $0x4000, $0x38;
	[tilespmem:$0x18100] =	vst v63  }
0x32: {  	_ =	swait.ge [sflag:s24], $0x4000  }
0x33: {  	[sflag:s24] =	ssyncset.done $0x0  }
0x34: {  	[sflag:s24] =	ssyncadd.s32 $0xFFFFC000  }
0x35: {  	[spmem:s10] =	stream.linear.scatter [tilespmem:s23], [sflag:$0x3], $0x4000, $0x38;
	[tilespmem:$0x18100] =	vst v63  }
0x36: {  	_ =	swait.ge [sflag:s24], $0x4000  }
0x37: {  	[sflag:s24] =	ssyncset.done $0x0  }
0x38: {  	[sflag:s24] =	ssyncadd.s32 $0xFFFFC000  }
0x39: {  	[spmem:s11] =	stream.linear.scatter [tilespmem:s23], [sflag:$0x3], $0x4000, $0x38;
	[tilespmem:$0x18100] =	vst v63  }
0x3a: {  	_ =	swait.ge [sflag:s24], $0x4000  }
0x3b: {  	[sflag:s24] =	ssyncset.done $0x0  }
0x3c: {  	s30 =	simm.s32 $0x0;
	s31 =	simm.s32 $0x200;
	[sflag:s24] =	ssyncadd.s32 $0xFFFFC000  }
.LBB2_4:
0x3d: {  	p0 =	sne.s32 s31, $0xFE00;
	[tilespmem:s30+$0x170] =	vst v1  }
0x3e: {  	[tilespmem:s30+$0x100] =	vst v1  }
0x3f: {  	[tilespmem:s30+$0x110] =	vst v1  }
.Ltmp1:
0x40: {  	[tilespmem:s30+$0x120] =	vst v1;
	(pc) =	sbr.rel @p0 .LBB2_4-.Ltmp1, $4  }
0x41: {  	[tilespmem:s30+$0x130] =	vst v1  }
0x42: {  	[tilespmem:s30+$0x140] =	vst v1  }
0x43: {  	[tilespmem:s30+$0x150] =	vst v1  }
0x44: {  	[tilespmem:s30+$0x160] =	vst v1;
	s30 =	sshra.s32 s31, $0x2;
	s31 =	sadd.s32 $0x200, s31  }
0x45: {  	[tilespmem:s30+$0x170] =	vst v1  }
0x46: {  	[tilespmem:s30+$0x100] =	vst v1  }
0x47: {  	[tilespmem:s30+$0x110] =	vst v1  }
0x48: {  	[tilespmem:s30+$0x120] =	vst v1  }
0x49: {  	[tilespmem:s30+$0x130] =	vst v1  }
0x4a: {  	[tilespmem:s30+$0x140] =	vst v1  }
0x4b: {  	[tilespmem:s30+$0x150] =	vst v1  }
0x4c: {  	[tilespmem:s30+$0x160] =	vst v1  }
0x4d: {  	s30 =	simm.s32 $0x0;
	[bflag:$0x0] =	sbarrier.arrive $0xFFFF  }
0x4e: {  	[tilespmem:s30], [sflag:$0x1] =	stream.linear.gather [hbm4b:s4+s30], $0x80, $0x38;
	[tilespmem:$0x18100] =	vst v63  }
0x4f: {  	s30 =	sadd.s32 $0x0, s22  }
0x50: {  	[tilespmem:s25], [sflag:$0x2] =	stream.linear.gather [hbm4b:s30+s3], $0x80, $0x38;
	[tilespmem:$0x18100] =	vst v63  }
0x51: {  	_ =	swait.ge [sflag:s26], $0x80  }
0x52: {  	[sflag:s26] =	ssyncset.done $0x0  }
0x53: {  	[sflag:s26] =	ssyncadd.s32 $0xFFFFFF80  }
0x54: {  	[spmem:s1] =	stream.indirect.scatter.add.f32 [tilespmem:s23], [sflag:$0x3], $0x80, s3, s25, $0xb8;
	[tilespmem:$0x18100] =	vst v63  }
0x55: {  	_ =	swait.ge [sflag:s24], $0x4000  }
0x56: {  	[sflag:s24] =	ssyncset.done $0x0  }
0x57: {  	s30 =	sadd.s32 $0x0, s21;
	[sflag:s24] =	ssyncadd.s32 $0xFFFFC000  }
0x58: {  	[tilespmem:s3], [sflag:$0x1] =	stream.linear.gather [hbm4b:s30+s3], $0x80, $0x38;
	[tilespmem:$0x18100] =	vst v63  }
0x59: {  	_ =	swait.ge [sflag:s28], $0x80  }
0x5a: {  	[sflag:s28] =	ssyncset.done $0x0  }
0x5b: {  	[sflag:s28] =	ssyncadd.s32 $0xFFFFFF80  }
0x5c: {  	[spmem:s1] =	stream.indirect.scatter.add.f32 [tilespmem:s23], [sflag:$0x3], $0x80, s25, s25, $0xb8;
	[tilespmem:$0x18100] =	vst v63  }
0x5d: {  	_ =	swait.ge [sflag:s24], $0x4000  }
0x5e: {  	s31 =	simm.s32 $0x40;
	s30 =	simm.s32 $0x20;
	[sflag:s24] =	ssyncset.done $0x0  }
.LBB2_6:
0x5f: {  	s0 =	sadd.s32 s30, s22  }
0x60: {  	[sflag:s24] =	ssyncadd.s32 $0xFFFFC000;
	s2 =	smov.u32 s31;
	s6 =	sadd.s32 $0x20, s31  }
0x61: {  	[tilespmem:s25], [sflag:$0x2] =	stream.linear.gather [hbm4b:s0+s3], $0x80, $0x38;
	[tilespmem:$0x18100] =	vst v63  }
0x62: {  	p0 =	sne.s32 s31, $0x4C0;
	_ =	swait.ge [sflag:s26], $0x80  }
0x63: {  	[sflag:s26] =	ssyncset.done $0x0  }
0x64: {  	[sflag:s26] =	ssyncadd.s32 $0xFFFFFF80  }
0x65: {  	[spmem:s1] =	stream.indirect.scatter.add.f32 [tilespmem:s23], [sflag:$0x3], $0x80, s3, s25, $0xb8;
	[tilespmem:$0x18100] =	vst v63  }
0x66: {  	_ =	swait.ge [sflag:s24], $0x4000  }
0x67: {  	[sflag:s24] =	ssyncset.done $0x0  }
0x68: {  	s0 =	sadd.s32 s30, s21;
	s30 =	smov.u32 s2;
	[sflag:s24] =	ssyncadd.s32 $0xFFFFC000  }
0x69: {  	[tilespmem:s3], [sflag:$0x1] =	stream.linear.gather [hbm4b:s0+s3], $0x80, $0x38;
	[tilespmem:$0x18100] =	vst v63  }
0x6a: {  	_ =	swait.ge [sflag:s28], $0x80  }
.Ltmp2:
0x6b: {  	[sflag:s28] =	ssyncset.done $0x0;
	(pc) =	sbr.rel @p0 .LBB2_6-.Ltmp2, $4  }
0x6c: {  	[sflag:s28] =	ssyncadd.s32 $0xFFFFFF80  }
0x6d: {  	[spmem:s1] =	stream.indirect.scatter.add.f32 [tilespmem:s23], [sflag:$0x3], $0x80, s25, s25, $0xb8;
	[tilespmem:$0x18100] =	vst v63  }
0x6e: {  	_ =	swait.ge [sflag:s24], $0x4000  }
0x6f: {  	s31 =	smov.u32 s6;
	[sflag:s24] =	ssyncset.done $0x0  }
0x70: {  	s0 =	sadd.s32 s30, s22;
	[sflag:s24] =	ssyncadd.s32 $0xFFFFC000  }
0x71: {  	[tilespmem:s25], [sflag:$0x2] =	stream.linear.gather [hbm4b:s0+s3], $0x80, $0x38;
	[tilespmem:$0x18100] =	vst v63  }
0x72: {  	_ =	swait.ge [sflag:s26], $0x80  }
0x73: {  	[sflag:s26] =	ssyncset.done $0x0  }
0x74: {  	[sflag:s26] =	ssyncadd.s32 $0xFFFFFF80  }
0x75: {  	[spmem:s1] =	stream.indirect.scatter.add.f32 [tilespmem:s23], [sflag:$0x3], $0x80, s3, s25, $0xb8;
	[tilespmem:$0x18100] =	vst v63  }
0x76: {  	_ =	swait.ge [sflag:s24], $0x4000  }
0x77: {  	[sflag:s24] =	ssyncset.done $0x0  }
0x78: {  	s30 =	sadd.s32 s30, s21;
	[sflag:s24] =	ssyncadd.s32 $0xFFFFC000  }
0x79: {  	[tilespmem:s3], [sflag:$0x1] =	stream.linear.gather [hbm4b:s30+s3], $0x80, $0x38;
	[tilespmem:$0x18100] =	vst v63  }
0x7a: {  	_ =	swait.ge [sflag:s28], $0x80  }
0x7b: {  	[sflag:s28] =	ssyncset.done $0x0  }
0x7c: {  	[sflag:s28] =	ssyncadd.s32 $0xFFFFFF80  }
0x7d: {  	[spmem:s1] =	stream.indirect.scatter.add.f32 [tilespmem:s23], [sflag:$0x3], $0x80, s25, s25, $0xb8;
	[tilespmem:$0x18100] =	vst v63  }
0x7e: {  	_ =	swait.ge [sflag:s24], $0x4000  }
0x7f: {  	[sflag:s24] =	ssyncset.done $0x0  }
0x80: {  	[sflag:s24] =	ssyncadd.s32 $0xFFFFC000  }
0x81: {  	[tilespmem:s25], [sflag:$0x2] =	stream.linear.gather [hbm4b:s7+s3], $0x80, $0x38;
	[tilespmem:$0x18100] =	vst v63  }
0x82: {  	_ =	swait.ge [sflag:s26], $0x80  }
0x83: {  	[sflag:s26] =	ssyncset.done $0x0  }
0x84: {  	[sflag:s26] =	ssyncadd.s32 $0xFFFFFF80  }
0x85: {  	[spmem:s1] =	stream.indirect.scatter.add.f32 [tilespmem:s23], [sflag:$0x3], $0x80, s3, s25, $0xb8;
	[tilespmem:$0x18100] =	vst v63  }
0x86: {  	_ =	swait.ge [sflag:s24], $0x4000  }
0x87: {  	[sflag:s24] =	ssyncset.done $0x0  }
0x88: {  	[sflag:s24] =	ssyncadd.s32 $0xFFFFC000  }
0x89: {  	[tilespmem:s3], [sflag:$0x1] =	stream.linear.gather [hbm4b:s4+s3], $0x80, $0x38;
	[tilespmem:$0x18100] =	vst v63  }
0x8a: {  	_ =	swait.ge [sflag:s28], $0x80  }
0x8b: {  	[sflag:s28] =	ssyncset.done $0x0  }
0x8c: {  	[sflag:s28] =	ssyncadd.s32 $0xFFFFFF80  }
0x8d: {  	[spmem:s1] =	stream.indirect.scatter.add.f32 [tilespmem:s23], [sflag:$0x3], $0x80, s25, s25, $0xb8;
	[tilespmem:$0x18100] =	vst v63  }
0x8e: {  	_ =	swait.ge [sflag:s24], $0x4000  }
0x8f: {  	[sflag:s24] =	ssyncset.done $0x0  }
0x90: {  	[sflag:s24] =	ssyncadd.s32 $0xFFFFC000  }
0x91: {  	_ =	swait.ge [sflag:s26], $0x80  }
0x92: {  	[sflag:s26] =	ssyncset.done $0x0  }
0x93: {  	[sflag:s26] =	ssyncadd.s32 $0xFFFFFF80  }
0x94: {  	[bflag:$0x0] =	sbarrier.arrive $0xFFFF  }
0x95: {  	[tilespmem:s23], [sflag:$0x3] =	stream.linear.gather [spmem:s5], $0x4000, $0x38;
	[tilespmem:$0x18100] =	vst v63  }
0x96: {  	_ =	swait.ge [sflag:s24], $0x4000  }
0x97: {  	[sflag:s24] =	ssyncset.done $0x0  }
0x98: {  	[sflag:s24] =	ssyncadd.s32 $0xFFFFC000  }
0x99: {  	[hbm4b:s12+s3] =	stream.linear.scatter [tilespmem:s23], [sflag:$0x3], $0x4000, $0x38;
	[tilespmem:$0x18100] =	vst v63  }
0x9a: {  	_ =	swait.ge [sflag:s24], $0x4000  }
0x9b: {  	[sflag:s24] =	ssyncset.done $0x0  }
0x9c: {  	[sflag:s24] =	ssyncadd.s32 $0xFFFFC000  }
0x9d: {  	[tilespmem:s23], [sflag:$0x3] =	stream.linear.gather [spmem:s13], $0x4000, $0x38;
	[tilespmem:$0x18100] =	vst v63  }
0x9e: {  	_ =	swait.ge [sflag:s24], $0x4000  }
0x9f: {  	[sflag:s24] =	ssyncset.done $0x0  }
0xa0: {  	[sflag:s24] =	ssyncadd.s32 $0xFFFFC000  }
0xa1: {  	[hbm4b:s14+s3] =	stream.linear.scatter [tilespmem:s23], [sflag:$0x3], $0x4000, $0x38;
	[tilespmem:$0x18100] =	vst v63  }
0xa2: {  	_ =	swait.ge [sflag:s24], $0x4000  }
0xa3: {  	[sflag:s24] =	ssyncset.done $0x0  }
0xa4: {  	[sflag:s24] =	ssyncadd.s32 $0xFFFFC000  }
0xa5: {  	[tilespmem:s23], [sflag:$0x3] =	stream.linear.gather [spmem:s15], $0x4000, $0x38;
	[tilespmem:$0x18100] =	vst v63  }
0xa6: {  	_ =	swait.ge [sflag:s24], $0x4000  }
0xa7: {  	[sflag:s24] =	ssyncset.done $0x0  }
0xa8: {  	[sflag:s24] =	ssyncadd.s32 $0xFFFFC000  }
0xa9: {  	[hbm4b:s16+s3] =	stream.linear.scatter [tilespmem:s23], [sflag:$0x3], $0x4000, $0x38;
	[tilespmem:$0x18100] =	vst v63  }
0xaa: {  	_ =	swait.ge [sflag:s24], $0x4000  }
0xab: {  	[sflag:s24] =	ssyncset.done $0x0  }
0xac: {  	[sflag:s24] =	ssyncadd.s32 $0xFFFFC000  }
0xad: {  	[tilespmem:s23], [sflag:$0x3] =	stream.linear.gather [spmem:s17], $0x4000, $0x38;
	[tilespmem:$0x18100] =	vst v63  }
0xae: {  	_ =	swait.ge [sflag:s24], $0x4000  }
0xaf: {  	[sflag:s24] =	ssyncset.done $0x0  }
0xb0: {  	[sflag:s24] =	ssyncadd.s32 $0xFFFFC000  }
0xb1: {  	[hbm4b:s18+s3] =	stream.linear.scatter [tilespmem:s23], [sflag:$0x3], $0x4000, $0x38;
	[tilespmem:$0x18100] =	vst v63  }
0xb2: {  	_ =	swait.ge [sflag:s24], $0x4000  }
0xb3: {  	[sflag:s24] =	ssyncset.done $0x0  }
0xb4: {  	[sflag:s24] =	ssyncadd.s32 $0xFFFFC000  }
0xb5: {  	[tilespmem:s23], [sflag:$0x3] =	stream.linear.gather [spmem:s19], $0x4000, $0x38;
	[tilespmem:$0x18100] =	vst v63  }
0xb6: {  	_ =	swait.ge [sflag:s24], $0x4000  }
0xb7: {  	[sflag:s24] =	ssyncset.done $0x0  }
0xb8: {  	[sflag:s24] =	ssyncadd.s32 $0xFFFFC000  }
0xb9: {  	[hbm4b:s20+s3] =	stream.linear.scatter [tilespmem:s23], [sflag:$0x3], $0x4000, $0x38;
	[tilespmem:$0x18100] =	vst v63  }
0xba: {  	_ =	swait.ge [sflag:s24], $0x4000  }
0xbb: {  	s29 =	sadd.s32 $0x1, s29;
	s31 =	rddreg [dreg:$0x3]  }
0xbc: {  	p0 =	sne.s32 s29, s31  }
.Ltmp3:
0xbd: {  	_ = 	snop;
	(pc) =	sbr.rel @p0 .LBB2_1-.Ltmp3, $3  }
0xbe: {  	_ =	sdelay $0x1  }
0xbf: {  	[sflag:s24] =	ssyncset.done $0x0  }
0xc0: {  	[sflag:s24] =	ssyncadd.s32 $0xFFFFC000  }
0xc1: {  	_ =	sfence.sel $0x180000  }
0xc2: {  	[bflag:$0x0] =	sbarrier.arrive $0xFFFF  }
0xc3: {  	_ =	strace $0x90000047  }
0xc4: {  	s0 =	stileid.u32;
	[bflag:$0x2] =	sbarrier.arrive $0xFFFF  }
0xc5: {  	p0 =	sne.s32 s0, $0x0;
	s0 =	rddreg [dreg:$0x2]  }
0xc6: {  	s0 =	sadd.s32 @!p0 $0x100000, s0  }
0xc7: {  	[sflag:s0] =	ssyncadd.tile.s32 @!p0 $0x1;
	_ =	shalt  }
.Lfunc_end2:
_tile_overlayer_lowered:
.L_overlay_start_2:
0xc8: {  	(tag) =	ssettag $0x2  }
0xc9: {  	s0 =	rddreg [dreg:$0x0];
	s2 =	stileid.u32  }
0xca: {  	s1 =	rddreg [dreg:$0x1];
	p0 =	sne.s32 s2, $0x0  }
0xcb: {  	s3 =	rddreg [dreg:$0x2];
	[bflag:$0x3] =	sbarrier.arrive $0xFFFF;
	s2 =	simm.s32 @!p0 $0x1C03  }
0xcc: {  	[timem:s3], [sflag:s2] =	dma.local @!p0 [hbm:s0], s1  }
0xcd: {  	s0 =	simm.s32 @!p0 $0x3  }
0xce: {  	_ =	swait.ge @!p0 [sflag:s0], s1  }
0xcf: {  	s1 =	ssub.s32 @!p0 $0x0, s1;
	[sflag:s0] =	ssyncset.done @!p0 $0x0  }
0xd0: {  	[sflag:s0] =	ssyncadd.s32 @!p0 s1  }
0xd1: {  	[bflag:$0x3] =	sbarrier.arrive $0xFFFF  }
0xd2: {  	_ =	shalt  }

// kernel: kernel.14.cloned.1.call-start
scs
__scs_entry_jumppad:
0x0: {  	(pc) =	sbr.rel $0x88, $3  }
0x1: {  	(tag) =	ssettag $0x0;
	lr =	simm.s32 $0x1  }
0x2: {  	[smem:$0x3F96] =	sst lr;
	_ =	strace $0xD0000000  }
0x3: {  	_ = 	snop  }
0x4: {  	_ = 	snop  }
0x5: {  	_ = 	snop  }
0x6: {  	_ = 	snop  }
0x7: {  	_ = 	snop  }
__scs_overlays_trampoline_lowered:
0x8: {  	[smem:$0x3FA5] =	sst s0  }
0x9: {  	[smem:$0x3FA6] =	sst s1  }
0xa: {  	[smem:$0x3FA7] =	sst s2  }
0xb: {  	[smem:$0x3FA8] =	sst s3  }
0xc: {  	[smem:$0x3FA9] =	sst s4  }
0xd: {  	[smem:$0x3FAA] =	sst s5  }
0xe: {  	[smem:$0x3FAB] =	sst s6  }
0xf: {  	[smem:$0x3FAC] =	sst s7  }
0x10: {  	[smem:$0x3FAD] =	sst s8  }
0x11: {  	[smem:$0x3FAE] =	sst s9;
	s0 =	simm.s32 @!p0 $0x0  }
0x12: {  	s1 =	sld [smem:$0x3F94];
	s0 =	simm.s32 @p0 $0x1  }
0x13: {  	[smem:$0x3FAF] =	sst s0;
	s0 =	simm.s32 @!p1 $0x0  }
0x14: {  	s2 =	sld [smem:$0x3F93];
	s0 =	simm.s32 @p1 $0x1  }
0x15: {  	[smem:$0x3FB0] =	sst s0;
	s0 =	simm.s32 @!p2 $0x0  }
0x16: {  	s3 =	sld [smem:$0x3FDB];
	s0 =	simm.s32 @p2 $0x1  }
0x17: {  	s4 =	simm.s32 $0x1BF5;
	[smem:$0x3FB2] =	sst s0  }
0x18: {  	s0 =	sld [smem:$0x3F95];
	_ =	swait.ge [sflag:s4], $0x0  }
0x19: {  	s7 =	sld [smem:$0x3F96]  }
0x1a: {  	s8 =	sadd.s32 $0xFFFFE003, lr  }
0x1b: {  	s9 =	sadd.s32 $0xFFFFFEF7, lr;
	s5 =	simm.s32 $0xFFFFFFFF;
	p2 =	slt.u32 s8, $0xFFFFF086  }
0x1c: {  	p1 =	slt.u32 s9, $0xF7A;
	s5 =	simm.s32 @!p2 $0x0  }
0x1d: {  	s5 =	simm.s32 @p1 $0x1;
	p0 =	seq.s32 s7, s2  }
0x1e: {  	s7 =	smul.u32 @!p0 $0xF7A, s2;
	p2 =	seq.s32 @!p0 s5, $0x0  }
0x1f: {  	s9 =	smul.u32 $0xF7A, s1;
	s8 =	simm.s32 @!p0 $0x1BF5;
	p2 =	por !p2, p0  }
0x20: {  	[sflag:s8] =	ssyncset.s32 @!p0 $0xFFFFF086;
	s6 =	sadd.s32 @!p0 s3, s7;
	s7 =	simm.s32 @!p0 $0x108  }
0x21: {  	s3 =	sadd.s32 s3, s9;
	s6 =	sadd.s32 @!p0 $0x88, s6;
	s7 =	simm.s32 @p2 $0x1082  }
0x22: {  	[simem:s7], [sflag:s8] =	dma.local @!p0 [hbm:s6], $0xF7A  }
0x23: {  	s9 =	sor.u32 $0xD0000000, s2;
	s6 =	simm.s32 $0x108;
	_ =	swait.ge @!p0 [sflag:s8], $0x0  }
0x24: {  	s3 =	sadd.s32 $0x88, s3;
	s6 =	simm.s32 @!p1 $0x1082;
	[sflag:s4] =	ssyncset.s32 $0xFFFFF086  }
0x25: {  	[simem:s6], [sflag:s4] =	dma.local [hbm:s3], $0xF7A  }
0x26: {  	[smem:$0x3F96] =	sst s1;
	(tag) =	ssettag s2;
	_ =	strace s9  }
0x27: {  	s1 =	sld [smem:$0x3FA6]  }
0x28: {  	s2 =	sld [smem:$0x3FA7]  }
0x29: {  	s4 =	sld [smem:$0x3FA9]  }
0x2a: {  	p0 =	seq.s32 s5, $0x0;
	s5 =	sld [smem:$0x3FAA]  }
0x2b: {  	s6 =	sld [smem:$0x3FAB]  }
0x2c: {  	s7 =	sld [smem:$0x3FAC]  }
0x2d: {  	s3 =	simm.s32 $0x108;
	s8 =	sld [smem:$0x3FAD]  }
0x2e: {  	s3 =	simm.s32 @!p0 $0x1082;
	s9 =	sld [smem:$0x3FAE]  }
0x2f: {  	lr =	sadd.s32 s0, s3;
	s0 =	sld [smem:$0x3FA5]  }
0x30: {  	s3 =	sld [smem:$0x3FA8]  }
0x31: {  	[smem:$0x3FB1] =	sst s10  }
0x32: {  	s10 =	sld [smem:$0x3FAF];
	_ =	sdelay $0x3  }
0x33: {  	p0 =	seq.s32 s10, $0x1;
	s10 =	sld [smem:$0x3FB1];
	_ =	sdelay $0x3  }
0x34: {  	[smem:$0x3FB1] =	sst s10  }
0x35: {  	s10 =	sld [smem:$0x3FB0];
	_ =	sdelay $0x3  }
0x36: {  	p1 =	seq.s32 s10, $0x1;
	s10 =	sld [smem:$0x3FB1];
	_ =	sdelay $0x3  }
0x37: {  	[smem:$0x3FB1] =	sst s10  }
0x38: {  	s10 =	sld [smem:$0x3FB2]  }
0x39: {  	_ = 	snop;
	(pc) =	sbr.ind lr, $3  }
0x3a: {  	_ = 	snop  }
0x3b: {  	_ = 	snop  }
0x3c: {  	p2 =	seq.s32 s10, $0x1;
	s10 =	sld [smem:$0x3FB1]  }
0x3d: {  	_ =	shalt  }
0x3e: {  	_ =	shalt  }
0x3f: {  	_ =	shalt  }
0x40: {  	_ =	shalt  }
0x41: {  	_ =	shalt  }
0x42: {  	_ =	shalt  }
0x43: {  	_ =	shalt  }
0x44: {  	_ =	shalt  }
0x45: {  	_ =	shalt  }
0x46: {  	_ =	shalt  }
0x47: {  	_ =	shalt  }
0x48: {  	_ =	shalt  }
0x49: {  	_ =	shalt  }
0x4a: {  	_ =	shalt  }
0x4b: {  	_ =	shalt  }
0x4c: {  	_ =	shalt  }
0x4d: {  	_ =	shalt  }
0x4e: {  	_ =	shalt  }
0x4f: {  	_ =	shalt  }
0x50: {  	_ =	shalt  }
0x51: {  	_ =	shalt  }
0x52: {  	_ =	shalt  }
0x53: {  	_ =	shalt  }
0x54: {  	_ =	shalt  }
0x55: {  	_ =	shalt  }
0x56: {  	_ =	shalt  }
0x57: {  	_ =	shalt  }
0x58: {  	_ =	shalt  }
0x59: {  	_ =	shalt  }
0x5a: {  	_ =	shalt  }
0x5b: {  	_ =	shalt  }
0x5c: {  	_ =	shalt  }
0x5d: {  	_ =	shalt  }
0x5e: {  	_ =	shalt  }
0x5f: {  	_ =	shalt  }
0x60: {  	_ =	shalt  }
0x61: {  	_ =	shalt  }
0x62: {  	_ =	shalt  }
0x63: {  	_ =	shalt  }
0x64: {  	_ =	shalt  }
0x65: {  	_ =	shalt  }
0x66: {  	_ =	shalt  }
0x67: {  	_ =	shalt  }
0x68: {  	_ =	shalt  }
0x69: {  	_ =	shalt  }
0x6a: {  	_ =	shalt  }
0x6b: {  	_ =	shalt  }
0x6c: {  	_ =	shalt  }
0x6d: {  	_ =	shalt  }
0x6e: {  	_ =	shalt  }
0x6f: {  	_ =	shalt  }
0x70: {  	_ =	shalt  }
0x71: {  	_ =	shalt  }
0x72: {  	_ =	shalt  }
0x73: {  	_ =	shalt  }
0x74: {  	_ =	shalt  }
0x75: {  	_ =	shalt  }
0x76: {  	_ =	shalt  }
0x77: {  	_ =	shalt  }
0x78: {  	_ =	shalt  }
0x79: {  	_ =	shalt  }
0x7a: {  	_ =	shalt  }
0x7b: {  	_ =	shalt  }
0x7c: {  	_ =	shalt  }
0x7d: {  	_ =	shalt  }
0x7e: {  	_ =	shalt  }
0x7f: {  	_ =	shalt  }
0x80: {  	_ =	shalt  }
0x81: {  	_ =	shalt  }
0x82: {  	_ =	shalt  }
0x83: {  	_ =	shalt  }
0x84: {  	_ =	shalt  }
0x85: {  	_ =	shalt  }
0x86: {  	_ =	shalt  }
0x87: {  	_ =	shalt  }
.Lfunc_end0:
.L_simem_size_0:
called_computation.1_lowered:
.L_overlay_start_0:
0x88: {  	s2 =	sld [smem:$0x3FD9]  }
0x89: {  	s3 =	sld [smem:$0x3FFE];
	_ =	sdelay $0x1  }
0x8a: {  	s1 =	srdreg.scid  }
0x8b: {  	s0 =	sand.u32 $0x1, s1  }
0x8c: {  	s16 =	sshll.u32 s0, $0xA;
	s2 =	sadd.s32 s3, s2  }
0x8d: {  	s2 =	sadd.s32 s2, s16  }
0x8e: {  	[smem:$0x3FBD] =	sst s2  }
0x8f: {  	_ = 	snop  }
0x90: {  	(tm) =	ssettm $0x1  }
0x91: {  	s17 =	sld [smem:$0x3FFB];
	_ =	sdelay $0x3  }
0x92: {  	_ =	strace s17  }
0x93: {  	s2 =	sld [smem:$0x3FFC];
	_ =	sdelay $0x3  }
0x94: {  	_ =	strace s2  }
0x95: {  	s2 =	sld [smem:$0x3FFD];
	_ =	sdelay $0x3  }
0x96: {  	_ =	strace s2  }
0x97: {  	_ =	strace $0x8FFFFFFF  }
0x98: {  	s18 =	sld [smem:$0x3FDB];
	_ =	sdelay $0x1  }
0x99: {  	s19 =	simm.s32 $_scs_section_size  }
0x9a: {  	s4 =	simm.s32 $_size__tile_overlayer_lowered;
	s5 =	simm.s32 $_tile_overlayer_lowered  }
0x9b: {  	s22 =	simm.s32 $0x1BFF;
	s21 =	sshll.u32 s5, $0x1;
	s2 =	sadd.s32 s19, s18  }
0x9c: {  	s6 =	simm.s32 $0x0;
	s20 =	sshll.u32 s4, $0x1;
	s4 =	sadd.s32 s21, s2  }
0x9d: {  	[timem:s6], [sflag:s22] =	dma.local [hbm:s4], s20  }
0x9e: {  	_ =	swait.ge [sflag:s22], s20  }
0x9f: {  	s3 =	ssub.s32 $0x0, s20;
	[sflag:s22] =	ssyncset.done $0x0  }
0xa0: {  	[sflag:s22] =	ssyncadd.s32 s3;
	_ =	sdelay $0x1  }
0xa1: {  	s23 =	simm.s32 $0x1B8B  }
0xa2: {  	_ =	swait.ge [sflag:s23], $0x1  }
0xa3: {  	[sflag:s23] =	ssyncset.done $0x0  }
0xa4: {  	s25 =	simm.s32 $0x1B8E;
	s24 =	sld [smem:$0x3FFE];
	[sflag:s23] =	ssyncadd.s32 $0xFFFFFFFF  }
0xa5: {  	s26 =	simm.s32 $execute0_lowered;
	[smem:$0x3FD2] =	sst s25  }
0xa6: {  	s4 =	sshll.u32 s26, $0x1;
	_ =	strace $0x80000049;
	[dreg:$0x1] =	wrdreg $0xFFFFFFFF  }
0xa7: {  	s28 =	simm.s32 $_size_execute0_lowered;
	s2 =	sadd.s32 s2, s4;
	[dreg:$0x0] =	wrdreg $0x0  }
0xa8: {  	s4 =	sshll.u32 s28, $0x1;
	[dreg:$0x2] =	wrdreg s2  }
0xa9: {  	[dreg:$0x3] =	wrdreg s4  }
0xaa: {  	[dreg:$0x4] =	wrdreg $0xC0  }
0xab: {  	_ =	task [dreg:s6], $0x5FFFF  }
0xac: {  	[dreg:$0x1] =	wrdreg $0xFFFFFFFF  }
0xad: {  	[dreg:$0x0] =	wrdreg $0x60  }
0xae: {  	[dreg:$0x2] =	wrdreg s24  }
0xaf: {  	[dreg:$0x3] =	wrdreg $0xA9000  }
0xb0: {  	[dreg:$0x4] =	wrdreg $0x9  }
0xb1: {  	_ =	task.clear_ibuf [dreg:s6], $0x5FFFF;
	_ =	strace $0x90000049  }
0xb2: {  	s29 =	simm.s32 $0x9;
	_ =	strace $0x8000004B  }
0xb3: {  	_ =	swait.ge [sflag:s29], $0x1  }
0xb4: {  	[sflag:s29] =	ssyncadd.s32 $0xFFFFFFFF  }
0xb5: {  	_ =	strace $0x9000004B  }
0xb6: {  	_ =	sfence  }
0xb7: {  	s30 =	sld [smem:$0x0];
	_ =	sdelay $0x2  }
0xb8: {  	s31 =	sshll.u32 s1, $0xD;
	s1 =	sshrl.u32 s1, $0x2  }
0xb9: {  	s3 =	sand.u32 $0x4000, s31;
	s1 =	sadd.s32 s1, s30  }
0xba: {  	s0 =	sor.u32 s3, s0;
	s1 =	sshll.u32 s1, $0x11  }
0xbb: {  	s0 =	sor.u32 s1, s0  }
0xbc: {  	s0 =	sadd.s32 $0x8F2B, s0  }
0xbd: {  	[sflag:s0] =	ssyncadd.remote.s32 $0x1  }
0xbe: {  	_ =	sfence.sel $0xFFFF  }
0xbf: {  	[dreg:$0x0] =	wrdreg $0xFFFFFFFF;
	(pc) =	sbr.abs _section_cstart, $3  }
0xc0: {  	[dreg:$0x1] =	wrdreg $0xFFFFFFFF  }
0xc1: {  	_ =	task.clear_ibuf [dreg:s6], $0x2FFFF;
	_ =	strace $0x9FFFFFFF  }
0xc2: {  	(tm) =	ssettm $0x7FFFFFFF  }
0xc3: {  	_ =	shalt  }
tec
execute0_lowered:
.L_overlay_start_1:
0x0: {  	(tag) =	ssettag $0x1  }
0x1: {  	s0 =	srdreg.scid;
	s1 =	rddreg [dreg:$0x0]  }
0x2: {  	s12 =	stileid.u32;
	s2 =	rddreg [dreg:$0x1];
	s3 =	simm.s32 $0x0  }
0x3: {  	s28 =	simm.s32 $0x80;
	s29 =	simm.s32 $0x2800;
	s5 =	smul.u32 $0x2800, s12  }
0x4: {  	s30 =	simm.s32 $0x6900;
	s31 =	simm.s32 $0x2880;
	s9 =	smul.u32 $0x50000, s12  }
0x5: {  	s0 =	sand.u32 $0x1, s0;
	[smem:$0x7FF] =	sst s3;
	s13 =	smul.u32 $0x14000, s12  }
0x6: {  	s10 =	sadd.s32 $0xDC00, s1;
	s4 =	smul.u32 $0x28000, s0;
	s8 =	ssub.s32 $0x2, s0  }
0x7: {  	_ =	strace $0x8000004A;
	s0 =	smul.u32 $0x140000, s0;
	s11 =	sshrl.u32 s8, $0x1  }
0x8: {  	s9 =	sshrl.u32 s9, $0x2;
	s19 =	sadd.s32 $0x4000, s13;
	s22 =	sadd.s32 $0x8000, s13  }
0x9: {  	s23 =	sadd.s32 $0xC000, s13;
	s5 =	sadd.s32 s5, s4;
	s4 =	sadd.s32 $0x3FC00, s1  }
0xa: {  	s8 =	ssub.s32 s8, s11;
	s17 =	sadd.s32 s0, s13;
	s21 =	sadd.s32 s0, s19  }
0xb: {  	s11 =	sadd.s32 s0, s22;
	s24 =	sadd.s32 s0, s23;
	s7 =	sshrl.u32 s5, $0x3  }
0xc: {  	s8 =	smax.u32 s8, $0x1;
	s11 =	sshrl.u32 s11, $0x3;
	s12 =	sshrl.u32 s24, $0x3  }
0xd: {  	s25 =	sor.u32 $0x100, s5;
	s26 =	sor.u32 $0x80, s5;
	s5 =	simm.s32 $0x2  }
0xe: {  	s6 =	sadd.s32 s7, s1;
	s1 =	sadd.s32 $0x67C00, s1;
	s7 =	sadd.s32 s10, s7  }
0xf: {  	[dreg:$0x4] =	wrdreg s8;
	s8 =	sshrl.u32 s17, $0x3;
	s6 =	sadd.s32 $0x3C00, s6  }
0x10: {  	s17 =	sadd.s32 s22, s2;
	s20 =	sadd.s32 $0x4F0, s7;
	[dreg:$0x3] =	wrdreg s6  }
0x11: {  	s8 =	sadd.s32 s1, s8;
	s6 =	sadd.s32 s9, s2;
	[dreg:$0x9] =	wrdreg s20  }
0x12: {  	[dreg:$0xa] =	wrdreg s8;
	s8 =	sshrl.u32 s21, $0x3;
	s14 =	sadd.s32 $0x4000, s6  }
0x13: {  	s9 =	sadd.s32 $0x10000, s13;
	s15 =	sadd.s32 $0x8000, s6;
	[dreg:$0x5] =	wrdreg s14  }
0x14: {  	s21 =	sadd.s32 s23, s2;
	s16 =	sadd.s32 $0xC000, s6;
	[dreg:$0x6] =	wrdreg s15  }
0x15: {  	s18 =	sadd.s32 $0x10000, s6;
	s0 =	sadd.s32 s0, s9;
	[dreg:$0x7] =	wrdreg s16  }
0x16: {  	s22 =	sadd.s32 s9, s2;
	s9 =	simm.s32 $0x0;
	[dreg:$0x8] =	wrdreg s18  }
0x17: {  	s15 =	sadd.s32 s19, s2;
	s16 =	sadd.s32 s1, s8;
	s18 =	sadd.s32 s1, s11  }
0x18: {  	s19 =	sadd.s32 s1, s12;
	s0 =	sshrl.u32 s0, $0x3;
	s8 =	simm.s32 $0x4  }
0x19: {  	s20 =	sadd.s32 s1, s0;
	s0 =	sshrl.u32 s25, $0x3;
	s1 =	sshrl.u32 s26, $0x3  }
0x1a: {  	s25 =	simm.s32 $0x5;
	s26 =	simm.s32 $0x2900;
	s23 =	sadd.s32 s0, s10  }
0x1b: {  	v0 =	vimm.f32 $0.0e+00;
	s24 =	sadd.s32 s1, s10;
	s1 =	simm.s32 $0x1;
	s0 =	simm.s32 $0x3  }
.LBB2_1:
0x1c: {  	s10 =	rddreg [dreg:$0x3]  }
0x1d: {  	[tilespmem:s3], [sflag:$0x5] =	stream.linear.gather [hbm4b:s10+s3], $0x2800, $0x38;
	[tilespmem:$0x1E900] =	vst v63  }
0x1e: {  	_ =	swait.ge [sflag:s25], $0x2800  }
0x1f: {  	[sflag:s25] =	ssyncset.done $0x0  }
0x20: {  	s11 =	simm.s32 $0x200;
	s10 =	simm.s32 $0x0;
	[sflag:s25] =	ssyncadd.s32 $0xFFFFD800  }
.LBB2_2:
0x21: {  	p0 =	sne.s32 s11, $0xFE00;
	[tilespmem:s10+$0x2970] =	vst v0  }
0x22: {  	[tilespmem:s10+$0x2900] =	vst v0  }
0x23: {  	[tilespmem:s10+$0x2910] =	vst v0  }
.Ltmp0:
0x24: {  	[tilespmem:s10+$0x2920] =	vst v0;
	(pc) =	sbr.rel @p0 .LBB2_2-.Ltmp0, $4  }
0x25: {  	[tilespmem:s10+$0x2930] =	vst v0  }
0x26: {  	[tilespmem:s10+$0x2940] =	vst v0  }
0x27: {  	[tilespmem:s10+$0x2950] =	vst v0  }
0x28: {  	[tilespmem:s10+$0x2960] =	vst v0;
	s10 =	sshra.s32 s11, $0x2;
	s11 =	sadd.s32 $0x200, s11  }
0x29: {  	[tilespmem:s10+$0x2970] =	vst v0  }
0x2a: {  	[tilespmem:s10+$0x2900] =	vst v0  }
0x2b: {  	[tilespmem:s10+$0x2910] =	vst v0  }
0x2c: {  	[tilespmem:s10+$0x2920] =	vst v0  }
0x2d: {  	[tilespmem:s10+$0x2930] =	vst v0  }
0x2e: {  	[tilespmem:s10+$0x2940] =	vst v0  }
0x2f: {  	[tilespmem:s10+$0x2950] =	vst v0  }
0x30: {  	[tilespmem:s10+$0x2960] =	vst v0  }
0x31: {  	[spmem:s6] =	stream.linear.scatter [tilespmem:s26], [sflag:$0x5], $0x4000, $0x38;
	[tilespmem:$0x1E900] =	vst v63  }
0x32: {  	_ =	swait.ge [sflag:s25], $0x4000  }
0x33: {  	[sflag:s25] =	ssyncset.done $0x0  }
0x34: {  	s14 =	rddreg [dreg:$0x5];
	[sflag:s25] =	ssyncadd.s32 $0xFFFFC000  }
0x35: {  	[spmem:s14] =	stream.linear.scatter [tilespmem:s26], [sflag:$0x5], $0x4000, $0x38;
	[tilespmem:$0x1E900] =	vst v63  }
0x36: {  	_ =	swait.ge [sflag:s25], $0x4000  }
0x37: {  	[sflag:s25] =	ssyncset.done $0x0  }
0x38: {  	s11 =	rddreg [dreg:$0x6];
	[sflag:s25] =	ssyncadd.s32 $0xFFFFC000  }
0x39: {  	[spmem:s11] =	stream.linear.scatter [tilespmem:s26], [sflag:$0x5], $0x4000, $0x38;
	[tilespmem:$0x1E900] =	vst v63  }
0x3a: {  	_ =	swait.ge [sflag:s25], $0x4000  }
0x3b: {  	[sflag:s25] =	ssyncset.done $0x0  }
0x3c: {  	s12 =	rddreg [dreg:$0x7];
	[sflag:s25] =	ssyncadd.s32 $0xFFFFC000  }
0x3d: {  	[spmem:s12] =	stream.linear.scatter [tilespmem:s26], [sflag:$0x5], $0x4000, $0x38;
	[tilespmem:$0x1E900] =	vst v63  }
0x3e: {  	_ =	swait.ge [sflag:s25], $0x4000  }
0x3f: {  	[sflag:s25] =	ssyncset.done $0x0  }
0x40: {  	s13 =	rddreg [dreg:$0x8];
	[sflag:s25] =	ssyncadd.s32 $0xFFFFC000  }
0x41: {  	[spmem:s13] =	stream.linear.scatter [tilespmem:s26], [sflag:$0x5], $0x4000, $0x38;
	[tilespmem:$0x1E900] =	vst v63  }
0x42: {  	_ =	swait.ge [sflag:s25], $0x4000  }
0x43: {  	[sflag:s25] =	ssyncset.done $0x0  }
0x44: {  	[sflag:s25] =	ssyncadd.s32 $0xFFFFC000  }
0x45: {  	s14 =	simm.s32 $0x0;
	[bflag:$0x0] =	sbarrier.arrive $0xFFFF  }
0x46: {  	[tilespmem:s26], [sflag:$0x1] =	stream.indirect.gather [hbm4b:s4+s28], $0x80, s14, s28, $0xb8;
	[tilespmem:$0x1E900] =	vst v63  }
0x47: {  	_ = 	snop  }
0x48: {  	[tilespmem:s29], [sflag:$0x3] =	stream.linear.gather [hbm4b:s7+s14], $0x80, $0x38;
	[tilespmem:$0x1E900] =	vst v63  }
0x49: {  	s11 =	simm.s32 $0x80  }
0x4a: {  	[tilespmem:s30], [sflag:$0x2] =	stream.indirect.gather [hbm4b:s4+s28], $0x80, s11, s28, $0xb8;
	[tilespmem:$0x1E900] =	vst v63  }
0x4b: {  	s12 =	sadd.s32 $0x0, s24  }
0x4c: {  	[tilespmem:s31], [sflag:$0x4] =	stream.linear.gather [hbm4b:s12+s3], $0x80, $0x38;
	[tilespmem:$0x1E900] =	vst v63  }
0x4d: {  	_ =	swait.ge [sflag:s1], $0x4000  }
0x4e: {  	[sflag:s1] =	ssyncset.done $0x0  }
0x4f: {  	[sflag:s1] =	ssyncadd.s32 $0xFFFFC000  }
0x50: {  	_ =	swait.ge [sflag:s0], $0x80  }
0x51: {  	[sflag:s0] =	ssyncset.done $0x0  }
0x52: {  	[sflag:s0] =	ssyncadd.s32 $0xFFFFFF80  }
0x53: {  	[spmem:s2] =	stream.indirect.scatter.add.f32 [tilespmem:s26], [sflag:$0x5], $0x80, s29, s28, $0xb8;
	[tilespmem:$0x1E900] =	vst v63  }
0x54: {  	_ =	swait.ge [sflag:s25], $0x4000  }
0x55: {  	[sflag:s25] =	ssyncset.done $0x0  }
0x56: {  	s13 =	simm.s32 $0x100;
	[sflag:s25] =	ssyncadd.s32 $0xFFFFC000  }
0x57: {  	[tilespmem:s26], [sflag:$0x1] =	stream.indirect.gather [hbm4b:s4+s28], $0x80, s13, s28, $0xb8;
	[tilespmem:$0x1E900] =	vst v63  }
0x58: {  	s14 =	sadd.s32 $0x0, s23  }
0x59: {  	[tilespmem:s29], [sflag:$0x3] =	stream.linear.gather [hbm4b:s14+s3], $0x80, $0x38;
	[tilespmem:$0x1E900] =	vst v63  }
0x5a: {  	_ =	swait.ge [sflag:s5], $0x4000  }
0x5b: {  	[sflag:s5] =	ssyncset.done $0x0  }
0x5c: {  	[sflag:s5] =	ssyncadd.s32 $0xFFFFC000  }
0x5d: {  	_ =	swait.ge [sflag:s8], $0x80  }
0x5e: {  	[sflag:s8] =	ssyncset.done $0x0  }
0x5f: {  	[sflag:s8] =	ssyncadd.s32 $0xFFFFFF80  }
0x60: {  	[spmem:s2] =	stream.indirect.scatter.add.f32 [tilespmem:s30], [sflag:$0x5], $0x80, s31, s28, $0xb8;
	[tilespmem:$0x1E900] =	vst v63  }
0x61: {  	s10 =	simm.s32 $0x20;
	_ =	swait.ge [sflag:s25], $0x4000  }
0x62: {  	s11 =	simm.s32 $0x200;
	s12 =	simm.s32 $0x40;
	[sflag:s25] =	ssyncset.done $0x0  }
.LBB2_4:
0x63: {  	p0 =	sne.s32 s12, $0x4C0;
	s13 =	sadd.s32 $0xFFFFFF80, s11;
	[sflag:s25] =	ssyncadd.s32 $0xFFFFC000  }
0x64: {  	[tilespmem:s30], [sflag:$0x2] =	stream.indirect.gather [hbm4b:s4+s28], $0x80, s13, s28, $0xb8;
	[tilespmem:$0x1E900] =	vst v63  }
0x65: {  	s14 =	smov.u32 s12;
	s12 =	sadd.s32 $0x20, s12;
	s13 =	sadd.s32 s10, s24  }
0x66: {  	[tilespmem:s31], [sflag:$0x4] =	stream.linear.gather [hbm4b:s13+s3], $0x80, $0x38;
	[tilespmem:$0x1E900] =	vst v63  }
0x67: {  	_ =	swait.ge [sflag:s1], $0x4000  }
0x68: {  	[sflag:s1] =	ssyncset.done $0x0  }
0x69: {  	[sflag:s1] =	ssyncadd.s32 $0xFFFFC000  }
0x6a: {  	_ =	swait.ge [sflag:s0], $0x80  }
0x6b: {  	[sflag:s0] =	ssyncset.done $0x0  }
0x6c: {  	[sflag:s0] =	ssyncadd.s32 $0xFFFFFF80  }
0x6d: {  	[spmem:s2] =	stream.indirect.scatter.add.f32 [tilespmem:s26], [sflag:$0x5], $0x80, s29, s28, $0xb8;
	[tilespmem:$0x1E900] =	vst v63  }
0x6e: {  	_ =	swait.ge [sflag:s25], $0x4000  }
0x6f: {  	[sflag:s25] =	ssyncset.done $0x0  }
0x70: {  	[sflag:s25] =	ssyncadd.s32 $0xFFFFC000  }
0x71: {  	[tilespmem:s26], [sflag:$0x1] =	stream.indirect.gather [hbm4b:s4+s28], $0x80, s11, s28, $0xb8;
	[tilespmem:$0x1E900] =	vst v63  }
0x72: {  	s13 =	sadd.s32 s10, s23;
	s10 =	smov.u32 s14  }
0x73: {  	[tilespmem:s29], [sflag:$0x3] =	stream.linear.gather [hbm4b:s13+s3], $0x80, $0x38;
	[tilespmem:$0x1E900] =	vst v63  }
0x74: {  	_ =	swait.ge [sflag:s5], $0x4000  }
0x75: {  	[sflag:s5] =	ssyncset.done $0x0  }
0x76: {  	[sflag:s5] =	ssyncadd.s32 $0xFFFFC000  }
0x77: {  	_ =	swait.ge [sflag:s8], $0x80  }
.Ltmp1:
0x78: {  	[sflag:s8] =	ssyncset.done $0x0;
	(pc) =	sbr.rel @p0 .LBB2_4-.Ltmp1, $4  }
0x79: {  	[sflag:s8] =	ssyncadd.s32 $0xFFFFFF80  }
0x7a: {  	[spmem:s2] =	stream.indirect.scatter.add.f32 [tilespmem:s30], [sflag:$0x5], $0x80, s31, s28, $0xb8;
	[tilespmem:$0x1E900] =	vst v63  }
0x7b: {  	_ =	swait.ge [sflag:s25], $0x4000  }
0x7c: {  	s11 =	sadd.s32 $0x100, s11;
	[sflag:s25] =	ssyncset.done $0x0  }
0x7d: {  	s12 =	sadd.s32 $0xFFFFFF80, s11;
	[sflag:s25] =	ssyncadd.s32 $0xFFFFC000  }
0x7e: {  	[tilespmem:s30], [sflag:$0x2] =	stream.indirect.gather [hbm4b:s4+s28], $0x80, s12, s28, $0xb8;
	[tilespmem:$0x1E900] =	vst v63  }
0x7f: {  	s13 =	sadd.s32 s10, s24  }
0x80: {  	[tilespmem:s31], [sflag:$0x4] =	stream.linear.gather [hbm4b:s13+s3], $0x80, $0x38;
	[tilespmem:$0x1E900] =	vst v63  }
0x81: {  	_ =	swait.ge [sflag:s1], $0x4000  }
0x82: {  	[sflag:s1] =	ssyncset.done $0x0  }
0x83: {  	[sflag:s1] =	ssyncadd.s32 $0xFFFFC000  }
0x84: {  	_ =	swait.ge [sflag:s0], $0x80  }
0x85: {  	[sflag:s0] =	ssyncset.done $0x0  }
0x86: {  	[sflag:s0] =	ssyncadd.s32 $0xFFFFFF80  }
0x87: {  	[spmem:s2] =	stream.indirect.scatter.add.f32 [tilespmem:s26], [sflag:$0x5], $0x80, s29, s28, $0xb8;
	[tilespmem:$0x1E900] =	vst v63  }
0x88: {  	_ =	swait.ge [sflag:s25], $0x4000  }
0x89: {  	[sflag:s25] =	ssyncset.done $0x0  }
0x8a: {  	[sflag:s25] =	ssyncadd.s32 $0xFFFFC000  }
0x8b: {  	[tilespmem:s26], [sflag:$0x1] =	stream.indirect.gather [hbm4b:s4+s28], $0x80, s11, s28, $0xb8;
	[tilespmem:$0x1E900] =	vst v63  }
0x8c: {  	s14 =	sadd.s32 s10, s23  }
0x8d: {  	[tilespmem:s29], [sflag:$0x3] =	stream.linear.gather [hbm4b:s14+s3], $0x80, $0x38;
	[tilespmem:$0x1E900] =	vst v63  }
0x8e: {  	_ =	swait.ge [sflag:s5], $0x4000  }
0x8f: {  	[sflag:s5] =	ssyncset.done $0x0  }
0x90: {  	[sflag:s5] =	ssyncadd.s32 $0xFFFFC000  }
0x91: {  	_ =	swait.ge [sflag:s8], $0x80  }
0x92: {  	[sflag:s8] =	ssyncset.done $0x0  }
0x93: {  	[sflag:s8] =	ssyncadd.s32 $0xFFFFFF80  }
0x94: {  	[spmem:s2] =	stream.indirect.scatter.add.f32 [tilespmem:s30], [sflag:$0x5], $0x80, s31, s28, $0xb8;
	[tilespmem:$0x1E900] =	vst v63  }
0x95: {  	_ =	swait.ge [sflag:s25], $0x4000  }
0x96: {  	[sflag:s25] =	ssyncset.done $0x0  }
0x97: {  	s11 =	simm.s32 $0x2780;
	[sflag:s25] =	ssyncadd.s32 $0xFFFFC000  }
0x98: {  	[tilespmem:s30], [sflag:$0x2] =	stream.indirect.gather [hbm4b:s4+s28], $0x80, s11, s28, $0xb8;
	[tilespmem:$0x1E900] =	vst v63  }
0x99: {  	s12 =	rddreg [dreg:$0x9]  }
0x9a: {  	[tilespmem:s31], [sflag:$0x4] =	stream.linear.gather [hbm4b:s12+s3], $0x80, $0x38;
	[tilespmem:$0x1E900] =	vst v63  }
0x9b: {  	_ =	swait.ge [sflag:s1], $0x4000  }
0x9c: {  	[sflag:s1] =	ssyncset.done $0x0  }
0x9d: {  	[sflag:s1] =	ssyncadd.s32 $0xFFFFC000  }
0x9e: {  	_ =	swait.ge [sflag:s0], $0x80  }
0x9f: {  	[sflag:s0] =	ssyncset.done $0x0  }
0xa0: {  	[sflag:s0] =	ssyncadd.s32 $0xFFFFFF80  }
0xa1: {  	[spmem:s2] =	stream.indirect.scatter.add.f32 [tilespmem:s26], [sflag:$0x5], $0x80, s29, s28, $0xb8;
	[tilespmem:$0x1E900] =	vst v63  }
0xa2: {  	_ =	swait.ge [sflag:s25], $0x4000  }
0xa3: {  	[sflag:s25] =	ssyncset.done $0x0  }
0xa4: {  	[sflag:s25] =	ssyncadd.s32 $0xFFFFC000  }
0xa5: {  	[tilespmem:s26], [sflag:$0x1] =	stream.indirect.gather [hbm4b:s4+s28], $0x80, s3, s28, $0xb8;
	[tilespmem:$0x1E900] =	vst v63  }
0xa6: {  	_ = 	snop  }
0xa7: {  	[tilespmem:s29], [sflag:$0x3] =	stream.linear.gather [hbm4b:s7+s3], $0x80, $0x38;
	[tilespmem:$0x1E900] =	vst v63  }
0xa8: {  	_ =	swait.ge [sflag:s5], $0x4000  }
0xa9: {  	[sflag:s5] =	ssyncset.done $0x0  }
0xaa: {  	[sflag:s5] =	ssyncadd.s32 $0xFFFFC000  }
0xab: {  	_ =	swait.ge [sflag:s8], $0x80  }
0xac: {  	[sflag:s8] =	ssyncset.done $0x0  }
0xad: {  	[sflag:s8] =	ssyncadd.s32 $0xFFFFFF80  }
0xae: {  	[spmem:s2] =	stream.indirect.scatter.add.f32 [tilespmem:s30], [sflag:$0x5], $0x80, s31, s28, $0xb8;
	[tilespmem:$0x1E900] =	vst v63  }
0xaf: {  	_ =	swait.ge [sflag:s25], $0x4000  }
0xb0: {  	[sflag:s25] =	ssyncset.done $0x0  }
0xb1: {  	[sflag:s25] =	ssyncadd.s32 $0xFFFFC000  }
0xb2: {  	_ =	swait.ge [sflag:s1], $0x4000  }
0xb3: {  	[sflag:s1] =	ssyncset.done $0x0  }
0xb4: {  	[sflag:s1] =	ssyncadd.s32 $0xFFFFC000  }
0xb5: {  	_ =	swait.ge [sflag:s0], $0x80  }
0xb6: {  	[sflag:s0] =	ssyncset.done $0x0  }
0xb7: {  	[sflag:s0] =	ssyncadd.s32 $0xFFFFFF80  }
0xb8: {  	[bflag:$0x0] =	sbarrier.arrive $0xFFFF  }
0xb9: {  	[tilespmem:s26], [sflag:$0x5] =	stream.linear.gather [spmem:s6], $0x4000, $0x38;
	[tilespmem:$0x1E900] =	vst v63  }
0xba: {  	_ =	swait.ge [sflag:s25], $0x4000  }
0xbb: {  	[sflag:s25] =	ssyncset.done $0x0  }
0xbc: {  	s13 =	rddreg [dreg:$0xa];
	[sflag:s25] =	ssyncadd.s32 $0xFFFFC000  }
0xbd: {  	[hbm4b:s13+s3] =	stream.linear.scatter [tilespmem:s26], [sflag:$0x5], $0x4000, $0x38;
	[tilespmem:$0x1E900] =	vst v63  }
0xbe: {  	_ =	swait.ge [sflag:s25], $0x4000  }
0xbf: {  	[sflag:s25] =	ssyncset.done $0x0  }
0xc0: {  	[sflag:s25] =	ssyncadd.s32 $0xFFFFC000  }
0xc1: {  	[tilespmem:s26], [sflag:$0x5] =	stream.linear.gather [spmem:s15], $0x4000, $0x38;
	[tilespmem:$0x1E900] =	vst v63  }
0xc2: {  	_ =	swait.ge [sflag:s25], $0x4000  }
0xc3: {  	[sflag:s25] =	ssyncset.done $0x0  }
0xc4: {  	[sflag:s25] =	ssyncadd.s32 $0xFFFFC000  }
0xc5: {  	[hbm4b:s16+s3] =	stream.linear.scatter [tilespmem:s26], [sflag:$0x5], $0x4000, $0x38;
	[tilespmem:$0x1E900] =	vst v63  }
0xc6: {  	_ =	swait.ge [sflag:s25], $0x4000  }
0xc7: {  	[sflag:s25] =	ssyncset.done $0x0  }
0xc8: {  	[sflag:s25] =	ssyncadd.s32 $0xFFFFC000  }
0xc9: {  	[tilespmem:s26], [sflag:$0x5] =	stream.linear.gather [spmem:s17], $0x4000, $0x38;
	[tilespmem:$0x1E900] =	vst v63  }
0xca: {  	_ =	swait.ge [sflag:s25], $0x4000  }
0xcb: {  	[sflag:s25] =	ssyncset.done $0x0  }
0xcc: {  	[sflag:s25] =	ssyncadd.s32 $0xFFFFC000  }
0xcd: {  	[hbm4b:s18+s3] =	stream.linear.scatter [tilespmem:s26], [sflag:$0x5], $0x4000, $0x38;
	[tilespmem:$0x1E900] =	vst v63  }
0xce: {  	_ =	swait.ge [sflag:s25], $0x4000  }
0xcf: {  	[sflag:s25] =	ssyncset.done $0x0  }
0xd0: {  	[sflag:s25] =	ssyncadd.s32 $0xFFFFC000  }
0xd1: {  	[tilespmem:s26], [sflag:$0x5] =	stream.linear.gather [spmem:s21], $0x4000, $0x38;
	[tilespmem:$0x1E900] =	vst v63  }
0xd2: {  	_ =	swait.ge [sflag:s25], $0x4000  }
0xd3: {  	[sflag:s25] =	ssyncset.done $0x0  }
0xd4: {  	[sflag:s25] =	ssyncadd.s32 $0xFFFFC000  }
0xd5: {  	[hbm4b:s19+s3] =	stream.linear.scatter [tilespmem:s26], [sflag:$0x5], $0x4000, $0x38;
	[tilespmem:$0x1E900] =	vst v63  }
0xd6: {  	_ =	swait.ge [sflag:s25], $0x4000  }
0xd7: {  	[sflag:s25] =	ssyncset.done $0x0  }
0xd8: {  	[sflag:s25] =	ssyncadd.s32 $0xFFFFC000  }
0xd9: {  	[tilespmem:s26], [sflag:$0x5] =	stream.linear.gather [spmem:s22], $0x4000, $0x38;
	[tilespmem:$0x1E900] =	vst v63  }
0xda: {  	_ =	swait.ge [sflag:s25], $0x4000  }
0xdb: {  	[sflag:s25] =	ssyncset.done $0x0  }
0xdc: {  	[sflag:s25] =	ssyncadd.s32 $0xFFFFC000  }
0xdd: {  	[hbm4b:s20+s3] =	stream.linear.scatter [tilespmem:s26], [sflag:$0x5], $0x4000, $0x38;
	[tilespmem:$0x1E900] =	vst v63  }
0xde: {  	_ =	swait.ge [sflag:s25], $0x4000  }
0xdf: {  	s9 =	sadd.s32 $0x1, s9;
	s14 =	rddreg [dreg:$0x4]  }
0xe0: {  	p0 =	sne.s32 s9, s14  }
.Ltmp2:
0xe1: {  	_ = 	snop;
	(pc) =	sbr.rel @p0 .LBB2_1-.Ltmp2, $3  }
0xe2: {  	_ =	sdelay $0x1  }
0xe3: {  	[sflag:s25] =	ssyncset.done $0x0  }
0xe4: {  	[sflag:s25] =	ssyncadd.s32 $0xFFFFC000  }
0xe5: {  	_ =	sfence.sel $0x180000  }
0xe6: {  	[bflag:$0x0] =	sbarrier.arrive $0xFFFF  }
0xe7: {  	_ =	strace $0x9000004A  }
0xe8: {  	s0 =	stileid.u32;
	[bflag:$0x2] =	sbarrier.arrive $0xFFFF  }
0xe9: {  	p0 =	sne.s32 s0, $0x0;
	s0 =	rddreg [dreg:$0x2]  }
0xea: {  	s0 =	sadd.s32 @!p0 $0x100000, s0  }
0xeb: {  	[sflag:s0] =	ssyncadd.tile.s32 @!p0 $0x1;
	_ =	shalt  }
.Lfunc_end2:
_tile_overlayer_lowered:
.L_overlay_start_2:
0xec: {  	(tag) =	ssettag $0x2  }
0xed: {  	s0 =	rddreg [dreg:$0x0];
	s2 =	stileid.u32  }
0xee: {  	s1 =	rddreg [dreg:$0x1];
	p0 =	sne.s32 s2, $0x0  }
0xef: {  	s3 =	rddreg [dreg:$0x2];
	[bflag:$0x3] =	sbarrier.arrive $0xFFFF;
	s2 =	simm.s32 @!p0 $0x1C05  }
0xf0: {  	[timem:s3], [sflag:s2] =	dma.local @!p0 [hbm:s0], s1  }
0xf1: {  	s0 =	simm.s32 @!p0 $0x5  }
0xf2: {  	_ =	swait.ge @!p0 [sflag:s0], s1  }
0xf3: {  	s1 =	ssub.s32 @!p0 $0x0, s1;
	[sflag:s0] =	ssyncset.done @!p0 $0x0  }
0xf4: {  	[sflag:s0] =	ssyncadd.s32 @!p0 s1  }
0xf5: {  	[bflag:$0x3] =	sbarrier.arrive $0xFFFF  }
0xf6: {  	_ =	shalt  }

// kernel: kernel.17.cloned.1.call-start
scs
__scs_entry_jumppad:
0x0: {  	(pc) =	sbr.rel $0x88, $3  }
0x1: {  	(tag) =	ssettag $0x0;
	lr =	simm.s32 $0x1  }
0x2: {  	[smem:$0x3F96] =	sst lr;
	_ =	strace $0xD0000000  }
0x3: {  	_ = 	snop  }
0x4: {  	_ = 	snop  }
0x5: {  	_ = 	snop  }
0x6: {  	_ = 	snop  }
0x7: {  	_ = 	snop  }
__scs_overlays_trampoline_lowered:
0x8: {  	[smem:$0x3FA5] =	sst s0  }
0x9: {  	[smem:$0x3FA6] =	sst s1  }
0xa: {  	[smem:$0x3FA7] =	sst s2  }
0xb: {  	[smem:$0x3FA8] =	sst s3  }
0xc: {  	[smem:$0x3FA9] =	sst s4  }
0xd: {  	[smem:$0x3FAA] =	sst s5  }
0xe: {  	[smem:$0x3FAB] =	sst s6  }
0xf: {  	[smem:$0x3FAC] =	sst s7  }
0x10: {  	[smem:$0x3FAD] =	sst s8  }
0x11: {  	[smem:$0x3FAE] =	sst s9;
	s0 =	simm.s32 @!p0 $0x0  }
0x12: {  	s1 =	sld [smem:$0x3F94];
	s0 =	simm.s32 @p0 $0x1  }
0x13: {  	[smem:$0x3FAF] =	sst s0;
	s0 =	simm.s32 @!p1 $0x0  }
0x14: {  	s2 =	sld [smem:$0x3F93];
	s0 =	simm.s32 @p1 $0x1  }
0x15: {  	[smem:$0x3FB0] =	sst s0;
	s0 =	simm.s32 @!p2 $0x0  }
0x16: {  	s3 =	sld [smem:$0x3FDB];
	s0 =	simm.s32 @p2 $0x1  }
0x17: {  	s4 =	simm.s32 $0x1BF5;
	[smem:$0x3FB2] =	sst s0  }
0x18: {  	s0 =	sld [smem:$0x3F95];
	_ =	swait.ge [sflag:s4], $0x0  }
0x19: {  	s7 =	sld [smem:$0x3F96]  }
0x1a: {  	s8 =	sadd.s32 $0xFFFFE003, lr  }
0x1b: {  	s9 =	sadd.s32 $0xFFFFFEF7, lr;
	s5 =	simm.s32 $0xFFFFFFFF;
	p2 =	slt.u32 s8, $0xFFFFF086  }
0x1c: {  	p1 =	slt.u32 s9, $0xF7A;
	s5 =	simm.s32 @!p2 $0x0  }
0x1d: {  	s5 =	simm.s32 @p1 $0x1;
	p0 =	seq.s32 s7, s2  }
0x1e: {  	s7 =	smul.u32 @!p0 $0xF7A, s2;
	p2 =	seq.s32 @!p0 s5, $0x0  }
0x1f: {  	s9 =	smul.u32 $0xF7A, s1;
	s8 =	simm.s32 @!p0 $0x1BF5;
	p2 =	por !p2, p0  }
0x20: {  	[sflag:s8] =	ssyncset.s32 @!p0 $0xFFFFF086;
	s6 =	sadd.s32 @!p0 s3, s7;
	s7 =	simm.s32 @!p0 $0x108  }
0x21: {  	s3 =	sadd.s32 s3, s9;
	s6 =	sadd.s32 @!p0 $0x88, s6;
	s7 =	simm.s32 @p2 $0x1082  }
0x22: {  	[simem:s7], [sflag:s8] =	dma.local @!p0 [hbm:s6], $0xF7A  }
0x23: {  	s9 =	sor.u32 $0xD0000000, s2;
	s6 =	simm.s32 $0x108;
	_ =	swait.ge @!p0 [sflag:s8], $0x0  }
0x24: {  	s3 =	sadd.s32 $0x88, s3;
	s6 =	simm.s32 @!p1 $0x1082;
	[sflag:s4] =	ssyncset.s32 $0xFFFFF086  }
0x25: {  	[simem:s6], [sflag:s4] =	dma.local [hbm:s3], $0xF7A  }
0x26: {  	[smem:$0x3F96] =	sst s1;
	(tag) =	ssettag s2;
	_ =	strace s9  }
0x27: {  	s1 =	sld [smem:$0x3FA6]  }
0x28: {  	s2 =	sld [smem:$0x3FA7]  }
0x29: {  	s4 =	sld [smem:$0x3FA9]  }
0x2a: {  	p0 =	seq.s32 s5, $0x0;
	s5 =	sld [smem:$0x3FAA]  }
0x2b: {  	s6 =	sld [smem:$0x3FAB]  }
0x2c: {  	s7 =	sld [smem:$0x3FAC]  }
0x2d: {  	s3 =	simm.s32 $0x108;
	s8 =	sld [smem:$0x3FAD]  }
0x2e: {  	s3 =	simm.s32 @!p0 $0x1082;
	s9 =	sld [smem:$0x3FAE]  }
0x2f: {  	lr =	sadd.s32 s0, s3;
	s0 =	sld [smem:$0x3FA5]  }
0x30: {  	s3 =	sld [smem:$0x3FA8]  }
0x31: {  	[smem:$0x3FB1] =	sst s10  }
0x32: {  	s10 =	sld [smem:$0x3FAF];
	_ =	sdelay $0x3  }
0x33: {  	p0 =	seq.s32 s10, $0x1;
	s10 =	sld [smem:$0x3FB1];
	_ =	sdelay $0x3  }
0x34: {  	[smem:$0x3FB1] =	sst s10  }
0x35: {  	s10 =	sld [smem:$0x3FB0];
	_ =	sdelay $0x3  }
0x36: {  	p1 =	seq.s32 s10, $0x1;
	s10 =	sld [smem:$0x3FB1];
	_ =	sdelay $0x3  }
0x37: {  	[smem:$0x3FB1] =	sst s10  }
0x38: {  	s10 =	sld [smem:$0x3FB2]  }
0x39: {  	_ = 	snop;
	(pc) =	sbr.ind lr, $3  }
0x3a: {  	_ = 	snop  }
0x3b: {  	_ = 	snop  }
0x3c: {  	p2 =	seq.s32 s10, $0x1;
	s10 =	sld [smem:$0x3FB1]  }
0x3d: {  	_ =	shalt  }
0x3e: {  	_ =	shalt  }
0x3f: {  	_ =	shalt  }
0x40: {  	_ =	shalt  }
0x41: {  	_ =	shalt  }
0x42: {  	_ =	shalt  }
0x43: {  	_ =	shalt  }
0x44: {  	_ =	shalt  }
0x45: {  	_ =	shalt  }
0x46: {  	_ =	shalt  }
0x47: {  	_ =	shalt  }
0x48: {  	_ =	shalt  }
0x49: {  	_ =	shalt  }
0x4a: {  	_ =	shalt  }
0x4b: {  	_ =	shalt  }
0x4c: {  	_ =	shalt  }
0x4d: {  	_ =	shalt  }
0x4e: {  	_ =	shalt  }
0x4f: {  	_ =	shalt  }
0x50: {  	_ =	shalt  }
0x51: {  	_ =	shalt  }
0x52: {  	_ =	shalt  }
0x53: {  	_ =	shalt  }
0x54: {  	_ =	shalt  }
0x55: {  	_ =	shalt  }
0x56: {  	_ =	shalt  }
0x57: {  	_ =	shalt  }
0x58: {  	_ =	shalt  }
0x59: {  	_ =	shalt  }
0x5a: {  	_ =	shalt  }
0x5b: {  	_ =	shalt  }
0x5c: {  	_ =	shalt  }
0x5d: {  	_ =	shalt  }
0x5e: {  	_ =	shalt  }
0x5f: {  	_ =	shalt  }
0x60: {  	_ =	shalt  }
0x61: {  	_ =	shalt  }
0x62: {  	_ =	shalt  }
0x63: {  	_ =	shalt  }
0x64: {  	_ =	shalt  }
0x65: {  	_ =	shalt  }
0x66: {  	_ =	shalt  }
0x67: {  	_ =	shalt  }
0x68: {  	_ =	shalt  }
0x69: {  	_ =	shalt  }
0x6a: {  	_ =	shalt  }
0x6b: {  	_ =	shalt  }
0x6c: {  	_ =	shalt  }
0x6d: {  	_ =	shalt  }
0x6e: {  	_ =	shalt  }
0x6f: {  	_ =	shalt  }
0x70: {  	_ =	shalt  }
0x71: {  	_ =	shalt  }
0x72: {  	_ =	shalt  }
0x73: {  	_ =	shalt  }
0x74: {  	_ =	shalt  }
0x75: {  	_ =	shalt  }
0x76: {  	_ =	shalt  }
0x77: {  	_ =	shalt  }
0x78: {  	_ =	shalt  }
0x79: {  	_ =	shalt  }
0x7a: {  	_ =	shalt  }
0x7b: {  	_ =	shalt  }
0x7c: {  	_ =	shalt  }
0x7d: {  	_ =	shalt  }
0x7e: {  	_ =	shalt  }
0x7f: {  	_ =	shalt  }
0x80: {  	_ =	shalt  }
0x81: {  	_ =	shalt  }
0x82: {  	_ =	shalt  }
0x83: {  	_ =	shalt  }
0x84: {  	_ =	shalt  }
0x85: {  	_ =	shalt  }
0x86: {  	_ =	shalt  }
0x87: {  	_ =	shalt  }
.Lfunc_end0:
.L_simem_size_0:
called_computation.2_lowered:
.L_overlay_start_0:
0x88: {  	s2 =	sld [smem:$0x3FD9]  }
0x89: {  	s3 =	sld [smem:$0x3FFE];
	_ =	sdelay $0x1  }
0x8a: {  	s1 =	srdreg.scid  }
0x8b: {  	s0 =	sand.u32 $0x1, s1  }
0x8c: {  	s16 =	sshll.u32 s0, $0xA;
	s2 =	sadd.s32 s3, s2  }
0x8d: {  	s2 =	sadd.s32 s2, s16  }
0x8e: {  	[smem:$0x3FBD] =	sst s2  }
0x8f: {  	_ = 	snop  }
0x90: {  	(tm) =	ssettm $0x1  }
0x91: {  	s17 =	sld [smem:$0x3FFB];
	_ =	sdelay $0x3  }
0x92: {  	_ =	strace s17  }
0x93: {  	s2 =	sld [smem:$0x3FFC];
	_ =	sdelay $0x3  }
0x94: {  	_ =	strace s2  }
0x95: {  	s2 =	sld [smem:$0x3FFD];
	_ =	sdelay $0x3  }
0x96: {  	_ =	strace s2  }
0x97: {  	_ =	strace $0x8FFFFFFF  }
0x98: {  	s18 =	sld [smem:$0x3FDB];
	_ =	sdelay $0x1  }
0x99: {  	s19 =	simm.s32 $_scs_section_size  }
0x9a: {  	s4 =	simm.s32 $_size__tile_overlayer_lowered;
	s5 =	simm.s32 $_tile_overlayer_lowered  }
0x9b: {  	s22 =	simm.s32 $0x1BFF;
	s21 =	sshll.u32 s5, $0x1;
	s2 =	sadd.s32 s19, s18  }
0x9c: {  	s6 =	simm.s32 $0x0;
	s20 =	sshll.u32 s4, $0x1;
	s4 =	sadd.s32 s21, s2  }
0x9d: {  	[timem:s6], [sflag:s22] =	dma.local [hbm:s4], s20  }
0x9e: {  	_ =	swait.ge [sflag:s22], s20  }
0x9f: {  	s3 =	ssub.s32 $0x0, s20;
	[sflag:s22] =	ssyncset.done $0x0  }
0xa0: {  	[sflag:s22] =	ssyncadd.s32 s3;
	_ =	sdelay $0x1  }
0xa1: {  	s23 =	simm.s32 $0x1B8B  }
0xa2: {  	_ =	swait.ge [sflag:s23], $0x1  }
0xa3: {  	[sflag:s23] =	ssyncset.done $0x0  }
0xa4: {  	s25 =	simm.s32 $0x1B8E;
	s24 =	sld [smem:$0x3FFE];
	[sflag:s23] =	ssyncadd.s32 $0xFFFFFFFF  }
0xa5: {  	s26 =	simm.s32 $execute0_lowered;
	[smem:$0x3FD2] =	sst s25  }
0xa6: {  	s4 =	sshll.u32 s26, $0x1;
	_ =	strace $0x8000004C;
	[dreg:$0x1] =	wrdreg $0xFFFFFFFF  }
0xa7: {  	s28 =	simm.s32 $_size_execute0_lowered;
	s2 =	sadd.s32 s2, s4;
	[dreg:$0x0] =	wrdreg $0x0  }
0xa8: {  	s4 =	sshll.u32 s28, $0x1;
	[dreg:$0x2] =	wrdreg s2  }
0xa9: {  	[dreg:$0x3] =	wrdreg s4  }
0xaa: {  	[dreg:$0x4] =	wrdreg $0xC0  }
0xab: {  	_ =	task [dreg:s6], $0x5FFFF  }
0xac: {  	[dreg:$0x1] =	wrdreg $0xFFFFFFFF  }
0xad: {  	[dreg:$0x0] =	wrdreg $0x60  }
0xae: {  	[dreg:$0x2] =	wrdreg s24  }
0xaf: {  	[dreg:$0x3] =	wrdreg $0xA9000  }
0xb0: {  	[dreg:$0x4] =	wrdreg $0x9  }
0xb1: {  	_ =	task.clear_ibuf [dreg:s6], $0x5FFFF;
	_ =	strace $0x9000004C  }
0xb2: {  	s29 =	simm.s32 $0x9;
	_ =	strace $0x8000004E  }
0xb3: {  	_ =	swait.ge [sflag:s29], $0x1  }
0xb4: {  	[sflag:s29] =	ssyncadd.s32 $0xFFFFFFFF  }
0xb5: {  	_ =	strace $0x9000004E  }
0xb6: {  	_ =	sfence  }
0xb7: {  	s30 =	sld [smem:$0x0];
	_ =	sdelay $0x2  }
0xb8: {  	s31 =	sshll.u32 s1, $0xD;
	s1 =	sshrl.u32 s1, $0x2  }
0xb9: {  	s3 =	sand.u32 $0x4000, s31;
	s1 =	sadd.s32 s1, s30  }
0xba: {  	s0 =	sor.u32 s3, s0;
	s1 =	sshll.u32 s1, $0x11  }
0xbb: {  	s0 =	sor.u32 s1, s0  }
0xbc: {  	s0 =	sadd.s32 $0x8F2B, s0  }
0xbd: {  	[sflag:s0] =	ssyncadd.remote.s32 $0x1  }
0xbe: {  	_ =	sfence.sel $0xFFFF  }
0xbf: {  	[dreg:$0x0] =	wrdreg $0xFFFFFFFF;
	(pc) =	sbr.abs _section_cstart, $3  }
0xc0: {  	[dreg:$0x1] =	wrdreg $0xFFFFFFFF  }
0xc1: {  	_ =	task.clear_ibuf [dreg:s6], $0x2FFFF;
	_ =	strace $0x9FFFFFFF  }
0xc2: {  	(tm) =	ssettm $0x7FFFFFFF  }
0xc3: {  	_ =	shalt  }
tec
execute0_lowered:
.L_overlay_start_1:
0x0: {  	(tag) =	ssettag $0x1  }
0x1: {  	s0 =	srdreg.scid;
	s1 =	rddreg [dreg:$0x0]  }
0x2: {  	s12 =	stileid.u32;
	s2 =	rddreg [dreg:$0x1];
	s3 =	simm.s32 $0x0  }
0x3: {  	s28 =	simm.s32 $0x80;
	s29 =	simm.s32 $0x2800;
	s5 =	smul.u32 $0x2800, s12  }
0x4: {  	s30 =	simm.s32 $0x6900;
	s31 =	simm.s32 $0x2880;
	s9 =	smul.u32 $0x50000, s12  }
0x5: {  	s0 =	sand.u32 $0x1, s0;
	[smem:$0x7FF] =	sst s3;
	s13 =	smul.u32 $0x14000, s12  }
0x6: {  	s10 =	sadd.s32 $0xDC00, s1;
	s4 =	smul.u32 $0x28000, s0;
	s8 =	ssub.s32 $0x2, s0  }
0x7: {  	_ =	strace $0x8000004D;
	s0 =	smul.u32 $0x140000, s0;
	s11 =	sshrl.u32 s8, $0x1  }
0x8: {  	s9 =	sshrl.u32 s9, $0x2;
	s19 =	sadd.s32 $0x4000, s13;
	s22 =	sadd.s32 $0x8000, s13  }
0x9: {  	s23 =	sadd.s32 $0xC000, s13;
	s5 =	sadd.s32 s5, s4;
	s4 =	sadd.s32 $0x3FC00, s1  }
0xa: {  	s8 =	ssub.s32 s8, s11;
	s17 =	sadd.s32 s0, s13;
	s21 =	sadd.s32 s0, s19  }
0xb: {  	s11 =	sadd.s32 s0, s22;
	s24 =	sadd.s32 s0, s23;
	s7 =	sshrl.u32 s5, $0x3  }
0xc: {  	s8 =	smax.u32 s8, $0x1;
	s11 =	sshrl.u32 s11, $0x3;
	s12 =	sshrl.u32 s24, $0x3  }
0xd: {  	s25 =	sor.u32 $0x100, s5;
	s26 =	sor.u32 $0x80, s5;
	s5 =	simm.s32 $0x2  }
0xe: {  	s6 =	sadd.s32 s7, s1;
	s1 =	sadd.s32 $0x67C00, s1;
	s7 =	sadd.s32 s10, s7  }
0xf: {  	[dreg:$0x4] =	wrdreg s8;
	s8 =	sshrl.u32 s17, $0x3;
	s6 =	sadd.s32 $0x3C00, s6  }
0x10: {  	s17 =	sadd.s32 s22, s2;
	s20 =	sadd.s32 $0x4F0, s7;
	[dreg:$0x3] =	wrdreg s6  }
0x11: {  	s8 =	sadd.s32 s1, s8;
	s6 =	sadd.s32 s9, s2;
	[dreg:$0x9] =	wrdreg s20  }
0x12: {  	[dreg:$0xa] =	wrdreg s8;
	s8 =	sshrl.u32 s21, $0x3;
	s14 =	sadd.s32 $0x4000, s6  }
0x13: {  	s9 =	sadd.s32 $0x10000, s13;
	s15 =	sadd.s32 $0x8000, s6;
	[dreg:$0x5] =	wrdreg s14  }
0x14: {  	s21 =	sadd.s32 s23, s2;
	s16 =	sadd.s32 $0xC000, s6;
	[dreg:$0x6] =	wrdreg s15  }
0x15: {  	s18 =	sadd.s32 $0x10000, s6;
	s0 =	sadd.s32 s0, s9;
	[dreg:$0x7] =	wrdreg s16  }
0x16: {  	s22 =	sadd.s32 s9, s2;
	s9 =	simm.s32 $0x0;
	[dreg:$0x8] =	wrdreg s18  }
0x17: {  	s15 =	sadd.s32 s19, s2;
	s16 =	sadd.s32 s1, s8;
	s18 =	sadd.s32 s1, s11  }
0x18: {  	s19 =	sadd.s32 s1, s12;
	s0 =	sshrl.u32 s0, $0x3;
	s8 =	simm.s32 $0x4  }
0x19: {  	s20 =	sadd.s32 s1, s0;
	s0 =	sshrl.u32 s25, $0x3;
	s1 =	sshrl.u32 s26, $0x3  }
0x1a: {  	s25 =	simm.s32 $0x5;
	s26 =	simm.s32 $0x2900;
	s23 =	sadd.s32 s0, s10  }
0x1b: {  	v0 =	vimm.f32 $0.0e+00;
	s24 =	sadd.s32 s1, s10;
	s1 =	simm.s32 $0x1;
	s0 =	simm.s32 $0x3  }
.LBB2_1:
0x1c: {  	s10 =	rddreg [dreg:$0x3]  }
0x1d: {  	[tilespmem:s3], [sflag:$0x5] =	stream.linear.gather [hbm4b:s10+s3], $0x2800, $0x38;
	[tilespmem:$0x1E900] =	vst v63  }
0x1e: {  	_ =	swait.ge [sflag:s25], $0x2800  }
0x1f: {  	[sflag:s25] =	ssyncset.done $0x0  }
0x20: {  	s11 =	simm.s32 $0x200;
	s10 =	simm.s32 $0x0;
	[sflag:s25] =	ssyncadd.s32 $0xFFFFD800  }
.LBB2_2:
0x21: {  	p0 =	sne.s32 s11, $0xFE00;
	[tilespmem:s10+$0x2970] =	vst v0  }
0x22: {  	[tilespmem:s10+$0x2900] =	vst v0  }
0x23: {  	[tilespmem:s10+$0x2910] =	vst v0  }
.Ltmp0:
0x24: {  	[tilespmem:s10+$0x2920] =	vst v0;
	(pc) =	sbr.rel @p0 .LBB2_2-.Ltmp0, $4  }
0x25: {  	[tilespmem:s10+$0x2930] =	vst v0  }
0x26: {  	[tilespmem:s10+$0x2940] =	vst v0  }
0x27: {  	[tilespmem:s10+$0x2950] =	vst v0  }
0x28: {  	[tilespmem:s10+$0x2960] =	vst v0;
	s10 =	sshra.s32 s11, $0x2;
	s11 =	sadd.s32 $0x200, s11  }
0x29: {  	[tilespmem:s10+$0x2970] =	vst v0  }
0x2a: {  	[tilespmem:s10+$0x2900] =	vst v0  }
0x2b: {  	[tilespmem:s10+$0x2910] =	vst v0  }
0x2c: {  	[tilespmem:s10+$0x2920] =	vst v0  }
0x2d: {  	[tilespmem:s10+$0x2930] =	vst v0  }
0x2e: {  	[tilespmem:s10+$0x2940] =	vst v0  }
0x2f: {  	[tilespmem:s10+$0x2950] =	vst v0  }
0x30: {  	[tilespmem:s10+$0x2960] =	vst v0  }
0x31: {  	[spmem:s6] =	stream.linear.scatter [tilespmem:s26], [sflag:$0x5], $0x4000, $0x38;
	[tilespmem:$0x1E900] =	vst v63  }
0x32: {  	_ =	swait.ge [sflag:s25], $0x4000  }
0x33: {  	[sflag:s25] =	ssyncset.done $0x0  }
0x34: {  	s14 =	rddreg [dreg:$0x5];
	[sflag:s25] =	ssyncadd.s32 $0xFFFFC000  }
0x35: {  	[spmem:s14] =	stream.linear.scatter [tilespmem:s26], [sflag:$0x5], $0x4000, $0x38;
	[tilespmem:$0x1E900] =	vst v63  }
0x36: {  	_ =	swait.ge [sflag:s25], $0x4000  }
0x37: {  	[sflag:s25] =	ssyncset.done $0x0  }
0x38: {  	s11 =	rddreg [dreg:$0x6];
	[sflag:s25] =	ssyncadd.s32 $0xFFFFC000  }
0x39: {  	[spmem:s11] =	stream.linear.scatter [tilespmem:s26], [sflag:$0x5], $0x4000, $0x38;
	[tilespmem:$0x1E900] =	vst v63  }
0x3a: {  	_ =	swait.ge [sflag:s25], $0x4000  }
0x3b: {  	[sflag:s25] =	ssyncset.done $0x0  }
0x3c: {  	s12 =	rddreg [dreg:$0x7];
	[sflag:s25] =	ssyncadd.s32 $0xFFFFC000  }
0x3d: {  	[spmem:s12] =	stream.linear.scatter [tilespmem:s26], [sflag:$0x5], $0x4000, $0x38;
	[tilespmem:$0x1E900] =	vst v63  }
0x3e: {  	_ =	swait.ge [sflag:s25], $0x4000  }
0x3f: {  	[sflag:s25] =	ssyncset.done $0x0  }
0x40: {  	s13 =	rddreg [dreg:$0x8];
	[sflag:s25] =	ssyncadd.s32 $0xFFFFC000  }
0x41: {  	[spmem:s13] =	stream.linear.scatter [tilespmem:s26], [sflag:$0x5], $0x4000, $0x38;
	[tilespmem:$0x1E900] =	vst v63  }
0x42: {  	_ =	swait.ge [sflag:s25], $0x4000  }
0x43: {  	[sflag:s25] =	ssyncset.done $0x0  }
0x44: {  	[sflag:s25] =	ssyncadd.s32 $0xFFFFC000  }
0x45: {  	s14 =	simm.s32 $0x0;
	[bflag:$0x0] =	sbarrier.arrive $0xFFFF  }
0x46: {  	[tilespmem:s26], [sflag:$0x1] =	stream.indirect.gather [hbm4b:s4+s28], $0x80, s14, s28, $0xb8;
	[tilespmem:$0x1E900] =	vst v63  }
0x47: {  	_ = 	snop  }
0x48: {  	[tilespmem:s29], [sflag:$0x3] =	stream.linear.gather [hbm4b:s7+s14], $0x80, $0x38;
	[tilespmem:$0x1E900] =	vst v63  }
0x49: {  	s11 =	simm.s32 $0x80  }
0x4a: {  	[tilespmem:s30], [sflag:$0x2] =	stream.indirect.gather [hbm4b:s4+s28], $0x80, s11, s28, $0xb8;
	[tilespmem:$0x1E900] =	vst v63  }
0x4b: {  	s12 =	sadd.s32 $0x0, s24  }
0x4c: {  	[tilespmem:s31], [sflag:$0x4] =	stream.linear.gather [hbm4b:s12+s3], $0x80, $0x38;
	[tilespmem:$0x1E900] =	vst v63  }
0x4d: {  	_ =	swait.ge [sflag:s1], $0x4000  }
0x4e: {  	[sflag:s1] =	ssyncset.done $0x0  }
0x4f: {  	[sflag:s1] =	ssyncadd.s32 $0xFFFFC000  }
0x50: {  	_ =	swait.ge [sflag:s0], $0x80  }
0x51: {  	[sflag:s0] =	ssyncset.done $0x0  }
0x52: {  	[sflag:s0] =	ssyncadd.s32 $0xFFFFFF80  }
0x53: {  	[spmem:s2] =	stream.indirect.scatter.add.f32 [tilespmem:s26], [sflag:$0x5], $0x80, s29, s28, $0xb8;
	[tilespmem:$0x1E900] =	vst v63  }
0x54: {  	_ =	swait.ge [sflag:s25], $0x4000  }
0x55: {  	[sflag:s25] =	ssyncset.done $0x0  }
0x56: {  	s13 =	simm.s32 $0x100;
	[sflag:s25] =	ssyncadd.s32 $0xFFFFC000  }
0x57: {  	[tilespmem:s26], [sflag:$0x1] =	stream.indirect.gather [hbm4b:s4+s28], $0x80, s13, s28, $0xb8;
	[tilespmem:$0x1E900] =	vst v63  }
0x58: {  	s14 =	sadd.s32 $0x0, s23  }
0x59: {  	[tilespmem:s29], [sflag:$0x3] =	stream.linear.gather [hbm4b:s14+s3], $0x80, $0x38;
	[tilespmem:$0x1E900] =	vst v63  }
0x5a: {  	_ =	swait.ge [sflag:s5], $0x4000  }
0x5b: {  	[sflag:s5] =	ssyncset.done $0x0  }
0x5c: {  	[sflag:s5] =	ssyncadd.s32 $0xFFFFC000  }
0x5d: {  	_ =	swait.ge [sflag:s8], $0x80  }
0x5e: {  	[sflag:s8] =	ssyncset.done $0x0  }
0x5f: {  	[sflag:s8] =	ssyncadd.s32 $0xFFFFFF80  }
0x60: {  	[spmem:s2] =	stream.indirect.scatter.add.f32 [tilespmem:s30], [sflag:$0x5], $0x80, s31, s28, $0xb8;
	[tilespmem:$0x1E900] =	vst v63  }
0x61: {  	s10 =	simm.s32 $0x20;
	_ =	swait.ge [sflag:s25], $0x4000  }
0x62: {  	s11 =	simm.s32 $0x200;
	s12 =	simm.s32 $0x40;
	[sflag:s25] =	ssyncset.done $0x0  }
.LBB2_4:
0x63: {  	p0 =	sne.s32 s12, $0x4C0;
	s13 =	sadd.s32 $0xFFFFFF80, s11;
	[sflag:s25] =	ssyncadd.s32 $0xFFFFC000  }
0x64: {  	[tilespmem:s30], [sflag:$0x2] =	stream.indirect.gather [hbm4b:s4+s28], $0x80, s13, s28, $0xb8;
	[tilespmem:$0x1E900] =	vst v63  }
0x65: {  	s14 =	smov.u32 s12;
	s12 =	sadd.s32 $0x20, s12;
	s13 =	sadd.s32 s10, s24  }
0x66: {  	[tilespmem:s31], [sflag:$0x4] =	stream.linear.gather [hbm4b:s13+s3], $0x80, $0x38;
	[tilespmem:$0x1E900] =	vst v63  }
0x67: {  	_ =	swait.ge [sflag:s1], $0x4000  }
0x68: {  	[sflag:s1] =	ssyncset.done $0x0  }
0x69: {  	[sflag:s1] =	ssyncadd.s32 $0xFFFFC000  }
0x6a: {  	_ =	swait.ge [sflag:s0], $0x80  }
0x6b: {  	[sflag:s0] =	ssyncset.done $0x0  }
0x6c: {  	[sflag:s0] =	ssyncadd.s32 $0xFFFFFF80  }
0x6d: {  	[spmem:s2] =	stream.indirect.scatter.add.f32 [tilespmem:s26], [sflag:$0x5], $0x80, s29, s28, $0xb8;
	[tilespmem:$0x1E900] =	vst v63  }
0x6e: {  	_ =	swait.ge [sflag:s25], $0x4000  }
0x6f: {  	[sflag:s25] =	ssyncset.done $0x0  }
0x70: {  	[sflag:s25] =	ssyncadd.s32 $0xFFFFC000  }
0x71: {  	[tilespmem:s26], [sflag:$0x1] =	stream.indirect.gather [hbm4b:s4+s28], $0x80, s11, s28, $0xb8;
	[tilespmem:$0x1E900] =	vst v63  }
0x72: {  	s13 =	sadd.s32 s10, s23;
	s10 =	smov.u32 s14  }
0x73: {  	[tilespmem:s29], [sflag:$0x3] =	stream.linear.gather [hbm4b:s13+s3], $0x80, $0x38;
	[tilespmem:$0x1E900] =	vst v63  }
0x74: {  	_ =	swait.ge [sflag:s5], $0x4000  }
0x75: {  	[sflag:s5] =	ssyncset.done $0x0  }
0x76: {  	[sflag:s5] =	ssyncadd.s32 $0xFFFFC000  }
0x77: {  	_ =	swait.ge [sflag:s8], $0x80  }
.Ltmp1:
0x78: {  	[sflag:s8] =	ssyncset.done $0x0;
	(pc) =	sbr.rel @p0 .LBB2_4-.Ltmp1, $4  }
0x79: {  	[sflag:s8] =	ssyncadd.s32 $0xFFFFFF80  }
0x7a: {  	[spmem:s2] =	stream.indirect.scatter.add.f32 [tilespmem:s30], [sflag:$0x5], $0x80, s31, s28, $0xb8;
	[tilespmem:$0x1E900] =	vst v63  }
0x7b: {  	_ =	swait.ge [sflag:s25], $0x4000  }
0x7c: {  	s11 =	sadd.s32 $0x100, s11;
	[sflag:s25] =	ssyncset.done $0x0  }
0x7d: {  	s12 =	sadd.s32 $0xFFFFFF80, s11;
	[sflag:s25] =	ssyncadd.s32 $0xFFFFC000  }
0x7e: {  	[tilespmem:s30], [sflag:$0x2] =	stream.indirect.gather [hbm4b:s4+s28], $0x80, s12, s28, $0xb8;
	[tilespmem:$0x1E900] =	vst v63  }
0x7f: {  	s13 =	sadd.s32 s10, s24  }
0x80: {  	[tilespmem:s31], [sflag:$0x4] =	stream.linear.gather [hbm4b:s13+s3], $0x80, $0x38;
	[tilespmem:$0x1E900] =	vst v63  }
0x81: {  	_ =	swait.ge [sflag:s1], $0x4000  }
0x82: {  	[sflag:s1] =	ssyncset.done $0x0  }
0x83: {  	[sflag:s1] =	ssyncadd.s32 $0xFFFFC000  }
0x84: {  	_ =	swait.ge [sflag:s0], $0x80  }
0x85: {  	[sflag:s0] =	ssyncset.done $0x0  }
0x86: {  	[sflag:s0] =	ssyncadd.s32 $0xFFFFFF80  }
0x87: {  	[spmem:s2] =	stream.indirect.scatter.add.f32 [tilespmem:s26], [sflag:$0x5], $0x80, s29, s28, $0xb8;
	[tilespmem:$0x1E900] =	vst v63  }
0x88: {  	_ =	swait.ge [sflag:s25], $0x4000  }
0x89: {  	[sflag:s25] =	ssyncset.done $0x0  }
0x8a: {  	[sflag:s25] =	ssyncadd.s32 $0xFFFFC000  }
0x8b: {  	[tilespmem:s26], [sflag:$0x1] =	stream.indirect.gather [hbm4b:s4+s28], $0x80, s11, s28, $0xb8;
	[tilespmem:$0x1E900] =	vst v63  }
0x8c: {  	s14 =	sadd.s32 s10, s23  }
0x8d: {  	[tilespmem:s29], [sflag:$0x3] =	stream.linear.gather [hbm4b:s14+s3], $0x80, $0x38;
	[tilespmem:$0x1E900] =	vst v63  }
0x8e: {  	_ =	swait.ge [sflag:s5], $0x4000  }
0x8f: {  	[sflag:s5] =	ssyncset.done $0x0  }
0x90: {  	[sflag:s5] =	ssyncadd.s32 $0xFFFFC000  }
0x91: {  	_ =	swait.ge [sflag:s8], $0x80  }
0x92: {  	[sflag:s8] =	ssyncset.done $0x0  }
0x93: {  	[sflag:s8] =	ssyncadd.s32 $0xFFFFFF80  }
0x94: {  	[spmem:s2] =	stream.indirect.scatter.add.f32 [tilespmem:s30], [sflag:$0x5], $0x80, s31, s28, $0xb8;
	[tilespmem:$0x1E900] =	vst v63  }
0x95: {  	_ =	swait.ge [sflag:s25], $0x4000  }
0x96: {  	[sflag:s25] =	ssyncset.done $0x0  }
0x97: {  	s11 =	simm.s32 $0x2780;
	[sflag:s25] =	ssyncadd.s32 $0xFFFFC000  }
0x98: {  	[tilespmem:s30], [sflag:$0x2] =	stream.indirect.gather [hbm4b:s4+s28], $0x80, s11, s28, $0xb8;
	[tilespmem:$0x1E900] =	vst v63  }
0x99: {  	s12 =	rddreg [dreg:$0x9]  }
0x9a: {  	[tilespmem:s31], [sflag:$0x4] =	stream.linear.gather [hbm4b:s12+s3], $0x80, $0x38;
	[tilespmem:$0x1E900] =	vst v63  }
0x9b: {  	_ =	swait.ge [sflag:s1], $0x4000  }
0x9c: {  	[sflag:s1] =	ssyncset.done $0x0  }
0x9d: {  	[sflag:s1] =	ssyncadd.s32 $0xFFFFC000  }
0x9e: {  	_ =	swait.ge [sflag:s0], $0x80  }
0x9f: {  	[sflag:s0] =	ssyncset.done $0x0  }
0xa0: {  	[sflag:s0] =	ssyncadd.s32 $0xFFFFFF80  }
0xa1: {  	[spmem:s2] =	stream.indirect.scatter.add.f32 [tilespmem:s26], [sflag:$0x5], $0x80, s29, s28, $0xb8;
	[tilespmem:$0x1E900] =	vst v63  }
0xa2: {  	_ =	swait.ge [sflag:s25], $0x4000  }
0xa3: {  	[sflag:s25] =	ssyncset.done $0x0  }
0xa4: {  	[sflag:s25] =	ssyncadd.s32 $0xFFFFC000  }
0xa5: {  	[tilespmem:s26], [sflag:$0x1] =	stream.indirect.gather [hbm4b:s4+s28], $0x80, s3, s28, $0xb8;
	[tilespmem:$0x1E900] =	vst v63  }
0xa6: {  	_ = 	snop  }
0xa7: {  	[tilespmem:s29], [sflag:$0x3] =	stream.linear.gather [hbm4b:s7+s3], $0x80, $0x38;
	[tilespmem:$0x1E900] =	vst v63  }
0xa8: {  	_ =	swait.ge [sflag:s5], $0x4000  }
0xa9: {  	[sflag:s5] =	ssyncset.done $0x0  }
0xaa: {  	[sflag:s5] =	ssyncadd.s32 $0xFFFFC000  }
0xab: {  	_ =	swait.ge [sflag:s8], $0x80  }
0xac: {  	[sflag:s8] =	ssyncset.done $0x0  }
0xad: {  	[sflag:s8] =	ssyncadd.s32 $0xFFFFFF80  }
0xae: {  	[spmem:s2] =	stream.indirect.scatter.add.f32 [tilespmem:s30], [sflag:$0x5], $0x80, s31, s28, $0xb8;
	[tilespmem:$0x1E900] =	vst v63  }
0xaf: {  	_ =	swait.ge [sflag:s25], $0x4000  }
0xb0: {  	[sflag:s25] =	ssyncset.done $0x0  }
0xb1: {  	[sflag:s25] =	ssyncadd.s32 $0xFFFFC000  }
0xb2: {  	_ =	swait.ge [sflag:s1], $0x4000  }
0xb3: {  	[sflag:s1] =	ssyncset.done $0x0  }
0xb4: {  	[sflag:s1] =	ssyncadd.s32 $0xFFFFC000  }
0xb5: {  	_ =	swait.ge [sflag:s0], $0x80  }
0xb6: {  	[sflag:s0] =	ssyncset.done $0x0  }
0xb7: {  	[sflag:s0] =	ssyncadd.s32 $0xFFFFFF80  }
0xb8: {  	[bflag:$0x0] =	sbarrier.arrive $0xFFFF  }
0xb9: {  	[tilespmem:s26], [sflag:$0x5] =	stream.linear.gather [spmem:s6], $0x4000, $0x38;
	[tilespmem:$0x1E900] =	vst v63  }
0xba: {  	_ =	swait.ge [sflag:s25], $0x4000  }
0xbb: {  	[sflag:s25] =	ssyncset.done $0x0  }
0xbc: {  	s13 =	rddreg [dreg:$0xa];
	[sflag:s25] =	ssyncadd.s32 $0xFFFFC000  }
0xbd: {  	[hbm4b:s13+s3] =	stream.linear.scatter [tilespmem:s26], [sflag:$0x5], $0x4000, $0x38;
	[tilespmem:$0x1E900] =	vst v63  }
0xbe: {  	_ =	swait.ge [sflag:s25], $0x4000  }
0xbf: {  	[sflag:s25] =	ssyncset.done $0x0  }
0xc0: {  	[sflag:s25] =	ssyncadd.s32 $0xFFFFC000  }
0xc1: {  	[tilespmem:s26], [sflag:$0x5] =	stream.linear.gather [spmem:s15], $0x4000, $0x38;
	[tilespmem:$0x1E900] =	vst v63  }
0xc2: {  	_ =	swait.ge [sflag:s25], $0x4000  }
0xc3: {  	[sflag:s25] =	ssyncset.done $0x0  }
0xc4: {  	[sflag:s25] =	ssyncadd.s32 $0xFFFFC000  }
0xc5: {  	[hbm4b:s16+s3] =	stream.linear.scatter [tilespmem:s26], [sflag:$0x5], $0x4000, $0x38;
	[tilespmem:$0x1E900] =	vst v63  }
0xc6: {  	_ =	swait.ge [sflag:s25], $0x4000  }
0xc7: {  	[sflag:s25] =	ssyncset.done $0x0  }
0xc8: {  	[sflag:s25] =	ssyncadd.s32 $0xFFFFC000  }
0xc9: {  	[tilespmem:s26], [sflag:$0x5] =	stream.linear.gather [spmem:s17], $0x4000, $0x38;
	[tilespmem:$0x1E900] =	vst v63  }
0xca: {  	_ =	swait.ge [sflag:s25], $0x4000  }
0xcb: {  	[sflag:s25] =	ssyncset.done $0x0  }
0xcc: {  	[sflag:s25] =	ssyncadd.s32 $0xFFFFC000  }
0xcd: {  	[hbm4b:s18+s3] =	stream.linear.scatter [tilespmem:s26], [sflag:$0x5], $0x4000, $0x38;
	[tilespmem:$0x1E900] =	vst v63  }
0xce: {  	_ =	swait.ge [sflag:s25], $0x4000  }
0xcf: {  	[sflag:s25] =	ssyncset.done $0x0  }
0xd0: {  	[sflag:s25] =	ssyncadd.s32 $0xFFFFC000  }
0xd1: {  	[tilespmem:s26], [sflag:$0x5] =	stream.linear.gather [spmem:s21], $0x4000, $0x38;
	[tilespmem:$0x1E900] =	vst v63  }
0xd2: {  	_ =	swait.ge [sflag:s25], $0x4000  }
0xd3: {  	[sflag:s25] =	ssyncset.done $0x0  }
0xd4: {  	[sflag:s25] =	ssyncadd.s32 $0xFFFFC000  }
0xd5: {  	[hbm4b:s19+s3] =	stream.linear.scatter [tilespmem:s26], [sflag:$0x5], $0x4000, $0x38;
	[tilespmem:$0x1E900] =	vst v63  }
0xd6: {  	_ =	swait.ge [sflag:s25], $0x4000  }
0xd7: {  	[sflag:s25] =	ssyncset.done $0x0  }
0xd8: {  	[sflag:s25] =	ssyncadd.s32 $0xFFFFC000  }
0xd9: {  	[tilespmem:s26], [sflag:$0x5] =	stream.linear.gather [spmem:s22], $0x4000, $0x38;
	[tilespmem:$0x1E900] =	vst v63  }
0xda: {  	_ =	swait.ge [sflag:s25], $0x4000  }
0xdb: {  	[sflag:s25] =	ssyncset.done $0x0  }
0xdc: {  	[sflag:s25] =	ssyncadd.s32 $0xFFFFC000  }
0xdd: {  	[hbm4b:s20+s3] =	stream.linear.scatter [tilespmem:s26], [sflag:$0x5], $0x4000, $0x38;
	[tilespmem:$0x1E900] =	vst v63  }
0xde: {  	_ =	swait.ge [sflag:s25], $0x4000  }
0xdf: {  	s9 =	sadd.s32 $0x1, s9;
	s14 =	rddreg [dreg:$0x4]  }
0xe0: {  	p0 =	sne.s32 s9, s14  }
.Ltmp2:
0xe1: {  	_ = 	snop;
	(pc) =	sbr.rel @p0 .LBB2_1-.Ltmp2, $3  }
0xe2: {  	_ =	sdelay $0x1  }
0xe3: {  	[sflag:s25] =	ssyncset.done $0x0  }
0xe4: {  	[sflag:s25] =	ssyncadd.s32 $0xFFFFC000  }
0xe5: {  	_ =	sfence.sel $0x180000  }
0xe6: {  	[bflag:$0x0] =	sbarrier.arrive $0xFFFF  }
0xe7: {  	_ =	strace $0x9000004D  }
0xe8: {  	s0 =	stileid.u32;
	[bflag:$0x2] =	sbarrier.arrive $0xFFFF  }
0xe9: {  	p0 =	sne.s32 s0, $0x0;
	s0 =	rddreg [dreg:$0x2]  }
0xea: {  	s0 =	sadd.s32 @!p0 $0x100000, s0  }
0xeb: {  	[sflag:s0] =	ssyncadd.tile.s32 @!p0 $0x1;
	_ =	shalt  }
.Lfunc_end2:
_tile_overlayer_lowered:
.L_overlay_start_2:
0xec: {  	(tag) =	ssettag $0x2  }
0xed: {  	s0 =	rddreg [dreg:$0x0];
	s2 =	stileid.u32  }
0xee: {  	s1 =	rddreg [dreg:$0x1];
	p0 =	sne.s32 s2, $0x0  }
0xef: {  	s3 =	rddreg [dreg:$0x2];
	[bflag:$0x3] =	sbarrier.arrive $0xFFFF;
	s2 =	simm.s32 @!p0 $0x1C05  }
0xf0: {  	[timem:s3], [sflag:s2] =	dma.local @!p0 [hbm:s0], s1  }
0xf1: {  	s0 =	simm.s32 @!p0 $0x5  }
0xf2: {  	_ =	swait.ge @!p0 [sflag:s0], s1  }
0xf3: {  	s1 =	ssub.s32 @!p0 $0x0, s1;
	[sflag:s0] =	ssyncset.done @!p0 $0x0  }
0xf4: {  	[sflag:s0] =	ssyncadd.s32 @!p0 s1  }
0xf5: {  	[bflag:$0x3] =	sbarrier.arrive $0xFFFF  }
0xf6: {  	_ =	shalt  }

// kernel: kernel.20.cloned.1.call-start
scs
__scs_entry_jumppad:
0x0: {  	(pc) =	sbr.rel $0x88, $3  }
0x1: {  	(tag) =	ssettag $0x0;
	lr =	simm.s32 $0x1  }
0x2: {  	[smem:$0x3F96] =	sst lr;
	_ =	strace $0xD0000000  }
0x3: {  	_ = 	snop  }
0x4: {  	_ = 	snop  }
0x5: {  	_ = 	snop  }
0x6: {  	_ = 	snop  }
0x7: {  	_ = 	snop  }
__scs_overlays_trampoline_lowered:
0x8: {  	[smem:$0x3FA5] =	sst s0  }
0x9: {  	[smem:$0x3FA6] =	sst s1  }
0xa: {  	[smem:$0x3FA7] =	sst s2  }
0xb: {  	[smem:$0x3FA8] =	sst s3  }
0xc: {  	[smem:$0x3FA9] =	sst s4  }
0xd: {  	[smem:$0x3FAA] =	sst s5  }
0xe: {  	[smem:$0x3FAB] =	sst s6  }
0xf: {  	[smem:$0x3FAC] =	sst s7  }
0x10: {  	[smem:$0x3FAD] =	sst s8  }
0x11: {  	[smem:$0x3FAE] =	sst s9;
	s0 =	simm.s32 @!p0 $0x0  }
0x12: {  	s1 =	sld [smem:$0x3F94];
	s0 =	simm.s32 @p0 $0x1  }
0x13: {  	[smem:$0x3FAF] =	sst s0;
	s0 =	simm.s32 @!p1 $0x0  }
0x14: {  	s2 =	sld [smem:$0x3F93];
	s0 =	simm.s32 @p1 $0x1  }
0x15: {  	[smem:$0x3FB0] =	sst s0;
	s0 =	simm.s32 @!p2 $0x0  }
0x16: {  	s3 =	sld [smem:$0x3FDB];
	s0 =	simm.s32 @p2 $0x1  }
0x17: {  	s4 =	simm.s32 $0x1BF5;
	[smem:$0x3FB2] =	sst s0  }
0x18: {  	s0 =	sld [smem:$0x3F95];
	_ =	swait.ge [sflag:s4], $0x0  }
0x19: {  	s7 =	sld [smem:$0x3F96]  }
0x1a: {  	s8 =	sadd.s32 $0xFFFFE003, lr  }
0x1b: {  	s9 =	sadd.s32 $0xFFFFFEF7, lr;
	s5 =	simm.s32 $0xFFFFFFFF;
	p2 =	slt.u32 s8, $0xFFFFF086  }
0x1c: {  	p1 =	slt.u32 s9, $0xF7A;
	s5 =	simm.s32 @!p2 $0x0  }
0x1d: {  	s5 =	simm.s32 @p1 $0x1;
	p0 =	seq.s32 s7, s2  }
0x1e: {  	s7 =	smul.u32 @!p0 $0xF7A, s2;
	p2 =	seq.s32 @!p0 s5, $0x0  }
0x1f: {  	s9 =	smul.u32 $0xF7A, s1;
	s8 =	simm.s32 @!p0 $0x1BF5;
	p2 =	por !p2, p0  }
0x20: {  	[sflag:s8] =	ssyncset.s32 @!p0 $0xFFFFF086;
	s6 =	sadd.s32 @!p0 s3, s7;
	s7 =	simm.s32 @!p0 $0x108  }
0x21: {  	s3 =	sadd.s32 s3, s9;
	s6 =	sadd.s32 @!p0 $0x88, s6;
	s7 =	simm.s32 @p2 $0x1082  }
0x22: {  	[simem:s7], [sflag:s8] =	dma.local @!p0 [hbm:s6], $0xF7A  }
0x23: {  	s9 =	sor.u32 $0xD0000000, s2;
	s6 =	simm.s32 $0x108;
	_ =	swait.ge @!p0 [sflag:s8], $0x0  }
0x24: {  	s3 =	sadd.s32 $0x88, s3;
	s6 =	simm.s32 @!p1 $0x1082;
	[sflag:s4] =	ssyncset.s32 $0xFFFFF086  }
0x25: {  	[simem:s6], [sflag:s4] =	dma.local [hbm:s3], $0xF7A  }
0x26: {  	[smem:$0x3F96] =	sst s1;
	(tag) =	ssettag s2;
	_ =	strace s9  }
0x27: {  	s1 =	sld [smem:$0x3FA6]  }
0x28: {  	s2 =	sld [smem:$0x3FA7]  }
0x29: {  	s4 =	sld [smem:$0x3FA9]  }
0x2a: {  	p0 =	seq.s32 s5, $0x0;
	s5 =	sld [smem:$0x3FAA]  }
0x2b: {  	s6 =	sld [smem:$0x3FAB]  }
0x2c: {  	s7 =	sld [smem:$0x3FAC]  }
0x2d: {  	s3 =	simm.s32 $0x108;
	s8 =	sld [smem:$0x3FAD]  }
0x2e: {  	s3 =	simm.s32 @!p0 $0x1082;
	s9 =	sld [smem:$0x3FAE]  }
0x2f: {  	lr =	sadd.s32 s0, s3;
	s0 =	sld [smem:$0x3FA5]  }
0x30: {  	s3 =	sld [smem:$0x3FA8]  }
0x31: {  	[smem:$0x3FB1] =	sst s10  }
0x32: {  	s10 =	sld [smem:$0x3FAF];
	_ =	sdelay $0x3  }
0x33: {  	p0 =	seq.s32 s10, $0x1;
	s10 =	sld [smem:$0x3FB1];
	_ =	sdelay $0x3  }
0x34: {  	[smem:$0x3FB1] =	sst s10  }
0x35: {  	s10 =	sld [smem:$0x3FB0];
	_ =	sdelay $0x3  }
0x36: {  	p1 =	seq.s32 s10, $0x1;
	s10 =	sld [smem:$0x3FB1];
	_ =	sdelay $0x3  }
0x37: {  	[smem:$0x3FB1] =	sst s10  }
0x38: {  	s10 =	sld [smem:$0x3FB2]  }
0x39: {  	_ = 	snop;
	(pc) =	sbr.ind lr, $3  }
0x3a: {  	_ = 	snop  }
0x3b: {  	_ = 	snop  }
0x3c: {  	p2 =	seq.s32 s10, $0x1;
	s10 =	sld [smem:$0x3FB1]  }
0x3d: {  	_ =	shalt  }
0x3e: {  	_ =	shalt  }
0x3f: {  	_ =	shalt  }
0x40: {  	_ =	shalt  }
0x41: {  	_ =	shalt  }
0x42: {  	_ =	shalt  }
0x43: {  	_ =	shalt  }
0x44: {  	_ =	shalt  }
0x45: {  	_ =	shalt  }
0x46: {  	_ =	shalt  }
0x47: {  	_ =	shalt  }
0x48: {  	_ =	shalt  }
0x49: {  	_ =	shalt  }
0x4a: {  	_ =	shalt  }
0x4b: {  	_ =	shalt  }
0x4c: {  	_ =	shalt  }
0x4d: {  	_ =	shalt  }
0x4e: {  	_ =	shalt  }
0x4f: {  	_ =	shalt  }
0x50: {  	_ =	shalt  }
0x51: {  	_ =	shalt  }
0x52: {  	_ =	shalt  }
0x53: {  	_ =	shalt  }
0x54: {  	_ =	shalt  }
0x55: {  	_ =	shalt  }
0x56: {  	_ =	shalt  }
0x57: {  	_ =	shalt  }
0x58: {  	_ =	shalt  }
0x59: {  	_ =	shalt  }
0x5a: {  	_ =	shalt  }
0x5b: {  	_ =	shalt  }
0x5c: {  	_ =	shalt  }
0x5d: {  	_ =	shalt  }
0x5e: {  	_ =	shalt  }
0x5f: {  	_ =	shalt  }
0x60: {  	_ =	shalt  }
0x61: {  	_ =	shalt  }
0x62: {  	_ =	shalt  }
0x63: {  	_ =	shalt  }
0x64: {  	_ =	shalt  }
0x65: {  	_ =	shalt  }
0x66: {  	_ =	shalt  }
0x67: {  	_ =	shalt  }
0x68: {  	_ =	shalt  }
0x69: {  	_ =	shalt  }
0x6a: {  	_ =	shalt  }
0x6b: {  	_ =	shalt  }
0x6c: {  	_ =	shalt  }
0x6d: {  	_ =	shalt  }
0x6e: {  	_ =	shalt  }
0x6f: {  	_ =	shalt  }
0x70: {  	_ =	shalt  }
0x71: {  	_ =	shalt  }
0x72: {  	_ =	shalt  }
0x73: {  	_ =	shalt  }
0x74: {  	_ =	shalt  }
0x75: {  	_ =	shalt  }
0x76: {  	_ =	shalt  }
0x77: {  	_ =	shalt  }
0x78: {  	_ =	shalt  }
0x79: {  	_ =	shalt  }
0x7a: {  	_ =	shalt  }
0x7b: {  	_ =	shalt  }
0x7c: {  	_ =	shalt  }
0x7d: {  	_ =	shalt  }
0x7e: {  	_ =	shalt  }
0x7f: {  	_ =	shalt  }
0x80: {  	_ =	shalt  }
0x81: {  	_ =	shalt  }
0x82: {  	_ =	shalt  }
0x83: {  	_ =	shalt  }
0x84: {  	_ =	shalt  }
0x85: {  	_ =	shalt  }
0x86: {  	_ =	shalt  }
0x87: {  	_ =	shalt  }
.Lfunc_end0:
.L_simem_size_0:
called_computation.3_lowered:
.L_overlay_start_0:
0x88: {  	s2 =	sld [smem:$0x3FD9]  }
0x89: {  	s3 =	sld [smem:$0x3FFE];
	_ =	sdelay $0x1  }
0x8a: {  	s1 =	srdreg.scid  }
0x8b: {  	s0 =	sand.u32 $0x1, s1  }
0x8c: {  	s16 =	sshll.u32 s0, $0xA;
	s2 =	sadd.s32 s3, s2  }
0x8d: {  	s2 =	sadd.s32 s2, s16  }
0x8e: {  	[smem:$0x3FBD] =	sst s2  }
0x8f: {  	_ = 	snop  }
0x90: {  	(tm) =	ssettm $0x1  }
0x91: {  	s17 =	sld [smem:$0x3FFB];
	_ =	sdelay $0x3  }
0x92: {  	_ =	strace s17  }
0x93: {  	s2 =	sld [smem:$0x3FFC];
	_ =	sdelay $0x3  }
0x94: {  	_ =	strace s2  }
0x95: {  	s2 =	sld [smem:$0x3FFD];
	_ =	sdelay $0x3  }
0x96: {  	_ =	strace s2  }
0x97: {  	_ =	strace $0x8FFFFFFF  }
0x98: {  	s18 =	sld [smem:$0x3FDB];
	_ =	sdelay $0x1  }
0x99: {  	s19 =	simm.s32 $_scs_section_size  }
0x9a: {  	s4 =	simm.s32 $_size__tile_overlayer_lowered;
	s5 =	simm.s32 $_tile_overlayer_lowered  }
0x9b: {  	s22 =	simm.s32 $0x1BFF;
	s21 =	sshll.u32 s5, $0x1;
	s2 =	sadd.s32 s19, s18  }
0x9c: {  	s6 =	simm.s32 $0x0;
	s20 =	sshll.u32 s4, $0x1;
	s4 =	sadd.s32 s21, s2  }
0x9d: {  	[timem:s6], [sflag:s22] =	dma.local [hbm:s4], s20  }
0x9e: {  	_ =	swait.ge [sflag:s22], s20  }
0x9f: {  	s3 =	ssub.s32 $0x0, s20;
	[sflag:s22] =	ssyncset.done $0x0  }
0xa0: {  	[sflag:s22] =	ssyncadd.s32 s3;
	_ =	sdelay $0x1  }
0xa1: {  	s23 =	simm.s32 $0x1B8B  }
0xa2: {  	_ =	swait.ge [sflag:s23], $0x1  }
0xa3: {  	[sflag:s23] =	ssyncset.done $0x0  }
0xa4: {  	s25 =	simm.s32 $0x1B8E;
	s24 =	sld [smem:$0x3FFE];
	[sflag:s23] =	ssyncadd.s32 $0xFFFFFFFF  }
0xa5: {  	s26 =	simm.s32 $execute0_lowered;
	[smem:$0x3FD2] =	sst s25  }
0xa6: {  	s4 =	sshll.u32 s26, $0x1;
	_ =	strace $0x8000004F;
	[dreg:$0x1] =	wrdreg $0xFFFFFFFF  }
0xa7: {  	s28 =	simm.s32 $_size_execute0_lowered;
	s2 =	sadd.s32 s2, s4;
	[dreg:$0x0] =	wrdreg $0x0  }
0xa8: {  	s4 =	sshll.u32 s28, $0x1;
	[dreg:$0x2] =	wrdreg s2  }
0xa9: {  	[dreg:$0x3] =	wrdreg s4  }
0xaa: {  	[dreg:$0x4] =	wrdreg $0xC0  }
0xab: {  	_ =	task [dreg:s6], $0x5FFFF  }
0xac: {  	[dreg:$0x1] =	wrdreg $0xFFFFFFFF  }
0xad: {  	[dreg:$0x0] =	wrdreg $0x60  }
0xae: {  	[dreg:$0x2] =	wrdreg s24  }
0xaf: {  	[dreg:$0x3] =	wrdreg $0xA9000  }
0xb0: {  	[dreg:$0x4] =	wrdreg $0x9  }
0xb1: {  	_ =	task.clear_ibuf [dreg:s6], $0x5FFFF;
	_ =	strace $0x9000004F  }
0xb2: {  	s29 =	simm.s32 $0x9;
	_ =	strace $0x80000051  }
0xb3: {  	_ =	swait.ge [sflag:s29], $0x1  }
0xb4: {  	[sflag:s29] =	ssyncadd.s32 $0xFFFFFFFF  }
0xb5: {  	_ =	strace $0x90000051  }
0xb6: {  	_ =	sfence  }
0xb7: {  	s30 =	sld [smem:$0x0];
	_ =	sdelay $0x2  }
0xb8: {  	s31 =	sshll.u32 s1, $0xD;
	s1 =	sshrl.u32 s1, $0x2  }
0xb9: {  	s3 =	sand.u32 $0x4000, s31;
	s1 =	sadd.s32 s1, s30  }
0xba: {  	s0 =	sor.u32 s3, s0;
	s1 =	sshll.u32 s1, $0x11  }
0xbb: {  	s0 =	sor.u32 s1, s0  }
0xbc: {  	s0 =	sadd.s32 $0x8F2B, s0  }
0xbd: {  	[sflag:s0] =	ssyncadd.remote.s32 $0x1  }
0xbe: {  	_ =	sfence.sel $0xFFFF  }
0xbf: {  	[dreg:$0x0] =	wrdreg $0xFFFFFFFF;
	(pc) =	sbr.abs _section_cstart, $3  }
0xc0: {  	[dreg:$0x1] =	wrdreg $0xFFFFFFFF  }
0xc1: {  	_ =	task.clear_ibuf [dreg:s6], $0x2FFFF;
	_ =	strace $0x9FFFFFFF  }
0xc2: {  	(tm) =	ssettm $0x7FFFFFFF  }
0xc3: {  	_ =	shalt  }
tec
execute0_lowered:
.L_overlay_start_1:
0x0: {  	(tag) =	ssettag $0x1  }
0x1: {  	s0 =	srdreg.scid;
	s1 =	rddreg [dreg:$0x0]  }
0x2: {  	s12 =	stileid.u32;
	s2 =	rddreg [dreg:$0x1];
	s3 =	simm.s32 $0x0  }
0x3: {  	s28 =	simm.s32 $0x80;
	s29 =	simm.s32 $0x2800;
	s5 =	smul.u32 $0x2800, s12  }
0x4: {  	s30 =	simm.s32 $0x6900;
	s31 =	simm.s32 $0x2880;
	s9 =	smul.u32 $0x50000, s12  }
0x5: {  	s0 =	sand.u32 $0x1, s0;
	[smem:$0x7FF] =	sst s3;
	s13 =	smul.u32 $0x14000, s12  }
0x6: {  	s10 =	sadd.s32 $0xDC00, s1;
	s4 =	smul.u32 $0x28000, s0;
	s8 =	ssub.s32 $0x2, s0  }
0x7: {  	_ =	strace $0x80000050;
	s0 =	smul.u32 $0x140000, s0;
	s11 =	sshrl.u32 s8, $0x1  }
0x8: {  	s9 =	sshrl.u32 s9, $0x2;
	s19 =	sadd.s32 $0x4000, s13;
	s22 =	sadd.s32 $0x8000, s13  }
0x9: {  	s23 =	sadd.s32 $0xC000, s13;
	s5 =	sadd.s32 s5, s4;
	s4 =	sadd.s32 $0x3FC00, s1  }
0xa: {  	s8 =	ssub.s32 s8, s11;
	s17 =	sadd.s32 s0, s13;
	s21 =	sadd.s32 s0, s19  }
0xb: {  	s11 =	sadd.s32 s0, s22;
	s24 =	sadd.s32 s0, s23;
	s7 =	sshrl.u32 s5, $0x3  }
0xc: {  	s8 =	smax.u32 s8, $0x1;
	s11 =	sshrl.u32 s11, $0x3;
	s12 =	sshrl.u32 s24, $0x3  }
0xd: {  	s25 =	sor.u32 $0x100, s5;
	s26 =	sor.u32 $0x80, s5;
	s5 =	simm.s32 $0x2  }
0xe: {  	s6 =	sadd.s32 s7, s1;
	s1 =	sadd.s32 $0x67C00, s1;
	s7 =	sadd.s32 s10, s7  }
0xf: {  	[dreg:$0x4] =	wrdreg s8;
	s8 =	sshrl.u32 s17, $0x3;
	s6 =	sadd.s32 $0x3C00, s6  }
0x10: {  	s17 =	sadd.s32 s22, s2;
	s20 =	sadd.s32 $0x4F0, s7;
	[dreg:$0x3] =	wrdreg s6  }
0x11: {  	s8 =	sadd.s32 s1, s8;
	s6 =	sadd.s32 s9, s2;
	[dreg:$0x9] =	wrdreg s20  }
0x12: {  	[dreg:$0xa] =	wrdreg s8;
	s8 =	sshrl.u32 s21, $0x3;
	s14 =	sadd.s32 $0x4000, s6  }
0x13: {  	s9 =	sadd.s32 $0x10000, s13;
	s15 =	sadd.s32 $0x8000, s6;
	[dreg:$0x5] =	wrdreg s14  }
0x14: {  	s21 =	sadd.s32 s23, s2;
	s16 =	sadd.s32 $0xC000, s6;
	[dreg:$0x6] =	wrdreg s15  }
0x15: {  	s18 =	sadd.s32 $0x10000, s6;
	s0 =	sadd.s32 s0, s9;
	[dreg:$0x7] =	wrdreg s16  }
0x16: {  	s22 =	sadd.s32 s9, s2;
	s9 =	simm.s32 $0x0;
	[dreg:$0x8] =	wrdreg s18  }
0x17: {  	s15 =	sadd.s32 s19, s2;
	s16 =	sadd.s32 s1, s8;
	s18 =	sadd.s32 s1, s11  }
0x18: {  	s19 =	sadd.s32 s1, s12;
	s0 =	sshrl.u32 s0, $0x3;
	s8 =	simm.s32 $0x4  }
0x19: {  	s20 =	sadd.s32 s1, s0;
	s0 =	sshrl.u32 s25, $0x3;
	s1 =	sshrl.u32 s26, $0x3  }
0x1a: {  	s25 =	simm.s32 $0x5;
	s26 =	simm.s32 $0x2900;
	s23 =	sadd.s32 s0, s10  }
0x1b: {  	v0 =	vimm.f32 $0.0e+00;
	s24 =	sadd.s32 s1, s10;
	s1 =	simm.s32 $0x1;
	s0 =	simm.s32 $0x3  }
.LBB2_1:
0x1c: {  	s10 =	rddreg [dreg:$0x3]  }
0x1d: {  	[tilespmem:s3], [sflag:$0x5] =	stream.linear.gather [hbm4b:s10+s3], $0x2800, $0x38;
	[tilespmem:$0x1E900] =	vst v63  }
0x1e: {  	_ =	swait.ge [sflag:s25], $0x2800  }
0x1f: {  	[sflag:s25] =	ssyncset.done $0x0  }
0x20: {  	s11 =	simm.s32 $0x200;
	s10 =	simm.s32 $0x0;
	[sflag:s25] =	ssyncadd.s32 $0xFFFFD800  }
.LBB2_2:
0x21: {  	p0 =	sne.s32 s11, $0xFE00;
	[tilespmem:s10+$0x2970] =	vst v0  }
0x22: {  	[tilespmem:s10+$0x2900] =	vst v0  }
0x23: {  	[tilespmem:s10+$0x2910] =	vst v0  }
.Ltmp0:
0x24: {  	[tilespmem:s10+$0x2920] =	vst v0;
	(pc) =	sbr.rel @p0 .LBB2_2-.Ltmp0, $4  }
0x25: {  	[tilespmem:s10+$0x2930] =	vst v0  }
0x26: {  	[tilespmem:s10+$0x2940] =	vst v0  }
0x27: {  	[tilespmem:s10+$0x2950] =	vst v0  }
0x28: {  	[tilespmem:s10+$0x2960] =	vst v0;
	s10 =	sshra.s32 s11, $0x2;
	s11 =	sadd.s32 $0x200, s11  }
0x29: {  	[tilespmem:s10+$0x2970] =	vst v0  }
0x2a: {  	[tilespmem:s10+$0x2900] =	vst v0  }
0x2b: {  	[tilespmem:s10+$0x2910] =	vst v0  }
0x2c: {  	[tilespmem:s10+$0x2920] =	vst v0  }
0x2d: {  	[tilespmem:s10+$0x2930] =	vst v0  }
0x2e: {  	[tilespmem:s10+$0x2940] =	vst v0  }
0x2f: {  	[tilespmem:s10+$0x2950] =	vst v0  }
0x30: {  	[tilespmem:s10+$0x2960] =	vst v0  }
0x31: {  	[spmem:s6] =	stream.linear.scatter [tilespmem:s26], [sflag:$0x5], $0x4000, $0x38;
	[tilespmem:$0x1E900] =	vst v63  }
0x32: {  	_ =	swait.ge [sflag:s25], $0x4000  }
0x33: {  	[sflag:s25] =	ssyncset.done $0x0  }
0x34: {  	s14 =	rddreg [dreg:$0x5];
	[sflag:s25] =	ssyncadd.s32 $0xFFFFC000  }
0x35: {  	[spmem:s14] =	stream.linear.scatter [tilespmem:s26], [sflag:$0x5], $0x4000, $0x38;
	[tilespmem:$0x1E900] =	vst v63  }
0x36: {  	_ =	swait.ge [sflag:s25], $0x4000  }
0x37: {  	[sflag:s25] =	ssyncset.done $0x0  }
0x38: {  	s11 =	rddreg [dreg:$0x6];
	[sflag:s25] =	ssyncadd.s32 $0xFFFFC000  }
0x39: {  	[spmem:s11] =	stream.linear.scatter [tilespmem:s26], [sflag:$0x5], $0x4000, $0x38;
	[tilespmem:$0x1E900] =	vst v63  }
0x3a: {  	_ =	swait.ge [sflag:s25], $0x4000  }
0x3b: {  	[sflag:s25] =	ssyncset.done $0x0  }
0x3c: {  	s12 =	rddreg [dreg:$0x7];
	[sflag:s25] =	ssyncadd.s32 $0xFFFFC000  }
0x3d: {  	[spmem:s12] =	stream.linear.scatter [tilespmem:s26], [sflag:$0x5], $0x4000, $0x38;
	[tilespmem:$0x1E900] =	vst v63  }
0x3e: {  	_ =	swait.ge [sflag:s25], $0x4000  }
0x3f: {  	[sflag:s25] =	ssyncset.done $0x0  }
0x40: {  	s13 =	rddreg [dreg:$0x8];
	[sflag:s25] =	ssyncadd.s32 $0xFFFFC000  }
0x41: {  	[spmem:s13] =	stream.linear.scatter [tilespmem:s26], [sflag:$0x5], $0x4000, $0x38;
	[tilespmem:$0x1E900] =	vst v63  }
0x42: {  	_ =	swait.ge [sflag:s25], $0x4000  }
0x43: {  	[sflag:s25] =	ssyncset.done $0x0  }
0x44: {  	[sflag:s25] =	ssyncadd.s32 $0xFFFFC000  }
0x45: {  	s14 =	simm.s32 $0x0;
	[bflag:$0x0] =	sbarrier.arrive $0xFFFF  }
0x46: {  	[tilespmem:s26], [sflag:$0x1] =	stream.indirect.gather [hbm4b:s4+s28], $0x80, s14, s28, $0xb8;
	[tilespmem:$0x1E900] =	vst v63  }
0x47: {  	_ = 	snop  }
0x48: {  	[tilespmem:s29], [sflag:$0x3] =	stream.linear.gather [hbm4b:s7+s14], $0x80, $0x38;
	[tilespmem:$0x1E900] =	vst v63  }
0x49: {  	s11 =	simm.s32 $0x80  }
0x4a: {  	[tilespmem:s30], [sflag:$0x2] =	stream.indirect.gather [hbm4b:s4+s28], $0x80, s11, s28, $0xb8;
	[tilespmem:$0x1E900] =	vst v63  }
0x4b: {  	s12 =	sadd.s32 $0x0, s24  }
0x4c: {  	[tilespmem:s31], [sflag:$0x4] =	stream.linear.gather [hbm4b:s12+s3], $0x80, $0x38;
	[tilespmem:$0x1E900] =	vst v63  }
0x4d: {  	_ =	swait.ge [sflag:s1], $0x4000  }
0x4e: {  	[sflag:s1] =	ssyncset.done $0x0  }
0x4f: {  	[sflag:s1] =	ssyncadd.s32 $0xFFFFC000  }
0x50: {  	_ =	swait.ge [sflag:s0], $0x80  }
0x51: {  	[sflag:s0] =	ssyncset.done $0x0  }
0x52: {  	[sflag:s0] =	ssyncadd.s32 $0xFFFFFF80  }
0x53: {  	[spmem:s2] =	stream.indirect.scatter.add.f32 [tilespmem:s26], [sflag:$0x5], $0x80, s29, s28, $0xb8;
	[tilespmem:$0x1E900] =	vst v63  }
0x54: {  	_ =	swait.ge [sflag:s25], $0x4000  }
0x55: {  	[sflag:s25] =	ssyncset.done $0x0  }
0x56: {  	s13 =	simm.s32 $0x100;
	[sflag:s25] =	ssyncadd.s32 $0xFFFFC000  }
0x57: {  	[tilespmem:s26], [sflag:$0x1] =	stream.indirect.gather [hbm4b:s4+s28], $0x80, s13, s28, $0xb8;
	[tilespmem:$0x1E900] =	vst v63  }
0x58: {  	s14 =	sadd.s32 $0x0, s23  }
0x59: {  	[tilespmem:s29], [sflag:$0x3] =	stream.linear.gather [hbm4b:s14+s3], $0x80, $0x38;
	[tilespmem:$0x1E900] =	vst v63  }
0x5a: {  	_ =	swait.ge [sflag:s5], $0x4000  }
0x5b: {  	[sflag:s5] =	ssyncset.done $0x0  }
0x5c: {  	[sflag:s5] =	ssyncadd.s32 $0xFFFFC000  }
0x5d: {  	_ =	swait.ge [sflag:s8], $0x80  }
0x5e: {  	[sflag:s8] =	ssyncset.done $0x0  }
0x5f: {  	[sflag:s8] =	ssyncadd.s32 $0xFFFFFF80  }
0x60: {  	[spmem:s2] =	stream.indirect.scatter.add.f32 [tilespmem:s30], [sflag:$0x5], $0x80, s31, s28, $0xb8;
	[tilespmem:$0x1E900] =	vst v63  }
0x61: {  	s10 =	simm.s32 $0x20;
	_ =	swait.ge [sflag:s25], $0x4000  }
0x62: {  	s11 =	simm.s32 $0x200;
	s12 =	simm.s32 $0x40;
	[sflag:s25] =	ssyncset.done $0x0  }
.LBB2_4:
0x63: {  	p0 =	sne.s32 s12, $0x4C0;
	s13 =	sadd.s32 $0xFFFFFF80, s11;
	[sflag:s25] =	ssyncadd.s32 $0xFFFFC000  }
0x64: {  	[tilespmem:s30], [sflag:$0x2] =	stream.indirect.gather [hbm4b:s4+s28], $0x80, s13, s28, $0xb8;
	[tilespmem:$0x1E900] =	vst v63  }
0x65: {  	s14 =	smov.u32 s12;
	s12 =	sadd.s32 $0x20, s12;
	s13 =	sadd.s32 s10, s24  }
0x66: {  	[tilespmem:s31], [sflag:$0x4] =	stream.linear.gather [hbm4b:s13+s3], $0x80, $0x38;
	[tilespmem:$0x1E900] =	vst v63  }
0x67: {  	_ =	swait.ge [sflag:s1], $0x4000  }
0x68: {  	[sflag:s1] =	ssyncset.done $0x0  }
0x69: {  	[sflag:s1] =	ssyncadd.s32 $0xFFFFC000  }
0x6a: {  	_ =	swait.ge [sflag:s0], $0x80  }
0x6b: {  	[sflag:s0] =	ssyncset.done $0x0  }
0x6c: {  	[sflag:s0] =	ssyncadd.s32 $0xFFFFFF80  }
0x6d: {  	[spmem:s2] =	stream.indirect.scatter.add.f32 [tilespmem:s26], [sflag:$0x5], $0x80, s29, s28, $0xb8;
	[tilespmem:$0x1E900] =	vst v63  }
0x6e: {  	_ =	swait.ge [sflag:s25], $0x4000  }
0x6f: {  	[sflag:s25] =	ssyncset.done $0x0  }
0x70: {  	[sflag:s25] =	ssyncadd.s32 $0xFFFFC000  }
0x71: {  	[tilespmem:s26], [sflag:$0x1] =	stream.indirect.gather [hbm4b:s4+s28], $0x80, s11, s28, $0xb8;
	[tilespmem:$0x1E900] =	vst v63  }
0x72: {  	s13 =	sadd.s32 s10, s23;
	s10 =	smov.u32 s14  }
0x73: {  	[tilespmem:s29], [sflag:$0x3] =	stream.linear.gather [hbm4b:s13+s3], $0x80, $0x38;
	[tilespmem:$0x1E900] =	vst v63  }
0x74: {  	_ =	swait.ge [sflag:s5], $0x4000  }
0x75: {  	[sflag:s5] =	ssyncset.done $0x0  }
0x76: {  	[sflag:s5] =	ssyncadd.s32 $0xFFFFC000  }
0x77: {  	_ =	swait.ge [sflag:s8], $0x80  }
.Ltmp1:
0x78: {  	[sflag:s8] =	ssyncset.done $0x0;
	(pc) =	sbr.rel @p0 .LBB2_4-.Ltmp1, $4  }
0x79: {  	[sflag:s8] =	ssyncadd.s32 $0xFFFFFF80  }
0x7a: {  	[spmem:s2] =	stream.indirect.scatter.add.f32 [tilespmem:s30], [sflag:$0x5], $0x80, s31, s28, $0xb8;
	[tilespmem:$0x1E900] =	vst v63  }
0x7b: {  	_ =	swait.ge [sflag:s25], $0x4000  }
0x7c: {  	s11 =	sadd.s32 $0x100, s11;
	[sflag:s25] =	ssyncset.done $0x0  }
0x7d: {  	s12 =	sadd.s32 $0xFFFFFF80, s11;
	[sflag:s25] =	ssyncadd.s32 $0xFFFFC000  }
0x7e: {  	[tilespmem:s30], [sflag:$0x2] =	stream.indirect.gather [hbm4b:s4+s28], $0x80, s12, s28, $0xb8;
	[tilespmem:$0x1E900] =	vst v63  }
0x7f: {  	s13 =	sadd.s32 s10, s24  }
0x80: {  	[tilespmem:s31], [sflag:$0x4] =	stream.linear.gather [hbm4b:s13+s3], $0x80, $0x38;
	[tilespmem:$0x1E900] =	vst v63  }
0x81: {  	_ =	swait.ge [sflag:s1], $0x4000  }
0x82: {  	[sflag:s1] =	ssyncset.done $0x0  }
0x83: {  	[sflag:s1] =	ssyncadd.s32 $0xFFFFC000  }
0x84: {  	_ =	swait.ge [sflag:s0], $0x80  }
0x85: {  	[sflag:s0] =	ssyncset.done $0x0  }
0x86: {  	[sflag:s0] =	ssyncadd.s32 $0xFFFFFF80  }
0x87: {  	[spmem:s2] =	stream.indirect.scatter.add.f32 [tilespmem:s26], [sflag:$0x5], $0x80, s29, s28, $0xb8;
	[tilespmem:$0x1E900] =	vst v63  }
0x88: {  	_ =	swait.ge [sflag:s25], $0x4000  }
0x89: {  	[sflag:s25] =	ssyncset.done $0x0  }
0x8a: {  	[sflag:s25] =	ssyncadd.s32 $0xFFFFC000  }
0x8b: {  	[tilespmem:s26], [sflag:$0x1] =	stream.indirect.gather [hbm4b:s4+s28], $0x80, s11, s28, $0xb8;
	[tilespmem:$0x1E900] =	vst v63  }
0x8c: {  	s14 =	sadd.s32 s10, s23  }
0x8d: {  	[tilespmem:s29], [sflag:$0x3] =	stream.linear.gather [hbm4b:s14+s3], $0x80, $0x38;
	[tilespmem:$0x1E900] =	vst v63  }
0x8e: {  	_ =	swait.ge [sflag:s5], $0x4000  }
0x8f: {  	[sflag:s5] =	ssyncset.done $0x0  }
0x90: {  	[sflag:s5] =	ssyncadd.s32 $0xFFFFC000  }
0x91: {  	_ =	swait.ge [sflag:s8], $0x80  }
0x92: {  	[sflag:s8] =	ssyncset.done $0x0  }
0x93: {  	[sflag:s8] =	ssyncadd.s32 $0xFFFFFF80  }
0x94: {  	[spmem:s2] =	stream.indirect.scatter.add.f32 [tilespmem:s30], [sflag:$0x5], $0x80, s31, s28, $0xb8;
	[tilespmem:$0x1E900] =	vst v63  }
0x95: {  	_ =	swait.ge [sflag:s25], $0x4000  }
0x96: {  	[sflag:s25] =	ssyncset.done $0x0  }
0x97: {  	s11 =	simm.s32 $0x2780;
	[sflag:s25] =	ssyncadd.s32 $0xFFFFC000  }
0x98: {  	[tilespmem:s30], [sflag:$0x2] =	stream.indirect.gather [hbm4b:s4+s28], $0x80, s11, s28, $0xb8;
	[tilespmem:$0x1E900] =	vst v63  }
0x99: {  	s12 =	rddreg [dreg:$0x9]  }
0x9a: {  	[tilespmem:s31], [sflag:$0x4] =	stream.linear.gather [hbm4b:s12+s3], $0x80, $0x38;
	[tilespmem:$0x1E900] =	vst v63  }
0x9b: {  	_ =	swait.ge [sflag:s1], $0x4000  }
0x9c: {  	[sflag:s1] =	ssyncset.done $0x0  }
0x9d: {  	[sflag:s1] =	ssyncadd.s32 $0xFFFFC000  }
0x9e: {  	_ =	swait.ge [sflag:s0], $0x80  }
0x9f: {  	[sflag:s0] =	ssyncset.done $0x0  }
0xa0: {  	[sflag:s0] =	ssyncadd.s32 $0xFFFFFF80  }
0xa1: {  	[spmem:s2] =	stream.indirect.scatter.add.f32 [tilespmem:s26], [sflag:$0x5], $0x80, s29, s28, $0xb8;
	[tilespmem:$0x1E900] =	vst v63  }
0xa2: {  	_ =	swait.ge [sflag:s25], $0x4000  }
0xa3: {  	[sflag:s25] =	ssyncset.done $0x0  }
0xa4: {  	[sflag:s25] =	ssyncadd.s32 $0xFFFFC000  }
0xa5: {  	[tilespmem:s26], [sflag:$0x1] =	stream.indirect.gather [hbm4b:s4+s28], $0x80, s3, s28, $0xb8;
	[tilespmem:$0x1E900] =	vst v63  }
0xa6: {  	_ = 	snop  }
0xa7: {  	[tilespmem:s29], [sflag:$0x3] =	stream.linear.gather [hbm4b:s7+s3], $0x80, $0x38;
	[tilespmem:$0x1E900] =	vst v63  }
0xa8: {  	_ =	swait.ge [sflag:s5], $0x4000  }
0xa9: {  	[sflag:s5] =	ssyncset.done $0x0  }
0xaa: {  	[sflag:s5] =	ssyncadd.s32 $0xFFFFC000  }
0xab: {  	_ =	swait.ge [sflag:s8], $0x80  }
0xac: {  	[sflag:s8] =	ssyncset.done $0x0  }
0xad: {  	[sflag:s8] =	ssyncadd.s32 $0xFFFFFF80  }
0xae: {  	[spmem:s2] =	stream.indirect.scatter.add.f32 [tilespmem:s30], [sflag:$0x5], $0x80, s31, s28, $0xb8;
	[tilespmem:$0x1E900] =	vst v63  }
0xaf: {  	_ =	swait.ge [sflag:s25], $0x4000  }
0xb0: {  	[sflag:s25] =	ssyncset.done $0x0  }
0xb1: {  	[sflag:s25] =	ssyncadd.s32 $0xFFFFC000  }
0xb2: {  	_ =	swait.ge [sflag:s1], $0x4000  }
0xb3: {  	[sflag:s1] =	ssyncset.done $0x0  }
0xb4: {  	[sflag:s1] =	ssyncadd.s32 $0xFFFFC000  }
0xb5: {  	_ =	swait.ge [sflag:s0], $0x80  }
0xb6: {  	[sflag:s0] =	ssyncset.done $0x0  }
0xb7: {  	[sflag:s0] =	ssyncadd.s32 $0xFFFFFF80  }
0xb8: {  	[bflag:$0x0] =	sbarrier.arrive $0xFFFF  }
0xb9: {  	[tilespmem:s26], [sflag:$0x5] =	stream.linear.gather [spmem:s6], $0x4000, $0x38;
	[tilespmem:$0x1E900] =	vst v63  }
0xba: {  	_ =	swait.ge [sflag:s25], $0x4000  }
0xbb: {  	[sflag:s25] =	ssyncset.done $0x0  }
0xbc: {  	s13 =	rddreg [dreg:$0xa];
	[sflag:s25] =	ssyncadd.s32 $0xFFFFC000  }
0xbd: {  	[hbm4b:s13+s3] =	stream.linear.scatter [tilespmem:s26], [sflag:$0x5], $0x4000, $0x38;
	[tilespmem:$0x1E900] =	vst v63  }
0xbe: {  	_ =	swait.ge [sflag:s25], $0x4000  }
0xbf: {  	[sflag:s25] =	ssyncset.done $0x0  }
0xc0: {  	[sflag:s25] =	ssyncadd.s32 $0xFFFFC000  }
0xc1: {  	[tilespmem:s26], [sflag:$0x5] =	stream.linear.gather [spmem:s15], $0x4000, $0x38;
	[tilespmem:$0x1E900] =	vst v63  }
0xc2: {  	_ =	swait.ge [sflag:s25], $0x4000  }
0xc3: {  	[sflag:s25] =	ssyncset.done $0x0  }
0xc4: {  	[sflag:s25] =	ssyncadd.s32 $0xFFFFC000  }
0xc5: {  	[hbm4b:s16+s3] =	stream.linear.scatter [tilespmem:s26], [sflag:$0x5], $0x4000, $0x38;
	[tilespmem:$0x1E900] =	vst v63  }
0xc6: {  	_ =	swait.ge [sflag:s25], $0x4000  }
0xc7: {  	[sflag:s25] =	ssyncset.done $0x0  }
0xc8: {  	[sflag:s25] =	ssyncadd.s32 $0xFFFFC000  }
0xc9: {  	[tilespmem:s26], [sflag:$0x5] =	stream.linear.gather [spmem:s17], $0x4000, $0x38;
	[tilespmem:$0x1E900] =	vst v63  }
0xca: {  	_ =	swait.ge [sflag:s25], $0x4000  }
0xcb: {  	[sflag:s25] =	ssyncset.done $0x0  }
0xcc: {  	[sflag:s25] =	ssyncadd.s32 $0xFFFFC000  }
0xcd: {  	[hbm4b:s18+s3] =	stream.linear.scatter [tilespmem:s26], [sflag:$0x5], $0x4000, $0x38;
	[tilespmem:$0x1E900] =	vst v63  }
0xce: {  	_ =	swait.ge [sflag:s25], $0x4000  }
0xcf: {  	[sflag:s25] =	ssyncset.done $0x0  }
0xd0: {  	[sflag:s25] =	ssyncadd.s32 $0xFFFFC000  }
0xd1: {  	[tilespmem:s26], [sflag:$0x5] =	stream.linear.gather [spmem:s21], $0x4000, $0x38;
	[tilespmem:$0x1E900] =	vst v63  }
0xd2: {  	_ =	swait.ge [sflag:s25], $0x4000  }
0xd3: {  	[sflag:s25] =	ssyncset.done $0x0  }
0xd4: {  	[sflag:s25] =	ssyncadd.s32 $0xFFFFC000  }
0xd5: {  	[hbm4b:s19+s3] =	stream.linear.scatter [tilespmem:s26], [sflag:$0x5], $0x4000, $0x38;
	[tilespmem:$0x1E900] =	vst v63  }
0xd6: {  	_ =	swait.ge [sflag:s25], $0x4000  }
0xd7: {  	[sflag:s25] =	ssyncset.done $0x0  }
0xd8: {  	[sflag:s25] =	ssyncadd.s32 $0xFFFFC000  }
0xd9: {  	[tilespmem:s26], [sflag:$0x5] =	stream.linear.gather [spmem:s22], $0x4000, $0x38;
	[tilespmem:$0x1E900] =	vst v63  }
0xda: {  	_ =	swait.ge [sflag:s25], $0x4000  }
0xdb: {  	[sflag:s25] =	ssyncset.done $0x0  }
0xdc: {  	[sflag:s25] =	ssyncadd.s32 $0xFFFFC000  }
0xdd: {  	[hbm4b:s20+s3] =	stream.linear.scatter [tilespmem:s26], [sflag:$0x5], $0x4000, $0x38;
	[tilespmem:$0x1E900] =	vst v63  }
0xde: {  	_ =	swait.ge [sflag:s25], $0x4000  }
0xdf: {  	s9 =	sadd.s32 $0x1, s9;
	s14 =	rddreg [dreg:$0x4]  }
0xe0: {  	p0 =	sne.s32 s9, s14  }
.Ltmp2:
0xe1: {  	_ = 	snop;
	(pc) =	sbr.rel @p0 .LBB2_1-.Ltmp2, $3  }
0xe2: {  	_ =	sdelay $0x1  }
0xe3: {  	[sflag:s25] =	ssyncset.done $0x0  }
0xe4: {  	[sflag:s25] =	ssyncadd.s32 $0xFFFFC000  }
0xe5: {  	_ =	sfence.sel $0x180000  }
0xe6: {  	[bflag:$0x0] =	sbarrier.arrive $0xFFFF  }
0xe7: {  	_ =	strace $0x90000050  }
0xe8: {  	s0 =	stileid.u32;
	[bflag:$0x2] =	sbarrier.arrive $0xFFFF  }
0xe9: {  	p0 =	sne.s32 s0, $0x0;
	s0 =	rddreg [dreg:$0x2]  }
0xea: {  	s0 =	sadd.s32 @!p0 $0x100000, s0  }
0xeb: {  	[sflag:s0] =	ssyncadd.tile.s32 @!p0 $0x1;
	_ =	shalt  }
.Lfunc_end2:
_tile_overlayer_lowered:
.L_overlay_start_2:
0xec: {  	(tag) =	ssettag $0x2  }
0xed: {  	s0 =	rddreg [dreg:$0x0];
	s2 =	stileid.u32  }
0xee: {  	s1 =	rddreg [dreg:$0x1];
	p0 =	sne.s32 s2, $0x0  }
0xef: {  	s3 =	rddreg [dreg:$0x2];
	[bflag:$0x3] =	sbarrier.arrive $0xFFFF;
	s2 =	simm.s32 @!p0 $0x1C05  }
0xf0: {  	[timem:s3], [sflag:s2] =	dma.local @!p0 [hbm:s0], s1  }
0xf1: {  	s0 =	simm.s32 @!p0 $0x5  }
0xf2: {  	_ =	swait.ge @!p0 [sflag:s0], s1  }
0xf3: {  	s1 =	ssub.s32 @!p0 $0x0, s1;
	[sflag:s0] =	ssyncset.done @!p0 $0x0  }
0xf4: {  	[sflag:s0] =	ssyncadd.s32 @!p0 s1  }
0xf5: {  	[bflag:$0x3] =	sbarrier.arrive $0xFFFF  }
0xf6: {  	_ =	shalt  }

</sc_bundles>
